<compile_context>
chip_gen: v7x
topology: tpu7x:2x2x1
jax: 0.10.2.dev20260603
libtpu: 0.0.44.dev20260713+nightly
codegen_flags: <defaults>
</compile_context>

<pallas_src>
import functools

import jax
import jax.numpy as jnp
from jax import lax
from jax.experimental import pallas as pl
from jax.experimental.pallas import tpu as pltpu
from jax.experimental.pallas import tpu_sc as plsc

N_NODES = 10000
N_EDGES = 320000
D = 128

NC = 2
NS = 16
NW = NC * NS
CH = 128
NCH = 80
NCH2 = 8
E_PAD = NW * NCH * CH
N_PAD = 10240
NZCH = N_PAD // (NS * CH)
ZROWS = N_PAD // NS
ND = N_PAD // 8
NDCH = ND // CH
NOH = 1024


def _sc_body(x_hbm, src_hbm, dst_hbm, dhi_hbm, dlo_hbm, oh_hbm, zrows_hbm,
             zidx_hbm, zidx2_hbm, aggp_hbm, degp_hbm,
             src_v, dst_v, dhi_v, dlo_v, rows_v, zidx_v, zidx2_v, sem,
             sacc, sdeg):
    cid = lax.axis_index("c")
    sid = lax.axis_index("s")
    wid = cid * NS + sid

    pltpu.sync_copy(zidx_hbm.at[sid], zidx_v)
    pltpu.sync_copy(zidx2_hbm.at[sid], zidx2_v)
    pltpu.sync_copy(zrows_hbm, rows_v)
    for t in range(NZCH):
        pltpu.sync_copy(rows_v, sacc.at[zidx_v.at[t]])

    @pl.when(sid < NDCH)
    def _():
        pltpu.sync_copy(rows_v, sdeg.at[zidx2_v.at[0]])

    plsc.subcore_barrier()

    def step(j, carry):
        pltpu.async_copy(x_hbm.at[src_v.at[j]], rows_v, sem).wait()
        pltpu.sync_copy(rows_v, sacc.at[dst_v.at[j]], add=True)
        pltpu.async_copy(oh_hbm.at[dlo_v.at[j]], rows_v, sem).wait()
        pltpu.sync_copy(rows_v, sdeg.at[dhi_v.at[j]], add=True)
        return carry

    for p in range(NCH // NCH2):
        pltpu.sync_copy(src_hbm.at[wid, pl.ds(p * NCH2, NCH2)], src_v)
        pltpu.sync_copy(dst_hbm.at[wid, pl.ds(p * NCH2, NCH2)], dst_v)
        pltpu.sync_copy(dhi_hbm.at[wid, pl.ds(p * NCH2, NCH2)], dhi_v)
        pltpu.sync_copy(dlo_hbm.at[wid, pl.ds(p * NCH2, NCH2)], dlo_v)
        lax.fori_loop(0, NCH2, step, 0)

    plsc.subcore_barrier()

    for t in range(NZCH):
        o = pl.multiple_of(sid * ZROWS + t * CH, 8)
        pltpu.async_copy(sacc.at[zidx_v.at[t]], rows_v, sem).wait()
        pltpu.sync_copy(rows_v, aggp_hbm.at[cid, pl.ds(o, CH)])

    @pl.when(sid < NDCH)
    def _():
        o2 = pl.multiple_of(sid * CH, 8)
        pltpu.async_copy(sdeg.at[zidx2_v.at[0]], rows_v, sem).wait()
        pltpu.sync_copy(rows_v, degp_hbm.at[cid, pl.ds(o2, CH)])


@functools.cache
def _sc_aggregate():
  return pl.kernel(
    _sc_body,
    out_type=(
        jax.ShapeDtypeStruct((NC, N_PAD, D), jnp.float32),
        jax.ShapeDtypeStruct((NC, ND, D), jnp.float32),
    ),
    mesh=plsc.VectorSubcoreMesh(core_axis_name="c", subcore_axis_name="s"),
    scratch_types=[
        pltpu.VMEM((NCH2, CH), jnp.int32),
        pltpu.VMEM((NCH2, CH), jnp.int32),
        pltpu.VMEM((NCH2, CH), jnp.int32),
        pltpu.VMEM((NCH2, CH), jnp.int32),
        pltpu.VMEM((CH, D), jnp.float32),
        pltpu.VMEM((NZCH, CH), jnp.int32),
        pltpu.VMEM((1, CH), jnp.int32),
        pltpu.SemaphoreType.DMA,
        pltpu.VMEM_SHARED((N_PAD, D), jnp.float32),
        pltpu.VMEM_SHARED((ND, D), jnp.float32),
    ],
  )


BLK = 1000


def _tc_body(aggp_ref, degp_ref, w_ref, b_ref, gamma_ref, beta_ref, out_ref):
    agg = aggp_ref[0] + aggp_ref[1]
    deg = (degp_ref[0, 0] + degp_ref[0, 1]).reshape(BLK, 1)
    mean = agg / jnp.maximum(deg, 1.0)
    h = jnp.dot(mean, w_ref[...], preferred_element_type=jnp.float32)
    h = h + b_ref[...]
    mu = jnp.mean(h, axis=1, keepdims=True)
    var = jnp.mean((h - mu) * (h - mu), axis=1, keepdims=True)
    hn = (h - mu) * lax.rsqrt(var + 1e-5) * gamma_ref[...] + beta_ref[...]
    out_ref[...] = jnp.maximum(hn, 0.0)


_tc_finish = pl.pallas_call(
    _tc_body,
    grid=(N_NODES // BLK,),
    in_specs=[
        pl.BlockSpec((NC, BLK, D), lambda i: (0, i, 0)),
        pl.BlockSpec((1, NC, BLK), lambda i: (i, 0, 0)),
        pl.BlockSpec((D, D), lambda i: (0, 0)),
        pl.BlockSpec((1, D), lambda i: (0, 0)),
        pl.BlockSpec((1, D), lambda i: (0, 0)),
        pl.BlockSpec((1, D), lambda i: (0, 0)),
    ],
    out_specs=pl.BlockSpec((BLK, D), lambda i: (i, 0)),
    out_shape=jax.ShapeDtypeStruct((N_NODES, D), jnp.float32),
)


@jax.jit
def kernel(x, edge_index, W, b, gamma, beta):
    ei = edge_index.astype(jnp.int32)
    pad = E_PAD - N_EDGES
    src = jnp.concatenate([ei[0], jnp.zeros((pad,), jnp.int32)])
    dst = jnp.concatenate([ei[1], jnp.full((pad,), N_NODES, jnp.int32)])
    src = src.reshape(NW, NCH, CH)
    dst = dst.reshape(NW, NCH, CH)
    dhi = dst >> 3
    dlo = dst & (NOH - 1)
    oh = (jnp.arange(D, dtype=jnp.int32) // 16 ==
          (jnp.arange(NOH, dtype=jnp.int32) & 7)[:, None]).astype(jnp.float32)
    zrows = jnp.zeros((CH, D), jnp.float32)
    zidx = jnp.arange(N_PAD, dtype=jnp.int32).reshape(NS, NZCH, CH)
    zidx2 = jnp.arange(NS * CH, dtype=jnp.int32).reshape(NS, 1, CH) % ND

    aggp, degp = _sc_aggregate()(x, src, dst, dhi, dlo, oh, zrows,
                                 zidx, zidx2)
    deg = degp.reshape(NC, ND, 8, 16)[:, :, :, 0].reshape(NC, N_PAD)
    deg = deg[:, :N_NODES].reshape(NC, N_NODES // BLK, BLK).transpose(1, 0, 2)
    return _tc_finish(aggp, deg, W, b.reshape(1, D),
                      gamma.reshape(1, D), beta.reshape(1, D))

# --- scband reference (transcript-rebuilt; emitter-appended) ---
"""Pipeline reference for scband-block-gnn-5119601017046 (READ-ONLY COPY).

The authoritative reference and input builder live on the scoring server;
editing this copy changes nothing except your own understanding.
"""

import jax, jax.numpy as jnp
import numpy as np

N_NODES = 10000
N_EDGES = 320000
D_IN = 128
D_OUT = 128


def setup_inputs(seed: int = 0) -> dict:
    key = jax.random.key(seed)
    k1, k2, k3, k4 = jax.random.split(key, 4)
    x = jax.random.normal(k1, (N_NODES, D_IN), dtype=jnp.float32)
    edge_index = jax.random.randint(k2, (2, N_EDGES), 0, N_NODES, dtype=jnp.int64)
    # learned parameters: conv linear weight/bias, layernorm gamma/beta
    W = jax.random.normal(k3, (D_IN, D_OUT), dtype=jnp.float32) * (1.0 / np.sqrt(D_IN))
    b = jnp.zeros((D_OUT,), dtype=jnp.float32)
    gamma = jnp.ones((D_OUT,), dtype=jnp.float32)
    beta = jnp.zeros((D_OUT,), dtype=jnp.float32)
    return {"x": x, "edge_index": edge_index, "W": W, "b": b, "gamma": gamma, "beta": beta}


def reference(x, edge_index, W, b, gamma, beta):
    # _block: h = conv(h, edge_index); h = norm(h); return relu(h)
    # conv: message-passing graph conv (mean aggregation over incoming edges, then linear)
    src = edge_index[0]
    dst = edge_index[1]
    msgs = jnp.take(x, src, axis=0)                               # gather [E, D_IN]
    agg = jax.ops.segment_sum(msgs, dst, num_segments=N_NODES)    # scatter-add [N, D_IN]
    deg = jax.ops.segment_sum(jnp.ones((N_EDGES,), dtype=jnp.float32), dst, num_segments=N_NODES)
    agg = agg / jnp.clip(deg, 1.0, None)[:, None]                 # mean aggregation
    h = agg @ W + b                                                # linear transform
    # norm: LayerNorm over feature dim
    mu = jnp.mean(h, axis=-1, keepdims=True)
    var = jnp.var(h, axis=-1, keepdims=True)
    hn = (h - mu) / jnp.sqrt(var + 1e-5) * gamma + beta
    return jax.nn.relu(hn)

if __name__ == "__main__":
    import jax
    _d = setup_inputs()
    print(jax.jit(kernel)(*tuple(_d.values())))

</pallas_src>

<mosaic_0001>
#map = affine_map<(d0, d1) -> (0, 0)>
#map1 = affine_map<(d0, d1) -> (0, 0, 0)>
module attributes {stable_mosaic.version = 14 : i64} {
  func.func @_sc_body(%arg0: i32, %arg1: i32, %arg2: memref<10000x128xf32, #tpu.memory_space<hbm>>, %arg3: memref<32x80x128xi32, #tpu.memory_space<hbm>>, %arg4: memref<32x80x128xi32, #tpu.memory_space<hbm>>, %arg5: memref<32x80x128xi32, #tpu.memory_space<hbm>>, %arg6: memref<32x80x128xi32, #tpu.memory_space<hbm>>, %arg7: memref<1024x128xf32, #tpu.memory_space<hbm>>, %arg8: memref<128x128xf32, #tpu.memory_space<hbm>>, %arg9: memref<16x5x128xi32, #tpu.memory_space<hbm>>, %arg10: memref<16x1x128xi32, #tpu.memory_space<hbm>>, %arg11: memref<2x10240x128xf32, #tpu.memory_space<hbm>>, %arg12: memref<2x1280x128xf32, #tpu.memory_space<hbm>>, %arg13: memref<8x128xi32, #tpu.memory_space<vmem>>, %arg14: memref<8x128xi32, #tpu.memory_space<vmem>>, %arg15: memref<8x128xi32, #tpu.memory_space<vmem>>, %arg16: memref<8x128xi32, #tpu.memory_space<vmem>>, %arg17: memref<128x128xf32, #tpu.memory_space<vmem>>, %arg18: memref<5x128xi32, #tpu.memory_space<vmem>>, %arg19: memref<1x128xi32, #tpu.memory_space<vmem>>, %arg20: memref<!tpu.dma_semaphore, #tpu.memory_space<semaphore_mem>>, %arg21: memref<10240x128xf32, #tpu.memory_space<vmem_shared>>, %arg22: memref<1280x128xf32, #tpu.memory_space<vmem_shared>>) attributes {dimension_semantics = [#tpu.dimension_semantics<core_parallel>, #tpu.dimension_semantics<subcore_parallel>], iteration_bounds = array<i64: 2, 16>, scalar_prefetch = 0 : i64, scratch_operands = 10 : i64, tpu.core_type = #tpu.core_type<sc_vector_subcore>, window_params = [{transform_indices = #map}, {transform_indices = #map1}, {transform_indices = #map1}, {transform_indices = #map1}, {transform_indices = #map1}, {transform_indices = #map}, {transform_indices = #map}, {transform_indices = #map1}, {transform_indices = #map1}, {transform_indices = #map1}, {transform_indices = #map1}]} {
    %mul3A = arith.constant 16 : i32
    %mul3A_0 = arith.muli %arg0, %mul3A : i32
    %add3A = arith.addi %mul3A_0, %arg1 : i32
    "tpu.region"() ({
      %run_scoped3A_164 = tpu.sem_alloc : memref<!tpu.dma_semaphore, #tpu.memory_space<semaphore_mem>>
      %dma_start3A_165 = arith.constant 0 : i32
      %dma_start3A_166 = arith.constant 0 : i32
      %dma_start3A_167 = tpu.memref_slice %arg9[%arg1, %dma_start3A_165, %dma_start3A_166] : memref<16x5x128xi32, #tpu.memory_space<hbm>> -> memref<1x5x128xi32, #tpu.memory_space<hbm>>
      %dma_start3A_168 = tpu.memref_squeeze %dma_start3A_167 : memref<1x5x128xi32, #tpu.memory_space<hbm>> -> memref<5x128xi32, #tpu.memory_space<hbm>>
      %dma_start3A_169 = arith.constant 0 : i32
      %dma_start3A_170 = arith.constant 0 : i32
      %dma_start3A_171 = tpu.memref_slice %arg9[%arg1, %dma_start3A_169, %dma_start3A_170] : memref<16x5x128xi32, #tpu.memory_space<hbm>> -> memref<1x5x128xi32, #tpu.memory_space<hbm>>
      %dma_start3A_172 = tpu.memref_squeeze %dma_start3A_171 : memref<1x5x128xi32, #tpu.memory_space<hbm>> -> memref<5x128xi32, #tpu.memory_space<hbm>>
      tpu.enqueue_dma source(%dma_start3A_172 : memref<5x128xi32, #tpu.memory_space<hbm>>) target(%arg18 : memref<5x128xi32, #tpu.memory_space<vmem>>) target_semaphore(%run_scoped3A_164 : memref<!tpu.dma_semaphore, #tpu.memory_space<semaphore_mem>>)
      %dma_wait3A_173 = arith.constant 0 : i32
      %dma_wait3A_174 = arith.constant 0 : i32
      %dma_wait3A_175 = tpu.memref_slice %arg9[%arg1, %dma_wait3A_173, %dma_wait3A_174] : memref<16x5x128xi32, #tpu.memory_space<hbm>> -> memref<1x5x128xi32, #tpu.memory_space<hbm>>
      %dma_wait3A_176 = tpu.memref_squeeze %dma_wait3A_175 : memref<1x5x128xi32, #tpu.memory_space<hbm>> -> memref<5x128xi32, #tpu.memory_space<hbm>>
      %dma_wait3A_177 = arith.constant 0 : i32
      %dma_wait3A_178 = arith.constant 0 : i32
      %dma_wait3A_179 = tpu.memref_slice %arg9[%arg1, %dma_wait3A_177, %dma_wait3A_178] : memref<16x5x128xi32, #tpu.memory_space<hbm>> -> memref<1x5x128xi32, #tpu.memory_space<hbm>>
      %dma_wait3A_180 = tpu.memref_squeeze %dma_wait3A_179 : memref<1x5x128xi32, #tpu.memory_space<hbm>> -> memref<5x128xi32, #tpu.memory_space<hbm>>
      tpu.wait_dma2 semaphore(%run_scoped3A_164 : memref<!tpu.dma_semaphore, #tpu.memory_space<semaphore_mem>>) src(%dma_wait3A_180 : memref<5x128xi32, #tpu.memory_space<hbm>>) dst(%arg18 : memref<5x128xi32, #tpu.memory_space<vmem>>)
      tpu.yield
    }) : () -> ()
    "tpu.region"() ({
      %run_scoped3A_164 = tpu.sem_alloc : memref<!tpu.dma_semaphore, #tpu.memory_space<semaphore_mem>>
      %dma_start3A_165 = arith.constant 0 : i32
      %dma_start3A_166 = arith.constant 0 : i32
      %dma_start3A_167 = tpu.memref_slice %arg10[%arg1, %dma_start3A_165, %dma_start3A_166] : memref<16x1x128xi32, #tpu.memory_space<hbm>> -> memref<1x1x128xi32, #tpu.memory_space<hbm>>
      %dma_start3A_168 = tpu.memref_squeeze %dma_start3A_167 : memref<1x1x128xi32, #tpu.memory_space<hbm>> -> memref<1x128xi32, #tpu.memory_space<hbm>>
      %dma_start3A_169 = arith.constant 0 : i32
      %dma_start3A_170 = arith.constant 0 : i32
      %dma_start3A_171 = tpu.memref_slice %arg10[%arg1, %dma_start3A_169, %dma_start3A_170] : memref<16x1x128xi32, #tpu.memory_space<hbm>> -> memref<1x1x128xi32, #tpu.memory_space<hbm>>
      %dma_start3A_172 = tpu.memref_squeeze %dma_start3A_171 : memref<1x1x128xi32, #tpu.memory_space<hbm>> -> memref<1x128xi32, #tpu.memory_space<hbm>>
      tpu.enqueue_dma source(%dma_start3A_172 : memref<1x128xi32, #tpu.memory_space<hbm>>) target(%arg19 : memref<1x128xi32, #tpu.memory_space<vmem>>) target_semaphore(%run_scoped3A_164 : memref<!tpu.dma_semaphore, #tpu.memory_space<semaphore_mem>>)
      %dma_wait3A_173 = arith.constant 0 : i32
      %dma_wait3A_174 = arith.constant 0 : i32
      %dma_wait3A_175 = tpu.memref_slice %arg10[%arg1, %dma_wait3A_173, %dma_wait3A_174] : memref<16x1x128xi32, #tpu.memory_space<hbm>> -> memref<1x1x128xi32, #tpu.memory_space<hbm>>
      %dma_wait3A_176 = tpu.memref_squeeze %dma_wait3A_175 : memref<1x1x128xi32, #tpu.memory_space<hbm>> -> memref<1x128xi32, #tpu.memory_space<hbm>>
      %dma_wait3A_177 = arith.constant 0 : i32
      %dma_wait3A_178 = arith.constant 0 : i32
      %dma_wait3A_179 = tpu.memref_slice %arg10[%arg1, %dma_wait3A_177, %dma_wait3A_178] : memref<16x1x128xi32, #tpu.memory_space<hbm>> -> memref<1x1x128xi32, #tpu.memory_space<hbm>>
      %dma_wait3A_180 = tpu.memref_squeeze %dma_wait3A_179 : memref<1x1x128xi32, #tpu.memory_space<hbm>> -> memref<1x128xi32, #tpu.memory_space<hbm>>
      tpu.wait_dma2 semaphore(%run_scoped3A_164 : memref<!tpu.dma_semaphore, #tpu.memory_space<semaphore_mem>>) src(%dma_wait3A_180 : memref<1x128xi32, #tpu.memory_space<hbm>>) dst(%arg19 : memref<1x128xi32, #tpu.memory_space<vmem>>)
      tpu.yield
    }) : () -> ()
    "tpu.region"() ({
      %run_scoped3A_164 = tpu.sem_alloc : memref<!tpu.dma_semaphore, #tpu.memory_space<semaphore_mem>>
      tpu.enqueue_dma source(%arg8 : memref<128x128xf32, #tpu.memory_space<hbm>>) target(%arg17 : memref<128x128xf32, #tpu.memory_space<vmem>>) target_semaphore(%run_scoped3A_164 : memref<!tpu.dma_semaphore, #tpu.memory_space<semaphore_mem>>)
      tpu.wait_dma2 semaphore(%run_scoped3A_164 : memref<!tpu.dma_semaphore, #tpu.memory_space<semaphore_mem>>) src(%arg8 : memref<128x128xf32, #tpu.memory_space<hbm>>) dst(%arg17 : memref<128x128xf32, #tpu.memory_space<vmem>>)
      tpu.yield
    }) : () -> ()
    %run_scoped3A = arith.constant 0 : i32
    "tpu.region"() ({
      %run_scoped3A_164 = tpu.sem_alloc : memref<!tpu.dma_semaphore, #tpu.memory_space<semaphore_mem>>
      %dma_start3A_165 = arith.constant 0 : i32
      %dma_start3A_166 = tpu.memref_slice %arg18[%run_scoped3A, %dma_start3A_165] : memref<5x128xi32, #tpu.memory_space<vmem>> -> memref<1x128xi32, #tpu.memory_space<vmem>>
      %dma_start3A_167 = tpu.memref_squeeze %dma_start3A_166 : memref<1x128xi32, #tpu.memory_space<vmem>> -> memref<128xi32, #tpu.memory_space<vmem>>
      %dma_start3A_168 = arith.constant 0 : i32
      %dma_start3A_169 = arith.constant 0 : i32
      %dma_start3A_170 = tpu.memref_slice %arg21[%dma_start3A_168, %dma_start3A_169] : memref<10240x128xf32, #tpu.memory_space<vmem_shared>> -> memref<10240x128xf32, #tpu.memory_space<vmem_shared>>
      tpu.enqueue_indirect_dma source(%arg17 : memref<128x128xf32, #tpu.memory_space<vmem>>) target(%dma_start3A_170 : memref<10240x128xf32, #tpu.memory_space<vmem_shared>>) offsets(%dma_start3A_167 : memref<128xi32, #tpu.memory_space<vmem>>) semaphore(%run_scoped3A_164 : memref<!tpu.dma_semaphore, #tpu.memory_space<semaphore_mem>>)
      %dma_wait3A_171 = arith.constant 0 : i32
      %dma_wait3A_172 = tpu.memref_slice %arg18[%run_scoped3A, %dma_wait3A_171] : memref<5x128xi32, #tpu.memory_space<vmem>> -> memref<1x128xi32, #tpu.memory_space<vmem>>
      %dma_wait3A_173 = tpu.memref_squeeze %dma_wait3A_172 : memref<1x128xi32, #tpu.memory_space<vmem>> -> memref<128xi32, #tpu.memory_space<vmem>>
      %dma_wait3A_174 = arith.constant 0 : i32
      %dma_wait3A_175 = arith.constant 0 : i32
      %dma_wait3A_176 = tpu.memref_slice %arg21[%dma_wait3A_174, %dma_wait3A_175] : memref<10240x128xf32, #tpu.memory_space<vmem_shared>> -> memref<10240x128xf32, #tpu.memory_space<vmem_shared>>
      tpu.wait_indirect_dma semaphore(%run_scoped3A_164 : memref<!tpu.dma_semaphore, #tpu.memory_space<semaphore_mem>>) src(%arg17 : memref<128x128xf32, #tpu.memory_space<vmem>>) dst(%dma_wait3A_176 : memref<10240x128xf32, #tpu.memory_space<vmem_shared>>)
      tpu.yield
    }) : () -> ()
    %run_scoped3A_1 = arith.constant 1 : i32
    "tpu.region"() ({
      %run_scoped3A_164 = tpu.sem_alloc : memref<!tpu.dma_semaphore, #tpu.memory_space<semaphore_mem>>
      %dma_start3A_165 = arith.constant 0 : i32
      %dma_start3A_166 = tpu.memref_slice %arg18[%run_scoped3A_1, %dma_start3A_165] : memref<5x128xi32, #tpu.memory_space<vmem>> -> memref<1x128xi32, #tpu.memory_space<vmem>>
      %dma_start3A_167 = tpu.memref_squeeze %dma_start3A_166 : memref<1x128xi32, #tpu.memory_space<vmem>> -> memref<128xi32, #tpu.memory_space<vmem>>
      %dma_start3A_168 = arith.constant 0 : i32
      %dma_start3A_169 = arith.constant 0 : i32
      %dma_start3A_170 = tpu.memref_slice %arg21[%dma_start3A_168, %dma_start3A_169] : memref<10240x128xf32, #tpu.memory_space<vmem_shared>> -> memref<10240x128xf32, #tpu.memory_space<vmem_shared>>
      tpu.enqueue_indirect_dma source(%arg17 : memref<128x128xf32, #tpu.memory_space<vmem>>) target(%dma_start3A_170 : memref<10240x128xf32, #tpu.memory_space<vmem_shared>>) offsets(%dma_start3A_167 : memref<128xi32, #tpu.memory_space<vmem>>) semaphore(%run_scoped3A_164 : memref<!tpu.dma_semaphore, #tpu.memory_space<semaphore_mem>>)
      %dma_wait3A_171 = arith.constant 0 : i32
      %dma_wait3A_172 = tpu.memref_slice %arg18[%run_scoped3A_1, %dma_wait3A_171] : memref<5x128xi32, #tpu.memory_space<vmem>> -> memref<1x128xi32, #tpu.memory_space<vmem>>
      %dma_wait3A_173 = tpu.memref_squeeze %dma_wait3A_172 : memref<1x128xi32, #tpu.memory_space<vmem>> -> memref<128xi32, #tpu.memory_space<vmem>>
      %dma_wait3A_174 = arith.constant 0 : i32
      %dma_wait3A_175 = arith.constant 0 : i32
      %dma_wait3A_176 = tpu.memref_slice %arg21[%dma_wait3A_174, %dma_wait3A_175] : memref<10240x128xf32, #tpu.memory_space<vmem_shared>> -> memref<10240x128xf32, #tpu.memory_space<vmem_shared>>
      tpu.wait_indirect_dma semaphore(%run_scoped3A_164 : memref<!tpu.dma_semaphore, #tpu.memory_space<semaphore_mem>>) src(%arg17 : memref<128x128xf32, #tpu.memory_space<vmem>>) dst(%dma_wait3A_176 : memref<10240x128xf32, #tpu.memory_space<vmem_shared>>)
      tpu.yield
    }) : () -> ()
    %run_scoped3A_2 = arith.constant 2 : i32
    "tpu.region"() ({
      %run_scoped3A_164 = tpu.sem_alloc : memref<!tpu.dma_semaphore, #tpu.memory_space<semaphore_mem>>
      %dma_start3A_165 = arith.constant 0 : i32
      %dma_start3A_166 = tpu.memref_slice %arg18[%run_scoped3A_2, %dma_start3A_165] : memref<5x128xi32, #tpu.memory_space<vmem>> -> memref<1x128xi32, #tpu.memory_space<vmem>>
      %dma_start3A_167 = tpu.memref_squeeze %dma_start3A_166 : memref<1x128xi32, #tpu.memory_space<vmem>> -> memref<128xi32, #tpu.memory_space<vmem>>
      %dma_start3A_168 = arith.constant 0 : i32
      %dma_start3A_169 = arith.constant 0 : i32
      %dma_start3A_170 = tpu.memref_slice %arg21[%dma_start3A_168, %dma_start3A_169] : memref<10240x128xf32, #tpu.memory_space<vmem_shared>> -> memref<10240x128xf32, #tpu.memory_space<vmem_shared>>
      tpu.enqueue_indirect_dma source(%arg17 : memref<128x128xf32, #tpu.memory_space<vmem>>) target(%dma_start3A_170 : memref<10240x128xf32, #tpu.memory_space<vmem_shared>>) offsets(%dma_start3A_167 : memref<128xi32, #tpu.memory_space<vmem>>) semaphore(%run_scoped3A_164 : memref<!tpu.dma_semaphore, #tpu.memory_space<semaphore_mem>>)
      %dma_wait3A_171 = arith.constant 0 : i32
      %dma_wait3A_172 = tpu.memref_slice %arg18[%run_scoped3A_2, %dma_wait3A_171] : memref<5x128xi32, #tpu.memory_space<vmem>> -> memref<1x128xi32, #tpu.memory_space<vmem>>
      %dma_wait3A_173 = tpu.memref_squeeze %dma_wait3A_172 : memref<1x128xi32, #tpu.memory_space<vmem>> -> memref<128xi32, #tpu.memory_space<vmem>>
      %dma_wait3A_174 = arith.constant 0 : i32
      %dma_wait3A_175 = arith.constant 0 : i32
      %dma_wait3A_176 = tpu.memref_slice %arg21[%dma_wait3A_174, %dma_wait3A_175] : memref<10240x128xf32, #tpu.memory_space<vmem_shared>> -> memref<10240x128xf32, #tpu.memory_space<vmem_shared>>
      tpu.wait_indirect_dma semaphore(%run_scoped3A_164 : memref<!tpu.dma_semaphore, #tpu.memory_space<semaphore_mem>>) src(%arg17 : memref<128x128xf32, #tpu.memory_space<vmem>>) dst(%dma_wait3A_176 : memref<10240x128xf32, #tpu.memory_space<vmem_shared>>)
      tpu.yield
    }) : () -> ()
    %run_scoped3A_3 = arith.constant 3 : i32
    "tpu.region"() ({
      %run_scoped3A_164 = tpu.sem_alloc : memref<!tpu.dma_semaphore, #tpu.memory_space<semaphore_mem>>
      %dma_start3A_165 = arith.constant 0 : i32
      %dma_start3A_166 = tpu.memref_slice %arg18[%run_scoped3A_3, %dma_start3A_165] : memref<5x128xi32, #tpu.memory_space<vmem>> -> memref<1x128xi32, #tpu.memory_space<vmem>>
      %dma_start3A_167 = tpu.memref_squeeze %dma_start3A_166 : memref<1x128xi32, #tpu.memory_space<vmem>> -> memref<128xi32, #tpu.memory_space<vmem>>
      %dma_start3A_168 = arith.constant 0 : i32
      %dma_start3A_169 = arith.constant 0 : i32
      %dma_start3A_170 = tpu.memref_slice %arg21[%dma_start3A_168, %dma_start3A_169] : memref<10240x128xf32, #tpu.memory_space<vmem_shared>> -> memref<10240x128xf32, #tpu.memory_space<vmem_shared>>
      tpu.enqueue_indirect_dma source(%arg17 : memref<128x128xf32, #tpu.memory_space<vmem>>) target(%dma_start3A_170 : memref<10240x128xf32, #tpu.memory_space<vmem_shared>>) offsets(%dma_start3A_167 : memref<128xi32, #tpu.memory_space<vmem>>) semaphore(%run_scoped3A_164 : memref<!tpu.dma_semaphore, #tpu.memory_space<semaphore_mem>>)
      %dma_wait3A_171 = arith.constant 0 : i32
      %dma_wait3A_172 = tpu.memref_slice %arg18[%run_scoped3A_3, %dma_wait3A_171] : memref<5x128xi32, #tpu.memory_space<vmem>> -> memref<1x128xi32, #tpu.memory_space<vmem>>
      %dma_wait3A_173 = tpu.memref_squeeze %dma_wait3A_172 : memref<1x128xi32, #tpu.memory_space<vmem>> -> memref<128xi32, #tpu.memory_space<vmem>>
      %dma_wait3A_174 = arith.constant 0 : i32
      %dma_wait3A_175 = arith.constant 0 : i32
      %dma_wait3A_176 = tpu.memref_slice %arg21[%dma_wait3A_174, %dma_wait3A_175] : memref<10240x128xf32, #tpu.memory_space<vmem_shared>> -> memref<10240x128xf32, #tpu.memory_space<vmem_shared>>
      tpu.wait_indirect_dma semaphore(%run_scoped3A_164 : memref<!tpu.dma_semaphore, #tpu.memory_space<semaphore_mem>>) src(%arg17 : memref<128x128xf32, #tpu.memory_space<vmem>>) dst(%dma_wait3A_176 : memref<10240x128xf32, #tpu.memory_space<vmem_shared>>)
      tpu.yield
    }) : () -> ()
    %run_scoped3A_4 = arith.constant 4 : i32
    "tpu.region"() ({
      %run_scoped3A_164 = tpu.sem_alloc : memref<!tpu.dma_semaphore, #tpu.memory_space<semaphore_mem>>
      %dma_start3A_165 = arith.constant 0 : i32
      %dma_start3A_166 = tpu.memref_slice %arg18[%run_scoped3A_4, %dma_start3A_165] : memref<5x128xi32, #tpu.memory_space<vmem>> -> memref<1x128xi32, #tpu.memory_space<vmem>>
      %dma_start3A_167 = tpu.memref_squeeze %dma_start3A_166 : memref<1x128xi32, #tpu.memory_space<vmem>> -> memref<128xi32, #tpu.memory_space<vmem>>
      %dma_start3A_168 = arith.constant 0 : i32
      %dma_start3A_169 = arith.constant 0 : i32
      %dma_start3A_170 = tpu.memref_slice %arg21[%dma_start3A_168, %dma_start3A_169] : memref<10240x128xf32, #tpu.memory_space<vmem_shared>> -> memref<10240x128xf32, #tpu.memory_space<vmem_shared>>
      tpu.enqueue_indirect_dma source(%arg17 : memref<128x128xf32, #tpu.memory_space<vmem>>) target(%dma_start3A_170 : memref<10240x128xf32, #tpu.memory_space<vmem_shared>>) offsets(%dma_start3A_167 : memref<128xi32, #tpu.memory_space<vmem>>) semaphore(%run_scoped3A_164 : memref<!tpu.dma_semaphore, #tpu.memory_space<semaphore_mem>>)
      %dma_wait3A_171 = arith.constant 0 : i32
      %dma_wait3A_172 = tpu.memref_slice %arg18[%run_scoped3A_4, %dma_wait3A_171] : memref<5x128xi32, #tpu.memory_space<vmem>> -> memref<1x128xi32, #tpu.memory_space<vmem>>
      %dma_wait3A_173 = tpu.memref_squeeze %dma_wait3A_172 : memref<1x128xi32, #tpu.memory_space<vmem>> -> memref<128xi32, #tpu.memory_space<vmem>>
      %dma_wait3A_174 = arith.constant 0 : i32
      %dma_wait3A_175 = arith.constant 0 : i32
      %dma_wait3A_176 = tpu.memref_slice %arg21[%dma_wait3A_174, %dma_wait3A_175] : memref<10240x128xf32, #tpu.memory_space<vmem_shared>> -> memref<10240x128xf32, #tpu.memory_space<vmem_shared>>
      tpu.wait_indirect_dma semaphore(%run_scoped3A_164 : memref<!tpu.dma_semaphore, #tpu.memory_space<semaphore_mem>>) src(%arg17 : memref<128x128xf32, #tpu.memory_space<vmem>>) dst(%dma_wait3A_176 : memref<10240x128xf32, #tpu.memory_space<vmem_shared>>)
      tpu.yield
    }) : () -> ()
    %lt3A = arith.constant 10 : i32
    %lt3A_5 = arith.cmpi slt, %arg1, %lt3A : i32
    %convert_element_type3A = arith.extui %lt3A_5 : i1 to i32
    %cond3A = arith.constant 0 : i32
    %cond3A_6 = arith.cmpi ne, %convert_element_type3A, %cond3A : i32
    scf.if %cond3A_6 {
      %run_scoped3A_164 = arith.constant 0 : i32
      "tpu.region"() ({
        %run_scoped3A_165 = tpu.sem_alloc : memref<!tpu.dma_semaphore, #tpu.memory_space<semaphore_mem>>
        %dma_start3A_166 = arith.constant 0 : i32
        %dma_start3A_167 = tpu.memref_slice %arg19[%run_scoped3A_164, %dma_start3A_166] : memref<1x128xi32, #tpu.memory_space<vmem>> -> memref<1x128xi32, #tpu.memory_space<vmem>>
        %dma_start3A_168 = tpu.memref_squeeze %dma_start3A_167 : memref<1x128xi32, #tpu.memory_space<vmem>> -> memref<128xi32, #tpu.memory_space<vmem>>
        %dma_start3A_169 = arith.constant 0 : i32
        %dma_start3A_170 = arith.constant 0 : i32
        %dma_start3A_171 = tpu.memref_slice %arg22[%dma_start3A_169, %dma_start3A_170] : memref<1280x128xf32, #tpu.memory_space<vmem_shared>> -> memref<1280x128xf32, #tpu.memory_space<vmem_shared>>
        tpu.enqueue_indirect_dma source(%arg17 : memref<128x128xf32, #tpu.memory_space<vmem>>) target(%dma_start3A_171 : memref<1280x128xf32, #tpu.memory_space<vmem_shared>>) offsets(%dma_start3A_168 : memref<128xi32, #tpu.memory_space<vmem>>) semaphore(%run_scoped3A_165 : memref<!tpu.dma_semaphore, #tpu.memory_space<semaphore_mem>>)
        %dma_wait3A_172 = arith.constant 0 : i32
        %dma_wait3A_173 = tpu.memref_slice %arg19[%run_scoped3A_164, %dma_wait3A_172] : memref<1x128xi32, #tpu.memory_space<vmem>> -> memref<1x128xi32, #tpu.memory_space<vmem>>
        %dma_wait3A_174 = tpu.memref_squeeze %dma_wait3A_173 : memref<1x128xi32, #tpu.memory_space<vmem>> -> memref<128xi32, #tpu.memory_space<vmem>>
        %dma_wait3A_175 = arith.constant 0 : i32
        %dma_wait3A_176 = arith.constant 0 : i32
        %dma_wait3A_177 = tpu.memref_slice %arg22[%dma_wait3A_175, %dma_wait3A_176] : memref<1280x128xf32, #tpu.memory_space<vmem_shared>> -> memref<1280x128xf32, #tpu.memory_space<vmem_shared>>
        tpu.wait_indirect_dma semaphore(%run_scoped3A_165 : memref<!tpu.dma_semaphore, #tpu.memory_space<semaphore_mem>>) src(%arg17 : memref<128x128xf32, #tpu.memory_space<vmem>>) dst(%dma_wait3A_177 : memref<1280x128xf32, #tpu.memory_space<vmem_shared>>)
        tpu.yield
      }) : () -> ()
    } else {
    }
    %barrier3A = arith.constant 0 : index
    tpu.barrier barrier_id(%barrier3A)
    "tpu.region"() ({
      %run_scoped3A_164 = tpu.sem_alloc : memref<!tpu.dma_semaphore, #tpu.memory_space<semaphore_mem>>
      %dma_start3A_165 = arith.constant 0 : i32
      %dma_start3A_166 = arith.constant 0 : i32
      %dma_start3A_167 = tpu.memref_slice %arg3[%add3A, %dma_start3A_165, %dma_start3A_166] : memref<32x80x128xi32, #tpu.memory_space<hbm>> -> memref<1x8x128xi32, #tpu.memory_space<hbm>>
      %dma_start3A_168 = tpu.memref_squeeze %dma_start3A_167 : memref<1x8x128xi32, #tpu.memory_space<hbm>> -> memref<8x128xi32, #tpu.memory_space<hbm>>
      %dma_start3A_169 = arith.constant 0 : i32
      %dma_start3A_170 = arith.constant 0 : i32
      %dma_start3A_171 = tpu.memref_slice %arg3[%add3A, %dma_start3A_169, %dma_start3A_170] : memref<32x80x128xi32, #tpu.memory_space<hbm>> -> memref<1x8x128xi32, #tpu.memory_space<hbm>>
      %dma_start3A_172 = tpu.memref_squeeze %dma_start3A_171 : memref<1x8x128xi32, #tpu.memory_space<hbm>> -> memref<8x128xi32, #tpu.memory_space<hbm>>
      tpu.enqueue_dma source(%dma_start3A_172 : memref<8x128xi32, #tpu.memory_space<hbm>>) target(%arg13 : memref<8x128xi32, #tpu.memory_space<vmem>>) target_semaphore(%run_scoped3A_164 : memref<!tpu.dma_semaphore, #tpu.memory_space<semaphore_mem>>)
      %dma_wait3A_173 = arith.constant 0 : i32
      %dma_wait3A_174 = arith.constant 0 : i32
      %dma_wait3A_175 = tpu.memref_slice %arg3[%add3A, %dma_wait3A_173, %dma_wait3A_174] : memref<32x80x128xi32, #tpu.memory_space<hbm>> -> memref<1x8x128xi32, #tpu.memory_space<hbm>>
      %dma_wait3A_176 = tpu.memref_squeeze %dma_wait3A_175 : memref<1x8x128xi32, #tpu.memory_space<hbm>> -> memref<8x128xi32, #tpu.memory_space<hbm>>
      %dma_wait3A_177 = arith.constant 0 : i32
      %dma_wait3A_178 = arith.constant 0 : i32
      %dma_wait3A_179 = tpu.memref_slice %arg3[%add3A, %dma_wait3A_177, %dma_wait3A_178] : memref<32x80x128xi32, #tpu.memory_space<hbm>> -> memref<1x8x128xi32, #tpu.memory_space<hbm>>
      %dma_wait3A_180 = tpu.memref_squeeze %dma_wait3A_179 : memref<1x8x128xi32, #tpu.memory_space<hbm>> -> memref<8x128xi32, #tpu.memory_space<hbm>>
      tpu.wait_dma2 semaphore(%run_scoped3A_164 : memref<!tpu.dma_semaphore, #tpu.memory_space<semaphore_mem>>) src(%dma_wait3A_180 : memref<8x128xi32, #tpu.memory_space<hbm>>) dst(%arg13 : memref<8x128xi32, #tpu.memory_space<vmem>>)
      tpu.yield
    }) : () -> ()
    "tpu.region"() ({
      %run_scoped3A_164 = tpu.sem_alloc : memref<!tpu.dma_semaphore, #tpu.memory_space<semaphore_mem>>
      %dma_start3A_165 = arith.constant 0 : i32
      %dma_start3A_166 = arith.constant 0 : i32
      %dma_start3A_167 = tpu.memref_slice %arg4[%add3A, %dma_start3A_165, %dma_start3A_166] : memref<32x80x128xi32, #tpu.memory_space<hbm>> -> memref<1x8x128xi32, #tpu.memory_space<hbm>>
      %dma_start3A_168 = tpu.memref_squeeze %dma_start3A_167 : memref<1x8x128xi32, #tpu.memory_space<hbm>> -> memref<8x128xi32, #tpu.memory_space<hbm>>
      %dma_start3A_169 = arith.constant 0 : i32
      %dma_start3A_170 = arith.constant 0 : i32
      %dma_start3A_171 = tpu.memref_slice %arg4[%add3A, %dma_start3A_169, %dma_start3A_170] : memref<32x80x128xi32, #tpu.memory_space<hbm>> -> memref<1x8x128xi32, #tpu.memory_space<hbm>>
      %dma_start3A_172 = tpu.memref_squeeze %dma_start3A_171 : memref<1x8x128xi32, #tpu.memory_space<hbm>> -> memref<8x128xi32, #tpu.memory_space<hbm>>
      tpu.enqueue_dma source(%dma_start3A_172 : memref<8x128xi32, #tpu.memory_space<hbm>>) target(%arg14 : memref<8x128xi32, #tpu.memory_space<vmem>>) target_semaphore(%run_scoped3A_164 : memref<!tpu.dma_semaphore, #tpu.memory_space<semaphore_mem>>)
      %dma_wait3A_173 = arith.constant 0 : i32
      %dma_wait3A_174 = arith.constant 0 : i32
      %dma_wait3A_175 = tpu.memref_slice %arg4[%add3A, %dma_wait3A_173, %dma_wait3A_174] : memref<32x80x128xi32, #tpu.memory_space<hbm>> -> memref<1x8x128xi32, #tpu.memory_space<hbm>>
      %dma_wait3A_176 = tpu.memref_squeeze %dma_wait3A_175 : memref<1x8x128xi32, #tpu.memory_space<hbm>> -> memref<8x128xi32, #tpu.memory_space<hbm>>
      %dma_wait3A_177 = arith.constant 0 : i32
      %dma_wait3A_178 = arith.constant 0 : i32
      %dma_wait3A_179 = tpu.memref_slice %arg4[%add3A, %dma_wait3A_177, %dma_wait3A_178] : memref<32x80x128xi32, #tpu.memory_space<hbm>> -> memref<1x8x128xi32, #tpu.memory_space<hbm>>
      %dma_wait3A_180 = tpu.memref_squeeze %dma_wait3A_179 : memref<1x8x128xi32, #tpu.memory_space<hbm>> -> memref<8x128xi32, #tpu.memory_space<hbm>>
      tpu.wait_dma2 semaphore(%run_scoped3A_164 : memref<!tpu.dma_semaphore, #tpu.memory_space<semaphore_mem>>) src(%dma_wait3A_180 : memref<8x128xi32, #tpu.memory_space<hbm>>) dst(%arg14 : memref<8x128xi32, #tpu.memory_space<vmem>>)
      tpu.yield
    }) : () -> ()
    "tpu.region"() ({
      %run_scoped3A_164 = tpu.sem_alloc : memref<!tpu.dma_semaphore, #tpu.memory_space<semaphore_mem>>
      %dma_start3A_165 = arith.constant 0 : i32
      %dma_start3A_166 = arith.constant 0 : i32
      %dma_start3A_167 = tpu.memref_slice %arg5[%add3A, %dma_start3A_165, %dma_start3A_166] : memref<32x80x128xi32, #tpu.memory_space<hbm>> -> memref<1x8x128xi32, #tpu.memory_space<hbm>>
      %dma_start3A_168 = tpu.memref_squeeze %dma_start3A_167 : memref<1x8x128xi32, #tpu.memory_space<hbm>> -> memref<8x128xi32, #tpu.memory_space<hbm>>
      %dma_start3A_169 = arith.constant 0 : i32
      %dma_start3A_170 = arith.constant 0 : i32
      %dma_start3A_171 = tpu.memref_slice %arg5[%add3A, %dma_start3A_169, %dma_start3A_170] : memref<32x80x128xi32, #tpu.memory_space<hbm>> -> memref<1x8x128xi32, #tpu.memory_space<hbm>>
      %dma_start3A_172 = tpu.memref_squeeze %dma_start3A_171 : memref<1x8x128xi32, #tpu.memory_space<hbm>> -> memref<8x128xi32, #tpu.memory_space<hbm>>
      tpu.enqueue_dma source(%dma_start3A_172 : memref<8x128xi32, #tpu.memory_space<hbm>>) target(%arg15 : memref<8x128xi32, #tpu.memory_space<vmem>>) target_semaphore(%run_scoped3A_164 : memref<!tpu.dma_semaphore, #tpu.memory_space<semaphore_mem>>)
      %dma_wait3A_173 = arith.constant 0 : i32
      %dma_wait3A_174 = arith.constant 0 : i32
      %dma_wait3A_175 = tpu.memref_slice %arg5[%add3A, %dma_wait3A_173, %dma_wait3A_174] : memref<32x80x128xi32, #tpu.memory_space<hbm>> -> memref<1x8x128xi32, #tpu.memory_space<hbm>>
      %dma_wait3A_176 = tpu.memref_squeeze %dma_wait3A_175 : memref<1x8x128xi32, #tpu.memory_space<hbm>> -> memref<8x128xi32, #tpu.memory_space<hbm>>
      %dma_wait3A_177 = arith.constant 0 : i32
      %dma_wait3A_178 = arith.constant 0 : i32
      %dma_wait3A_179 = tpu.memref_slice %arg5[%add3A, %dma_wait3A_177, %dma_wait3A_178] : memref<32x80x128xi32, #tpu.memory_space<hbm>> -> memref<1x8x128xi32, #tpu.memory_space<hbm>>
      %dma_wait3A_180 = tpu.memref_squeeze %dma_wait3A_179 : memref<1x8x128xi32, #tpu.memory_space<hbm>> -> memref<8x128xi32, #tpu.memory_space<hbm>>
      tpu.wait_dma2 semaphore(%run_scoped3A_164 : memref<!tpu.dma_semaphore, #tpu.memory_space<semaphore_mem>>) src(%dma_wait3A_180 : memref<8x128xi32, #tpu.memory_space<hbm>>) dst(%arg15 : memref<8x128xi32, #tpu.memory_space<vmem>>)
      tpu.yield
    }) : () -> ()
    "tpu.region"() ({
      %run_scoped3A_164 = tpu.sem_alloc : memref<!tpu.dma_semaphore, #tpu.memory_space<semaphore_mem>>
      %dma_start3A_165 = arith.constant 0 : i32
      %dma_start3A_166 = arith.constant 0 : i32
      %dma_start3A_167 = tpu.memref_slice %arg6[%add3A, %dma_start3A_165, %dma_start3A_166] : memref<32x80x128xi32, #tpu.memory_space<hbm>> -> memref<1x8x128xi32, #tpu.memory_space<hbm>>
      %dma_start3A_168 = tpu.memref_squeeze %dma_start3A_167 : memref<1x8x128xi32, #tpu.memory_space<hbm>> -> memref<8x128xi32, #tpu.memory_space<hbm>>
      %dma_start3A_169 = arith.constant 0 : i32
      %dma_start3A_170 = arith.constant 0 : i32
      %dma_start3A_171 = tpu.memref_slice %arg6[%add3A, %dma_start3A_169, %dma_start3A_170] : memref<32x80x128xi32, #tpu.memory_space<hbm>> -> memref<1x8x128xi32, #tpu.memory_space<hbm>>
      %dma_start3A_172 = tpu.memref_squeeze %dma_start3A_171 : memref<1x8x128xi32, #tpu.memory_space<hbm>> -> memref<8x128xi32, #tpu.memory_space<hbm>>
      tpu.enqueue_dma source(%dma_start3A_172 : memref<8x128xi32, #tpu.memory_space<hbm>>) target(%arg16 : memref<8x128xi32, #tpu.memory_space<vmem>>) target_semaphore(%run_scoped3A_164 : memref<!tpu.dma_semaphore, #tpu.memory_space<semaphore_mem>>)
      %dma_wait3A_173 = arith.constant 0 : i32
      %dma_wait3A_174 = arith.constant 0 : i32
      %dma_wait3A_175 = tpu.memref_slice %arg6[%add3A, %dma_wait3A_173, %dma_wait3A_174] : memref<32x80x128xi32, #tpu.memory_space<hbm>> -> memref<1x8x128xi32, #tpu.memory_space<hbm>>
      %dma_wait3A_176 = tpu.memref_squeeze %dma_wait3A_175 : memref<1x8x128xi32, #tpu.memory_space<hbm>> -> memref<8x128xi32, #tpu.memory_space<hbm>>
      %dma_wait3A_177 = arith.constant 0 : i32
      %dma_wait3A_178 = arith.constant 0 : i32
      %dma_wait3A_179 = tpu.memref_slice %arg6[%add3A, %dma_wait3A_177, %dma_wait3A_178] : memref<32x80x128xi32, #tpu.memory_space<hbm>> -> memref<1x8x128xi32, #tpu.memory_space<hbm>>
      %dma_wait3A_180 = tpu.memref_squeeze %dma_wait3A_179 : memref<1x8x128xi32, #tpu.memory_space<hbm>> -> memref<8x128xi32, #tpu.memory_space<hbm>>
      tpu.wait_dma2 semaphore(%run_scoped3A_164 : memref<!tpu.dma_semaphore, #tpu.memory_space<semaphore_mem>>) src(%dma_wait3A_180 : memref<8x128xi32, #tpu.memory_space<hbm>>) dst(%arg16 : memref<8x128xi32, #tpu.memory_space<vmem>>)
      tpu.yield
    }) : () -> ()
    %scan3A = arith.constant 0 : i32
    %scan3A_7 = arith.constant 0 : i32
    %scan3A_8 = arith.constant 8 : i32
    %scan3A_9 = arith.addi %scan3A_7, %scan3A_8 : i32
    %scan3A_10 = arith.constant 1 : i32
    scf.for %scan3A_164 = %scan3A_7 to %scan3A_9 step %scan3A_10  : i32 {
      %dma_start3A_165 = arith.constant 0 : i32
      %dma_start3A_166 = tpu.memref_slice %arg13[%scan3A_164, %dma_start3A_165] : memref<8x128xi32, #tpu.memory_space<vmem>> -> memref<1x128xi32, #tpu.memory_space<vmem>>
      %dma_start3A_167 = tpu.memref_squeeze %dma_start3A_166 : memref<1x128xi32, #tpu.memory_space<vmem>> -> memref<128xi32, #tpu.memory_space<vmem>>
      %dma_start3A_168 = arith.constant 0 : i32
      %dma_start3A_169 = arith.constant 0 : i32
      %dma_start3A_170 = tpu.memref_slice %arg2[%dma_start3A_168, %dma_start3A_169] : memref<10000x128xf32, #tpu.memory_space<hbm>> -> memref<10000x128xf32, #tpu.memory_space<hbm>>
      tpu.enqueue_indirect_dma source(%dma_start3A_170 : memref<10000x128xf32, #tpu.memory_space<hbm>>) target(%arg17 : memref<128x128xf32, #tpu.memory_space<vmem>>) offsets(%dma_start3A_167 : memref<128xi32, #tpu.memory_space<vmem>>) semaphore(%arg20 : memref<!tpu.dma_semaphore, #tpu.memory_space<semaphore_mem>>)
      %dma_wait3A_171 = arith.constant 0 : i32
      %dma_wait3A_172 = tpu.memref_slice %arg13[%scan3A_164, %dma_wait3A_171] : memref<8x128xi32, #tpu.memory_space<vmem>> -> memref<1x128xi32, #tpu.memory_space<vmem>>
      %dma_wait3A_173 = tpu.memref_squeeze %dma_wait3A_172 : memref<1x128xi32, #tpu.memory_space<vmem>> -> memref<128xi32, #tpu.memory_space<vmem>>
      %dma_wait3A_174 = arith.constant 0 : i32
      %dma_wait3A_175 = arith.constant 0 : i32
      %dma_wait3A_176 = tpu.memref_slice %arg2[%dma_wait3A_174, %dma_wait3A_175] : memref<10000x128xf32, #tpu.memory_space<hbm>> -> memref<10000x128xf32, #tpu.memory_space<hbm>>
      tpu.wait_indirect_dma semaphore(%arg20 : memref<!tpu.dma_semaphore, #tpu.memory_space<semaphore_mem>>) src(%dma_wait3A_176 : memref<10000x128xf32, #tpu.memory_space<hbm>>) dst(%arg17 : memref<128x128xf32, #tpu.memory_space<vmem>>)
      "tpu.region"() ({
        %run_scoped3A_189 = tpu.sem_alloc : memref<!tpu.dma_semaphore, #tpu.memory_space<semaphore_mem>>
        %dma_start3A_190 = arith.constant 0 : i32
        %dma_start3A_191 = tpu.memref_slice %arg14[%scan3A_164, %dma_start3A_190] : memref<8x128xi32, #tpu.memory_space<vmem>> -> memref<1x128xi32, #tpu.memory_space<vmem>>
        %dma_start3A_192 = tpu.memref_squeeze %dma_start3A_191 : memref<1x128xi32, #tpu.memory_space<vmem>> -> memref<128xi32, #tpu.memory_space<vmem>>
        %dma_start3A_193 = arith.constant 0 : i32
        %dma_start3A_194 = arith.constant 0 : i32
        %dma_start3A_195 = tpu.memref_slice %arg21[%dma_start3A_193, %dma_start3A_194] : memref<10240x128xf32, #tpu.memory_space<vmem_shared>> -> memref<10240x128xf32, #tpu.memory_space<vmem_shared>>
        tpu.enqueue_indirect_dma source(%arg17 : memref<128x128xf32, #tpu.memory_space<vmem>>) target(%dma_start3A_195 : memref<10240x128xf32, #tpu.memory_space<vmem_shared>>) offsets(%dma_start3A_192 : memref<128xi32, #tpu.memory_space<vmem>>) semaphore(%run_scoped3A_189 : memref<!tpu.dma_semaphore, #tpu.memory_space<semaphore_mem>>) {add = true}
        %dma_wait3A_196 = arith.constant 0 : i32
        %dma_wait3A_197 = tpu.memref_slice %arg14[%scan3A_164, %dma_wait3A_196] : memref<8x128xi32, #tpu.memory_space<vmem>> -> memref<1x128xi32, #tpu.memory_space<vmem>>
        %dma_wait3A_198 = tpu.memref_squeeze %dma_wait3A_197 : memref<1x128xi32, #tpu.memory_space<vmem>> -> memref<128xi32, #tpu.memory_space<vmem>>
        %dma_wait3A_199 = arith.constant 0 : i32
        %dma_wait3A_200 = arith.constant 0 : i32
        %dma_wait3A_201 = tpu.memref_slice %arg21[%dma_wait3A_199, %dma_wait3A_200] : memref<10240x128xf32, #tpu.memory_space<vmem_shared>> -> memref<10240x128xf32, #tpu.memory_space<vmem_shared>>
        tpu.wait_indirect_dma semaphore(%run_scoped3A_189 : memref<!tpu.dma_semaphore, #tpu.memory_space<semaphore_mem>>) src(%arg17 : memref<128x128xf32, #tpu.memory_space<vmem>>) dst(%dma_wait3A_201 : memref<10240x128xf32, #tpu.memory_space<vmem_shared>>)
        tpu.yield
      }) : () -> ()
      %dma_start3A_177 = arith.constant 0 : i32
      %dma_start3A_178 = tpu.memref_slice %arg16[%scan3A_164, %dma_start3A_177] : memref<8x128xi32, #tpu.memory_space<vmem>> -> memref<1x128xi32, #tpu.memory_space<vmem>>
      %dma_start3A_179 = tpu.memref_squeeze %dma_start3A_178 : memref<1x128xi32, #tpu.memory_space<vmem>> -> memref<128xi32, #tpu.memory_space<vmem>>
      %dma_start3A_180 = arith.constant 0 : i32
      %dma_start3A_181 = arith.constant 0 : i32
      %dma_start3A_182 = tpu.memref_slice %arg7[%dma_start3A_180, %dma_start3A_181] : memref<1024x128xf32, #tpu.memory_space<hbm>> -> memref<1024x128xf32, #tpu.memory_space<hbm>>
      tpu.enqueue_indirect_dma source(%dma_start3A_182 : memref<1024x128xf32, #tpu.memory_space<hbm>>) target(%arg17 : memref<128x128xf32, #tpu.memory_space<vmem>>) offsets(%dma_start3A_179 : memref<128xi32, #tpu.memory_space<vmem>>) semaphore(%arg20 : memref<!tpu.dma_semaphore, #tpu.memory_space<semaphore_mem>>)
      %dma_wait3A_183 = arith.constant 0 : i32
      %dma_wait3A_184 = tpu.memref_slice %arg16[%scan3A_164, %dma_wait3A_183] : memref<8x128xi32, #tpu.memory_space<vmem>> -> memref<1x128xi32, #tpu.memory_space<vmem>>
      %dma_wait3A_185 = tpu.memref_squeeze %dma_wait3A_184 : memref<1x128xi32, #tpu.memory_space<vmem>> -> memref<128xi32, #tpu.memory_space<vmem>>
      %dma_wait3A_186 = arith.constant 0 : i32
      %dma_wait3A_187 = arith.constant 0 : i32
      %dma_wait3A_188 = tpu.memref_slice %arg7[%dma_wait3A_186, %dma_wait3A_187] : memref<1024x128xf32, #tpu.memory_space<hbm>> -> memref<1024x128xf32, #tpu.memory_space<hbm>>
      tpu.wait_indirect_dma semaphore(%arg20 : memref<!tpu.dma_semaphore, #tpu.memory_space<semaphore_mem>>) src(%dma_wait3A_188 : memref<1024x128xf32, #tpu.memory_space<hbm>>) dst(%arg17 : memref<128x128xf32, #tpu.memory_space<vmem>>)
      "tpu.region"() ({
        %run_scoped3A_189 = tpu.sem_alloc : memref<!tpu.dma_semaphore, #tpu.memory_space<semaphore_mem>>
        %dma_start3A_190 = arith.constant 0 : i32
        %dma_start3A_191 = tpu.memref_slice %arg15[%scan3A_164, %dma_start3A_190] : memref<8x128xi32, #tpu.memory_space<vmem>> -> memref<1x128xi32, #tpu.memory_space<vmem>>
        %dma_start3A_192 = tpu.memref_squeeze %dma_start3A_191 : memref<1x128xi32, #tpu.memory_space<vmem>> -> memref<128xi32, #tpu.memory_space<vmem>>
        %dma_start3A_193 = arith.constant 0 : i32
        %dma_start3A_194 = arith.constant 0 : i32
        %dma_start3A_195 = tpu.memref_slice %arg22[%dma_start3A_193, %dma_start3A_194] : memref<1280x128xf32, #tpu.memory_space<vmem_shared>> -> memref<1280x128xf32, #tpu.memory_space<vmem_shared>>
        tpu.enqueue_indirect_dma source(%arg17 : memref<128x128xf32, #tpu.memory_space<vmem>>) target(%dma_start3A_195 : memref<1280x128xf32, #tpu.memory_space<vmem_shared>>) offsets(%dma_start3A_192 : memref<128xi32, #tpu.memory_space<vmem>>) semaphore(%run_scoped3A_189 : memref<!tpu.dma_semaphore, #tpu.memory_space<semaphore_mem>>) {add = true}
        %dma_wait3A_196 = arith.constant 0 : i32
        %dma_wait3A_197 = tpu.memref_slice %arg15[%scan3A_164, %dma_wait3A_196] : memref<8x128xi32, #tpu.memory_space<vmem>> -> memref<1x128xi32, #tpu.memory_space<vmem>>
        %dma_wait3A_198 = tpu.memref_squeeze %dma_wait3A_197 : memref<1x128xi32, #tpu.memory_space<vmem>> -> memref<128xi32, #tpu.memory_space<vmem>>
        %dma_wait3A_199 = arith.constant 0 : i32
        %dma_wait3A_200 = arith.constant 0 : i32
        %dma_wait3A_201 = tpu.memref_slice %arg22[%dma_wait3A_199, %dma_wait3A_200] : memref<1280x128xf32, #tpu.memory_space<vmem_shared>> -> memref<1280x128xf32, #tpu.memory_space<vmem_shared>>
        tpu.wait_indirect_dma semaphore(%run_scoped3A_189 : memref<!tpu.dma_semaphore, #tpu.memory_space<semaphore_mem>>) src(%arg17 : memref<128x128xf32, #tpu.memory_space<vmem>>) dst(%dma_wait3A_201 : memref<1280x128xf32, #tpu.memory_space<vmem_shared>>)
        tpu.yield
      }) : () -> ()
    }
    %scan3A_11 = arith.constant 8 : i32
    "tpu.region"() ({
      %run_scoped3A_164 = tpu.sem_alloc : memref<!tpu.dma_semaphore, #tpu.memory_space<semaphore_mem>>
      %dma_start3A_165 = arith.constant 8 : i32
      %dma_start3A_166 = arith.constant 0 : i32
      %dma_start3A_167 = tpu.memref_slice %arg3[%add3A, %dma_start3A_165, %dma_start3A_166] : memref<32x80x128xi32, #tpu.memory_space<hbm>> -> memref<1x8x128xi32, #tpu.memory_space<hbm>>
      %dma_start3A_168 = tpu.memref_squeeze %dma_start3A_167 : memref<1x8x128xi32, #tpu.memory_space<hbm>> -> memref<8x128xi32, #tpu.memory_space<hbm>>
      %dma_start3A_169 = arith.constant 8 : i32
      %dma_start3A_170 = arith.constant 0 : i32
      %dma_start3A_171 = tpu.memref_slice %arg3[%add3A, %dma_start3A_169, %dma_start3A_170] : memref<32x80x128xi32, #tpu.memory_space<hbm>> -> memref<1x8x128xi32, #tpu.memory_space<hbm>>
      %dma_start3A_172 = tpu.memref_squeeze %dma_start3A_171 : memref<1x8x128xi32, #tpu.memory_space<hbm>> -> memref<8x128xi32, #tpu.memory_space<hbm>>
      tpu.enqueue_dma source(%dma_start3A_172 : memref<8x128xi32, #tpu.memory_space<hbm>>) target(%arg13 : memref<8x128xi32, #tpu.memory_space<vmem>>) target_semaphore(%run_scoped3A_164 : memref<!tpu.dma_semaphore, #tpu.memory_space<semaphore_mem>>)
      %dma_wait3A_173 = arith.constant 8 : i32
      %dma_wait3A_174 = arith.constant 0 : i32
      %dma_wait3A_175 = tpu.memref_slice %arg3[%add3A, %dma_wait3A_173, %dma_wait3A_174] : memref<32x80x128xi32, #tpu.memory_space<hbm>> -> memref<1x8x128xi32, #tpu.memory_space<hbm>>
      %dma_wait3A_176 = tpu.memref_squeeze %dma_wait3A_175 : memref<1x8x128xi32, #tpu.memory_space<hbm>> -> memref<8x128xi32, #tpu.memory_space<hbm>>
      %dma_wait3A_177 = arith.constant 8 : i32
      %dma_wait3A_178 = arith.constant 0 : i32
      %dma_wait3A_179 = tpu.memref_slice %arg3[%add3A, %dma_wait3A_177, %dma_wait3A_178] : memref<32x80x128xi32, #tpu.memory_space<hbm>> -> memref<1x8x128xi32, #tpu.memory_space<hbm>>
      %dma_wait3A_180 = tpu.memref_squeeze %dma_wait3A_179 : memref<1x8x128xi32, #tpu.memory_space<hbm>> -> memref<8x128xi32, #tpu.memory_space<hbm>>
      tpu.wait_dma2 semaphore(%run_scoped3A_164 : memref<!tpu.dma_semaphore, #tpu.memory_space<semaphore_mem>>) src(%dma_wait3A_180 : memref<8x128xi32, #tpu.memory_space<hbm>>) dst(%arg13 : memref<8x128xi32, #tpu.memory_space<vmem>>)
      tpu.yield
    }) : () -> ()
    "tpu.region"() ({
      %run_scoped3A_164 = tpu.sem_alloc : memref<!tpu.dma_semaphore, #tpu.memory_space<semaphore_mem>>
      %dma_start3A_165 = arith.constant 8 : i32
      %dma_start3A_166 = arith.constant 0 : i32
      %dma_start3A_167 = tpu.memref_slice %arg4[%add3A, %dma_start3A_165, %dma_start3A_166] : memref<32x80x128xi32, #tpu.memory_space<hbm>> -> memref<1x8x128xi32, #tpu.memory_space<hbm>>
      %dma_start3A_168 = tpu.memref_squeeze %dma_start3A_167 : memref<1x8x128xi32, #tpu.memory_space<hbm>> -> memref<8x128xi32, #tpu.memory_space<hbm>>
      %dma_start3A_169 = arith.constant 8 : i32
      %dma_start3A_170 = arith.constant 0 : i32
      %dma_start3A_171 = tpu.memref_slice %arg4[%add3A, %dma_start3A_169, %dma_start3A_170] : memref<32x80x128xi32, #tpu.memory_space<hbm>> -> memref<1x8x128xi32, #tpu.memory_space<hbm>>
      %dma_start3A_172 = tpu.memref_squeeze %dma_start3A_171 : memref<1x8x128xi32, #tpu.memory_space<hbm>> -> memref<8x128xi32, #tpu.memory_space<hbm>>
      tpu.enqueue_dma source(%dma_start3A_172 : memref<8x128xi32, #tpu.memory_space<hbm>>) target(%arg14 : memref<8x128xi32, #tpu.memory_space<vmem>>) target_semaphore(%run_scoped3A_164 : memref<!tpu.dma_semaphore, #tpu.memory_space<semaphore_mem>>)
      %dma_wait3A_173 = arith.constant 8 : i32
      %dma_wait3A_174 = arith.constant 0 : i32
      %dma_wait3A_175 = tpu.memref_slice %arg4[%add3A, %dma_wait3A_173, %dma_wait3A_174] : memref<32x80x128xi32, #tpu.memory_space<hbm>> -> memref<1x8x128xi32, #tpu.memory_space<hbm>>
      %dma_wait3A_176 = tpu.memref_squeeze %dma_wait3A_175 : memref<1x8x128xi32, #tpu.memory_space<hbm>> -> memref<8x128xi32, #tpu.memory_space<hbm>>
      %dma_wait3A_177 = arith.constant 8 : i32
      %dma_wait3A_178 = arith.constant 0 : i32
      %dma_wait3A_179 = tpu.memref_slice %arg4[%add3A, %dma_wait3A_177, %dma_wait3A_178] : memref<32x80x128xi32, #tpu.memory_space<hbm>> -> memref<1x8x128xi32, #tpu.memory_space<hbm>>
      %dma_wait3A_180 = tpu.memref_squeeze %dma_wait3A_179 : memref<1x8x128xi32, #tpu.memory_space<hbm>> -> memref<8x128xi32, #tpu.memory_space<hbm>>
      tpu.wait_dma2 semaphore(%run_scoped3A_164 : memref<!tpu.dma_semaphore, #tpu.memory_space<semaphore_mem>>) src(%dma_wait3A_180 : memref<8x128xi32, #tpu.memory_space<hbm>>) dst(%arg14 : memref<8x128xi32, #tpu.memory_space<vmem>>)
      tpu.yield
    }) : () -> ()
    "tpu.region"() ({
      %run_scoped3A_164 = tpu.sem_alloc : memref<!tpu.dma_semaphore, #tpu.memory_space<semaphore_mem>>
      %dma_start3A_165 = arith.constant 8 : i32
      %dma_start3A_166 = arith.constant 0 : i32
      %dma_start3A_167 = tpu.memref_slice %arg5[%add3A, %dma_start3A_165, %dma_start3A_166] : memref<32x80x128xi32, #tpu.memory_space<hbm>> -> memref<1x8x128xi32, #tpu.memory_space<hbm>>
      %dma_start3A_168 = tpu.memref_squeeze %dma_start3A_167 : memref<1x8x128xi32, #tpu.memory_space<hbm>> -> memref<8x128xi32, #tpu.memory_space<hbm>>
      %dma_start3A_169 = arith.constant 8 : i32
      %dma_start3A_170 = arith.constant 0 : i32
      %dma_start3A_171 = tpu.memref_slice %arg5[%add3A, %dma_start3A_169, %dma_start3A_170] : memref<32x80x128xi32, #tpu.memory_space<hbm>> -> memref<1x8x128xi32, #tpu.memory_space<hbm>>
      %dma_start3A_172 = tpu.memref_squeeze %dma_start3A_171 : memref<1x8x128xi32, #tpu.memory_space<hbm>> -> memref<8x128xi32, #tpu.memory_space<hbm>>
      tpu.enqueue_dma source(%dma_start3A_172 : memref<8x128xi32, #tpu.memory_space<hbm>>) target(%arg15 : memref<8x128xi32, #tpu.memory_space<vmem>>) target_semaphore(%run_scoped3A_164 : memref<!tpu.dma_semaphore, #tpu.memory_space<semaphore_mem>>)
      %dma_wait3A_173 = arith.constant 8 : i32
      %dma_wait3A_174 = arith.constant 0 : i32
      %dma_wait3A_175 = tpu.memref_slice %arg5[%add3A, %dma_wait3A_173, %dma_wait3A_174] : memref<32x80x128xi32, #tpu.memory_space<hbm>> -> memref<1x8x128xi32, #tpu.memory_space<hbm>>
      %dma_wait3A_176 = tpu.memref_squeeze %dma_wait3A_175 : memref<1x8x128xi32, #tpu.memory_space<hbm>> -> memref<8x128xi32, #tpu.memory_space<hbm>>
      %dma_wait3A_177 = arith.constant 8 : i32
      %dma_wait3A_178 = arith.constant 0 : i32
      %dma_wait3A_179 = tpu.memref_slice %arg5[%add3A, %dma_wait3A_177, %dma_wait3A_178] : memref<32x80x128xi32, #tpu.memory_space<hbm>> -> memref<1x8x128xi32, #tpu.memory_space<hbm>>
      %dma_wait3A_180 = tpu.memref_squeeze %dma_wait3A_179 : memref<1x8x128xi32, #tpu.memory_space<hbm>> -> memref<8x128xi32, #tpu.memory_space<hbm>>
      tpu.wait_dma2 semaphore(%run_scoped3A_164 : memref<!tpu.dma_semaphore, #tpu.memory_space<semaphore_mem>>) src(%dma_wait3A_180 : memref<8x128xi32, #tpu.memory_space<hbm>>) dst(%arg15 : memref<8x128xi32, #tpu.memory_space<vmem>>)
      tpu.yield
    }) : () -> ()
    "tpu.region"() ({
      %run_scoped3A_164 = tpu.sem_alloc : memref<!tpu.dma_semaphore, #tpu.memory_space<semaphore_mem>>
      %dma_start3A_165 = arith.constant 8 : i32
      %dma_start3A_166 = arith.constant 0 : i32
      %dma_start3A_167 = tpu.memref_slice %arg6[%add3A, %dma_start3A_165, %dma_start3A_166] : memref<32x80x128xi32, #tpu.memory_space<hbm>> -> memref<1x8x128xi32, #tpu.memory_space<hbm>>
      %dma_start3A_168 = tpu.memref_squeeze %dma_start3A_167 : memref<1x8x128xi32, #tpu.memory_space<hbm>> -> memref<8x128xi32, #tpu.memory_space<hbm>>
      %dma_start3A_169 = arith.constant 8 : i32
      %dma_start3A_170 = arith.constant 0 : i32
      %dma_start3A_171 = tpu.memref_slice %arg6[%add3A, %dma_start3A_169, %dma_start3A_170] : memref<32x80x128xi32, #tpu.memory_space<hbm>> -> memref<1x8x128xi32, #tpu.memory_space<hbm>>
      %dma_start3A_172 = tpu.memref_squeeze %dma_start3A_171 : memref<1x8x128xi32, #tpu.memory_space<hbm>> -> memref<8x128xi32, #tpu.memory_space<hbm>>
      tpu.enqueue_dma source(%dma_start3A_172 : memref<8x128xi32, #tpu.memory_space<hbm>>) target(%arg16 : memref<8x128xi32, #tpu.memory_space<vmem>>) target_semaphore(%run_scoped3A_164 : memref<!tpu.dma_semaphore, #tpu.memory_space<semaphore_mem>>)
      %dma_wait3A_173 = arith.constant 8 : i32
      %dma_wait3A_174 = arith.constant 0 : i32
      %dma_wait3A_175 = tpu.memref_slice %arg6[%add3A, %dma_wait3A_173, %dma_wait3A_174] : memref<32x80x128xi32, #tpu.memory_space<hbm>> -> memref<1x8x128xi32, #tpu.memory_space<hbm>>
      %dma_wait3A_176 = tpu.memref_squeeze %dma_wait3A_175 : memref<1x8x128xi32, #tpu.memory_space<hbm>> -> memref<8x128xi32, #tpu.memory_space<hbm>>
      %dma_wait3A_177 = arith.constant 8 : i32
      %dma_wait3A_178 = arith.constant 0 : i32
      %dma_wait3A_179 = tpu.memref_slice %arg6[%add3A, %dma_wait3A_177, %dma_wait3A_178] : memref<32x80x128xi32, #tpu.memory_space<hbm>> -> memref<1x8x128xi32, #tpu.memory_space<hbm>>
      %dma_wait3A_180 = tpu.memref_squeeze %dma_wait3A_179 : memref<1x8x128xi32, #tpu.memory_space<hbm>> -> memref<8x128xi32, #tpu.memory_space<hbm>>
      tpu.wait_dma2 semaphore(%run_scoped3A_164 : memref<!tpu.dma_semaphore, #tpu.memory_space<semaphore_mem>>) src(%dma_wait3A_180 : memref<8x128xi32, #tpu.memory_space<hbm>>) dst(%arg16 : memref<8x128xi32, #tpu.memory_space<vmem>>)
      tpu.yield
    }) : () -> ()
    %scan3A_12 = arith.constant 0 : i32
    %scan3A_13 = arith.constant 0 : i32
    %scan3A_14 = arith.constant 8 : i32
    %scan3A_15 = arith.addi %scan3A_13, %scan3A_14 : i32
    %scan3A_16 = arith.constant 1 : i32
    scf.for %scan3A_164 = %scan3A_13 to %scan3A_15 step %scan3A_16  : i32 {
      %dma_start3A_165 = arith.constant 0 : i32
      %dma_start3A_166 = tpu.memref_slice %arg13[%scan3A_164, %dma_start3A_165] : memref<8x128xi32, #tpu.memory_space<vmem>> -> memref<1x128xi32, #tpu.memory_space<vmem>>
      %dma_start3A_167 = tpu.memref_squeeze %dma_start3A_166 : memref<1x128xi32, #tpu.memory_space<vmem>> -> memref<128xi32, #tpu.memory_space<vmem>>
      %dma_start3A_168 = arith.constant 0 : i32
      %dma_start3A_169 = arith.constant 0 : i32
      %dma_start3A_170 = tpu.memref_slice %arg2[%dma_start3A_168, %dma_start3A_169] : memref<10000x128xf32, #tpu.memory_space<hbm>> -> memref<10000x128xf32, #tpu.memory_space<hbm>>
      tpu.enqueue_indirect_dma source(%dma_start3A_170 : memref<10000x128xf32, #tpu.memory_space<hbm>>) target(%arg17 : memref<128x128xf32, #tpu.memory_space<vmem>>) offsets(%dma_start3A_167 : memref<128xi32, #tpu.memory_space<vmem>>) semaphore(%arg20 : memref<!tpu.dma_semaphore, #tpu.memory_space<semaphore_mem>>)
      %dma_wait3A_171 = arith.constant 0 : i32
      %dma_wait3A_172 = tpu.memref_slice %arg13[%scan3A_164, %dma_wait3A_171] : memref<8x128xi32, #tpu.memory_space<vmem>> -> memref<1x128xi32, #tpu.memory_space<vmem>>
      %dma_wait3A_173 = tpu.memref_squeeze %dma_wait3A_172 : memref<1x128xi32, #tpu.memory_space<vmem>> -> memref<128xi32, #tpu.memory_space<vmem>>
      %dma_wait3A_174 = arith.constant 0 : i32
      %dma_wait3A_175 = arith.constant 0 : i32
      %dma_wait3A_176 = tpu.memref_slice %arg2[%dma_wait3A_174, %dma_wait3A_175] : memref<10000x128xf32, #tpu.memory_space<hbm>> -> memref<10000x128xf32, #tpu.memory_space<hbm>>
      tpu.wait_indirect_dma semaphore(%arg20 : memref<!tpu.dma_semaphore, #tpu.memory_space<semaphore_mem>>) src(%dma_wait3A_176 : memref<10000x128xf32, #tpu.memory_space<hbm>>) dst(%arg17 : memref<128x128xf32, #tpu.memory_space<vmem>>)
      "tpu.region"() ({
        %run_scoped3A_189 = tpu.sem_alloc : memref<!tpu.dma_semaphore, #tpu.memory_space<semaphore_mem>>
        %dma_start3A_190 = arith.constant 0 : i32
        %dma_start3A_191 = tpu.memref_slice %arg14[%scan3A_164, %dma_start3A_190] : memref<8x128xi32, #tpu.memory_space<vmem>> -> memref<1x128xi32, #tpu.memory_space<vmem>>
        %dma_start3A_192 = tpu.memref_squeeze %dma_start3A_191 : memref<1x128xi32, #tpu.memory_space<vmem>> -> memref<128xi32, #tpu.memory_space<vmem>>
        %dma_start3A_193 = arith.constant 0 : i32
        %dma_start3A_194 = arith.constant 0 : i32
        %dma_start3A_195 = tpu.memref_slice %arg21[%dma_start3A_193, %dma_start3A_194] : memref<10240x128xf32, #tpu.memory_space<vmem_shared>> -> memref<10240x128xf32, #tpu.memory_space<vmem_shared>>
        tpu.enqueue_indirect_dma source(%arg17 : memref<128x128xf32, #tpu.memory_space<vmem>>) target(%dma_start3A_195 : memref<10240x128xf32, #tpu.memory_space<vmem_shared>>) offsets(%dma_start3A_192 : memref<128xi32, #tpu.memory_space<vmem>>) semaphore(%run_scoped3A_189 : memref<!tpu.dma_semaphore, #tpu.memory_space<semaphore_mem>>) {add = true}
        %dma_wait3A_196 = arith.constant 0 : i32
        %dma_wait3A_197 = tpu.memref_slice %arg14[%scan3A_164, %dma_wait3A_196] : memref<8x128xi32, #tpu.memory_space<vmem>> -> memref<1x128xi32, #tpu.memory_space<vmem>>
        %dma_wait3A_198 = tpu.memref_squeeze %dma_wait3A_197 : memref<1x128xi32, #tpu.memory_space<vmem>> -> memref<128xi32, #tpu.memory_space<vmem>>
        %dma_wait3A_199 = arith.constant 0 : i32
        %dma_wait3A_200 = arith.constant 0 : i32
        %dma_wait3A_201 = tpu.memref_slice %arg21[%dma_wait3A_199, %dma_wait3A_200] : memref<10240x128xf32, #tpu.memory_space<vmem_shared>> -> memref<10240x128xf32, #tpu.memory_space<vmem_shared>>
        tpu.wait_indirect_dma semaphore(%run_scoped3A_189 : memref<!tpu.dma_semaphore, #tpu.memory_space<semaphore_mem>>) src(%arg17 : memref<128x128xf32, #tpu.memory_space<vmem>>) dst(%dma_wait3A_201 : memref<10240x128xf32, #tpu.memory_space<vmem_shared>>)
        tpu.yield
      }) : () -> ()
      %dma_start3A_177 = arith.constant 0 : i32
      %dma_start3A_178 = tpu.memref_slice %arg16[%scan3A_164, %dma_start3A_177] : memref<8x128xi32, #tpu.memory_space<vmem>> -> memref<1x128xi32, #tpu.memory_space<vmem>>
      %dma_start3A_179 = tpu.memref_squeeze %dma_start3A_178 : memref<1x128xi32, #tpu.memory_space<vmem>> -> memref<128xi32, #tpu.memory_space<vmem>>
      %dma_start3A_180 = arith.constant 0 : i32
      %dma_start3A_181 = arith.constant 0 : i32
      %dma_start3A_182 = tpu.memref_slice %arg7[%dma_start3A_180, %dma_start3A_181] : memref<1024x128xf32, #tpu.memory_space<hbm>> -> memref<1024x128xf32, #tpu.memory_space<hbm>>
      tpu.enqueue_indirect_dma source(%dma_start3A_182 : memref<1024x128xf32, #tpu.memory_space<hbm>>) target(%arg17 : memref<128x128xf32, #tpu.memory_space<vmem>>) offsets(%dma_start3A_179 : memref<128xi32, #tpu.memory_space<vmem>>) semaphore(%arg20 : memref<!tpu.dma_semaphore, #tpu.memory_space<semaphore_mem>>)
      %dma_wait3A_183 = arith.constant 0 : i32
      %dma_wait3A_184 = tpu.memref_slice %arg16[%scan3A_164, %dma_wait3A_183] : memref<8x128xi32, #tpu.memory_space<vmem>> -> memref<1x128xi32, #tpu.memory_space<vmem>>
      %dma_wait3A_185 = tpu.memref_squeeze %dma_wait3A_184 : memref<1x128xi32, #tpu.memory_space<vmem>> -> memref<128xi32, #tpu.memory_space<vmem>>
      %dma_wait3A_186 = arith.constant 0 : i32
      %dma_wait3A_187 = arith.constant 0 : i32
      %dma_wait3A_188 = tpu.memref_slice %arg7[%dma_wait3A_186, %dma_wait3A_187] : memref<1024x128xf32, #tpu.memory_space<hbm>> -> memref<1024x128xf32, #tpu.memory_space<hbm>>
      tpu.wait_indirect_dma semaphore(%arg20 : memref<!tpu.dma_semaphore, #tpu.memory_space<semaphore_mem>>) src(%dma_wait3A_188 : memref<1024x128xf32, #tpu.memory_space<hbm>>) dst(%arg17 : memref<128x128xf32, #tpu.memory_space<vmem>>)
      "tpu.region"() ({
        %run_scoped3A_189 = tpu.sem_alloc : memref<!tpu.dma_semaphore, #tpu.memory_space<semaphore_mem>>
        %dma_start3A_190 = arith.constant 0 : i32
        %dma_start3A_191 = tpu.memref_slice %arg15[%scan3A_164, %dma_start3A_190] : memref<8x128xi32, #tpu.memory_space<vmem>> -> memref<1x128xi32, #tpu.memory_space<vmem>>
        %dma_start3A_192 = tpu.memref_squeeze %dma_start3A_191 : memref<1x128xi32, #tpu.memory_space<vmem>> -> memref<128xi32, #tpu.memory_space<vmem>>
        %dma_start3A_193 = arith.constant 0 : i32
        %dma_start3A_194 = arith.constant 0 : i32
        %dma_start3A_195 = tpu.memref_slice %arg22[%dma_start3A_193, %dma_start3A_194] : memref<1280x128xf32, #tpu.memory_space<vmem_shared>> -> memref<1280x128xf32, #tpu.memory_space<vmem_shared>>
        tpu.enqueue_indirect_dma source(%arg17 : memref<128x128xf32, #tpu.memory_space<vmem>>) target(%dma_start3A_195 : memref<1280x128xf32, #tpu.memory_space<vmem_shared>>) offsets(%dma_start3A_192 : memref<128xi32, #tpu.memory_space<vmem>>) semaphore(%run_scoped3A_189 : memref<!tpu.dma_semaphore, #tpu.memory_space<semaphore_mem>>) {add = true}
        %dma_wait3A_196 = arith.constant 0 : i32
        %dma_wait3A_197 = tpu.memref_slice %arg15[%scan3A_164, %dma_wait3A_196] : memref<8x128xi32, #tpu.memory_space<vmem>> -> memref<1x128xi32, #tpu.memory_space<vmem>>
        %dma_wait3A_198 = tpu.memref_squeeze %dma_wait3A_197 : memref<1x128xi32, #tpu.memory_space<vmem>> -> memref<128xi32, #tpu.memory_space<vmem>>
        %dma_wait3A_199 = arith.constant 0 : i32
        %dma_wait3A_200 = arith.constant 0 : i32
        %dma_wait3A_201 = tpu.memref_slice %arg22[%dma_wait3A_199, %dma_wait3A_200] : memref<1280x128xf32, #tpu.memory_space<vmem_shared>> -> memref<1280x128xf32, #tpu.memory_space<vmem_shared>>
        tpu.wait_indirect_dma semaphore(%run_scoped3A_189 : memref<!tpu.dma_semaphore, #tpu.memory_space<semaphore_mem>>) src(%arg17 : memref<128x128xf32, #tpu.memory_space<vmem>>) dst(%dma_wait3A_201 : memref<1280x128xf32, #tpu.memory_space<vmem_shared>>)
        tpu.yield
      }) : () -> ()
    }
    %scan3A_17 = arith.constant 8 : i32
    "tpu.region"() ({
      %run_scoped3A_164 = tpu.sem_alloc : memref<!tpu.dma_semaphore, #tpu.memory_space<semaphore_mem>>
      %dma_start3A_165 = arith.constant 16 : i32
      %dma_start3A_166 = arith.constant 0 : i32
      %dma_start3A_167 = tpu.memref_slice %arg3[%add3A, %dma_start3A_165, %dma_start3A_166] : memref<32x80x128xi32, #tpu.memory_space<hbm>> -> memref<1x8x128xi32, #tpu.memory_space<hbm>>
      %dma_start3A_168 = tpu.memref_squeeze %dma_start3A_167 : memref<1x8x128xi32, #tpu.memory_space<hbm>> -> memref<8x128xi32, #tpu.memory_space<hbm>>
      %dma_start3A_169 = arith.constant 16 : i32
      %dma_start3A_170 = arith.constant 0 : i32
      %dma_start3A_171 = tpu.memref_slice %arg3[%add3A, %dma_start3A_169, %dma_start3A_170] : memref<32x80x128xi32, #tpu.memory_space<hbm>> -> memref<1x8x128xi32, #tpu.memory_space<hbm>>
      %dma_start3A_172 = tpu.memref_squeeze %dma_start3A_171 : memref<1x8x128xi32, #tpu.memory_space<hbm>> -> memref<8x128xi32, #tpu.memory_space<hbm>>
      tpu.enqueue_dma source(%dma_start3A_172 : memref<8x128xi32, #tpu.memory_space<hbm>>) target(%arg13 : memref<8x128xi32, #tpu.memory_space<vmem>>) target_semaphore(%run_scoped3A_164 : memref<!tpu.dma_semaphore, #tpu.memory_space<semaphore_mem>>)
      %dma_wait3A_173 = arith.constant 16 : i32
      %dma_wait3A_174 = arith.constant 0 : i32
      %dma_wait3A_175 = tpu.memref_slice %arg3[%add3A, %dma_wait3A_173, %dma_wait3A_174] : memref<32x80x128xi32, #tpu.memory_space<hbm>> -> memref<1x8x128xi32, #tpu.memory_space<hbm>>
      %dma_wait3A_176 = tpu.memref_squeeze %dma_wait3A_175 : memref<1x8x128xi32, #tpu.memory_space<hbm>> -> memref<8x128xi32, #tpu.memory_space<hbm>>
      %dma_wait3A_177 = arith.constant 16 : i32
      %dma_wait3A_178 = arith.constant 0 : i32
      %dma_wait3A_179 = tpu.memref_slice %arg3[%add3A, %dma_wait3A_177, %dma_wait3A_178] : memref<32x80x128xi32, #tpu.memory_space<hbm>> -> memref<1x8x128xi32, #tpu.memory_space<hbm>>
      %dma_wait3A_180 = tpu.memref_squeeze %dma_wait3A_179 : memref<1x8x128xi32, #tpu.memory_space<hbm>> -> memref<8x128xi32, #tpu.memory_space<hbm>>
      tpu.wait_dma2 semaphore(%run_scoped3A_164 : memref<!tpu.dma_semaphore, #tpu.memory_space<semaphore_mem>>) src(%dma_wait3A_180 : memref<8x128xi32, #tpu.memory_space<hbm>>) dst(%arg13 : memref<8x128xi32, #tpu.memory_space<vmem>>)
      tpu.yield
    }) : () -> ()
    "tpu.region"() ({
      %run_scoped3A_164 = tpu.sem_alloc : memref<!tpu.dma_semaphore, #tpu.memory_space<semaphore_mem>>
      %dma_start3A_165 = arith.constant 16 : i32
      %dma_start3A_166 = arith.constant 0 : i32
      %dma_start3A_167 = tpu.memref_slice %arg4[%add3A, %dma_start3A_165, %dma_start3A_166] : memref<32x80x128xi32, #tpu.memory_space<hbm>> -> memref<1x8x128xi32, #tpu.memory_space<hbm>>
      %dma_start3A_168 = tpu.memref_squeeze %dma_start3A_167 : memref<1x8x128xi32, #tpu.memory_space<hbm>> -> memref<8x128xi32, #tpu.memory_space<hbm>>
      %dma_start3A_169 = arith.constant 16 : i32
      %dma_start3A_170 = arith.constant 0 : i32
      %dma_start3A_171 = tpu.memref_slice %arg4[%add3A, %dma_start3A_169, %dma_start3A_170] : memref<32x80x128xi32, #tpu.memory_space<hbm>> -> memref<1x8x128xi32, #tpu.memory_space<hbm>>
      %dma_start3A_172 = tpu.memref_squeeze %dma_start3A_171 : memref<1x8x128xi32, #tpu.memory_space<hbm>> -> memref<8x128xi32, #tpu.memory_space<hbm>>
      tpu.enqueue_dma source(%dma_start3A_172 : memref<8x128xi32, #tpu.memory_space<hbm>>) target(%arg14 : memref<8x128xi32, #tpu.memory_space<vmem>>) target_semaphore(%run_scoped3A_164 : memref<!tpu.dma_semaphore, #tpu.memory_space<semaphore_mem>>)
      %dma_wait3A_173 = arith.constant 16 : i32
      %dma_wait3A_174 = arith.constant 0 : i32
      %dma_wait3A_175 = tpu.memref_slice %arg4[%add3A, %dma_wait3A_173, %dma_wait3A_174] : memref<32x80x128xi32, #tpu.memory_space<hbm>> -> memref<1x8x128xi32, #tpu.memory_space<hbm>>
      %dma_wait3A_176 = tpu.memref_squeeze %dma_wait3A_175 : memref<1x8x128xi32, #tpu.memory_space<hbm>> -> memref<8x128xi32, #tpu.memory_space<hbm>>
      %dma_wait3A_177 = arith.constant 16 : i32
      %dma_wait3A_178 = arith.constant 0 : i32
      %dma_wait3A_179 = tpu.memref_slice %arg4[%add3A, %dma_wait3A_177, %dma_wait3A_178] : memref<32x80x128xi32, #tpu.memory_space<hbm>> -> memref<1x8x128xi32, #tpu.memory_space<hbm>>
      %dma_wait3A_180 = tpu.memref_squeeze %dma_wait3A_179 : memref<1x8x128xi32, #tpu.memory_space<hbm>> -> memref<8x128xi32, #tpu.memory_space<hbm>>
      tpu.wait_dma2 semaphore(%run_scoped3A_164 : memref<!tpu.dma_semaphore, #tpu.memory_space<semaphore_mem>>) src(%dma_wait3A_180 : memref<8x128xi32, #tpu.memory_space<hbm>>) dst(%arg14 : memref<8x128xi32, #tpu.memory_space<vmem>>)
      tpu.yield
    }) : () -> ()
    "tpu.region"() ({
      %run_scoped3A_164 = tpu.sem_alloc : memref<!tpu.dma_semaphore, #tpu.memory_space<semaphore_mem>>
      %dma_start3A_165 = arith.constant 16 : i32
      %dma_start3A_166 = arith.constant 0 : i32
      %dma_start3A_167 = tpu.memref_slice %arg5[%add3A, %dma_start3A_165, %dma_start3A_166] : memref<32x80x128xi32, #tpu.memory_space<hbm>> -> memref<1x8x128xi32, #tpu.memory_space<hbm>>
      %dma_start3A_168 = tpu.memref_squeeze %dma_start3A_167 : memref<1x8x128xi32, #tpu.memory_space<hbm>> -> memref<8x128xi32, #tpu.memory_space<hbm>>
      %dma_start3A_169 = arith.constant 16 : i32
      %dma_start3A_170 = arith.constant 0 : i32
      %dma_start3A_171 = tpu.memref_slice %arg5[%add3A, %dma_start3A_169, %dma_start3A_170] : memref<32x80x128xi32, #tpu.memory_space<hbm>> -> memref<1x8x128xi32, #tpu.memory_space<hbm>>
      %dma_start3A_172 = tpu.memref_squeeze %dma_start3A_171 : memref<1x8x128xi32, #tpu.memory_space<hbm>> -> memref<8x128xi32, #tpu.memory_space<hbm>>
      tpu.enqueue_dma source(%dma_start3A_172 : memref<8x128xi32, #tpu.memory_space<hbm>>) target(%arg15 : memref<8x128xi32, #tpu.memory_space<vmem>>) target_semaphore(%run_scoped3A_164 : memref<!tpu.dma_semaphore, #tpu.memory_space<semaphore_mem>>)
      %dma_wait3A_173 = arith.constant 16 : i32
      %dma_wait3A_174 = arith.constant 0 : i32
      %dma_wait3A_175 = tpu.memref_slice %arg5[%add3A, %dma_wait3A_173, %dma_wait3A_174] : memref<32x80x128xi32, #tpu.memory_space<hbm>> -> memref<1x8x128xi32, #tpu.memory_space<hbm>>
      %dma_wait3A_176 = tpu.memref_squeeze %dma_wait3A_175 : memref<1x8x128xi32, #tpu.memory_space<hbm>> -> memref<8x128xi32, #tpu.memory_space<hbm>>
      %dma_wait3A_177 = arith.constant 16 : i32
      %dma_wait3A_178 = arith.constant 0 : i32
      %dma_wait3A_179 = tpu.memref_slice %arg5[%add3A, %dma_wait3A_177, %dma_wait3A_178] : memref<32x80x128xi32, #tpu.memory_space<hbm>> -> memref<1x8x128xi32, #tpu.memory_space<hbm>>
      %dma_wait3A_180 = tpu.memref_squeeze %dma_wait3A_179 : memref<1x8x128xi32, #tpu.memory_space<hbm>> -> memref<8x128xi32, #tpu.memory_space<hbm>>
      tpu.wait_dma2 semaphore(%run_scoped3A_164 : memref<!tpu.dma_semaphore, #tpu.memory_space<semaphore_mem>>) src(%dma_wait3A_180 : memref<8x128xi32, #tpu.memory_space<hbm>>) dst(%arg15 : memref<8x128xi32, #tpu.memory_space<vmem>>)
      tpu.yield
    }) : () -> ()
    "tpu.region"() ({
      %run_scoped3A_164 = tpu.sem_alloc : memref<!tpu.dma_semaphore, #tpu.memory_space<semaphore_mem>>
      %dma_start3A_165 = arith.constant 16 : i32
      %dma_start3A_166 = arith.constant 0 : i32
      %dma_start3A_167 = tpu.memref_slice %arg6[%add3A, %dma_start3A_165, %dma_start3A_166] : memref<32x80x128xi32, #tpu.memory_space<hbm>> -> memref<1x8x128xi32, #tpu.memory_space<hbm>>
      %dma_start3A_168 = tpu.memref_squeeze %dma_start3A_167 : memref<1x8x128xi32, #tpu.memory_space<hbm>> -> memref<8x128xi32, #tpu.memory_space<hbm>>
      %dma_start3A_169 = arith.constant 16 : i32
      %dma_start3A_170 = arith.constant 0 : i32
      %dma_start3A_171 = tpu.memref_slice %arg6[%add3A, %dma_start3A_169, %dma_start3A_170] : memref<32x80x128xi32, #tpu.memory_space<hbm>> -> memref<1x8x128xi32, #tpu.memory_space<hbm>>
      %dma_start3A_172 = tpu.memref_squeeze %dma_start3A_171 : memref<1x8x128xi32, #tpu.memory_space<hbm>> -> memref<8x128xi32, #tpu.memory_space<hbm>>
      tpu.enqueue_dma source(%dma_start3A_172 : memref<8x128xi32, #tpu.memory_space<hbm>>) target(%arg16 : memref<8x128xi32, #tpu.memory_space<vmem>>) target_semaphore(%run_scoped3A_164 : memref<!tpu.dma_semaphore, #tpu.memory_space<semaphore_mem>>)
      %dma_wait3A_173 = arith.constant 16 : i32
      %dma_wait3A_174 = arith.constant 0 : i32
      %dma_wait3A_175 = tpu.memref_slice %arg6[%add3A, %dma_wait3A_173, %dma_wait3A_174] : memref<32x80x128xi32, #tpu.memory_space<hbm>> -> memref<1x8x128xi32, #tpu.memory_space<hbm>>
      %dma_wait3A_176 = tpu.memref_squeeze %dma_wait3A_175 : memref<1x8x128xi32, #tpu.memory_space<hbm>> -> memref<8x128xi32, #tpu.memory_space<hbm>>
      %dma_wait3A_177 = arith.constant 16 : i32
      %dma_wait3A_178 = arith.constant 0 : i32
      %dma_wait3A_179 = tpu.memref_slice %arg6[%add3A, %dma_wait3A_177, %dma_wait3A_178] : memref<32x80x128xi32, #tpu.memory_space<hbm>> -> memref<1x8x128xi32, #tpu.memory_space<hbm>>
      %dma_wait3A_180 = tpu.memref_squeeze %dma_wait3A_179 : memref<1x8x128xi32, #tpu.memory_space<hbm>> -> memref<8x128xi32, #tpu.memory_space<hbm>>
      tpu.wait_dma2 semaphore(%run_scoped3A_164 : memref<!tpu.dma_semaphore, #tpu.memory_space<semaphore_mem>>) src(%dma_wait3A_180 : memref<8x128xi32, #tpu.memory_space<hbm>>) dst(%arg16 : memref<8x128xi32, #tpu.memory_space<vmem>>)
      tpu.yield
    }) : () -> ()
    %scan3A_18 = arith.constant 0 : i32
    %scan3A_19 = arith.constant 0 : i32
    %scan3A_20 = arith.constant 8 : i32
    %scan3A_21 = arith.addi %scan3A_19, %scan3A_20 : i32
    %scan3A_22 = arith.constant 1 : i32
    scf.for %scan3A_164 = %scan3A_19 to %scan3A_21 step %scan3A_22  : i32 {
      %dma_start3A_165 = arith.constant 0 : i32
      %dma_start3A_166 = tpu.memref_slice %arg13[%scan3A_164, %dma_start3A_165] : memref<8x128xi32, #tpu.memory_space<vmem>> -> memref<1x128xi32, #tpu.memory_space<vmem>>
      %dma_start3A_167 = tpu.memref_squeeze %dma_start3A_166 : memref<1x128xi32, #tpu.memory_space<vmem>> -> memref<128xi32, #tpu.memory_space<vmem>>
      %dma_start3A_168 = arith.constant 0 : i32
      %dma_start3A_169 = arith.constant 0 : i32
      %dma_start3A_170 = tpu.memref_slice %arg2[%dma_start3A_168, %dma_start3A_169] : memref<10000x128xf32, #tpu.memory_space<hbm>> -> memref<10000x128xf32, #tpu.memory_space<hbm>>
      tpu.enqueue_indirect_dma source(%dma_start3A_170 : memref<10000x128xf32, #tpu.memory_space<hbm>>) target(%arg17 : memref<128x128xf32, #tpu.memory_space<vmem>>) offsets(%dma_start3A_167 : memref<128xi32, #tpu.memory_space<vmem>>) semaphore(%arg20 : memref<!tpu.dma_semaphore, #tpu.memory_space<semaphore_mem>>)
      %dma_wait3A_171 = arith.constant 0 : i32
      %dma_wait3A_172 = tpu.memref_slice %arg13[%scan3A_164, %dma_wait3A_171] : memref<8x128xi32, #tpu.memory_space<vmem>> -> memref<1x128xi32, #tpu.memory_space<vmem>>
      %dma_wait3A_173 = tpu.memref_squeeze %dma_wait3A_172 : memref<1x128xi32, #tpu.memory_space<vmem>> -> memref<128xi32, #tpu.memory_space<vmem>>
      %dma_wait3A_174 = arith.constant 0 : i32
      %dma_wait3A_175 = arith.constant 0 : i32
      %dma_wait3A_176 = tpu.memref_slice %arg2[%dma_wait3A_174, %dma_wait3A_175] : memref<10000x128xf32, #tpu.memory_space<hbm>> -> memref<10000x128xf32, #tpu.memory_space<hbm>>
      tpu.wait_indirect_dma semaphore(%arg20 : memref<!tpu.dma_semaphore, #tpu.memory_space<semaphore_mem>>) src(%dma_wait3A_176 : memref<10000x128xf32, #tpu.memory_space<hbm>>) dst(%arg17 : memref<128x128xf32, #tpu.memory_space<vmem>>)
      "tpu.region"() ({
        %run_scoped3A_189 = tpu.sem_alloc : memref<!tpu.dma_semaphore, #tpu.memory_space<semaphore_mem>>
        %dma_start3A_190 = arith.constant 0 : i32
        %dma_start3A_191 = tpu.memref_slice %arg14[%scan3A_164, %dma_start3A_190] : memref<8x128xi32, #tpu.memory_space<vmem>> -> memref<1x128xi32, #tpu.memory_space<vmem>>
        %dma_start3A_192 = tpu.memref_squeeze %dma_start3A_191 : memref<1x128xi32, #tpu.memory_space<vmem>> -> memref<128xi32, #tpu.memory_space<vmem>>
        %dma_start3A_193 = arith.constant 0 : i32
        %dma_start3A_194 = arith.constant 0 : i32
        %dma_start3A_195 = tpu.memref_slice %arg21[%dma_start3A_193, %dma_start3A_194] : memref<10240x128xf32, #tpu.memory_space<vmem_shared>> -> memref<10240x128xf32, #tpu.memory_space<vmem_shared>>
        tpu.enqueue_indirect_dma source(%arg17 : memref<128x128xf32, #tpu.memory_space<vmem>>) target(%dma_start3A_195 : memref<10240x128xf32, #tpu.memory_space<vmem_shared>>) offsets(%dma_start3A_192 : memref<128xi32, #tpu.memory_space<vmem>>) semaphore(%run_scoped3A_189 : memref<!tpu.dma_semaphore, #tpu.memory_space<semaphore_mem>>) {add = true}
        %dma_wait3A_196 = arith.constant 0 : i32
        %dma_wait3A_197 = tpu.memref_slice %arg14[%scan3A_164, %dma_wait3A_196] : memref<8x128xi32, #tpu.memory_space<vmem>> -> memref<1x128xi32, #tpu.memory_space<vmem>>
        %dma_wait3A_198 = tpu.memref_squeeze %dma_wait3A_197 : memref<1x128xi32, #tpu.memory_space<vmem>> -> memref<128xi32, #tpu.memory_space<vmem>>
        %dma_wait3A_199 = arith.constant 0 : i32
        %dma_wait3A_200 = arith.constant 0 : i32
        %dma_wait3A_201 = tpu.memref_slice %arg21[%dma_wait3A_199, %dma_wait3A_200] : memref<10240x128xf32, #tpu.memory_space<vmem_shared>> -> memref<10240x128xf32, #tpu.memory_space<vmem_shared>>
        tpu.wait_indirect_dma semaphore(%run_scoped3A_189 : memref<!tpu.dma_semaphore, #tpu.memory_space<semaphore_mem>>) src(%arg17 : memref<128x128xf32, #tpu.memory_space<vmem>>) dst(%dma_wait3A_201 : memref<10240x128xf32, #tpu.memory_space<vmem_shared>>)
        tpu.yield
      }) : () -> ()
      %dma_start3A_177 = arith.constant 0 : i32
      %dma_start3A_178 = tpu.memref_slice %arg16[%scan3A_164, %dma_start3A_177] : memref<8x128xi32, #tpu.memory_space<vmem>> -> memref<1x128xi32, #tpu.memory_space<vmem>>
      %dma_start3A_179 = tpu.memref_squeeze %dma_start3A_178 : memref<1x128xi32, #tpu.memory_space<vmem>> -> memref<128xi32, #tpu.memory_space<vmem>>
      %dma_start3A_180 = arith.constant 0 : i32
      %dma_start3A_181 = arith.constant 0 : i32
      %dma_start3A_182 = tpu.memref_slice %arg7[%dma_start3A_180, %dma_start3A_181] : memref<1024x128xf32, #tpu.memory_space<hbm>> -> memref<1024x128xf32, #tpu.memory_space<hbm>>
      tpu.enqueue_indirect_dma source(%dma_start3A_182 : memref<1024x128xf32, #tpu.memory_space<hbm>>) target(%arg17 : memref<128x128xf32, #tpu.memory_space<vmem>>) offsets(%dma_start3A_179 : memref<128xi32, #tpu.memory_space<vmem>>) semaphore(%arg20 : memref<!tpu.dma_semaphore, #tpu.memory_space<semaphore_mem>>)
      %dma_wait3A_183 = arith.constant 0 : i32
      %dma_wait3A_184 = tpu.memref_slice %arg16[%scan3A_164, %dma_wait3A_183] : memref<8x128xi32, #tpu.memory_space<vmem>> -> memref<1x128xi32, #tpu.memory_space<vmem>>
      %dma_wait3A_185 = tpu.memref_squeeze %dma_wait3A_184 : memref<1x128xi32, #tpu.memory_space<vmem>> -> memref<128xi32, #tpu.memory_space<vmem>>
      %dma_wait3A_186 = arith.constant 0 : i32
      %dma_wait3A_187 = arith.constant 0 : i32
      %dma_wait3A_188 = tpu.memref_slice %arg7[%dma_wait3A_186, %dma_wait3A_187] : memref<1024x128xf32, #tpu.memory_space<hbm>> -> memref<1024x128xf32, #tpu.memory_space<hbm>>
      tpu.wait_indirect_dma semaphore(%arg20 : memref<!tpu.dma_semaphore, #tpu.memory_space<semaphore_mem>>) src(%dma_wait3A_188 : memref<1024x128xf32, #tpu.memory_space<hbm>>) dst(%arg17 : memref<128x128xf32, #tpu.memory_space<vmem>>)
      "tpu.region"() ({
        %run_scoped3A_189 = tpu.sem_alloc : memref<!tpu.dma_semaphore, #tpu.memory_space<semaphore_mem>>
        %dma_start3A_190 = arith.constant 0 : i32
        %dma_start3A_191 = tpu.memref_slice %arg15[%scan3A_164, %dma_start3A_190] : memref<8x128xi32, #tpu.memory_space<vmem>> -> memref<1x128xi32, #tpu.memory_space<vmem>>
        %dma_start3A_192 = tpu.memref_squeeze %dma_start3A_191 : memref<1x128xi32, #tpu.memory_space<vmem>> -> memref<128xi32, #tpu.memory_space<vmem>>
        %dma_start3A_193 = arith.constant 0 : i32
        %dma_start3A_194 = arith.constant 0 : i32
        %dma_start3A_195 = tpu.memref_slice %arg22[%dma_start3A_193, %dma_start3A_194] : memref<1280x128xf32, #tpu.memory_space<vmem_shared>> -> memref<1280x128xf32, #tpu.memory_space<vmem_shared>>
        tpu.enqueue_indirect_dma source(%arg17 : memref<128x128xf32, #tpu.memory_space<vmem>>) target(%dma_start3A_195 : memref<1280x128xf32, #tpu.memory_space<vmem_shared>>) offsets(%dma_start3A_192 : memref<128xi32, #tpu.memory_space<vmem>>) semaphore(%run_scoped3A_189 : memref<!tpu.dma_semaphore, #tpu.memory_space<semaphore_mem>>) {add = true}
        %dma_wait3A_196 = arith.constant 0 : i32
        %dma_wait3A_197 = tpu.memref_slice %arg15[%scan3A_164, %dma_wait3A_196] : memref<8x128xi32, #tpu.memory_space<vmem>> -> memref<1x128xi32, #tpu.memory_space<vmem>>
        %dma_wait3A_198 = tpu.memref_squeeze %dma_wait3A_197 : memref<1x128xi32, #tpu.memory_space<vmem>> -> memref<128xi32, #tpu.memory_space<vmem>>
        %dma_wait3A_199 = arith.constant 0 : i32
        %dma_wait3A_200 = arith.constant 0 : i32
        %dma_wait3A_201 = tpu.memref_slice %arg22[%dma_wait3A_199, %dma_wait3A_200] : memref<1280x128xf32, #tpu.memory_space<vmem_shared>> -> memref<1280x128xf32, #tpu.memory_space<vmem_shared>>
        tpu.wait_indirect_dma semaphore(%run_scoped3A_189 : memref<!tpu.dma_semaphore, #tpu.memory_space<semaphore_mem>>) src(%arg17 : memref<128x128xf32, #tpu.memory_space<vmem>>) dst(%dma_wait3A_201 : memref<1280x128xf32, #tpu.memory_space<vmem_shared>>)
        tpu.yield
      }) : () -> ()
    }
    %scan3A_23 = arith.constant 8 : i32
    "tpu.region"() ({
      %run_scoped3A_164 = tpu.sem_alloc : memref<!tpu.dma_semaphore, #tpu.memory_space<semaphore_mem>>
      %dma_start3A_165 = arith.constant 24 : i32
      %dma_start3A_166 = arith.constant 0 : i32
      %dma_start3A_167 = tpu.memref_slice %arg3[%add3A, %dma_start3A_165, %dma_start3A_166] : memref<32x80x128xi32, #tpu.memory_space<hbm>> -> memref<1x8x128xi32, #tpu.memory_space<hbm>>
      %dma_start3A_168 = tpu.memref_squeeze %dma_start3A_167 : memref<1x8x128xi32, #tpu.memory_space<hbm>> -> memref<8x128xi32, #tpu.memory_space<hbm>>
      %dma_start3A_169 = arith.constant 24 : i32
      %dma_start3A_170 = arith.constant 0 : i32
      %dma_start3A_171 = tpu.memref_slice %arg3[%add3A, %dma_start3A_169, %dma_start3A_170] : memref<32x80x128xi32, #tpu.memory_space<hbm>> -> memref<1x8x128xi32, #tpu.memory_space<hbm>>
      %dma_start3A_172 = tpu.memref_squeeze %dma_start3A_171 : memref<1x8x128xi32, #tpu.memory_space<hbm>> -> memref<8x128xi32, #tpu.memory_space<hbm>>
      tpu.enqueue_dma source(%dma_start3A_172 : memref<8x128xi32, #tpu.memory_space<hbm>>) target(%arg13 : memref<8x128xi32, #tpu.memory_space<vmem>>) target_semaphore(%run_scoped3A_164 : memref<!tpu.dma_semaphore, #tpu.memory_space<semaphore_mem>>)
      %dma_wait3A_173 = arith.constant 24 : i32
      %dma_wait3A_174 = arith.constant 0 : i32
      %dma_wait3A_175 = tpu.memref_slice %arg3[%add3A, %dma_wait3A_173, %dma_wait3A_174] : memref<32x80x128xi32, #tpu.memory_space<hbm>> -> memref<1x8x128xi32, #tpu.memory_space<hbm>>
      %dma_wait3A_176 = tpu.memref_squeeze %dma_wait3A_175 : memref<1x8x128xi32, #tpu.memory_space<hbm>> -> memref<8x128xi32, #tpu.memory_space<hbm>>
      %dma_wait3A_177 = arith.constant 24 : i32
      %dma_wait3A_178 = arith.constant 0 : i32
      %dma_wait3A_179 = tpu.memref_slice %arg3[%add3A, %dma_wait3A_177, %dma_wait3A_178] : memref<32x80x128xi32, #tpu.memory_space<hbm>> -> memref<1x8x128xi32, #tpu.memory_space<hbm>>
      %dma_wait3A_180 = tpu.memref_squeeze %dma_wait3A_179 : memref<1x8x128xi32, #tpu.memory_space<hbm>> -> memref<8x128xi32, #tpu.memory_space<hbm>>
      tpu.wait_dma2 semaphore(%run_scoped3A_164 : memref<!tpu.dma_semaphore, #tpu.memory_space<semaphore_mem>>) src(%dma_wait3A_180 : memref<8x128xi32, #tpu.memory_space<hbm>>) dst(%arg13 : memref<8x128xi32, #tpu.memory_space<vmem>>)
      tpu.yield
    }) : () -> ()
    "tpu.region"() ({
      %run_scoped3A_164 = tpu.sem_alloc : memref<!tpu.dma_semaphore, #tpu.memory_space<semaphore_mem>>
      %dma_start3A_165 = arith.constant 24 : i32
      %dma_start3A_166 = arith.constant 0 : i32
      %dma_start3A_167 = tpu.memref_slice %arg4[%add3A, %dma_start3A_165, %dma_start3A_166] : memref<32x80x128xi32, #tpu.memory_space<hbm>> -> memref<1x8x128xi32, #tpu.memory_space<hbm>>
      %dma_start3A_168 = tpu.memref_squeeze %dma_start3A_167 : memref<1x8x128xi32, #tpu.memory_space<hbm>> -> memref<8x128xi32, #tpu.memory_space<hbm>>
      %dma_start3A_169 = arith.constant 24 : i32
      %dma_start3A_170 = arith.constant 0 : i32
      %dma_start3A_171 = tpu.memref_slice %arg4[%add3A, %dma_start3A_169, %dma_start3A_170] : memref<32x80x128xi32, #tpu.memory_space<hbm>> -> memref<1x8x128xi32, #tpu.memory_space<hbm>>
      %dma_start3A_172 = tpu.memref_squeeze %dma_start3A_171 : memref<1x8x128xi32, #tpu.memory_space<hbm>> -> memref<8x128xi32, #tpu.memory_space<hbm>>
      tpu.enqueue_dma source(%dma_start3A_172 : memref<8x128xi32, #tpu.memory_space<hbm>>) target(%arg14 : memref<8x128xi32, #tpu.memory_space<vmem>>) target_semaphore(%run_scoped3A_164 : memref<!tpu.dma_semaphore, #tpu.memory_space<semaphore_mem>>)
      %dma_wait3A_173 = arith.constant 24 : i32
      %dma_wait3A_174 = arith.constant 0 : i32
      %dma_wait3A_175 = tpu.memref_slice %arg4[%add3A, %dma_wait3A_173, %dma_wait3A_174] : memref<32x80x128xi32, #tpu.memory_space<hbm>> -> memref<1x8x128xi32, #tpu.memory_space<hbm>>
      %dma_wait3A_176 = tpu.memref_squeeze %dma_wait3A_175 : memref<1x8x128xi32, #tpu.memory_space<hbm>> -> memref<8x128xi32, #tpu.memory_space<hbm>>
      %dma_wait3A_177 = arith.constant 24 : i32
      %dma_wait3A_178 = arith.constant 0 : i32
      %dma_wait3A_179 = tpu.memref_slice %arg4[%add3A, %dma_wait3A_177, %dma_wait3A_178] : memref<32x80x128xi32, #tpu.memory_space<hbm>> -> memref<1x8x128xi32, #tpu.memory_space<hbm>>
      %dma_wait3A_180 = tpu.memref_squeeze %dma_wait3A_179 : memref<1x8x128xi32, #tpu.memory_space<hbm>> -> memref<8x128xi32, #tpu.memory_space<hbm>>
      tpu.wait_dma2 semaphore(%run_scoped3A_164 : memref<!tpu.dma_semaphore, #tpu.memory_space<semaphore_mem>>) src(%dma_wait3A_180 : memref<8x128xi32, #tpu.memory_space<hbm>>) dst(%arg14 : memref<8x128xi32, #tpu.memory_space<vmem>>)
      tpu.yield
    }) : () -> ()
    "tpu.region"() ({
      %run_scoped3A_164 = tpu.sem_alloc : memref<!tpu.dma_semaphore, #tpu.memory_space<semaphore_mem>>
      %dma_start3A_165 = arith.constant 24 : i32
      %dma_start3A_166 = arith.constant 0 : i32
      %dma_start3A_167 = tpu.memref_slice %arg5[%add3A, %dma_start3A_165, %dma_start3A_166] : memref<32x80x128xi32, #tpu.memory_space<hbm>> -> memref<1x8x128xi32, #tpu.memory_space<hbm>>
      %dma_start3A_168 = tpu.memref_squeeze %dma_start3A_167 : memref<1x8x128xi32, #tpu.memory_space<hbm>> -> memref<8x128xi32, #tpu.memory_space<hbm>>
      %dma_start3A_169 = arith.constant 24 : i32
      %dma_start3A_170 = arith.constant 0 : i32
      %dma_start3A_171 = tpu.memref_slice %arg5[%add3A, %dma_start3A_169, %dma_start3A_170] : memref<32x80x128xi32, #tpu.memory_space<hbm>> -> memref<1x8x128xi32, #tpu.memory_space<hbm>>
      %dma_start3A_172 = tpu.memref_squeeze %dma_start3A_171 : memref<1x8x128xi32, #tpu.memory_space<hbm>> -> memref<8x128xi32, #tpu.memory_space<hbm>>
      tpu.enqueue_dma source(%dma_start3A_172 : memref<8x128xi32, #tpu.memory_space<hbm>>) target(%arg15 : memref<8x128xi32, #tpu.memory_space<vmem>>) target_semaphore(%run_scoped3A_164 : memref<!tpu.dma_semaphore, #tpu.memory_space<semaphore_mem>>)
      %dma_wait3A_173 = arith.constant 24 : i32
      %dma_wait3A_174 = arith.constant 0 : i32
      %dma_wait3A_175 = tpu.memref_slice %arg5[%add3A, %dma_wait3A_173, %dma_wait3A_174] : memref<32x80x128xi32, #tpu.memory_space<hbm>> -> memref<1x8x128xi32, #tpu.memory_space<hbm>>
      %dma_wait3A_176 = tpu.memref_squeeze %dma_wait3A_175 : memref<1x8x128xi32, #tpu.memory_space<hbm>> -> memref<8x128xi32, #tpu.memory_space<hbm>>
      %dma_wait3A_177 = arith.constant 24 : i32
      %dma_wait3A_178 = arith.constant 0 : i32
      %dma_wait3A_179 = tpu.memref_slice %arg5[%add3A, %dma_wait3A_177, %dma_wait3A_178] : memref<32x80x128xi32, #tpu.memory_space<hbm>> -> memref<1x8x128xi32, #tpu.memory_space<hbm>>
      %dma_wait3A_180 = tpu.memref_squeeze %dma_wait3A_179 : memref<1x8x128xi32, #tpu.memory_space<hbm>> -> memref<8x128xi32, #tpu.memory_space<hbm>>
      tpu.wait_dma2 semaphore(%run_scoped3A_164 : memref<!tpu.dma_semaphore, #tpu.memory_space<semaphore_mem>>) src(%dma_wait3A_180 : memref<8x128xi32, #tpu.memory_space<hbm>>) dst(%arg15 : memref<8x128xi32, #tpu.memory_space<vmem>>)
      tpu.yield
    }) : () -> ()
    "tpu.region"() ({
      %run_scoped3A_164 = tpu.sem_alloc : memref<!tpu.dma_semaphore, #tpu.memory_space<semaphore_mem>>
      %dma_start3A_165 = arith.constant 24 : i32
      %dma_start3A_166 = arith.constant 0 : i32
      %dma_start3A_167 = tpu.memref_slice %arg6[%add3A, %dma_start3A_165, %dma_start3A_166] : memref<32x80x128xi32, #tpu.memory_space<hbm>> -> memref<1x8x128xi32, #tpu.memory_space<hbm>>
      %dma_start3A_168 = tpu.memref_squeeze %dma_start3A_167 : memref<1x8x128xi32, #tpu.memory_space<hbm>> -> memref<8x128xi32, #tpu.memory_space<hbm>>
      %dma_start3A_169 = arith.constant 24 : i32
      %dma_start3A_170 = arith.constant 0 : i32
      %dma_start3A_171 = tpu.memref_slice %arg6[%add3A, %dma_start3A_169, %dma_start3A_170] : memref<32x80x128xi32, #tpu.memory_space<hbm>> -> memref<1x8x128xi32, #tpu.memory_space<hbm>>
      %dma_start3A_172 = tpu.memref_squeeze %dma_start3A_171 : memref<1x8x128xi32, #tpu.memory_space<hbm>> -> memref<8x128xi32, #tpu.memory_space<hbm>>
      tpu.enqueue_dma source(%dma_start3A_172 : memref<8x128xi32, #tpu.memory_space<hbm>>) target(%arg16 : memref<8x128xi32, #tpu.memory_space<vmem>>) target_semaphore(%run_scoped3A_164 : memref<!tpu.dma_semaphore, #tpu.memory_space<semaphore_mem>>)
      %dma_wait3A_173 = arith.constant 24 : i32
      %dma_wait3A_174 = arith.constant 0 : i32
      %dma_wait3A_175 = tpu.memref_slice %arg6[%add3A, %dma_wait3A_173, %dma_wait3A_174] : memref<32x80x128xi32, #tpu.memory_space<hbm>> -> memref<1x8x128xi32, #tpu.memory_space<hbm>>
      %dma_wait3A_176 = tpu.memref_squeeze %dma_wait3A_175 : memref<1x8x128xi32, #tpu.memory_space<hbm>> -> memref<8x128xi32, #tpu.memory_space<hbm>>
      %dma_wait3A_177 = arith.constant 24 : i32
      %dma_wait3A_178 = arith.constant 0 : i32
      %dma_wait3A_179 = tpu.memref_slice %arg6[%add3A, %dma_wait3A_177, %dma_wait3A_178] : memref<32x80x128xi32, #tpu.memory_space<hbm>> -> memref<1x8x128xi32, #tpu.memory_space<hbm>>
      %dma_wait3A_180 = tpu.memref_squeeze %dma_wait3A_179 : memref<1x8x128xi32, #tpu.memory_space<hbm>> -> memref<8x128xi32, #tpu.memory_space<hbm>>
      tpu.wait_dma2 semaphore(%run_scoped3A_164 : memref<!tpu.dma_semaphore, #tpu.memory_space<semaphore_mem>>) src(%dma_wait3A_180 : memref<8x128xi32, #tpu.memory_space<hbm>>) dst(%arg16 : memref<8x128xi32, #tpu.memory_space<vmem>>)
      tpu.yield
    }) : () -> ()
    %scan3A_24 = arith.constant 0 : i32
    %scan3A_25 = arith.constant 0 : i32
    %scan3A_26 = arith.constant 8 : i32
    %scan3A_27 = arith.addi %scan3A_25, %scan3A_26 : i32
    %scan3A_28 = arith.constant 1 : i32
    scf.for %scan3A_164 = %scan3A_25 to %scan3A_27 step %scan3A_28  : i32 {
      %dma_start3A_165 = arith.constant 0 : i32
      %dma_start3A_166 = tpu.memref_slice %arg13[%scan3A_164, %dma_start3A_165] : memref<8x128xi32, #tpu.memory_space<vmem>> -> memref<1x128xi32, #tpu.memory_space<vmem>>
      %dma_start3A_167 = tpu.memref_squeeze %dma_start3A_166 : memref<1x128xi32, #tpu.memory_space<vmem>> -> memref<128xi32, #tpu.memory_space<vmem>>
      %dma_start3A_168 = arith.constant 0 : i32
      %dma_start3A_169 = arith.constant 0 : i32
      %dma_start3A_170 = tpu.memref_slice %arg2[%dma_start3A_168, %dma_start3A_169] : memref<10000x128xf32, #tpu.memory_space<hbm>> -> memref<10000x128xf32, #tpu.memory_space<hbm>>
      tpu.enqueue_indirect_dma source(%dma_start3A_170 : memref<10000x128xf32, #tpu.memory_space<hbm>>) target(%arg17 : memref<128x128xf32, #tpu.memory_space<vmem>>) offsets(%dma_start3A_167 : memref<128xi32, #tpu.memory_space<vmem>>) semaphore(%arg20 : memref<!tpu.dma_semaphore, #tpu.memory_space<semaphore_mem>>)
      %dma_wait3A_171 = arith.constant 0 : i32
      %dma_wait3A_172 = tpu.memref_slice %arg13[%scan3A_164, %dma_wait3A_171] : memref<8x128xi32, #tpu.memory_space<vmem>> -> memref<1x128xi32, #tpu.memory_space<vmem>>
      %dma_wait3A_173 = tpu.memref_squeeze %dma_wait3A_172 : memref<1x128xi32, #tpu.memory_space<vmem>> -> memref<128xi32, #tpu.memory_space<vmem>>
      %dma_wait3A_174 = arith.constant 0 : i32
      %dma_wait3A_175 = arith.constant 0 : i32
      %dma_wait3A_176 = tpu.memref_slice %arg2[%dma_wait3A_174, %dma_wait3A_175] : memref<10000x128xf32, #tpu.memory_space<hbm>> -> memref<10000x128xf32, #tpu.memory_space<hbm>>
      tpu.wait_indirect_dma semaphore(%arg20 : memref<!tpu.dma_semaphore, #tpu.memory_space<semaphore_mem>>) src(%dma_wait3A_176 : memref<10000x128xf32, #tpu.memory_space<hbm>>) dst(%arg17 : memref<128x128xf32, #tpu.memory_space<vmem>>)
      "tpu.region"() ({
        %run_scoped3A_189 = tpu.sem_alloc : memref<!tpu.dma_semaphore, #tpu.memory_space<semaphore_mem>>
        %dma_start3A_190 = arith.constant 0 : i32
        %dma_start3A_191 = tpu.memref_slice %arg14[%scan3A_164, %dma_start3A_190] : memref<8x128xi32, #tpu.memory_space<vmem>> -> memref<1x128xi32, #tpu.memory_space<vmem>>
        %dma_start3A_192 = tpu.memref_squeeze %dma_start3A_191 : memref<1x128xi32, #tpu.memory_space<vmem>> -> memref<128xi32, #tpu.memory_space<vmem>>
        %dma_start3A_193 = arith.constant 0 : i32
        %dma_start3A_194 = arith.constant 0 : i32
        %dma_start3A_195 = tpu.memref_slice %arg21[%dma_start3A_193, %dma_start3A_194] : memref<10240x128xf32, #tpu.memory_space<vmem_shared>> -> memref<10240x128xf32, #tpu.memory_space<vmem_shared>>
        tpu.enqueue_indirect_dma source(%arg17 : memref<128x128xf32, #tpu.memory_space<vmem>>) target(%dma_start3A_195 : memref<10240x128xf32, #tpu.memory_space<vmem_shared>>) offsets(%dma_start3A_192 : memref<128xi32, #tpu.memory_space<vmem>>) semaphore(%run_scoped3A_189 : memref<!tpu.dma_semaphore, #tpu.memory_space<semaphore_mem>>) {add = true}
        %dma_wait3A_196 = arith.constant 0 : i32
        %dma_wait3A_197 = tpu.memref_slice %arg14[%scan3A_164, %dma_wait3A_196] : memref<8x128xi32, #tpu.memory_space<vmem>> -> memref<1x128xi32, #tpu.memory_space<vmem>>
        %dma_wait3A_198 = tpu.memref_squeeze %dma_wait3A_197 : memref<1x128xi32, #tpu.memory_space<vmem>> -> memref<128xi32, #tpu.memory_space<vmem>>
        %dma_wait3A_199 = arith.constant 0 : i32
        %dma_wait3A_200 = arith.constant 0 : i32
        %dma_wait3A_201 = tpu.memref_slice %arg21[%dma_wait3A_199, %dma_wait3A_200] : memref<10240x128xf32, #tpu.memory_space<vmem_shared>> -> memref<10240x128xf32, #tpu.memory_space<vmem_shared>>
        tpu.wait_indirect_dma semaphore(%run_scoped3A_189 : memref<!tpu.dma_semaphore, #tpu.memory_space<semaphore_mem>>) src(%arg17 : memref<128x128xf32, #tpu.memory_space<vmem>>) dst(%dma_wait3A_201 : memref<10240x128xf32, #tpu.memory_space<vmem_shared>>)
        tpu.yield
      }) : () -> ()
      %dma_start3A_177 = arith.constant 0 : i32
      %dma_start3A_178 = tpu.memref_slice %arg16[%scan3A_164, %dma_start3A_177] : memref<8x128xi32, #tpu.memory_space<vmem>> -> memref<1x128xi32, #tpu.memory_space<vmem>>
      %dma_start3A_179 = tpu.memref_squeeze %dma_start3A_178 : memref<1x128xi32, #tpu.memory_space<vmem>> -> memref<128xi32, #tpu.memory_space<vmem>>
      %dma_start3A_180 = arith.constant 0 : i32
      %dma_start3A_181 = arith.constant 0 : i32
      %dma_start3A_182 = tpu.memref_slice %arg7[%dma_start3A_180, %dma_start3A_181] : memref<1024x128xf32, #tpu.memory_space<hbm>> -> memref<1024x128xf32, #tpu.memory_space<hbm>>
      tpu.enqueue_indirect_dma source(%dma_start3A_182 : memref<1024x128xf32, #tpu.memory_space<hbm>>) target(%arg17 : memref<128x128xf32, #tpu.memory_space<vmem>>) offsets(%dma_start3A_179 : memref<128xi32, #tpu.memory_space<vmem>>) semaphore(%arg20 : memref<!tpu.dma_semaphore, #tpu.memory_space<semaphore_mem>>)
      %dma_wait3A_183 = arith.constant 0 : i32
      %dma_wait3A_184 = tpu.memref_slice %arg16[%scan3A_164, %dma_wait3A_183] : memref<8x128xi32, #tpu.memory_space<vmem>> -> memref<1x128xi32, #tpu.memory_space<vmem>>
      %dma_wait3A_185 = tpu.memref_squeeze %dma_wait3A_184 : memref<1x128xi32, #tpu.memory_space<vmem>> -> memref<128xi32, #tpu.memory_space<vmem>>
      %dma_wait3A_186 = arith.constant 0 : i32
      %dma_wait3A_187 = arith.constant 0 : i32
      %dma_wait3A_188 = tpu.memref_slice %arg7[%dma_wait3A_186, %dma_wait3A_187] : memref<1024x128xf32, #tpu.memory_space<hbm>> -> memref<1024x128xf32, #tpu.memory_space<hbm>>
      tpu.wait_indirect_dma semaphore(%arg20 : memref<!tpu.dma_semaphore, #tpu.memory_space<semaphore_mem>>) src(%dma_wait3A_188 : memref<1024x128xf32, #tpu.memory_space<hbm>>) dst(%arg17 : memref<128x128xf32, #tpu.memory_space<vmem>>)
      "tpu.region"() ({
        %run_scoped3A_189 = tpu.sem_alloc : memref<!tpu.dma_semaphore, #tpu.memory_space<semaphore_mem>>
        %dma_start3A_190 = arith.constant 0 : i32
        %dma_start3A_191 = tpu.memref_slice %arg15[%scan3A_164, %dma_start3A_190] : memref<8x128xi32, #tpu.memory_space<vmem>> -> memref<1x128xi32, #tpu.memory_space<vmem>>
        %dma_start3A_192 = tpu.memref_squeeze %dma_start3A_191 : memref<1x128xi32, #tpu.memory_space<vmem>> -> memref<128xi32, #tpu.memory_space<vmem>>
        %dma_start3A_193 = arith.constant 0 : i32
        %dma_start3A_194 = arith.constant 0 : i32
        %dma_start3A_195 = tpu.memref_slice %arg22[%dma_start3A_193, %dma_start3A_194] : memref<1280x128xf32, #tpu.memory_space<vmem_shared>> -> memref<1280x128xf32, #tpu.memory_space<vmem_shared>>
        tpu.enqueue_indirect_dma source(%arg17 : memref<128x128xf32, #tpu.memory_space<vmem>>) target(%dma_start3A_195 : memref<1280x128xf32, #tpu.memory_space<vmem_shared>>) offsets(%dma_start3A_192 : memref<128xi32, #tpu.memory_space<vmem>>) semaphore(%run_scoped3A_189 : memref<!tpu.dma_semaphore, #tpu.memory_space<semaphore_mem>>) {add = true}
        %dma_wait3A_196 = arith.constant 0 : i32
        %dma_wait3A_197 = tpu.memref_slice %arg15[%scan3A_164, %dma_wait3A_196] : memref<8x128xi32, #tpu.memory_space<vmem>> -> memref<1x128xi32, #tpu.memory_space<vmem>>
        %dma_wait3A_198 = tpu.memref_squeeze %dma_wait3A_197 : memref<1x128xi32, #tpu.memory_space<vmem>> -> memref<128xi32, #tpu.memory_space<vmem>>
        %dma_wait3A_199 = arith.constant 0 : i32
        %dma_wait3A_200 = arith.constant 0 : i32
        %dma_wait3A_201 = tpu.memref_slice %arg22[%dma_wait3A_199, %dma_wait3A_200] : memref<1280x128xf32, #tpu.memory_space<vmem_shared>> -> memref<1280x128xf32, #tpu.memory_space<vmem_shared>>
        tpu.wait_indirect_dma semaphore(%run_scoped3A_189 : memref<!tpu.dma_semaphore, #tpu.memory_space<semaphore_mem>>) src(%arg17 : memref<128x128xf32, #tpu.memory_space<vmem>>) dst(%dma_wait3A_201 : memref<1280x128xf32, #tpu.memory_space<vmem_shared>>)
        tpu.yield
      }) : () -> ()
    }
    %scan3A_29 = arith.constant 8 : i32
    "tpu.region"() ({
      %run_scoped3A_164 = tpu.sem_alloc : memref<!tpu.dma_semaphore, #tpu.memory_space<semaphore_mem>>
      %dma_start3A_165 = arith.constant 32 : i32
      %dma_start3A_166 = arith.constant 0 : i32
      %dma_start3A_167 = tpu.memref_slice %arg3[%add3A, %dma_start3A_165, %dma_start3A_166] : memref<32x80x128xi32, #tpu.memory_space<hbm>> -> memref<1x8x128xi32, #tpu.memory_space<hbm>>
      %dma_start3A_168 = tpu.memref_squeeze %dma_start3A_167 : memref<1x8x128xi32, #tpu.memory_space<hbm>> -> memref<8x128xi32, #tpu.memory_space<hbm>>
      %dma_start3A_169 = arith.constant 32 : i32
      %dma_start3A_170 = arith.constant 0 : i32
      %dma_start3A_171 = tpu.memref_slice %arg3[%add3A, %dma_start3A_169, %dma_start3A_170] : memref<32x80x128xi32, #tpu.memory_space<hbm>> -> memref<1x8x128xi32, #tpu.memory_space<hbm>>
      %dma_start3A_172 = tpu.memref_squeeze %dma_start3A_171 : memref<1x8x128xi32, #tpu.memory_space<hbm>> -> memref<8x128xi32, #tpu.memory_space<hbm>>
      tpu.enqueue_dma source(%dma_start3A_172 : memref<8x128xi32, #tpu.memory_space<hbm>>) target(%arg13 : memref<8x128xi32, #tpu.memory_space<vmem>>) target_semaphore(%run_scoped3A_164 : memref<!tpu.dma_semaphore, #tpu.memory_space<semaphore_mem>>)
      %dma_wait3A_173 = arith.constant 32 : i32
      %dma_wait3A_174 = arith.constant 0 : i32
      %dma_wait3A_175 = tpu.memref_slice %arg3[%add3A, %dma_wait3A_173, %dma_wait3A_174] : memref<32x80x128xi32, #tpu.memory_space<hbm>> -> memref<1x8x128xi32, #tpu.memory_space<hbm>>
      %dma_wait3A_176 = tpu.memref_squeeze %dma_wait3A_175 : memref<1x8x128xi32, #tpu.memory_space<hbm>> -> memref<8x128xi32, #tpu.memory_space<hbm>>
      %dma_wait3A_177 = arith.constant 32 : i32
      %dma_wait3A_178 = arith.constant 0 : i32
      %dma_wait3A_179 = tpu.memref_slice %arg3[%add3A, %dma_wait3A_177, %dma_wait3A_178] : memref<32x80x128xi32, #tpu.memory_space<hbm>> -> memref<1x8x128xi32, #tpu.memory_space<hbm>>
      %dma_wait3A_180 = tpu.memref_squeeze %dma_wait3A_179 : memref<1x8x128xi32, #tpu.memory_space<hbm>> -> memref<8x128xi32, #tpu.memory_space<hbm>>
      tpu.wait_dma2 semaphore(%run_scoped3A_164 : memref<!tpu.dma_semaphore, #tpu.memory_space<semaphore_mem>>) src(%dma_wait3A_180 : memref<8x128xi32, #tpu.memory_space<hbm>>) dst(%arg13 : memref<8x128xi32, #tpu.memory_space<vmem>>)
      tpu.yield
    }) : () -> ()
    "tpu.region"() ({
      %run_scoped3A_164 = tpu.sem_alloc : memref<!tpu.dma_semaphore, #tpu.memory_space<semaphore_mem>>
      %dma_start3A_165 = arith.constant 32 : i32
      %dma_start3A_166 = arith.constant 0 : i32
      %dma_start3A_167 = tpu.memref_slice %arg4[%add3A, %dma_start3A_165, %dma_start3A_166] : memref<32x80x128xi32, #tpu.memory_space<hbm>> -> memref<1x8x128xi32, #tpu.memory_space<hbm>>
      %dma_start3A_168 = tpu.memref_squeeze %dma_start3A_167 : memref<1x8x128xi32, #tpu.memory_space<hbm>> -> memref<8x128xi32, #tpu.memory_space<hbm>>
      %dma_start3A_169 = arith.constant 32 : i32
      %dma_start3A_170 = arith.constant 0 : i32
      %dma_start3A_171 = tpu.memref_slice %arg4[%add3A, %dma_start3A_169, %dma_start3A_170] : memref<32x80x128xi32, #tpu.memory_space<hbm>> -> memref<1x8x128xi32, #tpu.memory_space<hbm>>
      %dma_start3A_172 = tpu.memref_squeeze %dma_start3A_171 : memref<1x8x128xi32, #tpu.memory_space<hbm>> -> memref<8x128xi32, #tpu.memory_space<hbm>>
      tpu.enqueue_dma source(%dma_start3A_172 : memref<8x128xi32, #tpu.memory_space<hbm>>) target(%arg14 : memref<8x128xi32, #tpu.memory_space<vmem>>) target_semaphore(%run_scoped3A_164 : memref<!tpu.dma_semaphore, #tpu.memory_space<semaphore_mem>>)
      %dma_wait3A_173 = arith.constant 32 : i32
      %dma_wait3A_174 = arith.constant 0 : i32
      %dma_wait3A_175 = tpu.memref_slice %arg4[%add3A, %dma_wait3A_173, %dma_wait3A_174] : memref<32x80x128xi32, #tpu.memory_space<hbm>> -> memref<1x8x128xi32, #tpu.memory_space<hbm>>
      %dma_wait3A_176 = tpu.memref_squeeze %dma_wait3A_175 : memref<1x8x128xi32, #tpu.memory_space<hbm>> -> memref<8x128xi32, #tpu.memory_space<hbm>>
      %dma_wait3A_177 = arith.constant 32 : i32
      %dma_wait3A_178 = arith.constant 0 : i32
      %dma_wait3A_179 = tpu.memref_slice %arg4[%add3A, %dma_wait3A_177, %dma_wait3A_178] : memref<32x80x128xi32, #tpu.memory_space<hbm>> -> memref<1x8x128xi32, #tpu.memory_space<hbm>>
      %dma_wait3A_180 = tpu.memref_squeeze %dma_wait3A_179 : memref<1x8x128xi32, #tpu.memory_space<hbm>> -> memref<8x128xi32, #tpu.memory_space<hbm>>
      tpu.wait_dma2 semaphore(%run_scoped3A_164 : memref<!tpu.dma_semaphore, #tpu.memory_space<semaphore_mem>>) src(%dma_wait3A_180 : memref<8x128xi32, #tpu.memory_space<hbm>>) dst(%arg14 : memref<8x128xi32, #tpu.memory_space<vmem>>)
      tpu.yield
    }) : () -> ()
    "tpu.region"() ({
      %run_scoped3A_164 = tpu.sem_alloc : memref<!tpu.dma_semaphore, #tpu.memory_space<semaphore_mem>>
      %dma_start3A_165 = arith.constant 32 : i32
      %dma_start3A_166 = arith.constant 0 : i32
      %dma_start3A_167 = tpu.memref_slice %arg5[%add3A, %dma_start3A_165, %dma_start3A_166] : memref<32x80x128xi32, #tpu.memory_space<hbm>> -> memref<1x8x128xi32, #tpu.memory_space<hbm>>
      %dma_start3A_168 = tpu.memref_squeeze %dma_start3A_167 : memref<1x8x128xi32, #tpu.memory_space<hbm>> -> memref<8x128xi32, #tpu.memory_space<hbm>>
      %dma_start3A_169 = arith.constant 32 : i32
      %dma_start3A_170 = arith.constant 0 : i32
      %dma_start3A_171 = tpu.memref_slice %arg5[%add3A, %dma_start3A_169, %dma_start3A_170] : memref<32x80x128xi32, #tpu.memory_space<hbm>> -> memref<1x8x128xi32, #tpu.memory_space<hbm>>
      %dma_start3A_172 = tpu.memref_squeeze %dma_start3A_171 : memref<1x8x128xi32, #tpu.memory_space<hbm>> -> memref<8x128xi32, #tpu.memory_space<hbm>>
      tpu.enqueue_dma source(%dma_start3A_172 : memref<8x128xi32, #tpu.memory_space<hbm>>) target(%arg15 : memref<8x128xi32, #tpu.memory_space<vmem>>) target_semaphore(%run_scoped3A_164 : memref<!tpu.dma_semaphore, #tpu.memory_space<semaphore_mem>>)
      %dma_wait3A_173 = arith.constant 32 : i32
      %dma_wait3A_174 = arith.constant 0 : i32
      %dma_wait3A_175 = tpu.memref_slice %arg5[%add3A, %dma_wait3A_173, %dma_wait3A_174] : memref<32x80x128xi32, #tpu.memory_space<hbm>> -> memref<1x8x128xi32, #tpu.memory_space<hbm>>
      %dma_wait3A_176 = tpu.memref_squeeze %dma_wait3A_175 : memref<1x8x128xi32, #tpu.memory_space<hbm>> -> memref<8x128xi32, #tpu.memory_space<hbm>>
      %dma_wait3A_177 = arith.constant 32 : i32
      %dma_wait3A_178 = arith.constant 0 : i32
      %dma_wait3A_179 = tpu.memref_slice %arg5[%add3A, %dma_wait3A_177, %dma_wait3A_178] : memref<32x80x128xi32, #tpu.memory_space<hbm>> -> memref<1x8x128xi32, #tpu.memory_space<hbm>>
      %dma_wait3A_180 = tpu.memref_squeeze %dma_wait3A_179 : memref<1x8x128xi32, #tpu.memory_space<hbm>> -> memref<8x128xi32, #tpu.memory_space<hbm>>
      tpu.wait_dma2 semaphore(%run_scoped3A_164 : memref<!tpu.dma_semaphore, #tpu.memory_space<semaphore_mem>>) src(%dma_wait3A_180 : memref<8x128xi32, #tpu.memory_space<hbm>>) dst(%arg15 : memref<8x128xi32, #tpu.memory_space<vmem>>)
      tpu.yield
    }) : () -> ()
    "tpu.region"() ({
      %run_scoped3A_164 = tpu.sem_alloc : memref<!tpu.dma_semaphore, #tpu.memory_space<semaphore_mem>>
      %dma_start3A_165 = arith.constant 32 : i32
      %dma_start3A_166 = arith.constant 0 : i32
      %dma_start3A_167 = tpu.memref_slice %arg6[%add3A, %dma_start3A_165, %dma_start3A_166] : memref<32x80x128xi32, #tpu.memory_space<hbm>> -> memref<1x8x128xi32, #tpu.memory_space<hbm>>
      %dma_start3A_168 = tpu.memref_squeeze %dma_start3A_167 : memref<1x8x128xi32, #tpu.memory_space<hbm>> -> memref<8x128xi32, #tpu.memory_space<hbm>>
      %dma_start3A_169 = arith.constant 32 : i32
      %dma_start3A_170 = arith.constant 0 : i32
      %dma_start3A_171 = tpu.memref_slice %arg6[%add3A, %dma_start3A_169, %dma_start3A_170] : memref<32x80x128xi32, #tpu.memory_space<hbm>> -> memref<1x8x128xi32, #tpu.memory_space<hbm>>
      %dma_start3A_172 = tpu.memref_squeeze %dma_start3A_171 : memref<1x8x128xi32, #tpu.memory_space<hbm>> -> memref<8x128xi32, #tpu.memory_space<hbm>>
      tpu.enqueue_dma source(%dma_start3A_172 : memref<8x128xi32, #tpu.memory_space<hbm>>) target(%arg16 : memref<8x128xi32, #tpu.memory_space<vmem>>) target_semaphore(%run_scoped3A_164 : memref<!tpu.dma_semaphore, #tpu.memory_space<semaphore_mem>>)
      %dma_wait3A_173 = arith.constant 32 : i32
      %dma_wait3A_174 = arith.constant 0 : i32
      %dma_wait3A_175 = tpu.memref_slice %arg6[%add3A, %dma_wait3A_173, %dma_wait3A_174] : memref<32x80x128xi32, #tpu.memory_space<hbm>> -> memref<1x8x128xi32, #tpu.memory_space<hbm>>
      %dma_wait3A_176 = tpu.memref_squeeze %dma_wait3A_175 : memref<1x8x128xi32, #tpu.memory_space<hbm>> -> memref<8x128xi32, #tpu.memory_space<hbm>>
      %dma_wait3A_177 = arith.constant 32 : i32
      %dma_wait3A_178 = arith.constant 0 : i32
      %dma_wait3A_179 = tpu.memref_slice %arg6[%add3A, %dma_wait3A_177, %dma_wait3A_178] : memref<32x80x128xi32, #tpu.memory_space<hbm>> -> memref<1x8x128xi32, #tpu.memory_space<hbm>>
      %dma_wait3A_180 = tpu.memref_squeeze %dma_wait3A_179 : memref<1x8x128xi32, #tpu.memory_space<hbm>> -> memref<8x128xi32, #tpu.memory_space<hbm>>
      tpu.wait_dma2 semaphore(%run_scoped3A_164 : memref<!tpu.dma_semaphore, #tpu.memory_space<semaphore_mem>>) src(%dma_wait3A_180 : memref<8x128xi32, #tpu.memory_space<hbm>>) dst(%arg16 : memref<8x128xi32, #tpu.memory_space<vmem>>)
      tpu.yield
    }) : () -> ()
    %scan3A_30 = arith.constant 0 : i32
    %scan3A_31 = arith.constant 0 : i32
    %scan3A_32 = arith.constant 8 : i32
    %scan3A_33 = arith.addi %scan3A_31, %scan3A_32 : i32
    %scan3A_34 = arith.constant 1 : i32
    scf.for %scan3A_164 = %scan3A_31 to %scan3A_33 step %scan3A_34  : i32 {
      %dma_start3A_165 = arith.constant 0 : i32
      %dma_start3A_166 = tpu.memref_slice %arg13[%scan3A_164, %dma_start3A_165] : memref<8x128xi32, #tpu.memory_space<vmem>> -> memref<1x128xi32, #tpu.memory_space<vmem>>
      %dma_start3A_167 = tpu.memref_squeeze %dma_start3A_166 : memref<1x128xi32, #tpu.memory_space<vmem>> -> memref<128xi32, #tpu.memory_space<vmem>>
      %dma_start3A_168 = arith.constant 0 : i32
      %dma_start3A_169 = arith.constant 0 : i32
      %dma_start3A_170 = tpu.memref_slice %arg2[%dma_start3A_168, %dma_start3A_169] : memref<10000x128xf32, #tpu.memory_space<hbm>> -> memref<10000x128xf32, #tpu.memory_space<hbm>>
      tpu.enqueue_indirect_dma source(%dma_start3A_170 : memref<10000x128xf32, #tpu.memory_space<hbm>>) target(%arg17 : memref<128x128xf32, #tpu.memory_space<vmem>>) offsets(%dma_start3A_167 : memref<128xi32, #tpu.memory_space<vmem>>) semaphore(%arg20 : memref<!tpu.dma_semaphore, #tpu.memory_space<semaphore_mem>>)
      %dma_wait3A_171 = arith.constant 0 : i32
      %dma_wait3A_172 = tpu.memref_slice %arg13[%scan3A_164, %dma_wait3A_171] : memref<8x128xi32, #tpu.memory_space<vmem>> -> memref<1x128xi32, #tpu.memory_space<vmem>>
      %dma_wait3A_173 = tpu.memref_squeeze %dma_wait3A_172 : memref<1x128xi32, #tpu.memory_space<vmem>> -> memref<128xi32, #tpu.memory_space<vmem>>
      %dma_wait3A_174 = arith.constant 0 : i32
      %dma_wait3A_175 = arith.constant 0 : i32
      %dma_wait3A_176 = tpu.memref_slice %arg2[%dma_wait3A_174, %dma_wait3A_175] : memref<10000x128xf32, #tpu.memory_space<hbm>> -> memref<10000x128xf32, #tpu.memory_space<hbm>>
      tpu.wait_indirect_dma semaphore(%arg20 : memref<!tpu.dma_semaphore, #tpu.memory_space<semaphore_mem>>) src(%dma_wait3A_176 : memref<10000x128xf32, #tpu.memory_space<hbm>>) dst(%arg17 : memref<128x128xf32, #tpu.memory_space<vmem>>)
      "tpu.region"() ({
        %run_scoped3A_189 = tpu.sem_alloc : memref<!tpu.dma_semaphore, #tpu.memory_space<semaphore_mem>>
        %dma_start3A_190 = arith.constant 0 : i32
        %dma_start3A_191 = tpu.memref_slice %arg14[%scan3A_164, %dma_start3A_190] : memref<8x128xi32, #tpu.memory_space<vmem>> -> memref<1x128xi32, #tpu.memory_space<vmem>>
        %dma_start3A_192 = tpu.memref_squeeze %dma_start3A_191 : memref<1x128xi32, #tpu.memory_space<vmem>> -> memref<128xi32, #tpu.memory_space<vmem>>
        %dma_start3A_193 = arith.constant 0 : i32
        %dma_start3A_194 = arith.constant 0 : i32
        %dma_start3A_195 = tpu.memref_slice %arg21[%dma_start3A_193, %dma_start3A_194] : memref<10240x128xf32, #tpu.memory_space<vmem_shared>> -> memref<10240x128xf32, #tpu.memory_space<vmem_shared>>
        tpu.enqueue_indirect_dma source(%arg17 : memref<128x128xf32, #tpu.memory_space<vmem>>) target(%dma_start3A_195 : memref<10240x128xf32, #tpu.memory_space<vmem_shared>>) offsets(%dma_start3A_192 : memref<128xi32, #tpu.memory_space<vmem>>) semaphore(%run_scoped3A_189 : memref<!tpu.dma_semaphore, #tpu.memory_space<semaphore_mem>>) {add = true}
        %dma_wait3A_196 = arith.constant 0 : i32
        %dma_wait3A_197 = tpu.memref_slice %arg14[%scan3A_164, %dma_wait3A_196] : memref<8x128xi32, #tpu.memory_space<vmem>> -> memref<1x128xi32, #tpu.memory_space<vmem>>
        %dma_wait3A_198 = tpu.memref_squeeze %dma_wait3A_197 : memref<1x128xi32, #tpu.memory_space<vmem>> -> memref<128xi32, #tpu.memory_space<vmem>>
        %dma_wait3A_199 = arith.constant 0 : i32
        %dma_wait3A_200 = arith.constant 0 : i32
        %dma_wait3A_201 = tpu.memref_slice %arg21[%dma_wait3A_199, %dma_wait3A_200] : memref<10240x128xf32, #tpu.memory_space<vmem_shared>> -> memref<10240x128xf32, #tpu.memory_space<vmem_shared>>
        tpu.wait_indirect_dma semaphore(%run_scoped3A_189 : memref<!tpu.dma_semaphore, #tpu.memory_space<semaphore_mem>>) src(%arg17 : memref<128x128xf32, #tpu.memory_space<vmem>>) dst(%dma_wait3A_201 : memref<10240x128xf32, #tpu.memory_space<vmem_shared>>)
        tpu.yield
      }) : () -> ()
      %dma_start3A_177 = arith.constant 0 : i32
      %dma_start3A_178 = tpu.memref_slice %arg16[%scan3A_164, %dma_start3A_177] : memref<8x128xi32, #tpu.memory_space<vmem>> -> memref<1x128xi32, #tpu.memory_space<vmem>>
      %dma_start3A_179 = tpu.memref_squeeze %dma_start3A_178 : memref<1x128xi32, #tpu.memory_space<vmem>> -> memref<128xi32, #tpu.memory_space<vmem>>
      %dma_start3A_180 = arith.constant 0 : i32
      %dma_start3A_181 = arith.constant 0 : i32
      %dma_start3A_182 = tpu.memref_slice %arg7[%dma_start3A_180, %dma_start3A_181] : memref<1024x128xf32, #tpu.memory_space<hbm>> -> memref<1024x128xf32, #tpu.memory_space<hbm>>
      tpu.enqueue_indirect_dma source(%dma_start3A_182 : memref<1024x128xf32, #tpu.memory_space<hbm>>) target(%arg17 : memref<128x128xf32, #tpu.memory_space<vmem>>) offsets(%dma_start3A_179 : memref<128xi32, #tpu.memory_space<vmem>>) semaphore(%arg20 : memref<!tpu.dma_semaphore, #tpu.memory_space<semaphore_mem>>)
      %dma_wait3A_183 = arith.constant 0 : i32
      %dma_wait3A_184 = tpu.memref_slice %arg16[%scan3A_164, %dma_wait3A_183] : memref<8x128xi32, #tpu.memory_space<vmem>> -> memref<1x128xi32, #tpu.memory_space<vmem>>
      %dma_wait3A_185 = tpu.memref_squeeze %dma_wait3A_184 : memref<1x128xi32, #tpu.memory_space<vmem>> -> memref<128xi32, #tpu.memory_space<vmem>>
      %dma_wait3A_186 = arith.constant 0 : i32
      %dma_wait3A_187 = arith.constant 0 : i32
      %dma_wait3A_188 = tpu.memref_slice %arg7[%dma_wait3A_186, %dma_wait3A_187] : memref<1024x128xf32, #tpu.memory_space<hbm>> -> memref<1024x128xf32, #tpu.memory_space<hbm>>
      tpu.wait_indirect_dma semaphore(%arg20 : memref<!tpu.dma_semaphore, #tpu.memory_space<semaphore_mem>>) src(%dma_wait3A_188 : memref<1024x128xf32, #tpu.memory_space<hbm>>) dst(%arg17 : memref<128x128xf32, #tpu.memory_space<vmem>>)
      "tpu.region"() ({
        %run_scoped3A_189 = tpu.sem_alloc : memref<!tpu.dma_semaphore, #tpu.memory_space<semaphore_mem>>
        %dma_start3A_190 = arith.constant 0 : i32
        %dma_start3A_191 = tpu.memref_slice %arg15[%scan3A_164, %dma_start3A_190] : memref<8x128xi32, #tpu.memory_space<vmem>> -> memref<1x128xi32, #tpu.memory_space<vmem>>
        %dma_start3A_192 = tpu.memref_squeeze %dma_start3A_191 : memref<1x128xi32, #tpu.memory_space<vmem>> -> memref<128xi32, #tpu.memory_space<vmem>>
        %dma_start3A_193 = arith.constant 0 : i32
        %dma_start3A_194 = arith.constant 0 : i32
        %dma_start3A_195 = tpu.memref_slice %arg22[%dma_start3A_193, %dma_start3A_194] : memref<1280x128xf32, #tpu.memory_space<vmem_shared>> -> memref<1280x128xf32, #tpu.memory_space<vmem_shared>>
        tpu.enqueue_indirect_dma source(%arg17 : memref<128x128xf32, #tpu.memory_space<vmem>>) target(%dma_start3A_195 : memref<1280x128xf32, #tpu.memory_space<vmem_shared>>) offsets(%dma_start3A_192 : memref<128xi32, #tpu.memory_space<vmem>>) semaphore(%run_scoped3A_189 : memref<!tpu.dma_semaphore, #tpu.memory_space<semaphore_mem>>) {add = true}
        %dma_wait3A_196 = arith.constant 0 : i32
        %dma_wait3A_197 = tpu.memref_slice %arg15[%scan3A_164, %dma_wait3A_196] : memref<8x128xi32, #tpu.memory_space<vmem>> -> memref<1x128xi32, #tpu.memory_space<vmem>>
        %dma_wait3A_198 = tpu.memref_squeeze %dma_wait3A_197 : memref<1x128xi32, #tpu.memory_space<vmem>> -> memref<128xi32, #tpu.memory_space<vmem>>
        %dma_wait3A_199 = arith.constant 0 : i32
        %dma_wait3A_200 = arith.constant 0 : i32
        %dma_wait3A_201 = tpu.memref_slice %arg22[%dma_wait3A_199, %dma_wait3A_200] : memref<1280x128xf32, #tpu.memory_space<vmem_shared>> -> memref<1280x128xf32, #tpu.memory_space<vmem_shared>>
        tpu.wait_indirect_dma semaphore(%run_scoped3A_189 : memref<!tpu.dma_semaphore, #tpu.memory_space<semaphore_mem>>) src(%arg17 : memref<128x128xf32, #tpu.memory_space<vmem>>) dst(%dma_wait3A_201 : memref<1280x128xf32, #tpu.memory_space<vmem_shared>>)
        tpu.yield
      }) : () -> ()
    }
    %scan3A_35 = arith.constant 8 : i32
    "tpu.region"() ({
      %run_scoped3A_164 = tpu.sem_alloc : memref<!tpu.dma_semaphore, #tpu.memory_space<semaphore_mem>>
      %dma_start3A_165 = arith.constant 40 : i32
      %dma_start3A_166 = arith.constant 0 : i32
      %dma_start3A_167 = tpu.memref_slice %arg3[%add3A, %dma_start3A_165, %dma_start3A_166] : memref<32x80x128xi32, #tpu.memory_space<hbm>> -> memref<1x8x128xi32, #tpu.memory_space<hbm>>
      %dma_start3A_168 = tpu.memref_squeeze %dma_start3A_167 : memref<1x8x128xi32, #tpu.memory_space<hbm>> -> memref<8x128xi32, #tpu.memory_space<hbm>>
      %dma_start3A_169 = arith.constant 40 : i32
      %dma_start3A_170 = arith.constant 0 : i32
      %dma_start3A_171 = tpu.memref_slice %arg3[%add3A, %dma_start3A_169, %dma_start3A_170] : memref<32x80x128xi32, #tpu.memory_space<hbm>> -> memref<1x8x128xi32, #tpu.memory_space<hbm>>
      %dma_start3A_172 = tpu.memref_squeeze %dma_start3A_171 : memref<1x8x128xi32, #tpu.memory_space<hbm>> -> memref<8x128xi32, #tpu.memory_space<hbm>>
      tpu.enqueue_dma source(%dma_start3A_172 : memref<8x128xi32, #tpu.memory_space<hbm>>) target(%arg13 : memref<8x128xi32, #tpu.memory_space<vmem>>) target_semaphore(%run_scoped3A_164 : memref<!tpu.dma_semaphore, #tpu.memory_space<semaphore_mem>>)
      %dma_wait3A_173 = arith.constant 40 : i32
      %dma_wait3A_174 = arith.constant 0 : i32
      %dma_wait3A_175 = tpu.memref_slice %arg3[%add3A, %dma_wait3A_173, %dma_wait3A_174] : memref<32x80x128xi32, #tpu.memory_space<hbm>> -> memref<1x8x128xi32, #tpu.memory_space<hbm>>
      %dma_wait3A_176 = tpu.memref_squeeze %dma_wait3A_175 : memref<1x8x128xi32, #tpu.memory_space<hbm>> -> memref<8x128xi32, #tpu.memory_space<hbm>>
      %dma_wait3A_177 = arith.constant 40 : i32
      %dma_wait3A_178 = arith.constant 0 : i32
      %dma_wait3A_179 = tpu.memref_slice %arg3[%add3A, %dma_wait3A_177, %dma_wait3A_178] : memref<32x80x128xi32, #tpu.memory_space<hbm>> -> memref<1x8x128xi32, #tpu.memory_space<hbm>>
      %dma_wait3A_180 = tpu.memref_squeeze %dma_wait3A_179 : memref<1x8x128xi32, #tpu.memory_space<hbm>> -> memref<8x128xi32, #tpu.memory_space<hbm>>
      tpu.wait_dma2 semaphore(%run_scoped3A_164 : memref<!tpu.dma_semaphore, #tpu.memory_space<semaphore_mem>>) src(%dma_wait3A_180 : memref<8x128xi32, #tpu.memory_space<hbm>>) dst(%arg13 : memref<8x128xi32, #tpu.memory_space<vmem>>)
      tpu.yield
    }) : () -> ()
    "tpu.region"() ({
      %run_scoped3A_164 = tpu.sem_alloc : memref<!tpu.dma_semaphore, #tpu.memory_space<semaphore_mem>>
      %dma_start3A_165 = arith.constant 40 : i32
      %dma_start3A_166 = arith.constant 0 : i32
      %dma_start3A_167 = tpu.memref_slice %arg4[%add3A, %dma_start3A_165, %dma_start3A_166] : memref<32x80x128xi32, #tpu.memory_space<hbm>> -> memref<1x8x128xi32, #tpu.memory_space<hbm>>
      %dma_start3A_168 = tpu.memref_squeeze %dma_start3A_167 : memref<1x8x128xi32, #tpu.memory_space<hbm>> -> memref<8x128xi32, #tpu.memory_space<hbm>>
      %dma_start3A_169 = arith.constant 40 : i32
      %dma_start3A_170 = arith.constant 0 : i32
      %dma_start3A_171 = tpu.memref_slice %arg4[%add3A, %dma_start3A_169, %dma_start3A_170] : memref<32x80x128xi32, #tpu.memory_space<hbm>> -> memref<1x8x128xi32, #tpu.memory_space<hbm>>
      %dma_start3A_172 = tpu.memref_squeeze %dma_start3A_171 : memref<1x8x128xi32, #tpu.memory_space<hbm>> -> memref<8x128xi32, #tpu.memory_space<hbm>>
      tpu.enqueue_dma source(%dma_start3A_172 : memref<8x128xi32, #tpu.memory_space<hbm>>) target(%arg14 : memref<8x128xi32, #tpu.memory_space<vmem>>) target_semaphore(%run_scoped3A_164 : memref<!tpu.dma_semaphore, #tpu.memory_space<semaphore_mem>>)
      %dma_wait3A_173 = arith.constant 40 : i32
      %dma_wait3A_174 = arith.constant 0 : i32
      %dma_wait3A_175 = tpu.memref_slice %arg4[%add3A, %dma_wait3A_173, %dma_wait3A_174] : memref<32x80x128xi32, #tpu.memory_space<hbm>> -> memref<1x8x128xi32, #tpu.memory_space<hbm>>
      %dma_wait3A_176 = tpu.memref_squeeze %dma_wait3A_175 : memref<1x8x128xi32, #tpu.memory_space<hbm>> -> memref<8x128xi32, #tpu.memory_space<hbm>>
      %dma_wait3A_177 = arith.constant 40 : i32
      %dma_wait3A_178 = arith.constant 0 : i32
      %dma_wait3A_179 = tpu.memref_slice %arg4[%add3A, %dma_wait3A_177, %dma_wait3A_178] : memref<32x80x128xi32, #tpu.memory_space<hbm>> -> memref<1x8x128xi32, #tpu.memory_space<hbm>>
      %dma_wait3A_180 = tpu.memref_squeeze %dma_wait3A_179 : memref<1x8x128xi32, #tpu.memory_space<hbm>> -> memref<8x128xi32, #tpu.memory_space<hbm>>
      tpu.wait_dma2 semaphore(%run_scoped3A_164 : memref<!tpu.dma_semaphore, #tpu.memory_space<semaphore_mem>>) src(%dma_wait3A_180 : memref<8x128xi32, #tpu.memory_space<hbm>>) dst(%arg14 : memref<8x128xi32, #tpu.memory_space<vmem>>)
      tpu.yield
    }) : () -> ()
    "tpu.region"() ({
      %run_scoped3A_164 = tpu.sem_alloc : memref<!tpu.dma_semaphore, #tpu.memory_space<semaphore_mem>>
      %dma_start3A_165 = arith.constant 40 : i32
      %dma_start3A_166 = arith.constant 0 : i32
      %dma_start3A_167 = tpu.memref_slice %arg5[%add3A, %dma_start3A_165, %dma_start3A_166] : memref<32x80x128xi32, #tpu.memory_space<hbm>> -> memref<1x8x128xi32, #tpu.memory_space<hbm>>
      %dma_start3A_168 = tpu.memref_squeeze %dma_start3A_167 : memref<1x8x128xi32, #tpu.memory_space<hbm>> -> memref<8x128xi32, #tpu.memory_space<hbm>>
      %dma_start3A_169 = arith.constant 40 : i32
      %dma_start3A_170 = arith.constant 0 : i32
      %dma_start3A_171 = tpu.memref_slice %arg5[%add3A, %dma_start3A_169, %dma_start3A_170] : memref<32x80x128xi32, #tpu.memory_space<hbm>> -> memref<1x8x128xi32, #tpu.memory_space<hbm>>
      %dma_start3A_172 = tpu.memref_squeeze %dma_start3A_171 : memref<1x8x128xi32, #tpu.memory_space<hbm>> -> memref<8x128xi32, #tpu.memory_space<hbm>>
      tpu.enqueue_dma source(%dma_start3A_172 : memref<8x128xi32, #tpu.memory_space<hbm>>) target(%arg15 : memref<8x128xi32, #tpu.memory_space<vmem>>) target_semaphore(%run_scoped3A_164 : memref<!tpu.dma_semaphore, #tpu.memory_space<semaphore_mem>>)
      %dma_wait3A_173 = arith.constant 40 : i32
      %dma_wait3A_174 = arith.constant 0 : i32
      %dma_wait3A_175 = tpu.memref_slice %arg5[%add3A, %dma_wait3A_173, %dma_wait3A_174] : memref<32x80x128xi32, #tpu.memory_space<hbm>> -> memref<1x8x128xi32, #tpu.memory_space<hbm>>
      %dma_wait3A_176 = tpu.memref_squeeze %dma_wait3A_175 : memref<1x8x128xi32, #tpu.memory_space<hbm>> -> memref<8x128xi32, #tpu.memory_space<hbm>>
      %dma_wait3A_177 = arith.constant 40 : i32
      %dma_wait3A_178 = arith.constant 0 : i32
      %dma_wait3A_179 = tpu.memref_slice %arg5[%add3A, %dma_wait3A_177, %dma_wait3A_178] : memref<32x80x128xi32, #tpu.memory_space<hbm>> -> memref<1x8x128xi32, #tpu.memory_space<hbm>>
      %dma_wait3A_180 = tpu.memref_squeeze %dma_wait3A_179 : memref<1x8x128xi32, #tpu.memory_space<hbm>> -> memref<8x128xi32, #tpu.memory_space<hbm>>
      tpu.wait_dma2 semaphore(%run_scoped3A_164 : memref<!tpu.dma_semaphore, #tpu.memory_space<semaphore_mem>>) src(%dma_wait3A_180 : memref<8x128xi32, #tpu.memory_space<hbm>>) dst(%arg15 : memref<8x128xi32, #tpu.memory_space<vmem>>)
      tpu.yield
    }) : () -> ()
    "tpu.region"() ({
      %run_scoped3A_164 = tpu.sem_alloc : memref<!tpu.dma_semaphore, #tpu.memory_space<semaphore_mem>>
      %dma_start3A_165 = arith.constant 40 : i32
      %dma_start3A_166 = arith.constant 0 : i32
      %dma_start3A_167 = tpu.memref_slice %arg6[%add3A, %dma_start3A_165, %dma_start3A_166] : memref<32x80x128xi32, #tpu.memory_space<hbm>> -> memref<1x8x128xi32, #tpu.memory_space<hbm>>
      %dma_start3A_168 = tpu.memref_squeeze %dma_start3A_167 : memref<1x8x128xi32, #tpu.memory_space<hbm>> -> memref<8x128xi32, #tpu.memory_space<hbm>>
      %dma_start3A_169 = arith.constant 40 : i32
      %dma_start3A_170 = arith.constant 0 : i32
      %dma_start3A_171 = tpu.memref_slice %arg6[%add3A, %dma_start3A_169, %dma_start3A_170] : memref<32x80x128xi32, #tpu.memory_space<hbm>> -> memref<1x8x128xi32, #tpu.memory_space<hbm>>
      %dma_start3A_172 = tpu.memref_squeeze %dma_start3A_171 : memref<1x8x128xi32, #tpu.memory_space<hbm>> -> memref<8x128xi32, #tpu.memory_space<hbm>>
      tpu.enqueue_dma source(%dma_start3A_172 : memref<8x128xi32, #tpu.memory_space<hbm>>) target(%arg16 : memref<8x128xi32, #tpu.memory_space<vmem>>) target_semaphore(%run_scoped3A_164 : memref<!tpu.dma_semaphore, #tpu.memory_space<semaphore_mem>>)
      %dma_wait3A_173 = arith.constant 40 : i32
      %dma_wait3A_174 = arith.constant 0 : i32
      %dma_wait3A_175 = tpu.memref_slice %arg6[%add3A, %dma_wait3A_173, %dma_wait3A_174] : memref<32x80x128xi32, #tpu.memory_space<hbm>> -> memref<1x8x128xi32, #tpu.memory_space<hbm>>
      %dma_wait3A_176 = tpu.memref_squeeze %dma_wait3A_175 : memref<1x8x128xi32, #tpu.memory_space<hbm>> -> memref<8x128xi32, #tpu.memory_space<hbm>>
      %dma_wait3A_177 = arith.constant 40 : i32
      %dma_wait3A_178 = arith.constant 0 : i32
      %dma_wait3A_179 = tpu.memref_slice %arg6[%add3A, %dma_wait3A_177, %dma_wait3A_178] : memref<32x80x128xi32, #tpu.memory_space<hbm>> -> memref<1x8x128xi32, #tpu.memory_space<hbm>>
      %dma_wait3A_180 = tpu.memref_squeeze %dma_wait3A_179 : memref<1x8x128xi32, #tpu.memory_space<hbm>> -> memref<8x128xi32, #tpu.memory_space<hbm>>
      tpu.wait_dma2 semaphore(%run_scoped3A_164 : memref<!tpu.dma_semaphore, #tpu.memory_space<semaphore_mem>>) src(%dma_wait3A_180 : memref<8x128xi32, #tpu.memory_space<hbm>>) dst(%arg16 : memref<8x128xi32, #tpu.memory_space<vmem>>)
      tpu.yield
    }) : () -> ()
    %scan3A_36 = arith.constant 0 : i32
    %scan3A_37 = arith.constant 0 : i32
    %scan3A_38 = arith.constant 8 : i32
    %scan3A_39 = arith.addi %scan3A_37, %scan3A_38 : i32
    %scan3A_40 = arith.constant 1 : i32
    scf.for %scan3A_164 = %scan3A_37 to %scan3A_39 step %scan3A_40  : i32 {
      %dma_start3A_165 = arith.constant 0 : i32
      %dma_start3A_166 = tpu.memref_slice %arg13[%scan3A_164, %dma_start3A_165] : memref<8x128xi32, #tpu.memory_space<vmem>> -> memref<1x128xi32, #tpu.memory_space<vmem>>
      %dma_start3A_167 = tpu.memref_squeeze %dma_start3A_166 : memref<1x128xi32, #tpu.memory_space<vmem>> -> memref<128xi32, #tpu.memory_space<vmem>>
      %dma_start3A_168 = arith.constant 0 : i32
      %dma_start3A_169 = arith.constant 0 : i32
      %dma_start3A_170 = tpu.memref_slice %arg2[%dma_start3A_168, %dma_start3A_169] : memref<10000x128xf32, #tpu.memory_space<hbm>> -> memref<10000x128xf32, #tpu.memory_space<hbm>>
      tpu.enqueue_indirect_dma source(%dma_start3A_170 : memref<10000x128xf32, #tpu.memory_space<hbm>>) target(%arg17 : memref<128x128xf32, #tpu.memory_space<vmem>>) offsets(%dma_start3A_167 : memref<128xi32, #tpu.memory_space<vmem>>) semaphore(%arg20 : memref<!tpu.dma_semaphore, #tpu.memory_space<semaphore_mem>>)
      %dma_wait3A_171 = arith.constant 0 : i32
      %dma_wait3A_172 = tpu.memref_slice %arg13[%scan3A_164, %dma_wait3A_171] : memref<8x128xi32, #tpu.memory_space<vmem>> -> memref<1x128xi32, #tpu.memory_space<vmem>>
      %dma_wait3A_173 = tpu.memref_squeeze %dma_wait3A_172 : memref<1x128xi32, #tpu.memory_space<vmem>> -> memref<128xi32, #tpu.memory_space<vmem>>
      %dma_wait3A_174 = arith.constant 0 : i32
      %dma_wait3A_175 = arith.constant 0 : i32
      %dma_wait3A_176 = tpu.memref_slice %arg2[%dma_wait3A_174, %dma_wait3A_175] : memref<10000x128xf32, #tpu.memory_space<hbm>> -> memref<10000x128xf32, #tpu.memory_space<hbm>>
      tpu.wait_indirect_dma semaphore(%arg20 : memref<!tpu.dma_semaphore, #tpu.memory_space<semaphore_mem>>) src(%dma_wait3A_176 : memref<10000x128xf32, #tpu.memory_space<hbm>>) dst(%arg17 : memref<128x128xf32, #tpu.memory_space<vmem>>)
      "tpu.region"() ({
        %run_scoped3A_189 = tpu.sem_alloc : memref<!tpu.dma_semaphore, #tpu.memory_space<semaphore_mem>>
        %dma_start3A_190 = arith.constant 0 : i32
        %dma_start3A_191 = tpu.memref_slice %arg14[%scan3A_164, %dma_start3A_190] : memref<8x128xi32, #tpu.memory_space<vmem>> -> memref<1x128xi32, #tpu.memory_space<vmem>>
        %dma_start3A_192 = tpu.memref_squeeze %dma_start3A_191 : memref<1x128xi32, #tpu.memory_space<vmem>> -> memref<128xi32, #tpu.memory_space<vmem>>
        %dma_start3A_193 = arith.constant 0 : i32
        %dma_start3A_194 = arith.constant 0 : i32
        %dma_start3A_195 = tpu.memref_slice %arg21[%dma_start3A_193, %dma_start3A_194] : memref<10240x128xf32, #tpu.memory_space<vmem_shared>> -> memref<10240x128xf32, #tpu.memory_space<vmem_shared>>
        tpu.enqueue_indirect_dma source(%arg17 : memref<128x128xf32, #tpu.memory_space<vmem>>) target(%dma_start3A_195 : memref<10240x128xf32, #tpu.memory_space<vmem_shared>>) offsets(%dma_start3A_192 : memref<128xi32, #tpu.memory_space<vmem>>) semaphore(%run_scoped3A_189 : memref<!tpu.dma_semaphore, #tpu.memory_space<semaphore_mem>>) {add = true}
        %dma_wait3A_196 = arith.constant 0 : i32
        %dma_wait3A_197 = tpu.memref_slice %arg14[%scan3A_164, %dma_wait3A_196] : memref<8x128xi32, #tpu.memory_space<vmem>> -> memref<1x128xi32, #tpu.memory_space<vmem>>
        %dma_wait3A_198 = tpu.memref_squeeze %dma_wait3A_197 : memref<1x128xi32, #tpu.memory_space<vmem>> -> memref<128xi32, #tpu.memory_space<vmem>>
        %dma_wait3A_199 = arith.constant 0 : i32
        %dma_wait3A_200 = arith.constant 0 : i32
        %dma_wait3A_201 = tpu.memref_slice %arg21[%dma_wait3A_199, %dma_wait3A_200] : memref<10240x128xf32, #tpu.memory_space<vmem_shared>> -> memref<10240x128xf32, #tpu.memory_space<vmem_shared>>
        tpu.wait_indirect_dma semaphore(%run_scoped3A_189 : memref<!tpu.dma_semaphore, #tpu.memory_space<semaphore_mem>>) src(%arg17 : memref<128x128xf32, #tpu.memory_space<vmem>>) dst(%dma_wait3A_201 : memref<10240x128xf32, #tpu.memory_space<vmem_shared>>)
        tpu.yield
      }) : () -> ()
      %dma_start3A_177 = arith.constant 0 : i32
      %dma_start3A_178 = tpu.memref_slice %arg16[%scan3A_164, %dma_start3A_177] : memref<8x128xi32, #tpu.memory_space<vmem>> -> memref<1x128xi32, #tpu.memory_space<vmem>>
      %dma_start3A_179 = tpu.memref_squeeze %dma_start3A_178 : memref<1x128xi32, #tpu.memory_space<vmem>> -> memref<128xi32, #tpu.memory_space<vmem>>
      %dma_start3A_180 = arith.constant 0 : i32
      %dma_start3A_181 = arith.constant 0 : i32
      %dma_start3A_182 = tpu.memref_slice %arg7[%dma_start3A_180, %dma_start3A_181] : memref<1024x128xf32, #tpu.memory_space<hbm>> -> memref<1024x128xf32, #tpu.memory_space<hbm>>
      tpu.enqueue_indirect_dma source(%dma_start3A_182 : memref<1024x128xf32, #tpu.memory_space<hbm>>) target(%arg17 : memref<128x128xf32, #tpu.memory_space<vmem>>) offsets(%dma_start3A_179 : memref<128xi32, #tpu.memory_space<vmem>>) semaphore(%arg20 : memref<!tpu.dma_semaphore, #tpu.memory_space<semaphore_mem>>)
      %dma_wait3A_183 = arith.constant 0 : i32
      %dma_wait3A_184 = tpu.memref_slice %arg16[%scan3A_164, %dma_wait3A_183] : memref<8x128xi32, #tpu.memory_space<vmem>> -> memref<1x128xi32, #tpu.memory_space<vmem>>
      %dma_wait3A_185 = tpu.memref_squeeze %dma_wait3A_184 : memref<1x128xi32, #tpu.memory_space<vmem>> -> memref<128xi32, #tpu.memory_space<vmem>>
      %dma_wait3A_186 = arith.constant 0 : i32
      %dma_wait3A_187 = arith.constant 0 : i32
      %dma_wait3A_188 = tpu.memref_slice %arg7[%dma_wait3A_186, %dma_wait3A_187] : memref<1024x128xf32, #tpu.memory_space<hbm>> -> memref<1024x128xf32, #tpu.memory_space<hbm>>
      tpu.wait_indirect_dma semaphore(%arg20 : memref<!tpu.dma_semaphore, #tpu.memory_space<semaphore_mem>>) src(%dma_wait3A_188 : memref<1024x128xf32, #tpu.memory_space<hbm>>) dst(%arg17 : memref<128x128xf32, #tpu.memory_space<vmem>>)
      "tpu.region"() ({
        %run_scoped3A_189 = tpu.sem_alloc : memref<!tpu.dma_semaphore, #tpu.memory_space<semaphore_mem>>
        %dma_start3A_190 = arith.constant 0 : i32
        %dma_start3A_191 = tpu.memref_slice %arg15[%scan3A_164, %dma_start3A_190] : memref<8x128xi32, #tpu.memory_space<vmem>> -> memref<1x128xi32, #tpu.memory_space<vmem>>
        %dma_start3A_192 = tpu.memref_squeeze %dma_start3A_191 : memref<1x128xi32, #tpu.memory_space<vmem>> -> memref<128xi32, #tpu.memory_space<vmem>>
        %dma_start3A_193 = arith.constant 0 : i32
        %dma_start3A_194 = arith.constant 0 : i32
        %dma_start3A_195 = tpu.memref_slice %arg22[%dma_start3A_193, %dma_start3A_194] : memref<1280x128xf32, #tpu.memory_space<vmem_shared>> -> memref<1280x128xf32, #tpu.memory_space<vmem_shared>>
        tpu.enqueue_indirect_dma source(%arg17 : memref<128x128xf32, #tpu.memory_space<vmem>>) target(%dma_start3A_195 : memref<1280x128xf32, #tpu.memory_space<vmem_shared>>) offsets(%dma_start3A_192 : memref<128xi32, #tpu.memory_space<vmem>>) semaphore(%run_scoped3A_189 : memref<!tpu.dma_semaphore, #tpu.memory_space<semaphore_mem>>) {add = true}
        %dma_wait3A_196 = arith.constant 0 : i32
        %dma_wait3A_197 = tpu.memref_slice %arg15[%scan3A_164, %dma_wait3A_196] : memref<8x128xi32, #tpu.memory_space<vmem>> -> memref<1x128xi32, #tpu.memory_space<vmem>>
        %dma_wait3A_198 = tpu.memref_squeeze %dma_wait3A_197 : memref<1x128xi32, #tpu.memory_space<vmem>> -> memref<128xi32, #tpu.memory_space<vmem>>
        %dma_wait3A_199 = arith.constant 0 : i32
        %dma_wait3A_200 = arith.constant 0 : i32
        %dma_wait3A_201 = tpu.memref_slice %arg22[%dma_wait3A_199, %dma_wait3A_200] : memref<1280x128xf32, #tpu.memory_space<vmem_shared>> -> memref<1280x128xf32, #tpu.memory_space<vmem_shared>>
        tpu.wait_indirect_dma semaphore(%run_scoped3A_189 : memref<!tpu.dma_semaphore, #tpu.memory_space<semaphore_mem>>) src(%arg17 : memref<128x128xf32, #tpu.memory_space<vmem>>) dst(%dma_wait3A_201 : memref<1280x128xf32, #tpu.memory_space<vmem_shared>>)
        tpu.yield
      }) : () -> ()
    }
    %scan3A_41 = arith.constant 8 : i32
    "tpu.region"() ({
      %run_scoped3A_164 = tpu.sem_alloc : memref<!tpu.dma_semaphore, #tpu.memory_space<semaphore_mem>>
      %dma_start3A_165 = arith.constant 48 : i32
      %dma_start3A_166 = arith.constant 0 : i32
      %dma_start3A_167 = tpu.memref_slice %arg3[%add3A, %dma_start3A_165, %dma_start3A_166] : memref<32x80x128xi32, #tpu.memory_space<hbm>> -> memref<1x8x128xi32, #tpu.memory_space<hbm>>
      %dma_start3A_168 = tpu.memref_squeeze %dma_start3A_167 : memref<1x8x128xi32, #tpu.memory_space<hbm>> -> memref<8x128xi32, #tpu.memory_space<hbm>>
      %dma_start3A_169 = arith.constant 48 : i32
      %dma_start3A_170 = arith.constant 0 : i32
      %dma_start3A_171 = tpu.memref_slice %arg3[%add3A, %dma_start3A_169, %dma_start3A_170] : memref<32x80x128xi32, #tpu.memory_space<hbm>> -> memref<1x8x128xi32, #tpu.memory_space<hbm>>
      %dma_start3A_172 = tpu.memref_squeeze %dma_start3A_171 : memref<1x8x128xi32, #tpu.memory_space<hbm>> -> memref<8x128xi32, #tpu.memory_space<hbm>>
      tpu.enqueue_dma source(%dma_start3A_172 : memref<8x128xi32, #tpu.memory_space<hbm>>) target(%arg13 : memref<8x128xi32, #tpu.memory_space<vmem>>) target_semaphore(%run_scoped3A_164 : memref<!tpu.dma_semaphore, #tpu.memory_space<semaphore_mem>>)
      %dma_wait3A_173 = arith.constant 48 : i32
      %dma_wait3A_174 = arith.constant 0 : i32
      %dma_wait3A_175 = tpu.memref_slice %arg3[%add3A, %dma_wait3A_173, %dma_wait3A_174] : memref<32x80x128xi32, #tpu.memory_space<hbm>> -> memref<1x8x128xi32, #tpu.memory_space<hbm>>
      %dma_wait3A_176 = tpu.memref_squeeze %dma_wait3A_175 : memref<1x8x128xi32, #tpu.memory_space<hbm>> -> memref<8x128xi32, #tpu.memory_space<hbm>>
      %dma_wait3A_177 = arith.constant 48 : i32
      %dma_wait3A_178 = arith.constant 0 : i32
      %dma_wait3A_179 = tpu.memref_slice %arg3[%add3A, %dma_wait3A_177, %dma_wait3A_178] : memref<32x80x128xi32, #tpu.memory_space<hbm>> -> memref<1x8x128xi32, #tpu.memory_space<hbm>>
      %dma_wait3A_180 = tpu.memref_squeeze %dma_wait3A_179 : memref<1x8x128xi32, #tpu.memory_space<hbm>> -> memref<8x128xi32, #tpu.memory_space<hbm>>
      tpu.wait_dma2 semaphore(%run_scoped3A_164 : memref<!tpu.dma_semaphore, #tpu.memory_space<semaphore_mem>>) src(%dma_wait3A_180 : memref<8x128xi32, #tpu.memory_space<hbm>>) dst(%arg13 : memref<8x128xi32, #tpu.memory_space<vmem>>)
      tpu.yield
    }) : () -> ()
    "tpu.region"() ({
      %run_scoped3A_164 = tpu.sem_alloc : memref<!tpu.dma_semaphore, #tpu.memory_space<semaphore_mem>>
      %dma_start3A_165 = arith.constant 48 : i32
      %dma_start3A_166 = arith.constant 0 : i32
      %dma_start3A_167 = tpu.memref_slice %arg4[%add3A, %dma_start3A_165, %dma_start3A_166] : memref<32x80x128xi32, #tpu.memory_space<hbm>> -> memref<1x8x128xi32, #tpu.memory_space<hbm>>
      %dma_start3A_168 = tpu.memref_squeeze %dma_start3A_167 : memref<1x8x128xi32, #tpu.memory_space<hbm>> -> memref<8x128xi32, #tpu.memory_space<hbm>>
      %dma_start3A_169 = arith.constant 48 : i32
      %dma_start3A_170 = arith.constant 0 : i32
      %dma_start3A_171 = tpu.memref_slice %arg4[%add3A, %dma_start3A_169, %dma_start3A_170] : memref<32x80x128xi32, #tpu.memory_space<hbm>> -> memref<1x8x128xi32, #tpu.memory_space<hbm>>
      %dma_start3A_172 = tpu.memref_squeeze %dma_start3A_171 : memref<1x8x128xi32, #tpu.memory_space<hbm>> -> memref<8x128xi32, #tpu.memory_space<hbm>>
      tpu.enqueue_dma source(%dma_start3A_172 : memref<8x128xi32, #tpu.memory_space<hbm>>) target(%arg14 : memref<8x128xi32, #tpu.memory_space<vmem>>) target_semaphore(%run_scoped3A_164 : memref<!tpu.dma_semaphore, #tpu.memory_space<semaphore_mem>>)
      %dma_wait3A_173 = arith.constant 48 : i32
      %dma_wait3A_174 = arith.constant 0 : i32
      %dma_wait3A_175 = tpu.memref_slice %arg4[%add3A, %dma_wait3A_173, %dma_wait3A_174] : memref<32x80x128xi32, #tpu.memory_space<hbm>> -> memref<1x8x128xi32, #tpu.memory_space<hbm>>
      %dma_wait3A_176 = tpu.memref_squeeze %dma_wait3A_175 : memref<1x8x128xi32, #tpu.memory_space<hbm>> -> memref<8x128xi32, #tpu.memory_space<hbm>>
      %dma_wait3A_177 = arith.constant 48 : i32
      %dma_wait3A_178 = arith.constant 0 : i32
      %dma_wait3A_179 = tpu.memref_slice %arg4[%add3A, %dma_wait3A_177, %dma_wait3A_178] : memref<32x80x128xi32, #tpu.memory_space<hbm>> -> memref<1x8x128xi32, #tpu.memory_space<hbm>>
      %dma_wait3A_180 = tpu.memref_squeeze %dma_wait3A_179 : memref<1x8x128xi32, #tpu.memory_space<hbm>> -> memref<8x128xi32, #tpu.memory_space<hbm>>
      tpu.wait_dma2 semaphore(%run_scoped3A_164 : memref<!tpu.dma_semaphore, #tpu.memory_space<semaphore_mem>>) src(%dma_wait3A_180 : memref<8x128xi32, #tpu.memory_space<hbm>>) dst(%arg14 : memref<8x128xi32, #tpu.memory_space<vmem>>)
      tpu.yield
    }) : () -> ()
    "tpu.region"() ({
      %run_scoped3A_164 = tpu.sem_alloc : memref<!tpu.dma_semaphore, #tpu.memory_space<semaphore_mem>>
      %dma_start3A_165 = arith.constant 48 : i32
      %dma_start3A_166 = arith.constant 0 : i32
      %dma_start3A_167 = tpu.memref_slice %arg5[%add3A, %dma_start3A_165, %dma_start3A_166] : memref<32x80x128xi32, #tpu.memory_space<hbm>> -> memref<1x8x128xi32, #tpu.memory_space<hbm>>
      %dma_start3A_168 = tpu.memref_squeeze %dma_start3A_167 : memref<1x8x128xi32, #tpu.memory_space<hbm>> -> memref<8x128xi32, #tpu.memory_space<hbm>>
      %dma_start3A_169 = arith.constant 48 : i32
      %dma_start3A_170 = arith.constant 0 : i32
      %dma_start3A_171 = tpu.memref_slice %arg5[%add3A, %dma_start3A_169, %dma_start3A_170] : memref<32x80x128xi32, #tpu.memory_space<hbm>> -> memref<1x8x128xi32, #tpu.memory_space<hbm>>
      %dma_start3A_172 = tpu.memref_squeeze %dma_start3A_171 : memref<1x8x128xi32, #tpu.memory_space<hbm>> -> memref<8x128xi32, #tpu.memory_space<hbm>>
      tpu.enqueue_dma source(%dma_start3A_172 : memref<8x128xi32, #tpu.memory_space<hbm>>) target(%arg15 : memref<8x128xi32, #tpu.memory_space<vmem>>) target_semaphore(%run_scoped3A_164 : memref<!tpu.dma_semaphore, #tpu.memory_space<semaphore_mem>>)
      %dma_wait3A_173 = arith.constant 48 : i32
      %dma_wait3A_174 = arith.constant 0 : i32
      %dma_wait3A_175 = tpu.memref_slice %arg5[%add3A, %dma_wait3A_173, %dma_wait3A_174] : memref<32x80x128xi32, #tpu.memory_space<hbm>> -> memref<1x8x128xi32, #tpu.memory_space<hbm>>
      %dma_wait3A_176 = tpu.memref_squeeze %dma_wait3A_175 : memref<1x8x128xi32, #tpu.memory_space<hbm>> -> memref<8x128xi32, #tpu.memory_space<hbm>>
      %dma_wait3A_177 = arith.constant 48 : i32
      %dma_wait3A_178 = arith.constant 0 : i32
      %dma_wait3A_179 = tpu.memref_slice %arg5[%add3A, %dma_wait3A_177, %dma_wait3A_178] : memref<32x80x128xi32, #tpu.memory_space<hbm>> -> memref<1x8x128xi32, #tpu.memory_space<hbm>>
      %dma_wait3A_180 = tpu.memref_squeeze %dma_wait3A_179 : memref<1x8x128xi32, #tpu.memory_space<hbm>> -> memref<8x128xi32, #tpu.memory_space<hbm>>
      tpu.wait_dma2 semaphore(%run_scoped3A_164 : memref<!tpu.dma_semaphore, #tpu.memory_space<semaphore_mem>>) src(%dma_wait3A_180 : memref<8x128xi32, #tpu.memory_space<hbm>>) dst(%arg15 : memref<8x128xi32, #tpu.memory_space<vmem>>)
      tpu.yield
    }) : () -> ()
    "tpu.region"() ({
      %run_scoped3A_164 = tpu.sem_alloc : memref<!tpu.dma_semaphore, #tpu.memory_space<semaphore_mem>>
      %dma_start3A_165 = arith.constant 48 : i32
      %dma_start3A_166 = arith.constant 0 : i32
      %dma_start3A_167 = tpu.memref_slice %arg6[%add3A, %dma_start3A_165, %dma_start3A_166] : memref<32x80x128xi32, #tpu.memory_space<hbm>> -> memref<1x8x128xi32, #tpu.memory_space<hbm>>
      %dma_start3A_168 = tpu.memref_squeeze %dma_start3A_167 : memref<1x8x128xi32, #tpu.memory_space<hbm>> -> memref<8x128xi32, #tpu.memory_space<hbm>>
      %dma_start3A_169 = arith.constant 48 : i32
      %dma_start3A_170 = arith.constant 0 : i32
      %dma_start3A_171 = tpu.memref_slice %arg6[%add3A, %dma_start3A_169, %dma_start3A_170] : memref<32x80x128xi32, #tpu.memory_space<hbm>> -> memref<1x8x128xi32, #tpu.memory_space<hbm>>
      %dma_start3A_172 = tpu.memref_squeeze %dma_start3A_171 : memref<1x8x128xi32, #tpu.memory_space<hbm>> -> memref<8x128xi32, #tpu.memory_space<hbm>>
      tpu.enqueue_dma source(%dma_start3A_172 : memref<8x128xi32, #tpu.memory_space<hbm>>) target(%arg16 : memref<8x128xi32, #tpu.memory_space<vmem>>) target_semaphore(%run_scoped3A_164 : memref<!tpu.dma_semaphore, #tpu.memory_space<semaphore_mem>>)
      %dma_wait3A_173 = arith.constant 48 : i32
      %dma_wait3A_174 = arith.constant 0 : i32
      %dma_wait3A_175 = tpu.memref_slice %arg6[%add3A, %dma_wait3A_173, %dma_wait3A_174] : memref<32x80x128xi32, #tpu.memory_space<hbm>> -> memref<1x8x128xi32, #tpu.memory_space<hbm>>
      %dma_wait3A_176 = tpu.memref_squeeze %dma_wait3A_175 : memref<1x8x128xi32, #tpu.memory_space<hbm>> -> memref<8x128xi32, #tpu.memory_space<hbm>>
      %dma_wait3A_177 = arith.constant 48 : i32
      %dma_wait3A_178 = arith.constant 0 : i32
      %dma_wait3A_179 = tpu.memref_slice %arg6[%add3A, %dma_wait3A_177, %dma_wait3A_178] : memref<32x80x128xi32, #tpu.memory_space<hbm>> -> memref<1x8x128xi32, #tpu.memory_space<hbm>>
      %dma_wait3A_180 = tpu.memref_squeeze %dma_wait3A_179 : memref<1x8x128xi32, #tpu.memory_space<hbm>> -> memref<8x128xi32, #tpu.memory_space<hbm>>
      tpu.wait_dma2 semaphore(%run_scoped3A_164 : memref<!tpu.dma_semaphore, #tpu.memory_space<semaphore_mem>>) src(%dma_wait3A_180 : memref<8x128xi32, #tpu.memory_space<hbm>>) dst(%arg16 : memref<8x128xi32, #tpu.memory_space<vmem>>)
      tpu.yield
    }) : () -> ()
    %scan3A_42 = arith.constant 0 : i32
    %scan3A_43 = arith.constant 0 : i32
    %scan3A_44 = arith.constant 8 : i32
    %scan3A_45 = arith.addi %scan3A_43, %scan3A_44 : i32
    %scan3A_46 = arith.constant 1 : i32
    scf.for %scan3A_164 = %scan3A_43 to %scan3A_45 step %scan3A_46  : i32 {
      %dma_start3A_165 = arith.constant 0 : i32
      %dma_start3A_166 = tpu.memref_slice %arg13[%scan3A_164, %dma_start3A_165] : memref<8x128xi32, #tpu.memory_space<vmem>> -> memref<1x128xi32, #tpu.memory_space<vmem>>
      %dma_start3A_167 = tpu.memref_squeeze %dma_start3A_166 : memref<1x128xi32, #tpu.memory_space<vmem>> -> memref<128xi32, #tpu.memory_space<vmem>>
      %dma_start3A_168 = arith.constant 0 : i32
      %dma_start3A_169 = arith.constant 0 : i32
      %dma_start3A_170 = tpu.memref_slice %arg2[%dma_start3A_168, %dma_start3A_169] : memref<10000x128xf32, #tpu.memory_space<hbm>> -> memref<10000x128xf32, #tpu.memory_space<hbm>>
      tpu.enqueue_indirect_dma source(%dma_start3A_170 : memref<10000x128xf32, #tpu.memory_space<hbm>>) target(%arg17 : memref<128x128xf32, #tpu.memory_space<vmem>>) offsets(%dma_start3A_167 : memref<128xi32, #tpu.memory_space<vmem>>) semaphore(%arg20 : memref<!tpu.dma_semaphore, #tpu.memory_space<semaphore_mem>>)
      %dma_wait3A_171 = arith.constant 0 : i32
      %dma_wait3A_172 = tpu.memref_slice %arg13[%scan3A_164, %dma_wait3A_171] : memref<8x128xi32, #tpu.memory_space<vmem>> -> memref<1x128xi32, #tpu.memory_space<vmem>>
      %dma_wait3A_173 = tpu.memref_squeeze %dma_wait3A_172 : memref<1x128xi32, #tpu.memory_space<vmem>> -> memref<128xi32, #tpu.memory_space<vmem>>
      %dma_wait3A_174 = arith.constant 0 : i32
      %dma_wait3A_175 = arith.constant 0 : i32
      %dma_wait3A_176 = tpu.memref_slice %arg2[%dma_wait3A_174, %dma_wait3A_175] : memref<10000x128xf32, #tpu.memory_space<hbm>> -> memref<10000x128xf32, #tpu.memory_space<hbm>>
      tpu.wait_indirect_dma semaphore(%arg20 : memref<!tpu.dma_semaphore, #tpu.memory_space<semaphore_mem>>) src(%dma_wait3A_176 : memref<10000x128xf32, #tpu.memory_space<hbm>>) dst(%arg17 : memref<128x128xf32, #tpu.memory_space<vmem>>)
      "tpu.region"() ({
        %run_scoped3A_189 = tpu.sem_alloc : memref<!tpu.dma_semaphore, #tpu.memory_space<semaphore_mem>>
        %dma_start3A_190 = arith.constant 0 : i32
        %dma_start3A_191 = tpu.memref_slice %arg14[%scan3A_164, %dma_start3A_190] : memref<8x128xi32, #tpu.memory_space<vmem>> -> memref<1x128xi32, #tpu.memory_space<vmem>>
        %dma_start3A_192 = tpu.memref_squeeze %dma_start3A_191 : memref<1x128xi32, #tpu.memory_space<vmem>> -> memref<128xi32, #tpu.memory_space<vmem>>
        %dma_start3A_193 = arith.constant 0 : i32
        %dma_start3A_194 = arith.constant 0 : i32
        %dma_start3A_195 = tpu.memref_slice %arg21[%dma_start3A_193, %dma_start3A_194] : memref<10240x128xf32, #tpu.memory_space<vmem_shared>> -> memref<10240x128xf32, #tpu.memory_space<vmem_shared>>
        tpu.enqueue_indirect_dma source(%arg17 : memref<128x128xf32, #tpu.memory_space<vmem>>) target(%dma_start3A_195 : memref<10240x128xf32, #tpu.memory_space<vmem_shared>>) offsets(%dma_start3A_192 : memref<128xi32, #tpu.memory_space<vmem>>) semaphore(%run_scoped3A_189 : memref<!tpu.dma_semaphore, #tpu.memory_space<semaphore_mem>>) {add = true}
        %dma_wait3A_196 = arith.constant 0 : i32
        %dma_wait3A_197 = tpu.memref_slice %arg14[%scan3A_164, %dma_wait3A_196] : memref<8x128xi32, #tpu.memory_space<vmem>> -> memref<1x128xi32, #tpu.memory_space<vmem>>
        %dma_wait3A_198 = tpu.memref_squeeze %dma_wait3A_197 : memref<1x128xi32, #tpu.memory_space<vmem>> -> memref<128xi32, #tpu.memory_space<vmem>>
        %dma_wait3A_199 = arith.constant 0 : i32
        %dma_wait3A_200 = arith.constant 0 : i32
        %dma_wait3A_201 = tpu.memref_slice %arg21[%dma_wait3A_199, %dma_wait3A_200] : memref<10240x128xf32, #tpu.memory_space<vmem_shared>> -> memref<10240x128xf32, #tpu.memory_space<vmem_shared>>
        tpu.wait_indirect_dma semaphore(%run_scoped3A_189 : memref<!tpu.dma_semaphore, #tpu.memory_space<semaphore_mem>>) src(%arg17 : memref<128x128xf32, #tpu.memory_space<vmem>>) dst(%dma_wait3A_201 : memref<10240x128xf32, #tpu.memory_space<vmem_shared>>)
        tpu.yield
      }) : () -> ()
      %dma_start3A_177 = arith.constant 0 : i32
      %dma_start3A_178 = tpu.memref_slice %arg16[%scan3A_164, %dma_start3A_177] : memref<8x128xi32, #tpu.memory_space<vmem>> -> memref<1x128xi32, #tpu.memory_space<vmem>>
      %dma_start3A_179 = tpu.memref_squeeze %dma_start3A_178 : memref<1x128xi32, #tpu.memory_space<vmem>> -> memref<128xi32, #tpu.memory_space<vmem>>
      %dma_start3A_180 = arith.constant 0 : i32
      %dma_start3A_181 = arith.constant 0 : i32
      %dma_start3A_182 = tpu.memref_slice %arg7[%dma_start3A_180, %dma_start3A_181] : memref<1024x128xf32, #tpu.memory_space<hbm>> -> memref<1024x128xf32, #tpu.memory_space<hbm>>
      tpu.enqueue_indirect_dma source(%dma_start3A_182 : memref<1024x128xf32, #tpu.memory_space<hbm>>) target(%arg17 : memref<128x128xf32, #tpu.memory_space<vmem>>) offsets(%dma_start3A_179 : memref<128xi32, #tpu.memory_space<vmem>>) semaphore(%arg20 : memref<!tpu.dma_semaphore, #tpu.memory_space<semaphore_mem>>)
      %dma_wait3A_183 = arith.constant 0 : i32
      %dma_wait3A_184 = tpu.memref_slice %arg16[%scan3A_164, %dma_wait3A_183] : memref<8x128xi32, #tpu.memory_space<vmem>> -> memref<1x128xi32, #tpu.memory_space<vmem>>
      %dma_wait3A_185 = tpu.memref_squeeze %dma_wait3A_184 : memref<1x128xi32, #tpu.memory_space<vmem>> -> memref<128xi32, #tpu.memory_space<vmem>>
      %dma_wait3A_186 = arith.constant 0 : i32
      %dma_wait3A_187 = arith.constant 0 : i32
      %dma_wait3A_188 = tpu.memref_slice %arg7[%dma_wait3A_186, %dma_wait3A_187] : memref<1024x128xf32, #tpu.memory_space<hbm>> -> memref<1024x128xf32, #tpu.memory_space<hbm>>
      tpu.wait_indirect_dma semaphore(%arg20 : memref<!tpu.dma_semaphore, #tpu.memory_space<semaphore_mem>>) src(%dma_wait3A_188 : memref<1024x128xf32, #tpu.memory_space<hbm>>) dst(%arg17 : memref<128x128xf32, #tpu.memory_space<vmem>>)
      "tpu.region"() ({
        %run_scoped3A_189 = tpu.sem_alloc : memref<!tpu.dma_semaphore, #tpu.memory_space<semaphore_mem>>
        %dma_start3A_190 = arith.constant 0 : i32
        %dma_start3A_191 = tpu.memref_slice %arg15[%scan3A_164, %dma_start3A_190] : memref<8x128xi32, #tpu.memory_space<vmem>> -> memref<1x128xi32, #tpu.memory_space<vmem>>
        %dma_start3A_192 = tpu.memref_squeeze %dma_start3A_191 : memref<1x128xi32, #tpu.memory_space<vmem>> -> memref<128xi32, #tpu.memory_space<vmem>>
        %dma_start3A_193 = arith.constant 0 : i32
        %dma_start3A_194 = arith.constant 0 : i32
        %dma_start3A_195 = tpu.memref_slice %arg22[%dma_start3A_193, %dma_start3A_194] : memref<1280x128xf32, #tpu.memory_space<vmem_shared>> -> memref<1280x128xf32, #tpu.memory_space<vmem_shared>>
        tpu.enqueue_indirect_dma source(%arg17 : memref<128x128xf32, #tpu.memory_space<vmem>>) target(%dma_start3A_195 : memref<1280x128xf32, #tpu.memory_space<vmem_shared>>) offsets(%dma_start3A_192 : memref<128xi32, #tpu.memory_space<vmem>>) semaphore(%run_scoped3A_189 : memref<!tpu.dma_semaphore, #tpu.memory_space<semaphore_mem>>) {add = true}
        %dma_wait3A_196 = arith.constant 0 : i32
        %dma_wait3A_197 = tpu.memref_slice %arg15[%scan3A_164, %dma_wait3A_196] : memref<8x128xi32, #tpu.memory_space<vmem>> -> memref<1x128xi32, #tpu.memory_space<vmem>>
        %dma_wait3A_198 = tpu.memref_squeeze %dma_wait3A_197 : memref<1x128xi32, #tpu.memory_space<vmem>> -> memref<128xi32, #tpu.memory_space<vmem>>
        %dma_wait3A_199 = arith.constant 0 : i32
        %dma_wait3A_200 = arith.constant 0 : i32
        %dma_wait3A_201 = tpu.memref_slice %arg22[%dma_wait3A_199, %dma_wait3A_200] : memref<1280x128xf32, #tpu.memory_space<vmem_shared>> -> memref<1280x128xf32, #tpu.memory_space<vmem_shared>>
        tpu.wait_indirect_dma semaphore(%run_scoped3A_189 : memref<!tpu.dma_semaphore, #tpu.memory_space<semaphore_mem>>) src(%arg17 : memref<128x128xf32, #tpu.memory_space<vmem>>) dst(%dma_wait3A_201 : memref<1280x128xf32, #tpu.memory_space<vmem_shared>>)
        tpu.yield
      }) : () -> ()
    }
    %scan3A_47 = arith.constant 8 : i32
    "tpu.region"() ({
      %run_scoped3A_164 = tpu.sem_alloc : memref<!tpu.dma_semaphore, #tpu.memory_space<semaphore_mem>>
      %dma_start3A_165 = arith.constant 56 : i32
      %dma_start3A_166 = arith.constant 0 : i32
      %dma_start3A_167 = tpu.memref_slice %arg3[%add3A, %dma_start3A_165, %dma_start3A_166] : memref<32x80x128xi32, #tpu.memory_space<hbm>> -> memref<1x8x128xi32, #tpu.memory_space<hbm>>
      %dma_start3A_168 = tpu.memref_squeeze %dma_start3A_167 : memref<1x8x128xi32, #tpu.memory_space<hbm>> -> memref<8x128xi32, #tpu.memory_space<hbm>>
      %dma_start3A_169 = arith.constant 56 : i32
      %dma_start3A_170 = arith.constant 0 : i32
      %dma_start3A_171 = tpu.memref_slice %arg3[%add3A, %dma_start3A_169, %dma_start3A_170] : memref<32x80x128xi32, #tpu.memory_space<hbm>> -> memref<1x8x128xi32, #tpu.memory_space<hbm>>
      %dma_start3A_172 = tpu.memref_squeeze %dma_start3A_171 : memref<1x8x128xi32, #tpu.memory_space<hbm>> -> memref<8x128xi32, #tpu.memory_space<hbm>>
      tpu.enqueue_dma source(%dma_start3A_172 : memref<8x128xi32, #tpu.memory_space<hbm>>) target(%arg13 : memref<8x128xi32, #tpu.memory_space<vmem>>) target_semaphore(%run_scoped3A_164 : memref<!tpu.dma_semaphore, #tpu.memory_space<semaphore_mem>>)
      %dma_wait3A_173 = arith.constant 56 : i32
      %dma_wait3A_174 = arith.constant 0 : i32
      %dma_wait3A_175 = tpu.memref_slice %arg3[%add3A, %dma_wait3A_173, %dma_wait3A_174] : memref<32x80x128xi32, #tpu.memory_space<hbm>> -> memref<1x8x128xi32, #tpu.memory_space<hbm>>
      %dma_wait3A_176 = tpu.memref_squeeze %dma_wait3A_175 : memref<1x8x128xi32, #tpu.memory_space<hbm>> -> memref<8x128xi32, #tpu.memory_space<hbm>>
      %dma_wait3A_177 = arith.constant 56 : i32
      %dma_wait3A_178 = arith.constant 0 : i32
      %dma_wait3A_179 = tpu.memref_slice %arg3[%add3A, %dma_wait3A_177, %dma_wait3A_178] : memref<32x80x128xi32, #tpu.memory_space<hbm>> -> memref<1x8x128xi32, #tpu.memory_space<hbm>>
      %dma_wait3A_180 = tpu.memref_squeeze %dma_wait3A_179 : memref<1x8x128xi32, #tpu.memory_space<hbm>> -> memref<8x128xi32, #tpu.memory_space<hbm>>
      tpu.wait_dma2 semaphore(%run_scoped3A_164 : memref<!tpu.dma_semaphore, #tpu.memory_space<semaphore_mem>>) src(%dma_wait3A_180 : memref<8x128xi32, #tpu.memory_space<hbm>>) dst(%arg13 : memref<8x128xi32, #tpu.memory_space<vmem>>)
      tpu.yield
    }) : () -> ()
    "tpu.region"() ({
      %run_scoped3A_164 = tpu.sem_alloc : memref<!tpu.dma_semaphore, #tpu.memory_space<semaphore_mem>>
      %dma_start3A_165 = arith.constant 56 : i32
      %dma_start3A_166 = arith.constant 0 : i32
      %dma_start3A_167 = tpu.memref_slice %arg4[%add3A, %dma_start3A_165, %dma_start3A_166] : memref<32x80x128xi32, #tpu.memory_space<hbm>> -> memref<1x8x128xi32, #tpu.memory_space<hbm>>
      %dma_start3A_168 = tpu.memref_squeeze %dma_start3A_167 : memref<1x8x128xi32, #tpu.memory_space<hbm>> -> memref<8x128xi32, #tpu.memory_space<hbm>>
      %dma_start3A_169 = arith.constant 56 : i32
      %dma_start3A_170 = arith.constant 0 : i32
      %dma_start3A_171 = tpu.memref_slice %arg4[%add3A, %dma_start3A_169, %dma_start3A_170] : memref<32x80x128xi32, #tpu.memory_space<hbm>> -> memref<1x8x128xi32, #tpu.memory_space<hbm>>
      %dma_start3A_172 = tpu.memref_squeeze %dma_start3A_171 : memref<1x8x128xi32, #tpu.memory_space<hbm>> -> memref<8x128xi32, #tpu.memory_space<hbm>>
      tpu.enqueue_dma source(%dma_start3A_172 : memref<8x128xi32, #tpu.memory_space<hbm>>) target(%arg14 : memref<8x128xi32, #tpu.memory_space<vmem>>) target_semaphore(%run_scoped3A_164 : memref<!tpu.dma_semaphore, #tpu.memory_space<semaphore_mem>>)
      %dma_wait3A_173 = arith.constant 56 : i32
      %dma_wait3A_174 = arith.constant 0 : i32
      %dma_wait3A_175 = tpu.memref_slice %arg4[%add3A, %dma_wait3A_173, %dma_wait3A_174] : memref<32x80x128xi32, #tpu.memory_space<hbm>> -> memref<1x8x128xi32, #tpu.memory_space<hbm>>
      %dma_wait3A_176 = tpu.memref_squeeze %dma_wait3A_175 : memref<1x8x128xi32, #tpu.memory_space<hbm>> -> memref<8x128xi32, #tpu.memory_space<hbm>>
      %dma_wait3A_177 = arith.constant 56 : i32
      %dma_wait3A_178 = arith.constant 0 : i32
      %dma_wait3A_179 = tpu.memref_slice %arg4[%add3A, %dma_wait3A_177, %dma_wait3A_178] : memref<32x80x128xi32, #tpu.memory_space<hbm>> -> memref<1x8x128xi32, #tpu.memory_space<hbm>>
      %dma_wait3A_180 = tpu.memref_squeeze %dma_wait3A_179 : memref<1x8x128xi32, #tpu.memory_space<hbm>> -> memref<8x128xi32, #tpu.memory_space<hbm>>
      tpu.wait_dma2 semaphore(%run_scoped3A_164 : memref<!tpu.dma_semaphore, #tpu.memory_space<semaphore_mem>>) src(%dma_wait3A_180 : memref<8x128xi32, #tpu.memory_space<hbm>>) dst(%arg14 : memref<8x128xi32, #tpu.memory_space<vmem>>)
      tpu.yield
    }) : () -> ()
    "tpu.region"() ({
      %run_scoped3A_164 = tpu.sem_alloc : memref<!tpu.dma_semaphore, #tpu.memory_space<semaphore_mem>>
      %dma_start3A_165 = arith.constant 56 : i32
      %dma_start3A_166 = arith.constant 0 : i32
      %dma_start3A_167 = tpu.memref_slice %arg5[%add3A, %dma_start3A_165, %dma_start3A_166] : memref<32x80x128xi32, #tpu.memory_space<hbm>> -> memref<1x8x128xi32, #tpu.memory_space<hbm>>
      %dma_start3A_168 = tpu.memref_squeeze %dma_start3A_167 : memref<1x8x128xi32, #tpu.memory_space<hbm>> -> memref<8x128xi32, #tpu.memory_space<hbm>>
      %dma_start3A_169 = arith.constant 56 : i32
      %dma_start3A_170 = arith.constant 0 : i32
      %dma_start3A_171 = tpu.memref_slice %arg5[%add3A, %dma_start3A_169, %dma_start3A_170] : memref<32x80x128xi32, #tpu.memory_space<hbm>> -> memref<1x8x128xi32, #tpu.memory_space<hbm>>
      %dma_start3A_172 = tpu.memref_squeeze %dma_start3A_171 : memref<1x8x128xi32, #tpu.memory_space<hbm>> -> memref<8x128xi32, #tpu.memory_space<hbm>>
      tpu.enqueue_dma source(%dma_start3A_172 : memref<8x128xi32, #tpu.memory_space<hbm>>) target(%arg15 : memref<8x128xi32, #tpu.memory_space<vmem>>) target_semaphore(%run_scoped3A_164 : memref<!tpu.dma_semaphore, #tpu.memory_space<semaphore_mem>>)
      %dma_wait3A_173 = arith.constant 56 : i32
      %dma_wait3A_174 = arith.constant 0 : i32
      %dma_wait3A_175 = tpu.memref_slice %arg5[%add3A, %dma_wait3A_173, %dma_wait3A_174] : memref<32x80x128xi32, #tpu.memory_space<hbm>> -> memref<1x8x128xi32, #tpu.memory_space<hbm>>
      %dma_wait3A_176 = tpu.memref_squeeze %dma_wait3A_175 : memref<1x8x128xi32, #tpu.memory_space<hbm>> -> memref<8x128xi32, #tpu.memory_space<hbm>>
      %dma_wait3A_177 = arith.constant 56 : i32
      %dma_wait3A_178 = arith.constant 0 : i32
      %dma_wait3A_179 = tpu.memref_slice %arg5[%add3A, %dma_wait3A_177, %dma_wait3A_178] : memref<32x80x128xi32, #tpu.memory_space<hbm>> -> memref<1x8x128xi32, #tpu.memory_space<hbm>>
      %dma_wait3A_180 = tpu.memref_squeeze %dma_wait3A_179 : memref<1x8x128xi32, #tpu.memory_space<hbm>> -> memref<8x128xi32, #tpu.memory_space<hbm>>
      tpu.wait_dma2 semaphore(%run_scoped3A_164 : memref<!tpu.dma_semaphore, #tpu.memory_space<semaphore_mem>>) src(%dma_wait3A_180 : memref<8x128xi32, #tpu.memory_space<hbm>>) dst(%arg15 : memref<8x128xi32, #tpu.memory_space<vmem>>)
      tpu.yield
    }) : () -> ()
    "tpu.region"() ({
      %run_scoped3A_164 = tpu.sem_alloc : memref<!tpu.dma_semaphore, #tpu.memory_space<semaphore_mem>>
      %dma_start3A_165 = arith.constant 56 : i32
      %dma_start3A_166 = arith.constant 0 : i32
      %dma_start3A_167 = tpu.memref_slice %arg6[%add3A, %dma_start3A_165, %dma_start3A_166] : memref<32x80x128xi32, #tpu.memory_space<hbm>> -> memref<1x8x128xi32, #tpu.memory_space<hbm>>
      %dma_start3A_168 = tpu.memref_squeeze %dma_start3A_167 : memref<1x8x128xi32, #tpu.memory_space<hbm>> -> memref<8x128xi32, #tpu.memory_space<hbm>>
      %dma_start3A_169 = arith.constant 56 : i32
      %dma_start3A_170 = arith.constant 0 : i32
      %dma_start3A_171 = tpu.memref_slice %arg6[%add3A, %dma_start3A_169, %dma_start3A_170] : memref<32x80x128xi32, #tpu.memory_space<hbm>> -> memref<1x8x128xi32, #tpu.memory_space<hbm>>
      %dma_start3A_172 = tpu.memref_squeeze %dma_start3A_171 : memref<1x8x128xi32, #tpu.memory_space<hbm>> -> memref<8x128xi32, #tpu.memory_space<hbm>>
      tpu.enqueue_dma source(%dma_start3A_172 : memref<8x128xi32, #tpu.memory_space<hbm>>) target(%arg16 : memref<8x128xi32, #tpu.memory_space<vmem>>) target_semaphore(%run_scoped3A_164 : memref<!tpu.dma_semaphore, #tpu.memory_space<semaphore_mem>>)
      %dma_wait3A_173 = arith.constant 56 : i32
      %dma_wait3A_174 = arith.constant 0 : i32
      %dma_wait3A_175 = tpu.memref_slice %arg6[%add3A, %dma_wait3A_173, %dma_wait3A_174] : memref<32x80x128xi32, #tpu.memory_space<hbm>> -> memref<1x8x128xi32, #tpu.memory_space<hbm>>
      %dma_wait3A_176 = tpu.memref_squeeze %dma_wait3A_175 : memref<1x8x128xi32, #tpu.memory_space<hbm>> -> memref<8x128xi32, #tpu.memory_space<hbm>>
      %dma_wait3A_177 = arith.constant 56 : i32
      %dma_wait3A_178 = arith.constant 0 : i32
      %dma_wait3A_179 = tpu.memref_slice %arg6[%add3A, %dma_wait3A_177, %dma_wait3A_178] : memref<32x80x128xi32, #tpu.memory_space<hbm>> -> memref<1x8x128xi32, #tpu.memory_space<hbm>>
      %dma_wait3A_180 = tpu.memref_squeeze %dma_wait3A_179 : memref<1x8x128xi32, #tpu.memory_space<hbm>> -> memref<8x128xi32, #tpu.memory_space<hbm>>
      tpu.wait_dma2 semaphore(%run_scoped3A_164 : memref<!tpu.dma_semaphore, #tpu.memory_space<semaphore_mem>>) src(%dma_wait3A_180 : memref<8x128xi32, #tpu.memory_space<hbm>>) dst(%arg16 : memref<8x128xi32, #tpu.memory_space<vmem>>)
      tpu.yield
    }) : () -> ()
    %scan3A_48 = arith.constant 0 : i32
    %scan3A_49 = arith.constant 0 : i32
    %scan3A_50 = arith.constant 8 : i32
    %scan3A_51 = arith.addi %scan3A_49, %scan3A_50 : i32
    %scan3A_52 = arith.constant 1 : i32
    scf.for %scan3A_164 = %scan3A_49 to %scan3A_51 step %scan3A_52  : i32 {
      %dma_start3A_165 = arith.constant 0 : i32
      %dma_start3A_166 = tpu.memref_slice %arg13[%scan3A_164, %dma_start3A_165] : memref<8x128xi32, #tpu.memory_space<vmem>> -> memref<1x128xi32, #tpu.memory_space<vmem>>
      %dma_start3A_167 = tpu.memref_squeeze %dma_start3A_166 : memref<1x128xi32, #tpu.memory_space<vmem>> -> memref<128xi32, #tpu.memory_space<vmem>>
      %dma_start3A_168 = arith.constant 0 : i32
      %dma_start3A_169 = arith.constant 0 : i32
      %dma_start3A_170 = tpu.memref_slice %arg2[%dma_start3A_168, %dma_start3A_169] : memref<10000x128xf32, #tpu.memory_space<hbm>> -> memref<10000x128xf32, #tpu.memory_space<hbm>>
      tpu.enqueue_indirect_dma source(%dma_start3A_170 : memref<10000x128xf32, #tpu.memory_space<hbm>>) target(%arg17 : memref<128x128xf32, #tpu.memory_space<vmem>>) offsets(%dma_start3A_167 : memref<128xi32, #tpu.memory_space<vmem>>) semaphore(%arg20 : memref<!tpu.dma_semaphore, #tpu.memory_space<semaphore_mem>>)
      %dma_wait3A_171 = arith.constant 0 : i32
      %dma_wait3A_172 = tpu.memref_slice %arg13[%scan3A_164, %dma_wait3A_171] : memref<8x128xi32, #tpu.memory_space<vmem>> -> memref<1x128xi32, #tpu.memory_space<vmem>>
      %dma_wait3A_173 = tpu.memref_squeeze %dma_wait3A_172 : memref<1x128xi32, #tpu.memory_space<vmem>> -> memref<128xi32, #tpu.memory_space<vmem>>
      %dma_wait3A_174 = arith.constant 0 : i32
      %dma_wait3A_175 = arith.constant 0 : i32
      %dma_wait3A_176 = tpu.memref_slice %arg2[%dma_wait3A_174, %dma_wait3A_175] : memref<10000x128xf32, #tpu.memory_space<hbm>> -> memref<10000x128xf32, #tpu.memory_space<hbm>>
      tpu.wait_indirect_dma semaphore(%arg20 : memref<!tpu.dma_semaphore, #tpu.memory_space<semaphore_mem>>) src(%dma_wait3A_176 : memref<10000x128xf32, #tpu.memory_space<hbm>>) dst(%arg17 : memref<128x128xf32, #tpu.memory_space<vmem>>)
      "tpu.region"() ({
        %run_scoped3A_189 = tpu.sem_alloc : memref<!tpu.dma_semaphore, #tpu.memory_space<semaphore_mem>>
        %dma_start3A_190 = arith.constant 0 : i32
        %dma_start3A_191 = tpu.memref_slice %arg14[%scan3A_164, %dma_start3A_190] : memref<8x128xi32, #tpu.memory_space<vmem>> -> memref<1x128xi32, #tpu.memory_space<vmem>>
        %dma_start3A_192 = tpu.memref_squeeze %dma_start3A_191 : memref<1x128xi32, #tpu.memory_space<vmem>> -> memref<128xi32, #tpu.memory_space<vmem>>
        %dma_start3A_193 = arith.constant 0 : i32
        %dma_start3A_194 = arith.constant 0 : i32
        %dma_start3A_195 = tpu.memref_slice %arg21[%dma_start3A_193, %dma_start3A_194] : memref<10240x128xf32, #tpu.memory_space<vmem_shared>> -> memref<10240x128xf32, #tpu.memory_space<vmem_shared>>
        tpu.enqueue_indirect_dma source(%arg17 : memref<128x128xf32, #tpu.memory_space<vmem>>) target(%dma_start3A_195 : memref<10240x128xf32, #tpu.memory_space<vmem_shared>>) offsets(%dma_start3A_192 : memref<128xi32, #tpu.memory_space<vmem>>) semaphore(%run_scoped3A_189 : memref<!tpu.dma_semaphore, #tpu.memory_space<semaphore_mem>>) {add = true}
        %dma_wait3A_196 = arith.constant 0 : i32
        %dma_wait3A_197 = tpu.memref_slice %arg14[%scan3A_164, %dma_wait3A_196] : memref<8x128xi32, #tpu.memory_space<vmem>> -> memref<1x128xi32, #tpu.memory_space<vmem>>
        %dma_wait3A_198 = tpu.memref_squeeze %dma_wait3A_197 : memref<1x128xi32, #tpu.memory_space<vmem>> -> memref<128xi32, #tpu.memory_space<vmem>>
        %dma_wait3A_199 = arith.constant 0 : i32
        %dma_wait3A_200 = arith.constant 0 : i32
        %dma_wait3A_201 = tpu.memref_slice %arg21[%dma_wait3A_199, %dma_wait3A_200] : memref<10240x128xf32, #tpu.memory_space<vmem_shared>> -> memref<10240x128xf32, #tpu.memory_space<vmem_shared>>
        tpu.wait_indirect_dma semaphore(%run_scoped3A_189 : memref<!tpu.dma_semaphore, #tpu.memory_space<semaphore_mem>>) src(%arg17 : memref<128x128xf32, #tpu.memory_space<vmem>>) dst(%dma_wait3A_201 : memref<10240x128xf32, #tpu.memory_space<vmem_shared>>)
        tpu.yield
      }) : () -> ()
      %dma_start3A_177 = arith.constant 0 : i32
      %dma_start3A_178 = tpu.memref_slice %arg16[%scan3A_164, %dma_start3A_177] : memref<8x128xi32, #tpu.memory_space<vmem>> -> memref<1x128xi32, #tpu.memory_space<vmem>>
      %dma_start3A_179 = tpu.memref_squeeze %dma_start3A_178 : memref<1x128xi32, #tpu.memory_space<vmem>> -> memref<128xi32, #tpu.memory_space<vmem>>
      %dma_start3A_180 = arith.constant 0 : i32
      %dma_start3A_181 = arith.constant 0 : i32
      %dma_start3A_182 = tpu.memref_slice %arg7[%dma_start3A_180, %dma_start3A_181] : memref<1024x128xf32, #tpu.memory_space<hbm>> -> memref<1024x128xf32, #tpu.memory_space<hbm>>
      tpu.enqueue_indirect_dma source(%dma_start3A_182 : memref<1024x128xf32, #tpu.memory_space<hbm>>) target(%arg17 : memref<128x128xf32, #tpu.memory_space<vmem>>) offsets(%dma_start3A_179 : memref<128xi32, #tpu.memory_space<vmem>>) semaphore(%arg20 : memref<!tpu.dma_semaphore, #tpu.memory_space<semaphore_mem>>)
      %dma_wait3A_183 = arith.constant 0 : i32
      %dma_wait3A_184 = tpu.memref_slice %arg16[%scan3A_164, %dma_wait3A_183] : memref<8x128xi32, #tpu.memory_space<vmem>> -> memref<1x128xi32, #tpu.memory_space<vmem>>
      %dma_wait3A_185 = tpu.memref_squeeze %dma_wait3A_184 : memref<1x128xi32, #tpu.memory_space<vmem>> -> memref<128xi32, #tpu.memory_space<vmem>>
      %dma_wait3A_186 = arith.constant 0 : i32
      %dma_wait3A_187 = arith.constant 0 : i32
      %dma_wait3A_188 = tpu.memref_slice %arg7[%dma_wait3A_186, %dma_wait3A_187] : memref<1024x128xf32, #tpu.memory_space<hbm>> -> memref<1024x128xf32, #tpu.memory_space<hbm>>
      tpu.wait_indirect_dma semaphore(%arg20 : memref<!tpu.dma_semaphore, #tpu.memory_space<semaphore_mem>>) src(%dma_wait3A_188 : memref<1024x128xf32, #tpu.memory_space<hbm>>) dst(%arg17 : memref<128x128xf32, #tpu.memory_space<vmem>>)
      "tpu.region"() ({
        %run_scoped3A_189 = tpu.sem_alloc : memref<!tpu.dma_semaphore, #tpu.memory_space<semaphore_mem>>
        %dma_start3A_190 = arith.constant 0 : i32
        %dma_start3A_191 = tpu.memref_slice %arg15[%scan3A_164, %dma_start3A_190] : memref<8x128xi32, #tpu.memory_space<vmem>> -> memref<1x128xi32, #tpu.memory_space<vmem>>
        %dma_start3A_192 = tpu.memref_squeeze %dma_start3A_191 : memref<1x128xi32, #tpu.memory_space<vmem>> -> memref<128xi32, #tpu.memory_space<vmem>>
        %dma_start3A_193 = arith.constant 0 : i32
        %dma_start3A_194 = arith.constant 0 : i32
        %dma_start3A_195 = tpu.memref_slice %arg22[%dma_start3A_193, %dma_start3A_194] : memref<1280x128xf32, #tpu.memory_space<vmem_shared>> -> memref<1280x128xf32, #tpu.memory_space<vmem_shared>>
        tpu.enqueue_indirect_dma source(%arg17 : memref<128x128xf32, #tpu.memory_space<vmem>>) target(%dma_start3A_195 : memref<1280x128xf32, #tpu.memory_space<vmem_shared>>) offsets(%dma_start3A_192 : memref<128xi32, #tpu.memory_space<vmem>>) semaphore(%run_scoped3A_189 : memref<!tpu.dma_semaphore, #tpu.memory_space<semaphore_mem>>) {add = true}
        %dma_wait3A_196 = arith.constant 0 : i32
        %dma_wait3A_197 = tpu.memref_slice %arg15[%scan3A_164, %dma_wait3A_196] : memref<8x128xi32, #tpu.memory_space<vmem>> -> memref<1x128xi32, #tpu.memory_space<vmem>>
        %dma_wait3A_198 = tpu.memref_squeeze %dma_wait3A_197 : memref<1x128xi32, #tpu.memory_space<vmem>> -> memref<128xi32, #tpu.memory_space<vmem>>
        %dma_wait3A_199 = arith.constant 0 : i32
        %dma_wait3A_200 = arith.constant 0 : i32
        %dma_wait3A_201 = tpu.memref_slice %arg22[%dma_wait3A_199, %dma_wait3A_200] : memref<1280x128xf32, #tpu.memory_space<vmem_shared>> -> memref<1280x128xf32, #tpu.memory_space<vmem_shared>>
        tpu.wait_indirect_dma semaphore(%run_scoped3A_189 : memref<!tpu.dma_semaphore, #tpu.memory_space<semaphore_mem>>) src(%arg17 : memref<128x128xf32, #tpu.memory_space<vmem>>) dst(%dma_wait3A_201 : memref<1280x128xf32, #tpu.memory_space<vmem_shared>>)
        tpu.yield
      }) : () -> ()
    }
    %scan3A_53 = arith.constant 8 : i32
    "tpu.region"() ({
      %run_scoped3A_164 = tpu.sem_alloc : memref<!tpu.dma_semaphore, #tpu.memory_space<semaphore_mem>>
      %dma_start3A_165 = arith.constant 64 : i32
      %dma_start3A_166 = arith.constant 0 : i32
      %dma_start3A_167 = tpu.memref_slice %arg3[%add3A, %dma_start3A_165, %dma_start3A_166] : memref<32x80x128xi32, #tpu.memory_space<hbm>> -> memref<1x8x128xi32, #tpu.memory_space<hbm>>
      %dma_start3A_168 = tpu.memref_squeeze %dma_start3A_167 : memref<1x8x128xi32, #tpu.memory_space<hbm>> -> memref<8x128xi32, #tpu.memory_space<hbm>>
      %dma_start3A_169 = arith.constant 64 : i32
      %dma_start3A_170 = arith.constant 0 : i32
      %dma_start3A_171 = tpu.memref_slice %arg3[%add3A, %dma_start3A_169, %dma_start3A_170] : memref<32x80x128xi32, #tpu.memory_space<hbm>> -> memref<1x8x128xi32, #tpu.memory_space<hbm>>
      %dma_start3A_172 = tpu.memref_squeeze %dma_start3A_171 : memref<1x8x128xi32, #tpu.memory_space<hbm>> -> memref<8x128xi32, #tpu.memory_space<hbm>>
      tpu.enqueue_dma source(%dma_start3A_172 : memref<8x128xi32, #tpu.memory_space<hbm>>) target(%arg13 : memref<8x128xi32, #tpu.memory_space<vmem>>) target_semaphore(%run_scoped3A_164 : memref<!tpu.dma_semaphore, #tpu.memory_space<semaphore_mem>>)
      %dma_wait3A_173 = arith.constant 64 : i32
      %dma_wait3A_174 = arith.constant 0 : i32
      %dma_wait3A_175 = tpu.memref_slice %arg3[%add3A, %dma_wait3A_173, %dma_wait3A_174] : memref<32x80x128xi32, #tpu.memory_space<hbm>> -> memref<1x8x128xi32, #tpu.memory_space<hbm>>
      %dma_wait3A_176 = tpu.memref_squeeze %dma_wait3A_175 : memref<1x8x128xi32, #tpu.memory_space<hbm>> -> memref<8x128xi32, #tpu.memory_space<hbm>>
      %dma_wait3A_177 = arith.constant 64 : i32
      %dma_wait3A_178 = arith.constant 0 : i32
      %dma_wait3A_179 = tpu.memref_slice %arg3[%add3A, %dma_wait3A_177, %dma_wait3A_178] : memref<32x80x128xi32, #tpu.memory_space<hbm>> -> memref<1x8x128xi32, #tpu.memory_space<hbm>>
      %dma_wait3A_180 = tpu.memref_squeeze %dma_wait3A_179 : memref<1x8x128xi32, #tpu.memory_space<hbm>> -> memref<8x128xi32, #tpu.memory_space<hbm>>
      tpu.wait_dma2 semaphore(%run_scoped3A_164 : memref<!tpu.dma_semaphore, #tpu.memory_space<semaphore_mem>>) src(%dma_wait3A_180 : memref<8x128xi32, #tpu.memory_space<hbm>>) dst(%arg13 : memref<8x128xi32, #tpu.memory_space<vmem>>)
      tpu.yield
    }) : () -> ()
    "tpu.region"() ({
      %run_scoped3A_164 = tpu.sem_alloc : memref<!tpu.dma_semaphore, #tpu.memory_space<semaphore_mem>>
      %dma_start3A_165 = arith.constant 64 : i32
      %dma_start3A_166 = arith.constant 0 : i32
      %dma_start3A_167 = tpu.memref_slice %arg4[%add3A, %dma_start3A_165, %dma_start3A_166] : memref<32x80x128xi32, #tpu.memory_space<hbm>> -> memref<1x8x128xi32, #tpu.memory_space<hbm>>
      %dma_start3A_168 = tpu.memref_squeeze %dma_start3A_167 : memref<1x8x128xi32, #tpu.memory_space<hbm>> -> memref<8x128xi32, #tpu.memory_space<hbm>>
      %dma_start3A_169 = arith.constant 64 : i32
      %dma_start3A_170 = arith.constant 0 : i32
      %dma_start3A_171 = tpu.memref_slice %arg4[%add3A, %dma_start3A_169, %dma_start3A_170] : memref<32x80x128xi32, #tpu.memory_space<hbm>> -> memref<1x8x128xi32, #tpu.memory_space<hbm>>
      %dma_start3A_172 = tpu.memref_squeeze %dma_start3A_171 : memref<1x8x128xi32, #tpu.memory_space<hbm>> -> memref<8x128xi32, #tpu.memory_space<hbm>>
      tpu.enqueue_dma source(%dma_start3A_172 : memref<8x128xi32, #tpu.memory_space<hbm>>) target(%arg14 : memref<8x128xi32, #tpu.memory_space<vmem>>) target_semaphore(%run_scoped3A_164 : memref<!tpu.dma_semaphore, #tpu.memory_space<semaphore_mem>>)
      %dma_wait3A_173 = arith.constant 64 : i32
      %dma_wait3A_174 = arith.constant 0 : i32
      %dma_wait3A_175 = tpu.memref_slice %arg4[%add3A, %dma_wait3A_173, %dma_wait3A_174] : memref<32x80x128xi32, #tpu.memory_space<hbm>> -> memref<1x8x128xi32, #tpu.memory_space<hbm>>
      %dma_wait3A_176 = tpu.memref_squeeze %dma_wait3A_175 : memref<1x8x128xi32, #tpu.memory_space<hbm>> -> memref<8x128xi32, #tpu.memory_space<hbm>>
      %dma_wait3A_177 = arith.constant 64 : i32
      %dma_wait3A_178 = arith.constant 0 : i32
      %dma_wait3A_179 = tpu.memref_slice %arg4[%add3A, %dma_wait3A_177, %dma_wait3A_178] : memref<32x80x128xi32, #tpu.memory_space<hbm>> -> memref<1x8x128xi32, #tpu.memory_space<hbm>>
      %dma_wait3A_180 = tpu.memref_squeeze %dma_wait3A_179 : memref<1x8x128xi32, #tpu.memory_space<hbm>> -> memref<8x128xi32, #tpu.memory_space<hbm>>
      tpu.wait_dma2 semaphore(%run_scoped3A_164 : memref<!tpu.dma_semaphore, #tpu.memory_space<semaphore_mem>>) src(%dma_wait3A_180 : memref<8x128xi32, #tpu.memory_space<hbm>>) dst(%arg14 : memref<8x128xi32, #tpu.memory_space<vmem>>)
      tpu.yield
    }) : () -> ()
    "tpu.region"() ({
      %run_scoped3A_164 = tpu.sem_alloc : memref<!tpu.dma_semaphore, #tpu.memory_space<semaphore_mem>>
      %dma_start3A_165 = arith.constant 64 : i32
      %dma_start3A_166 = arith.constant 0 : i32
      %dma_start3A_167 = tpu.memref_slice %arg5[%add3A, %dma_start3A_165, %dma_start3A_166] : memref<32x80x128xi32, #tpu.memory_space<hbm>> -> memref<1x8x128xi32, #tpu.memory_space<hbm>>
      %dma_start3A_168 = tpu.memref_squeeze %dma_start3A_167 : memref<1x8x128xi32, #tpu.memory_space<hbm>> -> memref<8x128xi32, #tpu.memory_space<hbm>>
      %dma_start3A_169 = arith.constant 64 : i32
      %dma_start3A_170 = arith.constant 0 : i32
      %dma_start3A_171 = tpu.memref_slice %arg5[%add3A, %dma_start3A_169, %dma_start3A_170] : memref<32x80x128xi32, #tpu.memory_space<hbm>> -> memref<1x8x128xi32, #tpu.memory_space<hbm>>
      %dma_start3A_172 = tpu.memref_squeeze %dma_start3A_171 : memref<1x8x128xi32, #tpu.memory_space<hbm>> -> memref<8x128xi32, #tpu.memory_space<hbm>>
      tpu.enqueue_dma source(%dma_start3A_172 : memref<8x128xi32, #tpu.memory_space<hbm>>) target(%arg15 : memref<8x128xi32, #tpu.memory_space<vmem>>) target_semaphore(%run_scoped3A_164 : memref<!tpu.dma_semaphore, #tpu.memory_space<semaphore_mem>>)
      %dma_wait3A_173 = arith.constant 64 : i32
      %dma_wait3A_174 = arith.constant 0 : i32
      %dma_wait3A_175 = tpu.memref_slice %arg5[%add3A, %dma_wait3A_173, %dma_wait3A_174] : memref<32x80x128xi32, #tpu.memory_space<hbm>> -> memref<1x8x128xi32, #tpu.memory_space<hbm>>
      %dma_wait3A_176 = tpu.memref_squeeze %dma_wait3A_175 : memref<1x8x128xi32, #tpu.memory_space<hbm>> -> memref<8x128xi32, #tpu.memory_space<hbm>>
      %dma_wait3A_177 = arith.constant 64 : i32
      %dma_wait3A_178 = arith.constant 0 : i32
      %dma_wait3A_179 = tpu.memref_slice %arg5[%add3A, %dma_wait3A_177, %dma_wait3A_178] : memref<32x80x128xi32, #tpu.memory_space<hbm>> -> memref<1x8x128xi32, #tpu.memory_space<hbm>>
      %dma_wait3A_180 = tpu.memref_squeeze %dma_wait3A_179 : memref<1x8x128xi32, #tpu.memory_space<hbm>> -> memref<8x128xi32, #tpu.memory_space<hbm>>
      tpu.wait_dma2 semaphore(%run_scoped3A_164 : memref<!tpu.dma_semaphore, #tpu.memory_space<semaphore_mem>>) src(%dma_wait3A_180 : memref<8x128xi32, #tpu.memory_space<hbm>>) dst(%arg15 : memref<8x128xi32, #tpu.memory_space<vmem>>)
      tpu.yield
    }) : () -> ()
    "tpu.region"() ({
      %run_scoped3A_164 = tpu.sem_alloc : memref<!tpu.dma_semaphore, #tpu.memory_space<semaphore_mem>>
      %dma_start3A_165 = arith.constant 64 : i32
      %dma_start3A_166 = arith.constant 0 : i32
      %dma_start3A_167 = tpu.memref_slice %arg6[%add3A, %dma_start3A_165, %dma_start3A_166] : memref<32x80x128xi32, #tpu.memory_space<hbm>> -> memref<1x8x128xi32, #tpu.memory_space<hbm>>
      %dma_start3A_168 = tpu.memref_squeeze %dma_start3A_167 : memref<1x8x128xi32, #tpu.memory_space<hbm>> -> memref<8x128xi32, #tpu.memory_space<hbm>>
      %dma_start3A_169 = arith.constant 64 : i32
      %dma_start3A_170 = arith.constant 0 : i32
      %dma_start3A_171 = tpu.memref_slice %arg6[%add3A, %dma_start3A_169, %dma_start3A_170] : memref<32x80x128xi32, #tpu.memory_space<hbm>> -> memref<1x8x128xi32, #tpu.memory_space<hbm>>
      %dma_start3A_172 = tpu.memref_squeeze %dma_start3A_171 : memref<1x8x128xi32, #tpu.memory_space<hbm>> -> memref<8x128xi32, #tpu.memory_space<hbm>>
      tpu.enqueue_dma source(%dma_start3A_172 : memref<8x128xi32, #tpu.memory_space<hbm>>) target(%arg16 : memref<8x128xi32, #tpu.memory_space<vmem>>) target_semaphore(%run_scoped3A_164 : memref<!tpu.dma_semaphore, #tpu.memory_space<semaphore_mem>>)
      %dma_wait3A_173 = arith.constant 64 : i32
      %dma_wait3A_174 = arith.constant 0 : i32
      %dma_wait3A_175 = tpu.memref_slice %arg6[%add3A, %dma_wait3A_173, %dma_wait3A_174] : memref<32x80x128xi32, #tpu.memory_space<hbm>> -> memref<1x8x128xi32, #tpu.memory_space<hbm>>
      %dma_wait3A_176 = tpu.memref_squeeze %dma_wait3A_175 : memref<1x8x128xi32, #tpu.memory_space<hbm>> -> memref<8x128xi32, #tpu.memory_space<hbm>>
      %dma_wait3A_177 = arith.constant 64 : i32
      %dma_wait3A_178 = arith.constant 0 : i32
      %dma_wait3A_179 = tpu.memref_slice %arg6[%add3A, %dma_wait3A_177, %dma_wait3A_178] : memref<32x80x128xi32, #tpu.memory_space<hbm>> -> memref<1x8x128xi32, #tpu.memory_space<hbm>>
      %dma_wait3A_180 = tpu.memref_squeeze %dma_wait3A_179 : memref<1x8x128xi32, #tpu.memory_space<hbm>> -> memref<8x128xi32, #tpu.memory_space<hbm>>
      tpu.wait_dma2 semaphore(%run_scoped3A_164 : memref<!tpu.dma_semaphore, #tpu.memory_space<semaphore_mem>>) src(%dma_wait3A_180 : memref<8x128xi32, #tpu.memory_space<hbm>>) dst(%arg16 : memref<8x128xi32, #tpu.memory_space<vmem>>)
      tpu.yield
    }) : () -> ()
    %scan3A_54 = arith.constant 0 : i32
    %scan3A_55 = arith.constant 0 : i32
    %scan3A_56 = arith.constant 8 : i32
    %scan3A_57 = arith.addi %scan3A_55, %scan3A_56 : i32
    %scan3A_58 = arith.constant 1 : i32
    scf.for %scan3A_164 = %scan3A_55 to %scan3A_57 step %scan3A_58  : i32 {
      %dma_start3A_165 = arith.constant 0 : i32
      %dma_start3A_166 = tpu.memref_slice %arg13[%scan3A_164, %dma_start3A_165] : memref<8x128xi32, #tpu.memory_space<vmem>> -> memref<1x128xi32, #tpu.memory_space<vmem>>
      %dma_start3A_167 = tpu.memref_squeeze %dma_start3A_166 : memref<1x128xi32, #tpu.memory_space<vmem>> -> memref<128xi32, #tpu.memory_space<vmem>>
      %dma_start3A_168 = arith.constant 0 : i32
      %dma_start3A_169 = arith.constant 0 : i32
      %dma_start3A_170 = tpu.memref_slice %arg2[%dma_start3A_168, %dma_start3A_169] : memref<10000x128xf32, #tpu.memory_space<hbm>> -> memref<10000x128xf32, #tpu.memory_space<hbm>>
      tpu.enqueue_indirect_dma source(%dma_start3A_170 : memref<10000x128xf32, #tpu.memory_space<hbm>>) target(%arg17 : memref<128x128xf32, #tpu.memory_space<vmem>>) offsets(%dma_start3A_167 : memref<128xi32, #tpu.memory_space<vmem>>) semaphore(%arg20 : memref<!tpu.dma_semaphore, #tpu.memory_space<semaphore_mem>>)
      %dma_wait3A_171 = arith.constant 0 : i32
      %dma_wait3A_172 = tpu.memref_slice %arg13[%scan3A_164, %dma_wait3A_171] : memref<8x128xi32, #tpu.memory_space<vmem>> -> memref<1x128xi32, #tpu.memory_space<vmem>>
      %dma_wait3A_173 = tpu.memref_squeeze %dma_wait3A_172 : memref<1x128xi32, #tpu.memory_space<vmem>> -> memref<128xi32, #tpu.memory_space<vmem>>
      %dma_wait3A_174 = arith.constant 0 : i32
      %dma_wait3A_175 = arith.constant 0 : i32
      %dma_wait3A_176 = tpu.memref_slice %arg2[%dma_wait3A_174, %dma_wait3A_175] : memref<10000x128xf32, #tpu.memory_space<hbm>> -> memref<10000x128xf32, #tpu.memory_space<hbm>>
      tpu.wait_indirect_dma semaphore(%arg20 : memref<!tpu.dma_semaphore, #tpu.memory_space<semaphore_mem>>) src(%dma_wait3A_176 : memref<10000x128xf32, #tpu.memory_space<hbm>>) dst(%arg17 : memref<128x128xf32, #tpu.memory_space<vmem>>)
      "tpu.region"() ({
        %run_scoped3A_189 = tpu.sem_alloc : memref<!tpu.dma_semaphore, #tpu.memory_space<semaphore_mem>>
        %dma_start3A_190 = arith.constant 0 : i32
        %dma_start3A_191 = tpu.memref_slice %arg14[%scan3A_164, %dma_start3A_190] : memref<8x128xi32, #tpu.memory_space<vmem>> -> memref<1x128xi32, #tpu.memory_space<vmem>>
        %dma_start3A_192 = tpu.memref_squeeze %dma_start3A_191 : memref<1x128xi32, #tpu.memory_space<vmem>> -> memref<128xi32, #tpu.memory_space<vmem>>
        %dma_start3A_193 = arith.constant 0 : i32
        %dma_start3A_194 = arith.constant 0 : i32
        %dma_start3A_195 = tpu.memref_slice %arg21[%dma_start3A_193, %dma_start3A_194] : memref<10240x128xf32, #tpu.memory_space<vmem_shared>> -> memref<10240x128xf32, #tpu.memory_space<vmem_shared>>
        tpu.enqueue_indirect_dma source(%arg17 : memref<128x128xf32, #tpu.memory_space<vmem>>) target(%dma_start3A_195 : memref<10240x128xf32, #tpu.memory_space<vmem_shared>>) offsets(%dma_start3A_192 : memref<128xi32, #tpu.memory_space<vmem>>) semaphore(%run_scoped3A_189 : memref<!tpu.dma_semaphore, #tpu.memory_space<semaphore_mem>>) {add = true}
        %dma_wait3A_196 = arith.constant 0 : i32
        %dma_wait3A_197 = tpu.memref_slice %arg14[%scan3A_164, %dma_wait3A_196] : memref<8x128xi32, #tpu.memory_space<vmem>> -> memref<1x128xi32, #tpu.memory_space<vmem>>
        %dma_wait3A_198 = tpu.memref_squeeze %dma_wait3A_197 : memref<1x128xi32, #tpu.memory_space<vmem>> -> memref<128xi32, #tpu.memory_space<vmem>>
        %dma_wait3A_199 = arith.constant 0 : i32
        %dma_wait3A_200 = arith.constant 0 : i32
        %dma_wait3A_201 = tpu.memref_slice %arg21[%dma_wait3A_199, %dma_wait3A_200] : memref<10240x128xf32, #tpu.memory_space<vmem_shared>> -> memref<10240x128xf32, #tpu.memory_space<vmem_shared>>
        tpu.wait_indirect_dma semaphore(%run_scoped3A_189 : memref<!tpu.dma_semaphore, #tpu.memory_space<semaphore_mem>>) src(%arg17 : memref<128x128xf32, #tpu.memory_space<vmem>>) dst(%dma_wait3A_201 : memref<10240x128xf32, #tpu.memory_space<vmem_shared>>)
        tpu.yield
      }) : () -> ()
      %dma_start3A_177 = arith.constant 0 : i32
      %dma_start3A_178 = tpu.memref_slice %arg16[%scan3A_164, %dma_start3A_177] : memref<8x128xi32, #tpu.memory_space<vmem>> -> memref<1x128xi32, #tpu.memory_space<vmem>>
      %dma_start3A_179 = tpu.memref_squeeze %dma_start3A_178 : memref<1x128xi32, #tpu.memory_space<vmem>> -> memref<128xi32, #tpu.memory_space<vmem>>
      %dma_start3A_180 = arith.constant 0 : i32
      %dma_start3A_181 = arith.constant 0 : i32
      %dma_start3A_182 = tpu.memref_slice %arg7[%dma_start3A_180, %dma_start3A_181] : memref<1024x128xf32, #tpu.memory_space<hbm>> -> memref<1024x128xf32, #tpu.memory_space<hbm>>
      tpu.enqueue_indirect_dma source(%dma_start3A_182 : memref<1024x128xf32, #tpu.memory_space<hbm>>) target(%arg17 : memref<128x128xf32, #tpu.memory_space<vmem>>) offsets(%dma_start3A_179 : memref<128xi32, #tpu.memory_space<vmem>>) semaphore(%arg20 : memref<!tpu.dma_semaphore, #tpu.memory_space<semaphore_mem>>)
      %dma_wait3A_183 = arith.constant 0 : i32
      %dma_wait3A_184 = tpu.memref_slice %arg16[%scan3A_164, %dma_wait3A_183] : memref<8x128xi32, #tpu.memory_space<vmem>> -> memref<1x128xi32, #tpu.memory_space<vmem>>
      %dma_wait3A_185 = tpu.memref_squeeze %dma_wait3A_184 : memref<1x128xi32, #tpu.memory_space<vmem>> -> memref<128xi32, #tpu.memory_space<vmem>>
      %dma_wait3A_186 = arith.constant 0 : i32
      %dma_wait3A_187 = arith.constant 0 : i32
      %dma_wait3A_188 = tpu.memref_slice %arg7[%dma_wait3A_186, %dma_wait3A_187] : memref<1024x128xf32, #tpu.memory_space<hbm>> -> memref<1024x128xf32, #tpu.memory_space<hbm>>
      tpu.wait_indirect_dma semaphore(%arg20 : memref<!tpu.dma_semaphore, #tpu.memory_space<semaphore_mem>>) src(%dma_wait3A_188 : memref<1024x128xf32, #tpu.memory_space<hbm>>) dst(%arg17 : memref<128x128xf32, #tpu.memory_space<vmem>>)
      "tpu.region"() ({
        %run_scoped3A_189 = tpu.sem_alloc : memref<!tpu.dma_semaphore, #tpu.memory_space<semaphore_mem>>
        %dma_start3A_190 = arith.constant 0 : i32
        %dma_start3A_191 = tpu.memref_slice %arg15[%scan3A_164, %dma_start3A_190] : memref<8x128xi32, #tpu.memory_space<vmem>> -> memref<1x128xi32, #tpu.memory_space<vmem>>
        %dma_start3A_192 = tpu.memref_squeeze %dma_start3A_191 : memref<1x128xi32, #tpu.memory_space<vmem>> -> memref<128xi32, #tpu.memory_space<vmem>>
        %dma_start3A_193 = arith.constant 0 : i32
        %dma_start3A_194 = arith.constant 0 : i32
        %dma_start3A_195 = tpu.memref_slice %arg22[%dma_start3A_193, %dma_start3A_194] : memref<1280x128xf32, #tpu.memory_space<vmem_shared>> -> memref<1280x128xf32, #tpu.memory_space<vmem_shared>>
        tpu.enqueue_indirect_dma source(%arg17 : memref<128x128xf32, #tpu.memory_space<vmem>>) target(%dma_start3A_195 : memref<1280x128xf32, #tpu.memory_space<vmem_shared>>) offsets(%dma_start3A_192 : memref<128xi32, #tpu.memory_space<vmem>>) semaphore(%run_scoped3A_189 : memref<!tpu.dma_semaphore, #tpu.memory_space<semaphore_mem>>) {add = true}
        %dma_wait3A_196 = arith.constant 0 : i32
        %dma_wait3A_197 = tpu.memref_slice %arg15[%scan3A_164, %dma_wait3A_196] : memref<8x128xi32, #tpu.memory_space<vmem>> -> memref<1x128xi32, #tpu.memory_space<vmem>>
        %dma_wait3A_198 = tpu.memref_squeeze %dma_wait3A_197 : memref<1x128xi32, #tpu.memory_space<vmem>> -> memref<128xi32, #tpu.memory_space<vmem>>
        %dma_wait3A_199 = arith.constant 0 : i32
        %dma_wait3A_200 = arith.constant 0 : i32
        %dma_wait3A_201 = tpu.memref_slice %arg22[%dma_wait3A_199, %dma_wait3A_200] : memref<1280x128xf32, #tpu.memory_space<vmem_shared>> -> memref<1280x128xf32, #tpu.memory_space<vmem_shared>>
        tpu.wait_indirect_dma semaphore(%run_scoped3A_189 : memref<!tpu.dma_semaphore, #tpu.memory_space<semaphore_mem>>) src(%arg17 : memref<128x128xf32, #tpu.memory_space<vmem>>) dst(%dma_wait3A_201 : memref<1280x128xf32, #tpu.memory_space<vmem_shared>>)
        tpu.yield
      }) : () -> ()
    }
    %scan3A_59 = arith.constant 8 : i32
    "tpu.region"() ({
      %run_scoped3A_164 = tpu.sem_alloc : memref<!tpu.dma_semaphore, #tpu.memory_space<semaphore_mem>>
      %dma_start3A_165 = arith.constant 72 : i32
      %dma_start3A_166 = arith.constant 0 : i32
      %dma_start3A_167 = tpu.memref_slice %arg3[%add3A, %dma_start3A_165, %dma_start3A_166] : memref<32x80x128xi32, #tpu.memory_space<hbm>> -> memref<1x8x128xi32, #tpu.memory_space<hbm>>
      %dma_start3A_168 = tpu.memref_squeeze %dma_start3A_167 : memref<1x8x128xi32, #tpu.memory_space<hbm>> -> memref<8x128xi32, #tpu.memory_space<hbm>>
      %dma_start3A_169 = arith.constant 72 : i32
      %dma_start3A_170 = arith.constant 0 : i32
      %dma_start3A_171 = tpu.memref_slice %arg3[%add3A, %dma_start3A_169, %dma_start3A_170] : memref<32x80x128xi32, #tpu.memory_space<hbm>> -> memref<1x8x128xi32, #tpu.memory_space<hbm>>
      %dma_start3A_172 = tpu.memref_squeeze %dma_start3A_171 : memref<1x8x128xi32, #tpu.memory_space<hbm>> -> memref<8x128xi32, #tpu.memory_space<hbm>>
      tpu.enqueue_dma source(%dma_start3A_172 : memref<8x128xi32, #tpu.memory_space<hbm>>) target(%arg13 : memref<8x128xi32, #tpu.memory_space<vmem>>) target_semaphore(%run_scoped3A_164 : memref<!tpu.dma_semaphore, #tpu.memory_space<semaphore_mem>>)
      %dma_wait3A_173 = arith.constant 72 : i32
      %dma_wait3A_174 = arith.constant 0 : i32
      %dma_wait3A_175 = tpu.memref_slice %arg3[%add3A, %dma_wait3A_173, %dma_wait3A_174] : memref<32x80x128xi32, #tpu.memory_space<hbm>> -> memref<1x8x128xi32, #tpu.memory_space<hbm>>
      %dma_wait3A_176 = tpu.memref_squeeze %dma_wait3A_175 : memref<1x8x128xi32, #tpu.memory_space<hbm>> -> memref<8x128xi32, #tpu.memory_space<hbm>>
      %dma_wait3A_177 = arith.constant 72 : i32
      %dma_wait3A_178 = arith.constant 0 : i32
      %dma_wait3A_179 = tpu.memref_slice %arg3[%add3A, %dma_wait3A_177, %dma_wait3A_178] : memref<32x80x128xi32, #tpu.memory_space<hbm>> -> memref<1x8x128xi32, #tpu.memory_space<hbm>>
      %dma_wait3A_180 = tpu.memref_squeeze %dma_wait3A_179 : memref<1x8x128xi32, #tpu.memory_space<hbm>> -> memref<8x128xi32, #tpu.memory_space<hbm>>
      tpu.wait_dma2 semaphore(%run_scoped3A_164 : memref<!tpu.dma_semaphore, #tpu.memory_space<semaphore_mem>>) src(%dma_wait3A_180 : memref<8x128xi32, #tpu.memory_space<hbm>>) dst(%arg13 : memref<8x128xi32, #tpu.memory_space<vmem>>)
      tpu.yield
    }) : () -> ()
    "tpu.region"() ({
      %run_scoped3A_164 = tpu.sem_alloc : memref<!tpu.dma_semaphore, #tpu.memory_space<semaphore_mem>>
      %dma_start3A_165 = arith.constant 72 : i32
      %dma_start3A_166 = arith.constant 0 : i32
      %dma_start3A_167 = tpu.memref_slice %arg4[%add3A, %dma_start3A_165, %dma_start3A_166] : memref<32x80x128xi32, #tpu.memory_space<hbm>> -> memref<1x8x128xi32, #tpu.memory_space<hbm>>
      %dma_start3A_168 = tpu.memref_squeeze %dma_start3A_167 : memref<1x8x128xi32, #tpu.memory_space<hbm>> -> memref<8x128xi32, #tpu.memory_space<hbm>>
      %dma_start3A_169 = arith.constant 72 : i32
      %dma_start3A_170 = arith.constant 0 : i32
      %dma_start3A_171 = tpu.memref_slice %arg4[%add3A, %dma_start3A_169, %dma_start3A_170] : memref<32x80x128xi32, #tpu.memory_space<hbm>> -> memref<1x8x128xi32, #tpu.memory_space<hbm>>
      %dma_start3A_172 = tpu.memref_squeeze %dma_start3A_171 : memref<1x8x128xi32, #tpu.memory_space<hbm>> -> memref<8x128xi32, #tpu.memory_space<hbm>>
      tpu.enqueue_dma source(%dma_start3A_172 : memref<8x128xi32, #tpu.memory_space<hbm>>) target(%arg14 : memref<8x128xi32, #tpu.memory_space<vmem>>) target_semaphore(%run_scoped3A_164 : memref<!tpu.dma_semaphore, #tpu.memory_space<semaphore_mem>>)
      %dma_wait3A_173 = arith.constant 72 : i32
      %dma_wait3A_174 = arith.constant 0 : i32
      %dma_wait3A_175 = tpu.memref_slice %arg4[%add3A, %dma_wait3A_173, %dma_wait3A_174] : memref<32x80x128xi32, #tpu.memory_space<hbm>> -> memref<1x8x128xi32, #tpu.memory_space<hbm>>
      %dma_wait3A_176 = tpu.memref_squeeze %dma_wait3A_175 : memref<1x8x128xi32, #tpu.memory_space<hbm>> -> memref<8x128xi32, #tpu.memory_space<hbm>>
      %dma_wait3A_177 = arith.constant 72 : i32
      %dma_wait3A_178 = arith.constant 0 : i32
      %dma_wait3A_179 = tpu.memref_slice %arg4[%add3A, %dma_wait3A_177, %dma_wait3A_178] : memref<32x80x128xi32, #tpu.memory_space<hbm>> -> memref<1x8x128xi32, #tpu.memory_space<hbm>>
      %dma_wait3A_180 = tpu.memref_squeeze %dma_wait3A_179 : memref<1x8x128xi32, #tpu.memory_space<hbm>> -> memref<8x128xi32, #tpu.memory_space<hbm>>
      tpu.wait_dma2 semaphore(%run_scoped3A_164 : memref<!tpu.dma_semaphore, #tpu.memory_space<semaphore_mem>>) src(%dma_wait3A_180 : memref<8x128xi32, #tpu.memory_space<hbm>>) dst(%arg14 : memref<8x128xi32, #tpu.memory_space<vmem>>)
      tpu.yield
    }) : () -> ()
    "tpu.region"() ({
      %run_scoped3A_164 = tpu.sem_alloc : memref<!tpu.dma_semaphore, #tpu.memory_space<semaphore_mem>>
      %dma_start3A_165 = arith.constant 72 : i32
      %dma_start3A_166 = arith.constant 0 : i32
      %dma_start3A_167 = tpu.memref_slice %arg5[%add3A, %dma_start3A_165, %dma_start3A_166] : memref<32x80x128xi32, #tpu.memory_space<hbm>> -> memref<1x8x128xi32, #tpu.memory_space<hbm>>
      %dma_start3A_168 = tpu.memref_squeeze %dma_start3A_167 : memref<1x8x128xi32, #tpu.memory_space<hbm>> -> memref<8x128xi32, #tpu.memory_space<hbm>>
      %dma_start3A_169 = arith.constant 72 : i32
      %dma_start3A_170 = arith.constant 0 : i32
      %dma_start3A_171 = tpu.memref_slice %arg5[%add3A, %dma_start3A_169, %dma_start3A_170] : memref<32x80x128xi32, #tpu.memory_space<hbm>> -> memref<1x8x128xi32, #tpu.memory_space<hbm>>
      %dma_start3A_172 = tpu.memref_squeeze %dma_start3A_171 : memref<1x8x128xi32, #tpu.memory_space<hbm>> -> memref<8x128xi32, #tpu.memory_space<hbm>>
      tpu.enqueue_dma source(%dma_start3A_172 : memref<8x128xi32, #tpu.memory_space<hbm>>) target(%arg15 : memref<8x128xi32, #tpu.memory_space<vmem>>) target_semaphore(%run_scoped3A_164 : memref<!tpu.dma_semaphore, #tpu.memory_space<semaphore_mem>>)
      %dma_wait3A_173 = arith.constant 72 : i32
      %dma_wait3A_174 = arith.constant 0 : i32
      %dma_wait3A_175 = tpu.memref_slice %arg5[%add3A, %dma_wait3A_173, %dma_wait3A_174] : memref<32x80x128xi32, #tpu.memory_space<hbm>> -> memref<1x8x128xi32, #tpu.memory_space<hbm>>
      %dma_wait3A_176 = tpu.memref_squeeze %dma_wait3A_175 : memref<1x8x128xi32, #tpu.memory_space<hbm>> -> memref<8x128xi32, #tpu.memory_space<hbm>>
      %dma_wait3A_177 = arith.constant 72 : i32
      %dma_wait3A_178 = arith.constant 0 : i32
      %dma_wait3A_179 = tpu.memref_slice %arg5[%add3A, %dma_wait3A_177, %dma_wait3A_178] : memref<32x80x128xi32, #tpu.memory_space<hbm>> -> memref<1x8x128xi32, #tpu.memory_space<hbm>>
      %dma_wait3A_180 = tpu.memref_squeeze %dma_wait3A_179 : memref<1x8x128xi32, #tpu.memory_space<hbm>> -> memref<8x128xi32, #tpu.memory_space<hbm>>
      tpu.wait_dma2 semaphore(%run_scoped3A_164 : memref<!tpu.dma_semaphore, #tpu.memory_space<semaphore_mem>>) src(%dma_wait3A_180 : memref<8x128xi32, #tpu.memory_space<hbm>>) dst(%arg15 : memref<8x128xi32, #tpu.memory_space<vmem>>)
      tpu.yield
    }) : () -> ()
    "tpu.region"() ({
      %run_scoped3A_164 = tpu.sem_alloc : memref<!tpu.dma_semaphore, #tpu.memory_space<semaphore_mem>>
      %dma_start3A_165 = arith.constant 72 : i32
      %dma_start3A_166 = arith.constant 0 : i32
      %dma_start3A_167 = tpu.memref_slice %arg6[%add3A, %dma_start3A_165, %dma_start3A_166] : memref<32x80x128xi32, #tpu.memory_space<hbm>> -> memref<1x8x128xi32, #tpu.memory_space<hbm>>
      %dma_start3A_168 = tpu.memref_squeeze %dma_start3A_167 : memref<1x8x128xi32, #tpu.memory_space<hbm>> -> memref<8x128xi32, #tpu.memory_space<hbm>>
      %dma_start3A_169 = arith.constant 72 : i32
      %dma_start3A_170 = arith.constant 0 : i32
      %dma_start3A_171 = tpu.memref_slice %arg6[%add3A, %dma_start3A_169, %dma_start3A_170] : memref<32x80x128xi32, #tpu.memory_space<hbm>> -> memref<1x8x128xi32, #tpu.memory_space<hbm>>
      %dma_start3A_172 = tpu.memref_squeeze %dma_start3A_171 : memref<1x8x128xi32, #tpu.memory_space<hbm>> -> memref<8x128xi32, #tpu.memory_space<hbm>>
      tpu.enqueue_dma source(%dma_start3A_172 : memref<8x128xi32, #tpu.memory_space<hbm>>) target(%arg16 : memref<8x128xi32, #tpu.memory_space<vmem>>) target_semaphore(%run_scoped3A_164 : memref<!tpu.dma_semaphore, #tpu.memory_space<semaphore_mem>>)
      %dma_wait3A_173 = arith.constant 72 : i32
      %dma_wait3A_174 = arith.constant 0 : i32
      %dma_wait3A_175 = tpu.memref_slice %arg6[%add3A, %dma_wait3A_173, %dma_wait3A_174] : memref<32x80x128xi32, #tpu.memory_space<hbm>> -> memref<1x8x128xi32, #tpu.memory_space<hbm>>
      %dma_wait3A_176 = tpu.memref_squeeze %dma_wait3A_175 : memref<1x8x128xi32, #tpu.memory_space<hbm>> -> memref<8x128xi32, #tpu.memory_space<hbm>>
      %dma_wait3A_177 = arith.constant 72 : i32
      %dma_wait3A_178 = arith.constant 0 : i32
      %dma_wait3A_179 = tpu.memref_slice %arg6[%add3A, %dma_wait3A_177, %dma_wait3A_178] : memref<32x80x128xi32, #tpu.memory_space<hbm>> -> memref<1x8x128xi32, #tpu.memory_space<hbm>>
      %dma_wait3A_180 = tpu.memref_squeeze %dma_wait3A_179 : memref<1x8x128xi32, #tpu.memory_space<hbm>> -> memref<8x128xi32, #tpu.memory_space<hbm>>
      tpu.wait_dma2 semaphore(%run_scoped3A_164 : memref<!tpu.dma_semaphore, #tpu.memory_space<semaphore_mem>>) src(%dma_wait3A_180 : memref<8x128xi32, #tpu.memory_space<hbm>>) dst(%arg16 : memref<8x128xi32, #tpu.memory_space<vmem>>)
      tpu.yield
    }) : () -> ()
    %scan3A_60 = arith.constant 0 : i32
    %scan3A_61 = arith.constant 0 : i32
    %scan3A_62 = arith.constant 8 : i32
    %scan3A_63 = arith.addi %scan3A_61, %scan3A_62 : i32
    %scan3A_64 = arith.constant 1 : i32
    scf.for %scan3A_164 = %scan3A_61 to %scan3A_63 step %scan3A_64  : i32 {
      %dma_start3A_165 = arith.constant 0 : i32
      %dma_start3A_166 = tpu.memref_slice %arg13[%scan3A_164, %dma_start3A_165] : memref<8x128xi32, #tpu.memory_space<vmem>> -> memref<1x128xi32, #tpu.memory_space<vmem>>
      %dma_start3A_167 = tpu.memref_squeeze %dma_start3A_166 : memref<1x128xi32, #tpu.memory_space<vmem>> -> memref<128xi32, #tpu.memory_space<vmem>>
      %dma_start3A_168 = arith.constant 0 : i32
      %dma_start3A_169 = arith.constant 0 : i32
      %dma_start3A_170 = tpu.memref_slice %arg2[%dma_start3A_168, %dma_start3A_169] : memref<10000x128xf32, #tpu.memory_space<hbm>> -> memref<10000x128xf32, #tpu.memory_space<hbm>>
      tpu.enqueue_indirect_dma source(%dma_start3A_170 : memref<10000x128xf32, #tpu.memory_space<hbm>>) target(%arg17 : memref<128x128xf32, #tpu.memory_space<vmem>>) offsets(%dma_start3A_167 : memref<128xi32, #tpu.memory_space<vmem>>) semaphore(%arg20 : memref<!tpu.dma_semaphore, #tpu.memory_space<semaphore_mem>>)
      %dma_wait3A_171 = arith.constant 0 : i32
      %dma_wait3A_172 = tpu.memref_slice %arg13[%scan3A_164, %dma_wait3A_171] : memref<8x128xi32, #tpu.memory_space<vmem>> -> memref<1x128xi32, #tpu.memory_space<vmem>>
      %dma_wait3A_173 = tpu.memref_squeeze %dma_wait3A_172 : memref<1x128xi32, #tpu.memory_space<vmem>> -> memref<128xi32, #tpu.memory_space<vmem>>
      %dma_wait3A_174 = arith.constant 0 : i32
      %dma_wait3A_175 = arith.constant 0 : i32
      %dma_wait3A_176 = tpu.memref_slice %arg2[%dma_wait3A_174, %dma_wait3A_175] : memref<10000x128xf32, #tpu.memory_space<hbm>> -> memref<10000x128xf32, #tpu.memory_space<hbm>>
      tpu.wait_indirect_dma semaphore(%arg20 : memref<!tpu.dma_semaphore, #tpu.memory_space<semaphore_mem>>) src(%dma_wait3A_176 : memref<10000x128xf32, #tpu.memory_space<hbm>>) dst(%arg17 : memref<128x128xf32, #tpu.memory_space<vmem>>)
      "tpu.region"() ({
        %run_scoped3A_189 = tpu.sem_alloc : memref<!tpu.dma_semaphore, #tpu.memory_space<semaphore_mem>>
        %dma_start3A_190 = arith.constant 0 : i32
        %dma_start3A_191 = tpu.memref_slice %arg14[%scan3A_164, %dma_start3A_190] : memref<8x128xi32, #tpu.memory_space<vmem>> -> memref<1x128xi32, #tpu.memory_space<vmem>>
        %dma_start3A_192 = tpu.memref_squeeze %dma_start3A_191 : memref<1x128xi32, #tpu.memory_space<vmem>> -> memref<128xi32, #tpu.memory_space<vmem>>
        %dma_start3A_193 = arith.constant 0 : i32
        %dma_start3A_194 = arith.constant 0 : i32
        %dma_start3A_195 = tpu.memref_slice %arg21[%dma_start3A_193, %dma_start3A_194] : memref<10240x128xf32, #tpu.memory_space<vmem_shared>> -> memref<10240x128xf32, #tpu.memory_space<vmem_shared>>
        tpu.enqueue_indirect_dma source(%arg17 : memref<128x128xf32, #tpu.memory_space<vmem>>) target(%dma_start3A_195 : memref<10240x128xf32, #tpu.memory_space<vmem_shared>>) offsets(%dma_start3A_192 : memref<128xi32, #tpu.memory_space<vmem>>) semaphore(%run_scoped3A_189 : memref<!tpu.dma_semaphore, #tpu.memory_space<semaphore_mem>>) {add = true}
        %dma_wait3A_196 = arith.constant 0 : i32
        %dma_wait3A_197 = tpu.memref_slice %arg14[%scan3A_164, %dma_wait3A_196] : memref<8x128xi32, #tpu.memory_space<vmem>> -> memref<1x128xi32, #tpu.memory_space<vmem>>
        %dma_wait3A_198 = tpu.memref_squeeze %dma_wait3A_197 : memref<1x128xi32, #tpu.memory_space<vmem>> -> memref<128xi32, #tpu.memory_space<vmem>>
        %dma_wait3A_199 = arith.constant 0 : i32
        %dma_wait3A_200 = arith.constant 0 : i32
        %dma_wait3A_201 = tpu.memref_slice %arg21[%dma_wait3A_199, %dma_wait3A_200] : memref<10240x128xf32, #tpu.memory_space<vmem_shared>> -> memref<10240x128xf32, #tpu.memory_space<vmem_shared>>
        tpu.wait_indirect_dma semaphore(%run_scoped3A_189 : memref<!tpu.dma_semaphore, #tpu.memory_space<semaphore_mem>>) src(%arg17 : memref<128x128xf32, #tpu.memory_space<vmem>>) dst(%dma_wait3A_201 : memref<10240x128xf32, #tpu.memory_space<vmem_shared>>)
        tpu.yield
      }) : () -> ()
      %dma_start3A_177 = arith.constant 0 : i32
      %dma_start3A_178 = tpu.memref_slice %arg16[%scan3A_164, %dma_start3A_177] : memref<8x128xi32, #tpu.memory_space<vmem>> -> memref<1x128xi32, #tpu.memory_space<vmem>>
      %dma_start3A_179 = tpu.memref_squeeze %dma_start3A_178 : memref<1x128xi32, #tpu.memory_space<vmem>> -> memref<128xi32, #tpu.memory_space<vmem>>
      %dma_start3A_180 = arith.constant 0 : i32
      %dma_start3A_181 = arith.constant 0 : i32
      %dma_start3A_182 = tpu.memref_slice %arg7[%dma_start3A_180, %dma_start3A_181] : memref<1024x128xf32, #tpu.memory_space<hbm>> -> memref<1024x128xf32, #tpu.memory_space<hbm>>
      tpu.enqueue_indirect_dma source(%dma_start3A_182 : memref<1024x128xf32, #tpu.memory_space<hbm>>) target(%arg17 : memref<128x128xf32, #tpu.memory_space<vmem>>) offsets(%dma_start3A_179 : memref<128xi32, #tpu.memory_space<vmem>>) semaphore(%arg20 : memref<!tpu.dma_semaphore, #tpu.memory_space<semaphore_mem>>)
      %dma_wait3A_183 = arith.constant 0 : i32
      %dma_wait3A_184 = tpu.memref_slice %arg16[%scan3A_164, %dma_wait3A_183] : memref<8x128xi32, #tpu.memory_space<vmem>> -> memref<1x128xi32, #tpu.memory_space<vmem>>
      %dma_wait3A_185 = tpu.memref_squeeze %dma_wait3A_184 : memref<1x128xi32, #tpu.memory_space<vmem>> -> memref<128xi32, #tpu.memory_space<vmem>>
      %dma_wait3A_186 = arith.constant 0 : i32
      %dma_wait3A_187 = arith.constant 0 : i32
      %dma_wait3A_188 = tpu.memref_slice %arg7[%dma_wait3A_186, %dma_wait3A_187] : memref<1024x128xf32, #tpu.memory_space<hbm>> -> memref<1024x128xf32, #tpu.memory_space<hbm>>
      tpu.wait_indirect_dma semaphore(%arg20 : memref<!tpu.dma_semaphore, #tpu.memory_space<semaphore_mem>>) src(%dma_wait3A_188 : memref<1024x128xf32, #tpu.memory_space<hbm>>) dst(%arg17 : memref<128x128xf32, #tpu.memory_space<vmem>>)
      "tpu.region"() ({
        %run_scoped3A_189 = tpu.sem_alloc : memref<!tpu.dma_semaphore, #tpu.memory_space<semaphore_mem>>
        %dma_start3A_190 = arith.constant 0 : i32
        %dma_start3A_191 = tpu.memref_slice %arg15[%scan3A_164, %dma_start3A_190] : memref<8x128xi32, #tpu.memory_space<vmem>> -> memref<1x128xi32, #tpu.memory_space<vmem>>
        %dma_start3A_192 = tpu.memref_squeeze %dma_start3A_191 : memref<1x128xi32, #tpu.memory_space<vmem>> -> memref<128xi32, #tpu.memory_space<vmem>>
        %dma_start3A_193 = arith.constant 0 : i32
        %dma_start3A_194 = arith.constant 0 : i32
        %dma_start3A_195 = tpu.memref_slice %arg22[%dma_start3A_193, %dma_start3A_194] : memref<1280x128xf32, #tpu.memory_space<vmem_shared>> -> memref<1280x128xf32, #tpu.memory_space<vmem_shared>>
        tpu.enqueue_indirect_dma source(%arg17 : memref<128x128xf32, #tpu.memory_space<vmem>>) target(%dma_start3A_195 : memref<1280x128xf32, #tpu.memory_space<vmem_shared>>) offsets(%dma_start3A_192 : memref<128xi32, #tpu.memory_space<vmem>>) semaphore(%run_scoped3A_189 : memref<!tpu.dma_semaphore, #tpu.memory_space<semaphore_mem>>) {add = true}
        %dma_wait3A_196 = arith.constant 0 : i32
        %dma_wait3A_197 = tpu.memref_slice %arg15[%scan3A_164, %dma_wait3A_196] : memref<8x128xi32, #tpu.memory_space<vmem>> -> memref<1x128xi32, #tpu.memory_space<vmem>>
        %dma_wait3A_198 = tpu.memref_squeeze %dma_wait3A_197 : memref<1x128xi32, #tpu.memory_space<vmem>> -> memref<128xi32, #tpu.memory_space<vmem>>
        %dma_wait3A_199 = arith.constant 0 : i32
        %dma_wait3A_200 = arith.constant 0 : i32
        %dma_wait3A_201 = tpu.memref_slice %arg22[%dma_wait3A_199, %dma_wait3A_200] : memref<1280x128xf32, #tpu.memory_space<vmem_shared>> -> memref<1280x128xf32, #tpu.memory_space<vmem_shared>>
        tpu.wait_indirect_dma semaphore(%run_scoped3A_189 : memref<!tpu.dma_semaphore, #tpu.memory_space<semaphore_mem>>) src(%arg17 : memref<128x128xf32, #tpu.memory_space<vmem>>) dst(%dma_wait3A_201 : memref<1280x128xf32, #tpu.memory_space<vmem_shared>>)
        tpu.yield
      }) : () -> ()
    }
    %scan3A_65 = arith.constant 8 : i32
    %barrier3A_66 = arith.constant 0 : index
    tpu.barrier barrier_id(%barrier3A_66)
    %mul3A_67 = arith.constant 640 : i32
    %mul3A_68 = arith.muli %arg1, %mul3A_67 : i32
    %add3A_69 = arith.constant 0 : i32
    %add3A_70 = arith.addi %mul3A_68, %add3A_69 : i32
    %multiple_of3A = tpu.assume_multiple %add3A_70, 8 : i32
    %dma_start3A = arith.constant 0 : i32
    %dma_start3A_71 = arith.constant 0 : i32
    %dma_start3A_72 = tpu.memref_slice %arg18[%dma_start3A, %dma_start3A_71] : memref<5x128xi32, #tpu.memory_space<vmem>> -> memref<1x128xi32, #tpu.memory_space<vmem>>
    %dma_start3A_73 = tpu.memref_squeeze %dma_start3A_72 : memref<1x128xi32, #tpu.memory_space<vmem>> -> memref<128xi32, #tpu.memory_space<vmem>>
    %dma_start3A_74 = arith.constant 0 : i32
    %dma_start3A_75 = arith.constant 0 : i32
    %dma_start3A_76 = tpu.memref_slice %arg21[%dma_start3A_74, %dma_start3A_75] : memref<10240x128xf32, #tpu.memory_space<vmem_shared>> -> memref<10240x128xf32, #tpu.memory_space<vmem_shared>>
    tpu.enqueue_indirect_dma source(%dma_start3A_76 : memref<10240x128xf32, #tpu.memory_space<vmem_shared>>) target(%arg17 : memref<128x128xf32, #tpu.memory_space<vmem>>) offsets(%dma_start3A_73 : memref<128xi32, #tpu.memory_space<vmem>>) semaphore(%arg20 : memref<!tpu.dma_semaphore, #tpu.memory_space<semaphore_mem>>)
    %dma_wait3A = arith.constant 0 : i32
    %dma_wait3A_77 = arith.constant 0 : i32
    %dma_wait3A_78 = tpu.memref_slice %arg18[%dma_wait3A, %dma_wait3A_77] : memref<5x128xi32, #tpu.memory_space<vmem>> -> memref<1x128xi32, #tpu.memory_space<vmem>>
    %dma_wait3A_79 = tpu.memref_squeeze %dma_wait3A_78 : memref<1x128xi32, #tpu.memory_space<vmem>> -> memref<128xi32, #tpu.memory_space<vmem>>
    %dma_wait3A_80 = arith.constant 0 : i32
    %dma_wait3A_81 = arith.constant 0 : i32
    %dma_wait3A_82 = tpu.memref_slice %arg21[%dma_wait3A_80, %dma_wait3A_81] : memref<10240x128xf32, #tpu.memory_space<vmem_shared>> -> memref<10240x128xf32, #tpu.memory_space<vmem_shared>>
    tpu.wait_indirect_dma semaphore(%arg20 : memref<!tpu.dma_semaphore, #tpu.memory_space<semaphore_mem>>) src(%dma_wait3A_82 : memref<10240x128xf32, #tpu.memory_space<vmem_shared>>) dst(%arg17 : memref<128x128xf32, #tpu.memory_space<vmem>>)
    "tpu.region"() ({
      %run_scoped3A_164 = tpu.sem_alloc : memref<!tpu.dma_semaphore, #tpu.memory_space<semaphore_mem>>
      %dma_start3A_165 = arith.constant 0 : i32
      %dma_start3A_166 = tpu.memref_slice %arg11[%arg0, %multiple_of3A, %dma_start3A_165] : memref<2x10240x128xf32, #tpu.memory_space<hbm>> -> memref<1x128x128xf32, #tpu.memory_space<hbm>>
      %dma_start3A_167 = tpu.memref_squeeze %dma_start3A_166 : memref<1x128x128xf32, #tpu.memory_space<hbm>> -> memref<128x128xf32, #tpu.memory_space<hbm>>
      %dma_start3A_168 = arith.constant 0 : i32
      %dma_start3A_169 = tpu.memref_slice %arg11[%arg0, %multiple_of3A, %dma_start3A_168] : memref<2x10240x128xf32, #tpu.memory_space<hbm>> -> memref<1x128x128xf32, #tpu.memory_space<hbm>>
      %dma_start3A_170 = tpu.memref_squeeze %dma_start3A_169 : memref<1x128x128xf32, #tpu.memory_space<hbm>> -> memref<128x128xf32, #tpu.memory_space<hbm>>
      tpu.enqueue_dma source(%arg17 : memref<128x128xf32, #tpu.memory_space<vmem>>) target(%dma_start3A_170 : memref<128x128xf32, #tpu.memory_space<hbm>>) target_semaphore(%run_scoped3A_164 : memref<!tpu.dma_semaphore, #tpu.memory_space<semaphore_mem>>)
      %dma_wait3A_171 = arith.constant 0 : i32
      %dma_wait3A_172 = tpu.memref_slice %arg11[%arg0, %multiple_of3A, %dma_wait3A_171] : memref<2x10240x128xf32, #tpu.memory_space<hbm>> -> memref<1x128x128xf32, #tpu.memory_space<hbm>>
      %dma_wait3A_173 = tpu.memref_squeeze %dma_wait3A_172 : memref<1x128x128xf32, #tpu.memory_space<hbm>> -> memref<128x128xf32, #tpu.memory_space<hbm>>
      %dma_wait3A_174 = arith.constant 0 : i32
      %dma_wait3A_175 = tpu.memref_slice %arg11[%arg0, %multiple_of3A, %dma_wait3A_174] : memref<2x10240x128xf32, #tpu.memory_space<hbm>> -> memref<1x128x128xf32, #tpu.memory_space<hbm>>
      %dma_wait3A_176 = tpu.memref_squeeze %dma_wait3A_175 : memref<1x128x128xf32, #tpu.memory_space<hbm>> -> memref<128x128xf32, #tpu.memory_space<hbm>>
      tpu.wait_dma2 semaphore(%run_scoped3A_164 : memref<!tpu.dma_semaphore, #tpu.memory_space<semaphore_mem>>) src(%arg17 : memref<128x128xf32, #tpu.memory_space<vmem>>) dst(%dma_wait3A_176 : memref<128x128xf32, #tpu.memory_space<hbm>>)
      tpu.yield
    }) : () -> ()
    %mul3A_83 = arith.constant 640 : i32
    %mul3A_84 = arith.muli %arg1, %mul3A_83 : i32
    %add3A_85 = arith.constant 128 : i32
    %add3A_86 = arith.addi %mul3A_84, %add3A_85 : i32
    %multiple_of3A_87 = tpu.assume_multiple %add3A_86, 8 : i32
    %dma_start3A_88 = arith.constant 1 : i32
    %dma_start3A_89 = arith.constant 0 : i32
    %dma_start3A_90 = tpu.memref_slice %arg18[%dma_start3A_88, %dma_start3A_89] : memref<5x128xi32, #tpu.memory_space<vmem>> -> memref<1x128xi32, #tpu.memory_space<vmem>>
    %dma_start3A_91 = tpu.memref_squeeze %dma_start3A_90 : memref<1x128xi32, #tpu.memory_space<vmem>> -> memref<128xi32, #tpu.memory_space<vmem>>
    %dma_start3A_92 = arith.constant 0 : i32
    %dma_start3A_93 = arith.constant 0 : i32
    %dma_start3A_94 = tpu.memref_slice %arg21[%dma_start3A_92, %dma_start3A_93] : memref<10240x128xf32, #tpu.memory_space<vmem_shared>> -> memref<10240x128xf32, #tpu.memory_space<vmem_shared>>
    tpu.enqueue_indirect_dma source(%dma_start3A_94 : memref<10240x128xf32, #tpu.memory_space<vmem_shared>>) target(%arg17 : memref<128x128xf32, #tpu.memory_space<vmem>>) offsets(%dma_start3A_91 : memref<128xi32, #tpu.memory_space<vmem>>) semaphore(%arg20 : memref<!tpu.dma_semaphore, #tpu.memory_space<semaphore_mem>>)
    %dma_wait3A_95 = arith.constant 1 : i32
    %dma_wait3A_96 = arith.constant 0 : i32
    %dma_wait3A_97 = tpu.memref_slice %arg18[%dma_wait3A_95, %dma_wait3A_96] : memref<5x128xi32, #tpu.memory_space<vmem>> -> memref<1x128xi32, #tpu.memory_space<vmem>>
    %dma_wait3A_98 = tpu.memref_squeeze %dma_wait3A_97 : memref<1x128xi32, #tpu.memory_space<vmem>> -> memref<128xi32, #tpu.memory_space<vmem>>
    %dma_wait3A_99 = arith.constant 0 : i32
    %dma_wait3A_100 = arith.constant 0 : i32
    %dma_wait3A_101 = tpu.memref_slice %arg21[%dma_wait3A_99, %dma_wait3A_100] : memref<10240x128xf32, #tpu.memory_space<vmem_shared>> -> memref<10240x128xf32, #tpu.memory_space<vmem_shared>>
    tpu.wait_indirect_dma semaphore(%arg20 : memref<!tpu.dma_semaphore, #tpu.memory_space<semaphore_mem>>) src(%dma_wait3A_101 : memref<10240x128xf32, #tpu.memory_space<vmem_shared>>) dst(%arg17 : memref<128x128xf32, #tpu.memory_space<vmem>>)
    "tpu.region"() ({
      %run_scoped3A_164 = tpu.sem_alloc : memref<!tpu.dma_semaphore, #tpu.memory_space<semaphore_mem>>
      %dma_start3A_165 = arith.constant 0 : i32
      %dma_start3A_166 = tpu.memref_slice %arg11[%arg0, %multiple_of3A_87, %dma_start3A_165] : memref<2x10240x128xf32, #tpu.memory_space<hbm>> -> memref<1x128x128xf32, #tpu.memory_space<hbm>>
      %dma_start3A_167 = tpu.memref_squeeze %dma_start3A_166 : memref<1x128x128xf32, #tpu.memory_space<hbm>> -> memref<128x128xf32, #tpu.memory_space<hbm>>
      %dma_start3A_168 = arith.constant 0 : i32
      %dma_start3A_169 = tpu.memref_slice %arg11[%arg0, %multiple_of3A_87, %dma_start3A_168] : memref<2x10240x128xf32, #tpu.memory_space<hbm>> -> memref<1x128x128xf32, #tpu.memory_space<hbm>>
      %dma_start3A_170 = tpu.memref_squeeze %dma_start3A_169 : memref<1x128x128xf32, #tpu.memory_space<hbm>> -> memref<128x128xf32, #tpu.memory_space<hbm>>
      tpu.enqueue_dma source(%arg17 : memref<128x128xf32, #tpu.memory_space<vmem>>) target(%dma_start3A_170 : memref<128x128xf32, #tpu.memory_space<hbm>>) target_semaphore(%run_scoped3A_164 : memref<!tpu.dma_semaphore, #tpu.memory_space<semaphore_mem>>)
      %dma_wait3A_171 = arith.constant 0 : i32
      %dma_wait3A_172 = tpu.memref_slice %arg11[%arg0, %multiple_of3A_87, %dma_wait3A_171] : memref<2x10240x128xf32, #tpu.memory_space<hbm>> -> memref<1x128x128xf32, #tpu.memory_space<hbm>>
      %dma_wait3A_173 = tpu.memref_squeeze %dma_wait3A_172 : memref<1x128x128xf32, #tpu.memory_space<hbm>> -> memref<128x128xf32, #tpu.memory_space<hbm>>
      %dma_wait3A_174 = arith.constant 0 : i32
      %dma_wait3A_175 = tpu.memref_slice %arg11[%arg0, %multiple_of3A_87, %dma_wait3A_174] : memref<2x10240x128xf32, #tpu.memory_space<hbm>> -> memref<1x128x128xf32, #tpu.memory_space<hbm>>
      %dma_wait3A_176 = tpu.memref_squeeze %dma_wait3A_175 : memref<1x128x128xf32, #tpu.memory_space<hbm>> -> memref<128x128xf32, #tpu.memory_space<hbm>>
      tpu.wait_dma2 semaphore(%run_scoped3A_164 : memref<!tpu.dma_semaphore, #tpu.memory_space<semaphore_mem>>) src(%arg17 : memref<128x128xf32, #tpu.memory_space<vmem>>) dst(%dma_wait3A_176 : memref<128x128xf32, #tpu.memory_space<hbm>>)
      tpu.yield
    }) : () -> ()
    %mul3A_102 = arith.constant 640 : i32
    %mul3A_103 = arith.muli %arg1, %mul3A_102 : i32
    %add3A_104 = arith.constant 256 : i32
    %add3A_105 = arith.addi %mul3A_103, %add3A_104 : i32
    %multiple_of3A_106 = tpu.assume_multiple %add3A_105, 8 : i32
    %dma_start3A_107 = arith.constant 2 : i32
    %dma_start3A_108 = arith.constant 0 : i32
    %dma_start3A_109 = tpu.memref_slice %arg18[%dma_start3A_107, %dma_start3A_108] : memref<5x128xi32, #tpu.memory_space<vmem>> -> memref<1x128xi32, #tpu.memory_space<vmem>>
    %dma_start3A_110 = tpu.memref_squeeze %dma_start3A_109 : memref<1x128xi32, #tpu.memory_space<vmem>> -> memref<128xi32, #tpu.memory_space<vmem>>
    %dma_start3A_111 = arith.constant 0 : i32
    %dma_start3A_112 = arith.constant 0 : i32
    %dma_start3A_113 = tpu.memref_slice %arg21[%dma_start3A_111, %dma_start3A_112] : memref<10240x128xf32, #tpu.memory_space<vmem_shared>> -> memref<10240x128xf32, #tpu.memory_space<vmem_shared>>
    tpu.enqueue_indirect_dma source(%dma_start3A_113 : memref<10240x128xf32, #tpu.memory_space<vmem_shared>>) target(%arg17 : memref<128x128xf32, #tpu.memory_space<vmem>>) offsets(%dma_start3A_110 : memref<128xi32, #tpu.memory_space<vmem>>) semaphore(%arg20 : memref<!tpu.dma_semaphore, #tpu.memory_space<semaphore_mem>>)
    %dma_wait3A_114 = arith.constant 2 : i32
    %dma_wait3A_115 = arith.constant 0 : i32
    %dma_wait3A_116 = tpu.memref_slice %arg18[%dma_wait3A_114, %dma_wait3A_115] : memref<5x128xi32, #tpu.memory_space<vmem>> -> memref<1x128xi32, #tpu.memory_space<vmem>>
    %dma_wait3A_117 = tpu.memref_squeeze %dma_wait3A_116 : memref<1x128xi32, #tpu.memory_space<vmem>> -> memref<128xi32, #tpu.memory_space<vmem>>
    %dma_wait3A_118 = arith.constant 0 : i32
    %dma_wait3A_119 = arith.constant 0 : i32
    %dma_wait3A_120 = tpu.memref_slice %arg21[%dma_wait3A_118, %dma_wait3A_119] : memref<10240x128xf32, #tpu.memory_space<vmem_shared>> -> memref<10240x128xf32, #tpu.memory_space<vmem_shared>>
    tpu.wait_indirect_dma semaphore(%arg20 : memref<!tpu.dma_semaphore, #tpu.memory_space<semaphore_mem>>) src(%dma_wait3A_120 : memref<10240x128xf32, #tpu.memory_space<vmem_shared>>) dst(%arg17 : memref<128x128xf32, #tpu.memory_space<vmem>>)
    "tpu.region"() ({
      %run_scoped3A_164 = tpu.sem_alloc : memref<!tpu.dma_semaphore, #tpu.memory_space<semaphore_mem>>
      %dma_start3A_165 = arith.constant 0 : i32
      %dma_start3A_166 = tpu.memref_slice %arg11[%arg0, %multiple_of3A_106, %dma_start3A_165] : memref<2x10240x128xf32, #tpu.memory_space<hbm>> -> memref<1x128x128xf32, #tpu.memory_space<hbm>>
      %dma_start3A_167 = tpu.memref_squeeze %dma_start3A_166 : memref<1x128x128xf32, #tpu.memory_space<hbm>> -> memref<128x128xf32, #tpu.memory_space<hbm>>
      %dma_start3A_168 = arith.constant 0 : i32
      %dma_start3A_169 = tpu.memref_slice %arg11[%arg0, %multiple_of3A_106, %dma_start3A_168] : memref<2x10240x128xf32, #tpu.memory_space<hbm>> -> memref<1x128x128xf32, #tpu.memory_space<hbm>>
      %dma_start3A_170 = tpu.memref_squeeze %dma_start3A_169 : memref<1x128x128xf32, #tpu.memory_space<hbm>> -> memref<128x128xf32, #tpu.memory_space<hbm>>
      tpu.enqueue_dma source(%arg17 : memref<128x128xf32, #tpu.memory_space<vmem>>) target(%dma_start3A_170 : memref<128x128xf32, #tpu.memory_space<hbm>>) target_semaphore(%run_scoped3A_164 : memref<!tpu.dma_semaphore, #tpu.memory_space<semaphore_mem>>)
      %dma_wait3A_171 = arith.constant 0 : i32
      %dma_wait3A_172 = tpu.memref_slice %arg11[%arg0, %multiple_of3A_106, %dma_wait3A_171] : memref<2x10240x128xf32, #tpu.memory_space<hbm>> -> memref<1x128x128xf32, #tpu.memory_space<hbm>>
      %dma_wait3A_173 = tpu.memref_squeeze %dma_wait3A_172 : memref<1x128x128xf32, #tpu.memory_space<hbm>> -> memref<128x128xf32, #tpu.memory_space<hbm>>
      %dma_wait3A_174 = arith.constant 0 : i32
      %dma_wait3A_175 = tpu.memref_slice %arg11[%arg0, %multiple_of3A_106, %dma_wait3A_174] : memref<2x10240x128xf32, #tpu.memory_space<hbm>> -> memref<1x128x128xf32, #tpu.memory_space<hbm>>
      %dma_wait3A_176 = tpu.memref_squeeze %dma_wait3A_175 : memref<1x128x128xf32, #tpu.memory_space<hbm>> -> memref<128x128xf32, #tpu.memory_space<hbm>>
      tpu.wait_dma2 semaphore(%run_scoped3A_164 : memref<!tpu.dma_semaphore, #tpu.memory_space<semaphore_mem>>) src(%arg17 : memref<128x128xf32, #tpu.memory_space<vmem>>) dst(%dma_wait3A_176 : memref<128x128xf32, #tpu.memory_space<hbm>>)
      tpu.yield
    }) : () -> ()
    %mul3A_121 = arith.constant 640 : i32
    %mul3A_122 = arith.muli %arg1, %mul3A_121 : i32
    %add3A_123 = arith.constant 384 : i32
    %add3A_124 = arith.addi %mul3A_122, %add3A_123 : i32
    %multiple_of3A_125 = tpu.assume_multiple %add3A_124, 8 : i32
    %dma_start3A_126 = arith.constant 3 : i32
    %dma_start3A_127 = arith.constant 0 : i32
    %dma_start3A_128 = tpu.memref_slice %arg18[%dma_start3A_126, %dma_start3A_127] : memref<5x128xi32, #tpu.memory_space<vmem>> -> memref<1x128xi32, #tpu.memory_space<vmem>>
    %dma_start3A_129 = tpu.memref_squeeze %dma_start3A_128 : memref<1x128xi32, #tpu.memory_space<vmem>> -> memref<128xi32, #tpu.memory_space<vmem>>
    %dma_start3A_130 = arith.constant 0 : i32
    %dma_start3A_131 = arith.constant 0 : i32
    %dma_start3A_132 = tpu.memref_slice %arg21[%dma_start3A_130, %dma_start3A_131] : memref<10240x128xf32, #tpu.memory_space<vmem_shared>> -> memref<10240x128xf32, #tpu.memory_space<vmem_shared>>
    tpu.enqueue_indirect_dma source(%dma_start3A_132 : memref<10240x128xf32, #tpu.memory_space<vmem_shared>>) target(%arg17 : memref<128x128xf32, #tpu.memory_space<vmem>>) offsets(%dma_start3A_129 : memref<128xi32, #tpu.memory_space<vmem>>) semaphore(%arg20 : memref<!tpu.dma_semaphore, #tpu.memory_space<semaphore_mem>>)
    %dma_wait3A_133 = arith.constant 3 : i32
    %dma_wait3A_134 = arith.constant 0 : i32
    %dma_wait3A_135 = tpu.memref_slice %arg18[%dma_wait3A_133, %dma_wait3A_134] : memref<5x128xi32, #tpu.memory_space<vmem>> -> memref<1x128xi32, #tpu.memory_space<vmem>>
    %dma_wait3A_136 = tpu.memref_squeeze %dma_wait3A_135 : memref<1x128xi32, #tpu.memory_space<vmem>> -> memref<128xi32, #tpu.memory_space<vmem>>
    %dma_wait3A_137 = arith.constant 0 : i32
    %dma_wait3A_138 = arith.constant 0 : i32
    %dma_wait3A_139 = tpu.memref_slice %arg21[%dma_wait3A_137, %dma_wait3A_138] : memref<10240x128xf32, #tpu.memory_space<vmem_shared>> -> memref<10240x128xf32, #tpu.memory_space<vmem_shared>>
    tpu.wait_indirect_dma semaphore(%arg20 : memref<!tpu.dma_semaphore, #tpu.memory_space<semaphore_mem>>) src(%dma_wait3A_139 : memref<10240x128xf32, #tpu.memory_space<vmem_shared>>) dst(%arg17 : memref<128x128xf32, #tpu.memory_space<vmem>>)
    "tpu.region"() ({
      %run_scoped3A_164 = tpu.sem_alloc : memref<!tpu.dma_semaphore, #tpu.memory_space<semaphore_mem>>
      %dma_start3A_165 = arith.constant 0 : i32
      %dma_start3A_166 = tpu.memref_slice %arg11[%arg0, %multiple_of3A_125, %dma_start3A_165] : memref<2x10240x128xf32, #tpu.memory_space<hbm>> -> memref<1x128x128xf32, #tpu.memory_space<hbm>>
      %dma_start3A_167 = tpu.memref_squeeze %dma_start3A_166 : memref<1x128x128xf32, #tpu.memory_space<hbm>> -> memref<128x128xf32, #tpu.memory_space<hbm>>
      %dma_start3A_168 = arith.constant 0 : i32
      %dma_start3A_169 = tpu.memref_slice %arg11[%arg0, %multiple_of3A_125, %dma_start3A_168] : memref<2x10240x128xf32, #tpu.memory_space<hbm>> -> memref<1x128x128xf32, #tpu.memory_space<hbm>>
      %dma_start3A_170 = tpu.memref_squeeze %dma_start3A_169 : memref<1x128x128xf32, #tpu.memory_space<hbm>> -> memref<128x128xf32, #tpu.memory_space<hbm>>
      tpu.enqueue_dma source(%arg17 : memref<128x128xf32, #tpu.memory_space<vmem>>) target(%dma_start3A_170 : memref<128x128xf32, #tpu.memory_space<hbm>>) target_semaphore(%run_scoped3A_164 : memref<!tpu.dma_semaphore, #tpu.memory_space<semaphore_mem>>)
      %dma_wait3A_171 = arith.constant 0 : i32
      %dma_wait3A_172 = tpu.memref_slice %arg11[%arg0, %multiple_of3A_125, %dma_wait3A_171] : memref<2x10240x128xf32, #tpu.memory_space<hbm>> -> memref<1x128x128xf32, #tpu.memory_space<hbm>>
      %dma_wait3A_173 = tpu.memref_squeeze %dma_wait3A_172 : memref<1x128x128xf32, #tpu.memory_space<hbm>> -> memref<128x128xf32, #tpu.memory_space<hbm>>
      %dma_wait3A_174 = arith.constant 0 : i32
      %dma_wait3A_175 = tpu.memref_slice %arg11[%arg0, %multiple_of3A_125, %dma_wait3A_174] : memref<2x10240x128xf32, #tpu.memory_space<hbm>> -> memref<1x128x128xf32, #tpu.memory_space<hbm>>
      %dma_wait3A_176 = tpu.memref_squeeze %dma_wait3A_175 : memref<1x128x128xf32, #tpu.memory_space<hbm>> -> memref<128x128xf32, #tpu.memory_space<hbm>>
      tpu.wait_dma2 semaphore(%run_scoped3A_164 : memref<!tpu.dma_semaphore, #tpu.memory_space<semaphore_mem>>) src(%arg17 : memref<128x128xf32, #tpu.memory_space<vmem>>) dst(%dma_wait3A_176 : memref<128x128xf32, #tpu.memory_space<hbm>>)
      tpu.yield
    }) : () -> ()
    %mul3A_140 = arith.constant 640 : i32
    %mul3A_141 = arith.muli %arg1, %mul3A_140 : i32
    %add3A_142 = arith.constant 512 : i32
    %add3A_143 = arith.addi %mul3A_141, %add3A_142 : i32
    %multiple_of3A_144 = tpu.assume_multiple %add3A_143, 8 : i32
    %dma_start3A_145 = arith.constant 4 : i32
    %dma_start3A_146 = arith.constant 0 : i32
    %dma_start3A_147 = tpu.memref_slice %arg18[%dma_start3A_145, %dma_start3A_146] : memref<5x128xi32, #tpu.memory_space<vmem>> -> memref<1x128xi32, #tpu.memory_space<vmem>>
    %dma_start3A_148 = tpu.memref_squeeze %dma_start3A_147 : memref<1x128xi32, #tpu.memory_space<vmem>> -> memref<128xi32, #tpu.memory_space<vmem>>
    %dma_start3A_149 = arith.constant 0 : i32
    %dma_start3A_150 = arith.constant 0 : i32
    %dma_start3A_151 = tpu.memref_slice %arg21[%dma_start3A_149, %dma_start3A_150] : memref<10240x128xf32, #tpu.memory_space<vmem_shared>> -> memref<10240x128xf32, #tpu.memory_space<vmem_shared>>
    tpu.enqueue_indirect_dma source(%dma_start3A_151 : memref<10240x128xf32, #tpu.memory_space<vmem_shared>>) target(%arg17 : memref<128x128xf32, #tpu.memory_space<vmem>>) offsets(%dma_start3A_148 : memref<128xi32, #tpu.memory_space<vmem>>) semaphore(%arg20 : memref<!tpu.dma_semaphore, #tpu.memory_space<semaphore_mem>>)
    %dma_wait3A_152 = arith.constant 4 : i32
    %dma_wait3A_153 = arith.constant 0 : i32
    %dma_wait3A_154 = tpu.memref_slice %arg18[%dma_wait3A_152, %dma_wait3A_153] : memref<5x128xi32, #tpu.memory_space<vmem>> -> memref<1x128xi32, #tpu.memory_space<vmem>>
    %dma_wait3A_155 = tpu.memref_squeeze %dma_wait3A_154 : memref<1x128xi32, #tpu.memory_space<vmem>> -> memref<128xi32, #tpu.memory_space<vmem>>
    %dma_wait3A_156 = arith.constant 0 : i32
    %dma_wait3A_157 = arith.constant 0 : i32
    %dma_wait3A_158 = tpu.memref_slice %arg21[%dma_wait3A_156, %dma_wait3A_157] : memref<10240x128xf32, #tpu.memory_space<vmem_shared>> -> memref<10240x128xf32, #tpu.memory_space<vmem_shared>>
    tpu.wait_indirect_dma semaphore(%arg20 : memref<!tpu.dma_semaphore, #tpu.memory_space<semaphore_mem>>) src(%dma_wait3A_158 : memref<10240x128xf32, #tpu.memory_space<vmem_shared>>) dst(%arg17 : memref<128x128xf32, #tpu.memory_space<vmem>>)
    "tpu.region"() ({
      %run_scoped3A_164 = tpu.sem_alloc : memref<!tpu.dma_semaphore, #tpu.memory_space<semaphore_mem>>
      %dma_start3A_165 = arith.constant 0 : i32
      %dma_start3A_166 = tpu.memref_slice %arg11[%arg0, %multiple_of3A_144, %dma_start3A_165] : memref<2x10240x128xf32, #tpu.memory_space<hbm>> -> memref<1x128x128xf32, #tpu.memory_space<hbm>>
      %dma_start3A_167 = tpu.memref_squeeze %dma_start3A_166 : memref<1x128x128xf32, #tpu.memory_space<hbm>> -> memref<128x128xf32, #tpu.memory_space<hbm>>
      %dma_start3A_168 = arith.constant 0 : i32
      %dma_start3A_169 = tpu.memref_slice %arg11[%arg0, %multiple_of3A_144, %dma_start3A_168] : memref<2x10240x128xf32, #tpu.memory_space<hbm>> -> memref<1x128x128xf32, #tpu.memory_space<hbm>>
      %dma_start3A_170 = tpu.memref_squeeze %dma_start3A_169 : memref<1x128x128xf32, #tpu.memory_space<hbm>> -> memref<128x128xf32, #tpu.memory_space<hbm>>
      tpu.enqueue_dma source(%arg17 : memref<128x128xf32, #tpu.memory_space<vmem>>) target(%dma_start3A_170 : memref<128x128xf32, #tpu.memory_space<hbm>>) target_semaphore(%run_scoped3A_164 : memref<!tpu.dma_semaphore, #tpu.memory_space<semaphore_mem>>)
      %dma_wait3A_171 = arith.constant 0 : i32
      %dma_wait3A_172 = tpu.memref_slice %arg11[%arg0, %multiple_of3A_144, %dma_wait3A_171] : memref<2x10240x128xf32, #tpu.memory_space<hbm>> -> memref<1x128x128xf32, #tpu.memory_space<hbm>>
      %dma_wait3A_173 = tpu.memref_squeeze %dma_wait3A_172 : memref<1x128x128xf32, #tpu.memory_space<hbm>> -> memref<128x128xf32, #tpu.memory_space<hbm>>
      %dma_wait3A_174 = arith.constant 0 : i32
      %dma_wait3A_175 = tpu.memref_slice %arg11[%arg0, %multiple_of3A_144, %dma_wait3A_174] : memref<2x10240x128xf32, #tpu.memory_space<hbm>> -> memref<1x128x128xf32, #tpu.memory_space<hbm>>
      %dma_wait3A_176 = tpu.memref_squeeze %dma_wait3A_175 : memref<1x128x128xf32, #tpu.memory_space<hbm>> -> memref<128x128xf32, #tpu.memory_space<hbm>>
      tpu.wait_dma2 semaphore(%run_scoped3A_164 : memref<!tpu.dma_semaphore, #tpu.memory_space<semaphore_mem>>) src(%arg17 : memref<128x128xf32, #tpu.memory_space<vmem>>) dst(%dma_wait3A_176 : memref<128x128xf32, #tpu.memory_space<hbm>>)
      tpu.yield
    }) : () -> ()
    %lt3A_159 = arith.constant 10 : i32
    %lt3A_160 = arith.cmpi slt, %arg1, %lt3A_159 : i32
    %convert_element_type3A_161 = arith.extui %lt3A_160 : i1 to i32
    %cond3A_162 = arith.constant 0 : i32
    %cond3A_163 = arith.cmpi ne, %convert_element_type3A_161, %cond3A_162 : i32
    scf.if %cond3A_163 {
      %mul3A_164 = arith.constant 128 : i32
      %mul3A_165 = arith.muli %arg1, %mul3A_164 : i32
      %multiple_of3A_166 = tpu.assume_multiple %mul3A_165, 8 : i32
      %dma_start3A_167 = arith.constant 0 : i32
      %dma_start3A_168 = arith.constant 0 : i32
      %dma_start3A_169 = tpu.memref_slice %arg19[%dma_start3A_167, %dma_start3A_168] : memref<1x128xi32, #tpu.memory_space<vmem>> -> memref<1x128xi32, #tpu.memory_space<vmem>>
      %dma_start3A_170 = tpu.memref_squeeze %dma_start3A_169 : memref<1x128xi32, #tpu.memory_space<vmem>> -> memref<128xi32, #tpu.memory_space<vmem>>
      %dma_start3A_171 = arith.constant 0 : i32
      %dma_start3A_172 = arith.constant 0 : i32
      %dma_start3A_173 = tpu.memref_slice %arg22[%dma_start3A_171, %dma_start3A_172] : memref<1280x128xf32, #tpu.memory_space<vmem_shared>> -> memref<1280x128xf32, #tpu.memory_space<vmem_shared>>
      tpu.enqueue_indirect_dma source(%dma_start3A_173 : memref<1280x128xf32, #tpu.memory_space<vmem_shared>>) target(%arg17 : memref<128x128xf32, #tpu.memory_space<vmem>>) offsets(%dma_start3A_170 : memref<128xi32, #tpu.memory_space<vmem>>) semaphore(%arg20 : memref<!tpu.dma_semaphore, #tpu.memory_space<semaphore_mem>>)
      %dma_wait3A_174 = arith.constant 0 : i32
      %dma_wait3A_175 = arith.constant 0 : i32
      %dma_wait3A_176 = tpu.memref_slice %arg19[%dma_wait3A_174, %dma_wait3A_175] : memref<1x128xi32, #tpu.memory_space<vmem>> -> memref<1x128xi32, #tpu.memory_space<vmem>>
      %dma_wait3A_177 = tpu.memref_squeeze %dma_wait3A_176 : memref<1x128xi32, #tpu.memory_space<vmem>> -> memref<128xi32, #tpu.memory_space<vmem>>
      %dma_wait3A_178 = arith.constant 0 : i32
      %dma_wait3A_179 = arith.constant 0 : i32
      %dma_wait3A_180 = tpu.memref_slice %arg22[%dma_wait3A_178, %dma_wait3A_179] : memref<1280x128xf32, #tpu.memory_space<vmem_shared>> -> memref<1280x128xf32, #tpu.memory_space<vmem_shared>>
      tpu.wait_indirect_dma semaphore(%arg20 : memref<!tpu.dma_semaphore, #tpu.memory_space<semaphore_mem>>) src(%dma_wait3A_180 : memref<1280x128xf32, #tpu.memory_space<vmem_shared>>) dst(%arg17 : memref<128x128xf32, #tpu.memory_space<vmem>>)
      "tpu.region"() ({
        %run_scoped3A_181 = tpu.sem_alloc : memref<!tpu.dma_semaphore, #tpu.memory_space<semaphore_mem>>
        %dma_start3A_182 = arith.constant 0 : i32
        %dma_start3A_183 = tpu.memref_slice %arg12[%arg0, %multiple_of3A_166, %dma_start3A_182] : memref<2x1280x128xf32, #tpu.memory_space<hbm>> -> memref<1x128x128xf32, #tpu.memory_space<hbm>>
        %dma_start3A_184 = tpu.memref_squeeze %dma_start3A_183 : memref<1x128x128xf32, #tpu.memory_space<hbm>> -> memref<128x128xf32, #tpu.memory_space<hbm>>
        %dma_start3A_185 = arith.constant 0 : i32
        %dma_start3A_186 = tpu.memref_slice %arg12[%arg0, %multiple_of3A_166, %dma_start3A_185] : memref<2x1280x128xf32, #tpu.memory_space<hbm>> -> memref<1x128x128xf32, #tpu.memory_space<hbm>>
        %dma_start3A_187 = tpu.memref_squeeze %dma_start3A_186 : memref<1x128x128xf32, #tpu.memory_space<hbm>> -> memref<128x128xf32, #tpu.memory_space<hbm>>
        tpu.enqueue_dma source(%arg17 : memref<128x128xf32, #tpu.memory_space<vmem>>) target(%dma_start3A_187 : memref<128x128xf32, #tpu.memory_space<hbm>>) target_semaphore(%run_scoped3A_181 : memref<!tpu.dma_semaphore, #tpu.memory_space<semaphore_mem>>)
        %dma_wait3A_188 = arith.constant 0 : i32
        %dma_wait3A_189 = tpu.memref_slice %arg12[%arg0, %multiple_of3A_166, %dma_wait3A_188] : memref<2x1280x128xf32, #tpu.memory_space<hbm>> -> memref<1x128x128xf32, #tpu.memory_space<hbm>>
        %dma_wait3A_190 = tpu.memref_squeeze %dma_wait3A_189 : memref<1x128x128xf32, #tpu.memory_space<hbm>> -> memref<128x128xf32, #tpu.memory_space<hbm>>
        %dma_wait3A_191 = arith.constant 0 : i32
        %dma_wait3A_192 = tpu.memref_slice %arg12[%arg0, %multiple_of3A_166, %dma_wait3A_191] : memref<2x1280x128xf32, #tpu.memory_space<hbm>> -> memref<1x128x128xf32, #tpu.memory_space<hbm>>
        %dma_wait3A_193 = tpu.memref_squeeze %dma_wait3A_192 : memref<1x128x128xf32, #tpu.memory_space<hbm>> -> memref<128x128xf32, #tpu.memory_space<hbm>>
        tpu.wait_dma2 semaphore(%run_scoped3A_181 : memref<!tpu.dma_semaphore, #tpu.memory_space<semaphore_mem>>) src(%arg17 : memref<128x128xf32, #tpu.memory_space<vmem>>) dst(%dma_wait3A_193 : memref<128x128xf32, #tpu.memory_space<hbm>>)
        tpu.yield
      }) : () -> ()
    } else {
    }
    return
  }
}

module attributes {stable_mosaic.version = 14 : i64} {
  func.func @_tc_body(%arg0: i32, %arg1: memref<2x1000x128xf32, #tpu.memory_space<vmem>>, %arg2: memref<1x2x1000xf32, #tpu.memory_space<vmem>>, %arg3: memref<128x128xf32, #tpu.memory_space<vmem>>, %arg4: memref<1x128xf32, #tpu.memory_space<vmem>>, %arg5: memref<1x128xf32, #tpu.memory_space<vmem>>, %arg6: memref<1x128xf32, #tpu.memory_space<vmem>>, %arg7: memref<1000x128xf32, #tpu.memory_space<vmem>>) attributes {dimension_semantics = [#tpu.dimension_semantics<arbitrary>], iteration_bounds = array<i64: 10>, scalar_prefetch = 0 : i64, scratch_operands = 0 : i64, tpu.core_type = #tpu.core_type<tc>, window_params = [{transform_indices = @transform_0, window_bounds = array<i64: 2, 1000, 128>}, {transform_indices = @transform_1, window_bounds = array<i64: 1, 2, 1000>}, {pipeline_mode = #tpu.pipeline_mode<synchronous>, transform_indices = @transform_2, window_bounds = array<i64: 128, 128>}, {pipeline_mode = #tpu.pipeline_mode<synchronous>, transform_indices = @transform_3, window_bounds = array<i64: 1, 128>}, {pipeline_mode = #tpu.pipeline_mode<synchronous>, transform_indices = @transform_4, window_bounds = array<i64: 1, 128>}, {pipeline_mode = #tpu.pipeline_mode<synchronous>, transform_indices = @transform_5, window_bounds = array<i64: 1, 128>}, {transform_indices = @transform_6, window_bounds = array<i64: 1000, 128>}]} {
    %get3A = arith.constant 0 : index
    %get3A_0 = arith.constant 0 : index
    %get3A_1 = arith.constant 0 : index
    %get3A_2 = vector.load %arg1[%get3A, %get3A_0, %get3A_1] : memref<2x1000x128xf32, #tpu.memory_space<vmem>>, vector<1x1000x128xf32>
    %get3A_3 = vector.shape_cast %get3A_2 : vector<1x1000x128xf32> to vector<1000x128xf32>
    %get3A_4 = arith.constant 1 : index
    %get3A_5 = arith.constant 0 : index
    %get3A_6 = arith.constant 0 : index
    %get3A_7 = vector.load %arg1[%get3A_4, %get3A_5, %get3A_6] : memref<2x1000x128xf32, #tpu.memory_space<vmem>>, vector<1x1000x128xf32>
    %get3A_8 = vector.shape_cast %get3A_7 : vector<1x1000x128xf32> to vector<1000x128xf32>
    %add3A = arith.addf %get3A_3, %get3A_8 : vector<1000x128xf32>
    %get3A_9 = arith.constant 0 : index
    %get3A_10 = arith.constant 0 : index
    %get3A_11 = arith.constant 0 : index
    %get3A_12 = vector.load %arg2[%get3A_9, %get3A_10, %get3A_11] : memref<1x2x1000xf32, #tpu.memory_space<vmem>>, vector<1x1x1000xf32>
    %get3A_13 = vector.shape_cast %get3A_12 : vector<1x1x1000xf32> to vector<1000xf32>
    %get3A_14 = arith.constant 0 : index
    %get3A_15 = arith.constant 1 : index
    %get3A_16 = arith.constant 0 : index
    %get3A_17 = vector.load %arg2[%get3A_14, %get3A_15, %get3A_16] : memref<1x2x1000xf32, #tpu.memory_space<vmem>>, vector<1x1x1000xf32>
    %get3A_18 = vector.shape_cast %get3A_17 : vector<1x1x1000xf32> to vector<1000xf32>
    %add3A_19 = arith.addf %get3A_13, %get3A_18 : vector<1000xf32>
    %reshape3A = vector.shape_cast %add3A_19 : vector<1000xf32> to vector<1000x1xf32>
    %max3A = arith.constant 1.000000e+00 : f32
    %max3A_20 = vector.broadcast %max3A : f32 to vector<1000x1xf32>
    %max3A_21 = arith.maximumf %reshape3A, %max3A_20 : vector<1000x1xf32>
    %div3A = vector.broadcast %max3A_21 : vector<1000x1xf32> to vector<1000x128xf32>
    %div3A_22 = arith.divf %add3A, %div3A : vector<1000x128xf32>
    %get3A_23 = arith.constant 0 : index
    %get3A_24 = arith.constant 0 : index
    %get3A_25 = vector.load %arg3[%get3A_23, %get3A_24] : memref<128x128xf32, #tpu.memory_space<vmem>>, vector<128x128xf32>
    %dot_general3A = arith.constant dense<0.000000e+00> : vector<1000x128xf32>
    %dot_general3A_26 = tpu.matmul %div3A_22, %get3A_25, %dot_general3A {dimension_numbers = #tpu.dot_dimension_numbers<[1], [0], [0], [1], [0, 0, 1, 1], [], []>, transpose_lhs_hint = false} : vector<1000x128xf32>, vector<128x128xf32>, vector<1000x128xf32> -> vector<1000x128xf32>
    %get3A_27 = arith.constant 0 : index
    %get3A_28 = arith.constant 0 : index
    %get3A_29 = vector.load %arg4[%get3A_27, %get3A_28] : memref<1x128xf32, #tpu.memory_space<vmem>>, vector<1x128xf32>
    %add3A_30 = vector.broadcast %get3A_29 : vector<1x128xf32> to vector<1000x128xf32>
    %add3A_31 = arith.addf %dot_general3A_26, %add3A_30 : vector<1000x128xf32>
    %reduce_sum3A = arith.constant dense<0.000000e+00> : vector<1000xf32>
    %reduce_sum3A_32 = vector.multi_reduction <add>, %add3A_31, %reduce_sum3A [1] : vector<1000x128xf32> to vector<1000xf32>
    %broadcast_in_dim3A = vector.shape_cast %reduce_sum3A_32 : vector<1000xf32> to vector<1000x1xf32>
    %div3A_33 = arith.constant 1.280000e+02 : f32
    %div3A_34 = vector.broadcast %div3A_33 : f32 to vector<1000x1xf32>
    %div3A_35 = arith.divf %broadcast_in_dim3A, %div3A_34 : vector<1000x1xf32>
    %sub3A = vector.broadcast %div3A_35 : vector<1000x1xf32> to vector<1000x128xf32>
    %sub3A_36 = arith.subf %add3A_31, %sub3A : vector<1000x128xf32>
    %sub3A_37 = vector.broadcast %div3A_35 : vector<1000x1xf32> to vector<1000x128xf32>
    %sub3A_38 = arith.subf %add3A_31, %sub3A_37 : vector<1000x128xf32>
    %mul3A = arith.mulf %sub3A_36, %sub3A_38 : vector<1000x128xf32>
    %reduce_sum3A_39 = arith.constant dense<0.000000e+00> : vector<1000xf32>
    %reduce_sum3A_40 = vector.multi_reduction <add>, %mul3A, %reduce_sum3A_39 [1] : vector<1000x128xf32> to vector<1000xf32>
    %broadcast_in_dim3A_41 = vector.shape_cast %reduce_sum3A_40 : vector<1000xf32> to vector<1000x1xf32>
    %div3A_42 = arith.constant 1.280000e+02 : f32
    %div3A_43 = vector.broadcast %div3A_42 : f32 to vector<1000x1xf32>
    %div3A_44 = arith.divf %broadcast_in_dim3A_41, %div3A_43 : vector<1000x1xf32>
    %sub3A_45 = vector.broadcast %div3A_35 : vector<1000x1xf32> to vector<1000x128xf32>
    %sub3A_46 = arith.subf %add3A_31, %sub3A_45 : vector<1000x128xf32>
    %add3A_47 = arith.constant 9.99999974E-6 : f32
    %add3A_48 = vector.broadcast %add3A_47 : f32 to vector<1000x1xf32>
    %add3A_49 = arith.addf %div3A_44, %add3A_48 : vector<1000x1xf32>
    %rsqrt3A = math.rsqrt %add3A_49 : vector<1000x1xf32>
    %mul3A_50 = vector.broadcast %rsqrt3A : vector<1000x1xf32> to vector<1000x128xf32>
    %mul3A_51 = arith.mulf %sub3A_46, %mul3A_50 : vector<1000x128xf32>
    %get3A_52 = arith.constant 0 : index
    %get3A_53 = arith.constant 0 : index
    %get3A_54 = vector.load %arg5[%get3A_52, %get3A_53] : memref<1x128xf32, #tpu.memory_space<vmem>>, vector<1x128xf32>
    %mul3A_55 = vector.broadcast %get3A_54 : vector<1x128xf32> to vector<1000x128xf32>
    %mul3A_56 = arith.mulf %mul3A_51, %mul3A_55 : vector<1000x128xf32>
    %get3A_57 = arith.constant 0 : index
    %get3A_58 = arith.constant 0 : index
    %get3A_59 = vector.load %arg6[%get3A_57, %get3A_58] : memref<1x128xf32, #tpu.memory_space<vmem>>, vector<1x128xf32>
    %add3A_60 = vector.broadcast %get3A_59 : vector<1x128xf32> to vector<1000x128xf32>
    %add3A_61 = arith.addf %mul3A_56, %add3A_60 : vector<1000x128xf32>
    %max3A_62 = arith.constant 0.000000e+00 : f32
    %max3A_63 = vector.broadcast %max3A_62 : f32 to vector<1000x128xf32>
    %max3A_64 = arith.maximumf %add3A_61, %max3A_63 : vector<1000x128xf32>
    %swap3A = arith.constant 0 : index
    %swap3A_65 = arith.constant 0 : index
    %swap3A_66 = vector.load %arg7[%swap3A, %swap3A_65] : memref<1000x128xf32, #tpu.memory_space<vmem>>, vector<1000x128xf32>
    tpu.vector_store %arg7[%swap3A, %swap3A_65], %max3A_64 {strides = array<i32>} : memref<1000x128xf32, #tpu.memory_space<vmem>>, vector<1000x128xf32>,
    return
  }
  func.func @transform_0(%arg0: i32) -> (i32, i32, i32) {
    %c0_i32 = arith.constant 0 : i32
    %c0_i32_0 = arith.constant 0 : i32
    %c0_i32_1 = arith.constant 0 : i32
    return %c0_i32, %arg0, %c0_i32_0 : i32, i32, i32
  }
  func.func @transform_1(%arg0: i32) -> (i32, i32, i32) {
    %c0_i32 = arith.constant 0 : i32
    %c0_i32_0 = arith.constant 0 : i32
    %c0_i32_1 = arith.constant 0 : i32
    return %arg0, %c0_i32, %c0_i32_0 : i32, i32, i32
  }
  func.func @transform_2(%arg0: i32) -> (i32, i32) {
    %c0_i32 = arith.constant 0 : i32
    %c0_i32_0 = arith.constant 0 : i32
    %c0_i32_1 = arith.constant 0 : i32
    return %c0_i32, %c0_i32_0 : i32, i32
  }
  func.func @transform_3(%arg0: i32) -> (i32, i32) {
    %c0_i32 = arith.constant 0 : i32
    %c0_i32_0 = arith.constant 0 : i32
    %c0_i32_1 = arith.constant 0 : i32
    return %c0_i32, %c0_i32_0 : i32, i32
  }
  func.func @transform_4(%arg0: i32) -> (i32, i32) {
    %c0_i32 = arith.constant 0 : i32
    %c0_i32_0 = arith.constant 0 : i32
    %c0_i32_1 = arith.constant 0 : i32
    return %c0_i32, %c0_i32_0 : i32, i32
  }
  func.func @transform_5(%arg0: i32) -> (i32, i32) {
    %c0_i32 = arith.constant 0 : i32
    %c0_i32_0 = arith.constant 0 : i32
    %c0_i32_1 = arith.constant 0 : i32
    return %c0_i32, %c0_i32_0 : i32, i32
  }
  func.func @transform_6(%arg0: i32) -> (i32, i32) {
    %c0_i32 = arith.constant 0 : i32
    %c0_i32_0 = arith.constant 0 : i32
    return %arg0, %c0_i32 : i32, i32
  }
}

</mosaic_0001>

<sc_bundles>
// kernel: kernel.4.cloned.1.call-start
scs
__scs_entry_jumppad:
0x0: {  	(pc) =	sbr.rel $0x88, $3  }
0x1: {  	(tag) =	ssettag $0x0;
	lr =	simm.s32 $0x1  }
0x2: {  	[smem:$0x3F9B] =	sst lr;
	_ =	strace $0xD0000000  }
0x3: {  	_ = 	snop  }
0x4: {  	_ = 	snop  }
0x5: {  	_ = 	snop  }
0x6: {  	_ = 	snop  }
0x7: {  	_ = 	snop  }
__scs_overlays_trampoline_lowered:
0x8: {  	[smem:$0x3FAA] =	sst s0  }
0x9: {  	[smem:$0x3FAB] =	sst s1  }
0xa: {  	[smem:$0x3FAC] =	sst s2  }
0xb: {  	[smem:$0x3FAD] =	sst s3  }
0xc: {  	[smem:$0x3FAE] =	sst s4  }
0xd: {  	[smem:$0x3FAF] =	sst s5  }
0xe: {  	[smem:$0x3FB0] =	sst s6  }
0xf: {  	[smem:$0x3FB1] =	sst s7  }
0x10: {  	[smem:$0x3FB2] =	sst s8  }
0x11: {  	[smem:$0x3FB3] =	sst s9;
	s0 =	simm.s32 @!p0 $0x0  }
0x12: {  	s1 =	sld [smem:$0x3F99];
	s0 =	simm.s32 @p0 $0x1  }
0x13: {  	[smem:$0x3FB4] =	sst s0;
	s0 =	simm.s32 @!p1 $0x0  }
0x14: {  	s2 =	sld [smem:$0x3F98];
	s0 =	simm.s32 @p1 $0x1  }
0x15: {  	[smem:$0x3FB5] =	sst s0;
	s0 =	simm.s32 @!p2 $0x0  }
0x16: {  	s3 =	sld [smem:$0x3FDB];
	s0 =	simm.s32 @p2 $0x1  }
0x17: {  	s4 =	simm.s32 $0x1BF5;
	[smem:$0x3FB7] =	sst s0  }
0x18: {  	s0 =	sld [smem:$0x3F9A];
	_ =	swait.ge [sflag:s4], $0x0  }
0x19: {  	s7 =	sld [smem:$0x3F9B]  }
0x1a: {  	s8 =	sadd.s32 $0xFFFFE003, lr  }
0x1b: {  	s9 =	sadd.s32 $0xFFFFFEF7, lr;
	s5 =	simm.s32 $0xFFFFFFFF;
	p2 =	slt.u32 s8, $0xFFFFF086  }
0x1c: {  	p1 =	slt.u32 s9, $0xF7A;
	s5 =	simm.s32 @!p2 $0x0  }
0x1d: {  	s5 =	simm.s32 @p1 $0x1;
	p0 =	seq.s32 s7, s2  }
0x1e: {  	s7 =	smul.u32 @!p0 $0xF7A, s2;
	p2 =	seq.s32 @!p0 s5, $0x0  }
0x1f: {  	s9 =	smul.u32 $0xF7A, s1;
	s8 =	simm.s32 @!p0 $0x1BF5;
	p2 =	por !p2, p0  }
0x20: {  	[sflag:s8] =	ssyncset.s32 @!p0 $0xFFFFF086;
	s6 =	sadd.s32 @!p0 s3, s7;
	s7 =	simm.s32 @!p0 $0x108  }
0x21: {  	s3 =	sadd.s32 s3, s9;
	s6 =	sadd.s32 @!p0 $0x88, s6;
	s7 =	simm.s32 @p2 $0x1082  }
0x22: {  	[simem:s7], [sflag:s8] =	dma.local @!p0 [hbm:s6], $0xF7A  }
0x23: {  	s9 =	sor.u32 $0xD0000000, s2;
	s6 =	simm.s32 $0x108;
	_ =	swait.ge @!p0 [sflag:s8], $0x0  }
0x24: {  	s3 =	sadd.s32 $0x88, s3;
	s6 =	simm.s32 @!p1 $0x1082;
	[sflag:s4] =	ssyncset.s32 $0xFFFFF086  }
0x25: {  	[simem:s6], [sflag:s4] =	dma.local [hbm:s3], $0xF7A  }
0x26: {  	[smem:$0x3F9B] =	sst s1;
	(tag) =	ssettag s2;
	_ =	strace s9  }
0x27: {  	s1 =	sld [smem:$0x3FAB]  }
0x28: {  	s2 =	sld [smem:$0x3FAC]  }
0x29: {  	s4 =	sld [smem:$0x3FAE]  }
0x2a: {  	p0 =	seq.s32 s5, $0x0;
	s5 =	sld [smem:$0x3FAF]  }
0x2b: {  	s6 =	sld [smem:$0x3FB0]  }
0x2c: {  	s7 =	sld [smem:$0x3FB1]  }
0x2d: {  	s3 =	simm.s32 $0x108;
	s8 =	sld [smem:$0x3FB2]  }
0x2e: {  	s3 =	simm.s32 @!p0 $0x1082;
	s9 =	sld [smem:$0x3FB3]  }
0x2f: {  	lr =	sadd.s32 s0, s3;
	s0 =	sld [smem:$0x3FAA]  }
0x30: {  	s3 =	sld [smem:$0x3FAD]  }
0x31: {  	[smem:$0x3FB6] =	sst s10  }
0x32: {  	s10 =	sld [smem:$0x3FB4];
	_ =	sdelay $0x3  }
0x33: {  	p0 =	seq.s32 s10, $0x1;
	s10 =	sld [smem:$0x3FB6];
	_ =	sdelay $0x3  }
0x34: {  	[smem:$0x3FB6] =	sst s10  }
0x35: {  	s10 =	sld [smem:$0x3FB5];
	_ =	sdelay $0x3  }
0x36: {  	p1 =	seq.s32 s10, $0x1;
	s10 =	sld [smem:$0x3FB6];
	_ =	sdelay $0x3  }
0x37: {  	[smem:$0x3FB6] =	sst s10  }
0x38: {  	s10 =	sld [smem:$0x3FB7]  }
0x39: {  	_ = 	snop;
	(pc) =	sbr.ind lr, $3  }
0x3a: {  	_ = 	snop  }
0x3b: {  	_ = 	snop  }
0x3c: {  	p2 =	seq.s32 s10, $0x1;
	s10 =	sld [smem:$0x3FB6]  }
0x3d: {  	_ =	shalt  }
0x3e: {  	_ =	shalt  }
0x3f: {  	_ =	shalt  }
0x40: {  	_ =	shalt  }
0x41: {  	_ =	shalt  }
0x42: {  	_ =	shalt  }
0x43: {  	_ =	shalt  }
0x44: {  	_ =	shalt  }
0x45: {  	_ =	shalt  }
0x46: {  	_ =	shalt  }
0x47: {  	_ =	shalt  }
0x48: {  	_ =	shalt  }
0x49: {  	_ =	shalt  }
0x4a: {  	_ =	shalt  }
0x4b: {  	_ =	shalt  }
0x4c: {  	_ =	shalt  }
0x4d: {  	_ =	shalt  }
0x4e: {  	_ =	shalt  }
0x4f: {  	_ =	shalt  }
0x50: {  	_ =	shalt  }
0x51: {  	_ =	shalt  }
0x52: {  	_ =	shalt  }
0x53: {  	_ =	shalt  }
0x54: {  	_ =	shalt  }
0x55: {  	_ =	shalt  }
0x56: {  	_ =	shalt  }
0x57: {  	_ =	shalt  }
0x58: {  	_ =	shalt  }
0x59: {  	_ =	shalt  }
0x5a: {  	_ =	shalt  }
0x5b: {  	_ =	shalt  }
0x5c: {  	_ =	shalt  }
0x5d: {  	_ =	shalt  }
0x5e: {  	_ =	shalt  }
0x5f: {  	_ =	shalt  }
0x60: {  	_ =	shalt  }
0x61: {  	_ =	shalt  }
0x62: {  	_ =	shalt  }
0x63: {  	_ =	shalt  }
0x64: {  	_ =	shalt  }
0x65: {  	_ =	shalt  }
0x66: {  	_ =	shalt  }
0x67: {  	_ =	shalt  }
0x68: {  	_ =	shalt  }
0x69: {  	_ =	shalt  }
0x6a: {  	_ =	shalt  }
0x6b: {  	_ =	shalt  }
0x6c: {  	_ =	shalt  }
0x6d: {  	_ =	shalt  }
0x6e: {  	_ =	shalt  }
0x6f: {  	_ =	shalt  }
0x70: {  	_ =	shalt  }
0x71: {  	_ =	shalt  }
0x72: {  	_ =	shalt  }
0x73: {  	_ =	shalt  }
0x74: {  	_ =	shalt  }
0x75: {  	_ =	shalt  }
0x76: {  	_ =	shalt  }
0x77: {  	_ =	shalt  }
0x78: {  	_ =	shalt  }
0x79: {  	_ =	shalt  }
0x7a: {  	_ =	shalt  }
0x7b: {  	_ =	shalt  }
0x7c: {  	_ =	shalt  }
0x7d: {  	_ =	shalt  }
0x7e: {  	_ =	shalt  }
0x7f: {  	_ =	shalt  }
0x80: {  	_ =	shalt  }
0x81: {  	_ =	shalt  }
0x82: {  	_ =	shalt  }
0x83: {  	_ =	shalt  }
0x84: {  	_ =	shalt  }
0x85: {  	_ =	shalt  }
0x86: {  	_ =	shalt  }
0x87: {  	_ =	shalt  }
.Lfunc_end0:
.L_simem_size_0:
called_computation_lowered:
.L_overlay_start_0:
0x88: {  	s2 =	sld [smem:$0x3FD9]  }
0x89: {  	s3 =	sld [smem:$0x3FFE];
	_ =	sdelay $0x1  }
0x8a: {  	s1 =	srdreg.scid  }
0x8b: {  	s0 =	sand.u32 $0x1, s1  }
0x8c: {  	s17 =	sshll.u32 s0, $0xA;
	s2 =	sadd.s32 s3, s2  }
0x8d: {  	s2 =	sadd.s32 s2, s17  }
0x8e: {  	[smem:$0x3FC2] =	sst s2  }
0x8f: {  	_ = 	snop  }
0x90: {  	s2 =	sld [smem:$0x3FC9]  }
0x91: {  	s18 =	sld [smem:$0x3FD0];
	(tm) =	ssettm $0x1  }
0x92: {  	s4 =	sld [smem:$0x3FFB];
	_ =	sdelay $0x3  }
0x93: {  	_ =	strace s4  }
0x94: {  	s4 =	sld [smem:$0x3FFC];
	_ =	sdelay $0x3  }
0x95: {  	_ =	strace s4  }
0x96: {  	s4 =	sld [smem:$0x3FFD];
	_ =	sdelay $0x3  }
0x97: {  	_ =	strace s4  }
0x98: {  	_ =	strace $0x8FFFFFFF  }
0x99: {  	s19 =	sld [smem:$0x3FDB];
	_ =	sdelay $0x1  }
0x9a: {  	s5 =	simm.s32 $_scs_section_size  }
0x9b: {  	s6 =	simm.s32 $_size__tile_overlayer_lowered;
	s7 =	simm.s32 $_tile_overlayer_lowered  }
0x9c: {  	s22 =	simm.s32 $0x1BFF;
	s21 =	sshll.u32 s7, $0x1;
	s4 =	sadd.s32 s5, s19  }
0x9d: {  	s8 =	simm.s32 $0x0;
	s20 =	sshll.u32 s6, $0x1;
	s6 =	sadd.s32 s21, s4  }
0x9e: {  	[timem:s8], [sflag:s22] =	dma.local [hbm:s6], s20  }
0x9f: {  	_ =	swait.ge [sflag:s22], s20  }
0xa0: {  	s5 =	ssub.s32 $0x0, s20;
	[sflag:s22] =	ssyncset.done $0x0  }
0xa1: {  	[sflag:s22] =	ssyncadd.s32 s5;
	_ =	sdelay $0x1  }
0xa2: {  	s23 =	simm.s32 $0x1B8B  }
0xa3: {  	_ =	swait.ge [sflag:s23], $0x1  }
0xa4: {  	[sflag:s23] =	ssyncset.done $0x0  }
0xa5: {  	s25 =	simm.s32 $0x1B8E;
	s24 =	sld [smem:$0x3FFE];
	[sflag:s23] =	ssyncadd.s32 $0xFFFFFFFF  }
0xa6: {  	s26 =	simm.s32 $execute0_lowered;
	[smem:$0x3FD2] =	sst s25  }
0xa7: {  	s6 =	sshll.u32 s26, $0x1;
	_ =	strace $0x80000046;
	[dreg:$0x1] =	wrdreg $0xFFFFFFFF  }
0xa8: {  	s28 =	simm.s32 $_size_execute0_lowered;
	s4 =	sadd.s32 s4, s6;
	[dreg:$0x0] =	wrdreg $0x0  }
0xa9: {  	s6 =	sshll.u32 s28, $0x1;
	[dreg:$0x2] =	wrdreg s4  }
0xaa: {  	[dreg:$0x3] =	wrdreg s6  }
0xab: {  	[dreg:$0x4] =	wrdreg $0xC0  }
0xac: {  	_ =	task [dreg:s8], $0x5FFFF  }
0xad: {  	[dreg:$0x1] =	wrdreg $0xFFFFFFFF  }
0xae: {  	[dreg:$0x0] =	wrdreg $0x60  }
0xaf: {  	[dreg:$0x2] =	wrdreg s2  }
0xb0: {  	[dreg:$0x3] =	wrdreg s18  }
0xb1: {  	[dreg:$0x4] =	wrdreg s24  }
0xb2: {  	[dreg:$0x5] =	wrdreg $0x54800  }
0xb3: {  	[dreg:$0x6] =	wrdreg $0x194800  }
0xb4: {  	[dreg:$0x7] =	wrdreg $0x9  }
0xb5: {  	_ =	task.clear_ibuf [dreg:s8], $0x8FFFF;
	_ =	strace $0x90000046  }
0xb6: {  	s29 =	simm.s32 $0x9;
	_ =	strace $0x80000048  }
0xb7: {  	_ =	swait.ge [sflag:s29], $0x1  }
0xb8: {  	[sflag:s29] =	ssyncadd.s32 $0xFFFFFFFF  }
0xb9: {  	_ =	strace $0x90000048  }
0xba: {  	_ =	sfence  }
0xbb: {  	s30 =	sld [smem:$0x0];
	_ =	sdelay $0x2  }
0xbc: {  	s31 =	sshll.u32 s1, $0xD;
	s1 =	sshrl.u32 s1, $0x2  }
0xbd: {  	s3 =	sand.u32 $0x4000, s31;
	s1 =	sadd.s32 s1, s30  }
0xbe: {  	s0 =	sor.u32 s3, s0;
	s1 =	sshll.u32 s1, $0x11  }
0xbf: {  	s0 =	sor.u32 s1, s0  }
0xc0: {  	s0 =	sadd.s32 $0x8F2B, s0  }
0xc1: {  	[sflag:s0] =	ssyncadd.remote.s32 $0x1  }
0xc2: {  	_ =	sfence.sel $0xFFFF  }
0xc3: {  	[dreg:$0x0] =	wrdreg $0xFFFFFFFF;
	(pc) =	sbr.abs _section_cstart, $3  }
0xc4: {  	[dreg:$0x1] =	wrdreg $0xFFFFFFFF  }
0xc5: {  	_ =	task.clear_ibuf [dreg:s8], $0x2FFFF;
	_ =	strace $0x9FFFFFFF  }
0xc6: {  	(tm) =	ssettm $0x7FFFFFFF  }
0xc7: {  	_ =	shalt  }
tec
execute0_lowered:
.L_overlay_start_1:
0x0: {  	(tag) =	ssettag $0x1  }
0x1: {  	s1 =	rddreg [dreg:$0x0]  }
0x2: {  	s6 =	rddreg [dreg:$0x1]  }
0x3: {  	s0 =	rddreg [dreg:$0x2]  }
0x4: {  	s2 =	rddreg [dreg:$0x3]  }
0x5: {  	s3 =	rddreg [dreg:$0x4];
	s5 =	srdreg.scid  }
0x6: {  	s4 =	simm.s32 $0x0;
	s16 =	stileid.u32;
	s5 =	sand.u32 $0x1, s5  }
0x7: {  	[smem:$0x7FF] =	sst s4;
	s8 =	sadd.s32 $0x23800, s0;
	s7 =	sshll.u32 s5, $0x4  }
0x8: {  	s9 =	sshll.u32 s16, $0x7;
	s10 =	sshll.u32 s16, $0x4;
	s7 =	sor.u32 s16, s7  }
0x9: {  	_ =	strace $0x80000047;
	s9 =	sadd.s32 s9, s0;
	s7 =	smul.u32 $0x2800, s7  }
0xa: {  	[dreg:$0x6] =	wrdreg s8;
	s24 =	sadd.s32 s10, s0;
	s9 =	sadd.s32 $0x1000, s9  }
0xb: {  	s8 =	sadd.s32 $0xE00, s24;
	[dreg:$0x7] =	wrdreg s9;
	s10 =	sshrl.u32 s7, $0x3  }
0xc: {  	[dreg:$0x8] =	wrdreg s8;
	s7 =	sadd.s32 $0x1800, s0;
	s25 =	sadd.s32 s6, s10  }
0xd: {  	s8 =	sadd.s32 $0x15800, s0;
	s11 =	sadd.s32 s7, s10;
	[dreg:$0x9] =	wrdreg s25  }
0xe: {  	s9 =	sadd.s32 $0xB800, s0;
	s26 =	sadd.s32 s8, s10;
	[dreg:$0xa] =	wrdreg s11  }
0xf: {  	s28 =	sadd.s32 s9, s10;
	s12 =	sor.u32 $0x80, s10;
	[dreg:$0xb] =	wrdreg s26  }
0x10: {  	[dreg:$0xc] =	wrdreg s28;
	s29 =	sadd.s32 s6, s12  }
0x11: {  	s30 =	sadd.s32 s7, s12;
	[dreg:$0xd] =	wrdreg s29  }
0x12: {  	s31 =	sadd.s32 s8, s12;
	[dreg:$0xe] =	wrdreg s30  }
0x13: {  	s14 =	sadd.s32 $0x100, s10;
	s13 =	sadd.s32 s9, s12;
	[dreg:$0xf] =	wrdreg s31  }
0x14: {  	s15 =	sadd.s32 s6, s14;
	[dreg:$0x10] =	wrdreg s13  }
0x15: {  	s17 =	sadd.s32 s7, s14;
	[dreg:$0x11] =	wrdreg s15  }
0x16: {  	s18 =	sadd.s32 s8, s14;
	[dreg:$0x12] =	wrdreg s17  }
0x17: {  	s20 =	sadd.s32 $0x180, s10;
	s19 =	sadd.s32 s9, s14;
	[dreg:$0x13] =	wrdreg s18  }
0x18: {  	s21 =	sadd.s32 s6, s20;
	[dreg:$0x14] =	wrdreg s19  }
0x19: {  	s22 =	sadd.s32 s7, s20;
	[dreg:$0x15] =	wrdreg s21  }
0x1a: {  	s23 =	sadd.s32 s8, s20;
	[dreg:$0x16] =	wrdreg s22  }
0x1b: {  	s24 =	sadd.s32 s9, s20;
	s25 =	sadd.s32 $0x200, s10;
	[dreg:$0x17] =	wrdreg s23  }
0x1c: {  	[dreg:$0x18] =	wrdreg s24;
	s26 =	sadd.s32 s6, s25  }
0x1d: {  	s28 =	sadd.s32 s7, s25;
	[dreg:$0x19] =	wrdreg s26  }
0x1e: {  	s29 =	sadd.s32 s8, s25;
	[dreg:$0x1a] =	wrdreg s28  }
0x1f: {  	s30 =	sadd.s32 s9, s25;
	s31 =	sadd.s32 $0x280, s10;
	[dreg:$0x1b] =	wrdreg s29  }
0x20: {  	[dreg:$0x1c] =	wrdreg s30;
	s13 =	sadd.s32 s6, s31  }
0x21: {  	s14 =	sadd.s32 s7, s31;
	[dreg:$0x1d] =	wrdreg s13  }
0x22: {  	s15 =	sadd.s32 s8, s31;
	[dreg:$0x1e] =	wrdreg s14  }
0x23: {  	s18 =	sadd.s32 $0x300, s10;
	s17 =	sadd.s32 s9, s31;
	[dreg:$0x1f] =	wrdreg s15  }
0x24: {  	s19 =	sadd.s32 s6, s18;
	[smem:$0x7E6] =	sst s17  }
0x25: {  	s20 =	sadd.s32 s7, s18;
	[smem:$0x7E7] =	sst s19  }
0x26: {  	p0 =	sgt.u32 s16, $0x9;
	s21 =	sadd.s32 s8, s18;
	[smem:$0x7E8] =	sst s20  }
0x27: {  	s23 =	sadd.s32 $0x380, s10;
	s22 =	sadd.s32 s9, s18;
	[smem:$0x7E9] =	sst s21  }
0x28: {  	s11 =	simm.s32 $0x80;
	s24 =	sadd.s32 s6, s23;
	[smem:$0x7EA] =	sst s22  }
0x29: {  	s25 =	sadd.s32 s7, s23;
	s26 =	sadd.s32 s8, s23;
	[smem:$0x7EB] =	sst s24  }
0x2a: {  	s28 =	sadd.s32 s9, s23;
	s29 =	sadd.s32 $0x400, s10;
	[smem:$0x7EC] =	sst s25  }
0x2b: {  	s10 =	sadd.s32 $0x480, s10;
	s13 =	smul.u32 $0x140000, s5;
	[smem:$0x7ED] =	sst s26  }
0x2c: {  	s14 =	smul.u32 $0x14000, s16;
	[smem:$0x7EE] =	sst s28;
	s30 =	sadd.s32 s6, s29  }
0x2d: {  	s31 =	sadd.s32 s7, s29;
	s15 =	sadd.s32 s9, s29;
	[smem:$0x7EF] =	sst s30  }
0x2e: {  	s6 =	sadd.s32 s6, s10;
	s19 =	sadd.s32 s7, s10;
	[smem:$0x7F0] =	sst s31  }
0x2f: {  	s20 =	smul.u32 $0x28000, s5;
	s21 =	sadd.s32 s8, s10;
	[smem:$0x7F2] =	sst s15  }
0x30: {  	s22 =	sshll.u32 s16, $0xE;
	s23 =	sadd.s32 s9, s10;
	[smem:$0x7F3] =	sst s6  }
0x31: {  	s5 =	ssub.s32 $0x2, s5;
	s9 =	simm.s32 $0x2;
	[smem:$0x7F4] =	sst s19  }
0x32: {  	s10 =	simm.s32 $0x1000;
	s16 =	simm.s32 $0x400;
	[smem:$0x7F5] =	sst s21  }
0x33: {  	[smem:$0x7F6] =	sst s23;
	s6 =	sadd.s32 $0x1F800, s0;
	s13 =	sadd.s32 s14, s13  }
0x34: {  	s31 =	simm.s32 $0x5400;
	s19 =	simm.s32 $0x1;
	s17 =	sshrl.u32 s13, $0x3  }
0x35: {  	s14 =	sadd.s32 s8, s29;
	[smem:$0x7FD] =	sst s31;
	s18 =	sadd.s32 s17, s0  }
0x36: {  	s7 =	sadd.s32 s22, s20;
	[smem:$0x7F1] =	sst s14;
	s24 =	sadd.s32 $0x2E000, s18  }
0x37: {  	s29 =	sshrl.u32 s5, $0x1;
	s25 =	sadd.s32 $0x2E800, s18;
	[smem:$0x7F7] =	sst s24  }
0x38: {  	s7 =	sshrl.u32 s7, $0x3;
	s26 =	sadd.s32 $0x2F000, s18;
	[smem:$0x7F8] =	sst s25  }
0x39: {  	s5 =	ssub.s32 s5, s29;
	s28 =	sadd.s32 $0x2F800, s18;
	[smem:$0x7F9] =	sst s26  }
0x3a: {  	s7 =	sadd.s32 s7, s0;
	s30 =	sadd.s32 $0x30000, s18;
	[smem:$0x7FA] =	sst s28  }
0x3b: {  	s5 =	smax.u32 s5, $0x1;
	s7 =	sadd.s32 $0x24000, s7;
	[smem:$0x7FB] =	sst s30  }
0x3c: {  	s17 =	simm.s32 $0x800;
	s18 =	simm.s32 $0xC00;
	[smem:$0x7FC] =	sst s7  }
.LBB2_1:
0x3d: {  	[smem:$0x7E5] =	sst s5  }
0x3e: {  	s30 =	rddreg [dreg:$0x7];
	s0 =	simm.s32 $0x5000  }
0x3f: {  	[tilespmem:s0], [sflag:$0x2] =	stream.linear.gather [hbm4b:s30+s4], $0x280, $0x38;
	[tilespmem:$0x1BC80] =	vst v63  }
0x40: {  	_ =	swait.ge [sflag:s9], $0x280  }
0x41: {  	s31 =	sld [smem:$0x7FD]  }
0x42: {  	[sflag:s9] =	ssyncset.done $0x0  }
0x43: {  	s22 =	rddreg [dreg:$0x8];
	[sflag:s9] =	ssyncadd.s32 $0xFFFFFD80  }
0x44: {  	[tilespmem:s31], [sflag:$0x2] =	stream.linear.gather [hbm4b:s22+s4], $0x80, $0x38;
	[tilespmem:$0x1BC80] =	vst v63  }
0x45: {  	_ =	swait.ge [sflag:s9], $0x80  }
0x46: {  	[sflag:s9] =	ssyncset.done $0x0  }
0x47: {  	s23 =	rddreg [dreg:$0x6];
	[sflag:s9] =	ssyncadd.s32 $0xFFFFFF80  }
0x48: {  	[tilespmem:s10], [sflag:$0x2] =	stream.linear.gather [hbm4b:s23+s4], $0x4000, $0x38;
	[tilespmem:$0x1BC80] =	vst v63  }
0x49: {  	_ =	swait.ge [sflag:s9], $0x4000  }
0x4a: {  	[sflag:s9] =	ssyncset.done $0x0  }
0x4b: {  	s21 =	simm.s32 $0x5000;
	[sflag:s9] =	ssyncadd.s32 $0xFFFFC000  }
0x4c: {  	[spmem:s2] =	stream.indirect.scatter [tilespmem:s10], [sflag:$0x2], $0x80, s21, s11, $0xb8;
	[tilespmem:$0x1BC80] =	vst v63  }
0x4d: {  	_ =	swait.ge [sflag:s9], $0x4000  }
0x4e: {  	[sflag:s9] =	ssyncset.done $0x0  }
0x4f: {  	s24 =	simm.s32 $0x5080;
	[sflag:s9] =	ssyncadd.s32 $0xFFFFC000  }
0x50: {  	[spmem:s2] =	stream.indirect.scatter [tilespmem:s10], [sflag:$0x2], $0x80, s24, s11, $0xb8;
	[tilespmem:$0x1BC80] =	vst v63  }
0x51: {  	_ =	swait.ge [sflag:s9], $0x4000  }
0x52: {  	[sflag:s9] =	ssyncset.done $0x0  }
0x53: {  	s25 =	simm.s32 $0x5100;
	[sflag:s9] =	ssyncadd.s32 $0xFFFFC000  }
0x54: {  	[spmem:s2] =	stream.indirect.scatter [tilespmem:s10], [sflag:$0x2], $0x80, s25, s11, $0xb8;
	[tilespmem:$0x1BC80] =	vst v63  }
0x55: {  	_ =	swait.ge [sflag:s9], $0x4000  }
0x56: {  	[sflag:s9] =	ssyncset.done $0x0  }
0x57: {  	s26 =	simm.s32 $0x5180;
	[sflag:s9] =	ssyncadd.s32 $0xFFFFC000  }
0x58: {  	[spmem:s2] =	stream.indirect.scatter [tilespmem:s10], [sflag:$0x2], $0x80, s26, s11, $0xb8;
	[tilespmem:$0x1BC80] =	vst v63  }
0x59: {  	_ =	swait.ge [sflag:s9], $0x4000  }
0x5a: {  	[sflag:s9] =	ssyncset.done $0x0  }
0x5b: {  	s28 =	simm.s32 $0x5200;
	[sflag:s9] =	ssyncadd.s32 $0xFFFFC000  }
0x5c: {  	[spmem:s2] =	stream.indirect.scatter [tilespmem:s10], [sflag:$0x2], $0x80, s28, s11, $0xb8;
	[tilespmem:$0x1BC80] =	vst v63  }
0x5d: {  	_ =	swait.ge [sflag:s9], $0x4000  }
0x5e: {  	s5 =	simm.s32 @!p0 $0x80;
	[sflag:s9] =	ssyncset.done $0x0  }
0x5f: {  	s8 =	simm.s32 @!p0 $0x5400;
	s0 =	simm.s32 @!p0 $0x1000;
	[sflag:s9] =	ssyncadd.s32 $0xFFFFC000  }
0x60: {  	[spmem:s3] =	stream.indirect.scatter @!p0 [tilespmem:s0], [sflag:$0x2], $0x80, s8, s5, $0xb8;
	[tilespmem:$0x1BC80] =	vst v63  }
0x61: {  	s0 =	simm.s32 @!p0 $0x2  }
0x62: {  	_ =	swait.ge @!p0 [sflag:s0], $0x4000  }
0x63: {  	[sflag:s0] =	ssyncset.done @!p0 $0x0  }
0x64: {  	[sflag:s0] =	ssyncadd.s32 @!p0 $0xFFFFC000  }
0x65: {  	[bflag:$0x0] =	sbarrier.arrive $0xFFFF  }
0x66: {  	s29 =	rddreg [dreg:$0x9]  }
0x67: {  	[tilespmem:s4], [sflag:$0x2] =	stream.linear.gather [hbm4b:s29+s4], $0x400, $0x38;
	[tilespmem:$0x1BC80] =	vst v63  }
0x68: {  	_ =	swait.ge [sflag:s9], $0x400  }
0x69: {  	[sflag:s9] =	ssyncset.done $0x0  }
0x6a: {  	s31 =	rddreg [dreg:$0xa];
	[sflag:s9] =	ssyncadd.s32 $0xFFFFFC00  }
0x6b: {  	[tilespmem:s16], [sflag:$0x2] =	stream.linear.gather [hbm4b:s31+s4], $0x400, $0x38;
	[tilespmem:$0x1BC80] =	vst v63  }
0x6c: {  	_ =	swait.ge [sflag:s9], $0x400  }
0x6d: {  	[sflag:s9] =	ssyncset.done $0x0  }
0x6e: {  	s0 =	rddreg [dreg:$0xb];
	[sflag:s9] =	ssyncadd.s32 $0xFFFFFC00  }
0x6f: {  	[tilespmem:s17], [sflag:$0x2] =	stream.linear.gather [hbm4b:s0+s4], $0x400, $0x38;
	[tilespmem:$0x1BC80] =	vst v63  }
0x70: {  	_ =	swait.ge [sflag:s9], $0x400  }
0x71: {  	[sflag:s9] =	ssyncset.done $0x0  }
0x72: {  	s5 =	rddreg [dreg:$0xc];
	[sflag:s9] =	ssyncadd.s32 $0xFFFFFC00  }
0x73: {  	[tilespmem:s18], [sflag:$0x2] =	stream.linear.gather [hbm4b:s5+s4], $0x400, $0x38;
	[tilespmem:$0x1BC80] =	vst v63  }
0x74: {  	_ =	swait.ge [sflag:s9], $0x400  }
0x75: {  	[sflag:s9] =	ssyncset.done $0x0  }
0x76: {  	[sflag:s9] =	ssyncadd.s32 $0xFFFFFC00  }
0x77: {  	[tilespmem:s10], [sflag:$0x1] =	stream.indirect.gather [hbm4b:s1+s11], $0x80, s4, s11, $0xb8;
	[tilespmem:$0x1BC80] =	vst v63  }
0x78: {  	_ =	swait.ge [sflag:s19], $0x4000  }
0x79: {  	[sflag:s19] =	ssyncset.done $0x0  }
0x7a: {  	[sflag:s19] =	ssyncadd.s32 $0xFFFFC000  }
0x7b: {  	[spmem:s2] =	stream.indirect.scatter.add.f32 [tilespmem:s10], [sflag:$0x2], $0x80, s16, s11, $0xb8;
	[tilespmem:$0x1BC80] =	vst v63  }
0x7c: {  	_ =	swait.ge [sflag:s9], $0x4000  }
0x7d: {  	[sflag:s9] =	ssyncset.done $0x0  }
0x7e: {  	[sflag:s9] =	ssyncadd.s32 $0xFFFFC000  }
0x7f: {  	[tilespmem:s10], [sflag:$0x1] =	stream.indirect.gather [hbm4b:s6+s11], $0x80, s18, s11, $0xb8;
	[tilespmem:$0x1BC80] =	vst v63  }
0x80: {  	_ =	swait.ge [sflag:s19], $0x4000  }
0x81: {  	[sflag:s19] =	ssyncset.done $0x0  }
0x82: {  	[sflag:s19] =	ssyncadd.s32 $0xFFFFC000  }
0x83: {  	[spmem:s3] =	stream.indirect.scatter.add.f32 [tilespmem:s10], [sflag:$0x2], $0x80, s17, s11, $0xb8;
	[tilespmem:$0x1BC80] =	vst v63  }
0x84: {  	_ =	swait.ge [sflag:s9], $0x4000  }
0x85: {  	[sflag:s9] =	ssyncset.done $0x0  }
0x86: {  	[sflag:s9] =	ssyncadd.s32 $0xFFFFC000  }
0x87: {  	[tilespmem:s10], [sflag:$0x1] =	stream.indirect.gather [hbm4b:s1+s11], $0x80, s11, s11, $0xb8;
	[tilespmem:$0x1BC80] =	vst v63  }
0x88: {  	_ =	swait.ge [sflag:s19], $0x4000  }
0x89: {  	[sflag:s19] =	ssyncset.done $0x0  }
0x8a: {  	s7 =	simm.s32 $0x480;
	[sflag:s19] =	ssyncadd.s32 $0xFFFFC000  }
0x8b: {  	[spmem:s2] =	stream.indirect.scatter.add.f32 [tilespmem:s10], [sflag:$0x2], $0x80, s7, s11, $0xb8;
	[tilespmem:$0x1BC80] =	vst v63  }
0x8c: {  	_ =	swait.ge [sflag:s9], $0x4000  }
0x8d: {  	[sflag:s9] =	ssyncset.done $0x0  }
0x8e: {  	s8 =	simm.s32 $0xC80;
	[sflag:s9] =	ssyncadd.s32 $0xFFFFC000  }
0x8f: {  	[tilespmem:s10], [sflag:$0x1] =	stream.indirect.gather [hbm4b:s6+s11], $0x80, s8, s11, $0xb8;
	[tilespmem:$0x1BC80] =	vst v63  }
0x90: {  	_ =	swait.ge [sflag:s19], $0x4000  }
0x91: {  	[sflag:s19] =	ssyncset.done $0x0  }
0x92: {  	s12 =	simm.s32 $0x880;
	[sflag:s19] =	ssyncadd.s32 $0xFFFFC000  }
0x93: {  	[spmem:s3] =	stream.indirect.scatter.add.f32 [tilespmem:s10], [sflag:$0x2], $0x80, s12, s11, $0xb8;
	[tilespmem:$0x1BC80] =	vst v63  }
0x94: {  	_ =	swait.ge [sflag:s9], $0x4000  }
0x95: {  	[sflag:s9] =	ssyncset.done $0x0  }
0x96: {  	s13 =	simm.s32 $0x100;
	[sflag:s9] =	ssyncadd.s32 $0xFFFFC000  }
0x97: {  	[tilespmem:s10], [sflag:$0x1] =	stream.indirect.gather [hbm4b:s1+s11], $0x80, s13, s11, $0xb8;
	[tilespmem:$0x1BC80] =	vst v63  }
0x98: {  	_ =	swait.ge [sflag:s19], $0x4000  }
0x99: {  	[sflag:s19] =	ssyncset.done $0x0  }
0x9a: {  	s14 =	simm.s32 $0x500;
	[sflag:s19] =	ssyncadd.s32 $0xFFFFC000  }
0x9b: {  	[spmem:s2] =	stream.indirect.scatter.add.f32 [tilespmem:s10], [sflag:$0x2], $0x80, s14, s11, $0xb8;
	[tilespmem:$0x1BC80] =	vst v63  }
0x9c: {  	_ =	swait.ge [sflag:s9], $0x4000  }
0x9d: {  	[sflag:s9] =	ssyncset.done $0x0  }
0x9e: {  	s15 =	simm.s32 $0xD00;
	[sflag:s9] =	ssyncadd.s32 $0xFFFFC000  }
0x9f: {  	[tilespmem:s10], [sflag:$0x1] =	stream.indirect.gather [hbm4b:s6+s11], $0x80, s15, s11, $0xb8;
	[tilespmem:$0x1BC80] =	vst v63  }
0xa0: {  	_ =	swait.ge [sflag:s19], $0x4000  }
0xa1: {  	[sflag:s19] =	ssyncset.done $0x0  }
0xa2: {  	s20 =	simm.s32 $0x900;
	[sflag:s19] =	ssyncadd.s32 $0xFFFFC000  }
0xa3: {  	[spmem:s3] =	stream.indirect.scatter.add.f32 [tilespmem:s10], [sflag:$0x2], $0x80, s20, s11, $0xb8;
	[tilespmem:$0x1BC80] =	vst v63  }
0xa4: {  	_ =	swait.ge [sflag:s9], $0x4000  }
0xa5: {  	[sflag:s9] =	ssyncset.done $0x0  }
0xa6: {  	s21 =	simm.s32 $0x180;
	[sflag:s9] =	ssyncadd.s32 $0xFFFFC000  }
0xa7: {  	[tilespmem:s10], [sflag:$0x1] =	stream.indirect.gather [hbm4b:s1+s11], $0x80, s21, s11, $0xb8;
	[tilespmem:$0x1BC80] =	vst v63  }
0xa8: {  	_ =	swait.ge [sflag:s19], $0x4000  }
0xa9: {  	[sflag:s19] =	ssyncset.done $0x0  }
0xaa: {  	s22 =	simm.s32 $0x580;
	[sflag:s19] =	ssyncadd.s32 $0xFFFFC000  }
0xab: {  	[spmem:s2] =	stream.indirect.scatter.add.f32 [tilespmem:s10], [sflag:$0x2], $0x80, s22, s11, $0xb8;
	[tilespmem:$0x1BC80] =	vst v63  }
0xac: {  	_ =	swait.ge [sflag:s9], $0x4000  }
0xad: {  	[sflag:s9] =	ssyncset.done $0x0  }
0xae: {  	s23 =	simm.s32 $0xD80;
	[sflag:s9] =	ssyncadd.s32 $0xFFFFC000  }
0xaf: {  	[tilespmem:s10], [sflag:$0x1] =	stream.indirect.gather [hbm4b:s6+s11], $0x80, s23, s11, $0xb8;
	[tilespmem:$0x1BC80] =	vst v63  }
0xb0: {  	_ =	swait.ge [sflag:s19], $0x4000  }
0xb1: {  	[sflag:s19] =	ssyncset.done $0x0  }
0xb2: {  	s24 =	simm.s32 $0x980;
	[sflag:s19] =	ssyncadd.s32 $0xFFFFC000  }
0xb3: {  	[spmem:s3] =	stream.indirect.scatter.add.f32 [tilespmem:s10], [sflag:$0x2], $0x80, s24, s11, $0xb8;
	[tilespmem:$0x1BC80] =	vst v63  }
0xb4: {  	_ =	swait.ge [sflag:s9], $0x4000  }
0xb5: {  	[sflag:s9] =	ssyncset.done $0x0  }
0xb6: {  	s26 =	simm.s32 $0x200;
	[sflag:s9] =	ssyncadd.s32 $0xFFFFC000  }
0xb7: {  	[tilespmem:s10], [sflag:$0x1] =	stream.indirect.gather [hbm4b:s1+s11], $0x80, s26, s11, $0xb8;
	[tilespmem:$0x1BC80] =	vst v63  }
0xb8: {  	_ =	swait.ge [sflag:s19], $0x4000  }
0xb9: {  	[sflag:s19] =	ssyncset.done $0x0  }
0xba: {  	s28 =	simm.s32 $0x600;
	[sflag:s19] =	ssyncadd.s32 $0xFFFFC000  }
0xbb: {  	[spmem:s2] =	stream.indirect.scatter.add.f32 [tilespmem:s10], [sflag:$0x2], $0x80, s28, s11, $0xb8;
	[tilespmem:$0x1BC80] =	vst v63  }
0xbc: {  	_ =	swait.ge [sflag:s9], $0x4000  }
0xbd: {  	[sflag:s9] =	ssyncset.done $0x0  }
0xbe: {  	s29 =	simm.s32 $0xE00;
	[sflag:s9] =	ssyncadd.s32 $0xFFFFC000  }
0xbf: {  	[tilespmem:s10], [sflag:$0x1] =	stream.indirect.gather [hbm4b:s6+s11], $0x80, s29, s11, $0xb8;
	[tilespmem:$0x1BC80] =	vst v63  }
0xc0: {  	_ =	swait.ge [sflag:s19], $0x4000  }
0xc1: {  	[sflag:s19] =	ssyncset.done $0x0  }
0xc2: {  	s30 =	simm.s32 $0xA00;
	[sflag:s19] =	ssyncadd.s32 $0xFFFFC000  }
0xc3: {  	[spmem:s3] =	stream.indirect.scatter.add.f32 [tilespmem:s10], [sflag:$0x2], $0x80, s30, s11, $0xb8;
	[tilespmem:$0x1BC80] =	vst v63  }
0xc4: {  	_ =	swait.ge [sflag:s9], $0x4000  }
0xc5: {  	[sflag:s9] =	ssyncset.done $0x0  }
0xc6: {  	s31 =	simm.s32 $0x280;
	[sflag:s9] =	ssyncadd.s32 $0xFFFFC000  }
0xc7: {  	[tilespmem:s10], [sflag:$0x1] =	stream.indirect.gather [hbm4b:s1+s11], $0x80, s31, s11, $0xb8;
	[tilespmem:$0x1BC80] =	vst v63  }
0xc8: {  	_ =	swait.ge [sflag:s19], $0x4000  }
0xc9: {  	[sflag:s19] =	ssyncset.done $0x0  }
0xca: {  	s5 =	simm.s32 $0x680;
	[sflag:s19] =	ssyncadd.s32 $0xFFFFC000  }
0xcb: {  	[spmem:s2] =	stream.indirect.scatter.add.f32 [tilespmem:s10], [sflag:$0x2], $0x80, s5, s11, $0xb8;
	[tilespmem:$0x1BC80] =	vst v63  }
0xcc: {  	_ =	swait.ge [sflag:s9], $0x4000  }
0xcd: {  	[sflag:s9] =	ssyncset.done $0x0  }
0xce: {  	s7 =	simm.s32 $0xE80;
	[sflag:s9] =	ssyncadd.s32 $0xFFFFC000  }
0xcf: {  	[tilespmem:s10], [sflag:$0x1] =	stream.indirect.gather [hbm4b:s6+s11], $0x80, s7, s11, $0xb8;
	[tilespmem:$0x1BC80] =	vst v63  }
0xd0: {  	_ =	swait.ge [sflag:s19], $0x4000  }
0xd1: {  	[sflag:s19] =	ssyncset.done $0x0  }
0xd2: {  	s8 =	simm.s32 $0xA80;
	[sflag:s19] =	ssyncadd.s32 $0xFFFFC000  }
0xd3: {  	[spmem:s3] =	stream.indirect.scatter.add.f32 [tilespmem:s10], [sflag:$0x2], $0x80, s8, s11, $0xb8;
	[tilespmem:$0x1BC80] =	vst v63  }
0xd4: {  	_ =	swait.ge [sflag:s9], $0x4000  }
0xd5: {  	[sflag:s9] =	ssyncset.done $0x0  }
0xd6: {  	s12 =	simm.s32 $0x300;
	[sflag:s9] =	ssyncadd.s32 $0xFFFFC000  }
0xd7: {  	[tilespmem:s10], [sflag:$0x1] =	stream.indirect.gather [hbm4b:s1+s11], $0x80, s12, s11, $0xb8;
	[tilespmem:$0x1BC80] =	vst v63  }
0xd8: {  	_ =	swait.ge [sflag:s19], $0x4000  }
0xd9: {  	[sflag:s19] =	ssyncset.done $0x0  }
0xda: {  	s13 =	simm.s32 $0x700;
	[sflag:s19] =	ssyncadd.s32 $0xFFFFC000  }
0xdb: {  	[spmem:s2] =	stream.indirect.scatter.add.f32 [tilespmem:s10], [sflag:$0x2], $0x80, s13, s11, $0xb8;
	[tilespmem:$0x1BC80] =	vst v63  }
0xdc: {  	_ =	swait.ge [sflag:s9], $0x4000  }
0xdd: {  	[sflag:s9] =	ssyncset.done $0x0  }
0xde: {  	s14 =	simm.s32 $0xF00;
	[sflag:s9] =	ssyncadd.s32 $0xFFFFC000  }
0xdf: {  	[tilespmem:s10], [sflag:$0x1] =	stream.indirect.gather [hbm4b:s6+s11], $0x80, s14, s11, $0xb8;
	[tilespmem:$0x1BC80] =	vst v63  }
0xe0: {  	_ =	swait.ge [sflag:s19], $0x4000  }
0xe1: {  	[sflag:s19] =	ssyncset.done $0x0  }
0xe2: {  	s15 =	simm.s32 $0xB00;
	[sflag:s19] =	ssyncadd.s32 $0xFFFFC000  }
0xe3: {  	[spmem:s3] =	stream.indirect.scatter.add.f32 [tilespmem:s10], [sflag:$0x2], $0x80, s15, s11, $0xb8;
	[tilespmem:$0x1BC80] =	vst v63  }
0xe4: {  	_ =	swait.ge [sflag:s9], $0x4000  }
0xe5: {  	[sflag:s9] =	ssyncset.done $0x0  }
0xe6: {  	s20 =	simm.s32 $0x380;
	[sflag:s9] =	ssyncadd.s32 $0xFFFFC000  }
0xe7: {  	[tilespmem:s10], [sflag:$0x1] =	stream.indirect.gather [hbm4b:s1+s11], $0x80, s20, s11, $0xb8;
	[tilespmem:$0x1BC80] =	vst v63  }
0xe8: {  	_ =	swait.ge [sflag:s19], $0x4000  }
0xe9: {  	[sflag:s19] =	ssyncset.done $0x0  }
0xea: {  	s21 =	simm.s32 $0x780;
	[sflag:s19] =	ssyncadd.s32 $0xFFFFC000  }
0xeb: {  	[spmem:s2] =	stream.indirect.scatter.add.f32 [tilespmem:s10], [sflag:$0x2], $0x80, s21, s11, $0xb8;
	[tilespmem:$0x1BC80] =	vst v63  }
0xec: {  	_ =	swait.ge [sflag:s9], $0x4000  }
0xed: {  	[sflag:s9] =	ssyncset.done $0x0  }
0xee: {  	s22 =	simm.s32 $0xF80;
	[sflag:s9] =	ssyncadd.s32 $0xFFFFC000  }
0xef: {  	[tilespmem:s10], [sflag:$0x1] =	stream.indirect.gather [hbm4b:s6+s11], $0x80, s22, s11, $0xb8;
	[tilespmem:$0x1BC80] =	vst v63  }
0xf0: {  	_ =	swait.ge [sflag:s19], $0x4000  }
0xf1: {  	[sflag:s19] =	ssyncset.done $0x0  }
0xf2: {  	s23 =	simm.s32 $0xB80;
	[sflag:s19] =	ssyncadd.s32 $0xFFFFC000  }
0xf3: {  	[spmem:s3] =	stream.indirect.scatter.add.f32 [tilespmem:s10], [sflag:$0x2], $0x80, s23, s11, $0xb8;
	[tilespmem:$0x1BC80] =	vst v63  }
0xf4: {  	_ =	swait.ge [sflag:s9], $0x4000  }
0xf5: {  	[sflag:s9] =	ssyncset.done $0x0  }
0xf6: {  	s24 =	rddreg [dreg:$0xd];
	[sflag:s9] =	ssyncadd.s32 $0xFFFFC000  }
0xf7: {  	[tilespmem:s4], [sflag:$0x2] =	stream.linear.gather [hbm4b:s24+s4], $0x400, $0x38;
	[tilespmem:$0x1BC80] =	vst v63  }
0xf8: {  	_ =	swait.ge [sflag:s9], $0x400  }
0xf9: {  	[sflag:s9] =	ssyncset.done $0x0  }
0xfa: {  	s26 =	rddreg [dreg:$0xe];
	[sflag:s9] =	ssyncadd.s32 $0xFFFFFC00  }
0xfb: {  	[tilespmem:s16], [sflag:$0x2] =	stream.linear.gather [hbm4b:s26+s4], $0x400, $0x38;
	[tilespmem:$0x1BC80] =	vst v63  }
0xfc: {  	_ =	swait.ge [sflag:s9], $0x400  }
0xfd: {  	[sflag:s9] =	ssyncset.done $0x0  }
0xfe: {  	s28 =	rddreg [dreg:$0xf];
	[sflag:s9] =	ssyncadd.s32 $0xFFFFFC00  }
0xff: {  	[tilespmem:s17], [sflag:$0x2] =	stream.linear.gather [hbm4b:s28+s4], $0x400, $0x38;
	[tilespmem:$0x1BC80] =	vst v63  }
0x100: {  	_ =	swait.ge [sflag:s9], $0x400  }
0x101: {  	[sflag:s9] =	ssyncset.done $0x0  }
0x102: {  	s29 =	rddreg [dreg:$0x10];
	[sflag:s9] =	ssyncadd.s32 $0xFFFFFC00  }
0x103: {  	[tilespmem:s18], [sflag:$0x2] =	stream.linear.gather [hbm4b:s29+s4], $0x400, $0x38;
	[tilespmem:$0x1BC80] =	vst v63  }
0x104: {  	_ =	swait.ge [sflag:s9], $0x400  }
0x105: {  	[sflag:s9] =	ssyncset.done $0x0  }
0x106: {  	[sflag:s9] =	ssyncadd.s32 $0xFFFFFC00  }
0x107: {  	[tilespmem:s10], [sflag:$0x1] =	stream.indirect.gather [hbm4b:s1+s11], $0x80, s4, s11, $0xb8;
	[tilespmem:$0x1BC80] =	vst v63  }
0x108: {  	_ =	swait.ge [sflag:s19], $0x4000  }
0x109: {  	[sflag:s19] =	ssyncset.done $0x0  }
0x10a: {  	[sflag:s19] =	ssyncadd.s32 $0xFFFFC000  }
0x10b: {  	[spmem:s2] =	stream.indirect.scatter.add.f32 [tilespmem:s10], [sflag:$0x2], $0x80, s16, s11, $0xb8;
	[tilespmem:$0x1BC80] =	vst v63  }
0x10c: {  	_ =	swait.ge [sflag:s9], $0x4000  }
0x10d: {  	[sflag:s9] =	ssyncset.done $0x0  }
0x10e: {  	[sflag:s9] =	ssyncadd.s32 $0xFFFFC000  }
0x10f: {  	[tilespmem:s10], [sflag:$0x1] =	stream.indirect.gather [hbm4b:s6+s11], $0x80, s18, s11, $0xb8;
	[tilespmem:$0x1BC80] =	vst v63  }
0x110: {  	_ =	swait.ge [sflag:s19], $0x4000  }
0x111: {  	[sflag:s19] =	ssyncset.done $0x0  }
0x112: {  	[sflag:s19] =	ssyncadd.s32 $0xFFFFC000  }
0x113: {  	[spmem:s3] =	stream.indirect.scatter.add.f32 [tilespmem:s10], [sflag:$0x2], $0x80, s17, s11, $0xb8;
	[tilespmem:$0x1BC80] =	vst v63  }
0x114: {  	_ =	swait.ge [sflag:s9], $0x4000  }
0x115: {  	[sflag:s9] =	ssyncset.done $0x0  }
0x116: {  	[sflag:s9] =	ssyncadd.s32 $0xFFFFC000  }
0x117: {  	[tilespmem:s10], [sflag:$0x1] =	stream.indirect.gather [hbm4b:s1+s11], $0x80, s11, s11, $0xb8;
	[tilespmem:$0x1BC80] =	vst v63  }
0x118: {  	_ =	swait.ge [sflag:s19], $0x4000  }
0x119: {  	[sflag:s19] =	ssyncset.done $0x0  }
0x11a: {  	s22 =	simm.s32 $0x480;
	[sflag:s19] =	ssyncadd.s32 $0xFFFFC000  }
0x11b: {  	[spmem:s2] =	stream.indirect.scatter.add.f32 [tilespmem:s10], [sflag:$0x2], $0x80, s22, s11, $0xb8;
	[tilespmem:$0x1BC80] =	vst v63  }
0x11c: {  	_ =	swait.ge [sflag:s9], $0x4000  }
0x11d: {  	[sflag:s9] =	ssyncset.done $0x0  }
0x11e: {  	s23 =	simm.s32 $0xC80;
	[sflag:s9] =	ssyncadd.s32 $0xFFFFC000  }
0x11f: {  	[tilespmem:s10], [sflag:$0x1] =	stream.indirect.gather [hbm4b:s6+s11], $0x80, s23, s11, $0xb8;
	[tilespmem:$0x1BC80] =	vst v63  }
0x120: {  	_ =	swait.ge [sflag:s19], $0x4000  }
0x121: {  	[sflag:s19] =	ssyncset.done $0x0  }
0x122: {  	s24 =	simm.s32 $0x880;
	[sflag:s19] =	ssyncadd.s32 $0xFFFFC000  }
0x123: {  	[spmem:s3] =	stream.indirect.scatter.add.f32 [tilespmem:s10], [sflag:$0x2], $0x80, s24, s11, $0xb8;
	[tilespmem:$0x1BC80] =	vst v63  }
0x124: {  	_ =	swait.ge [sflag:s9], $0x4000  }
0x125: {  	[sflag:s9] =	ssyncset.done $0x0  }
0x126: {  	s25 =	simm.s32 $0x100;
	[sflag:s9] =	ssyncadd.s32 $0xFFFFC000  }
0x127: {  	[tilespmem:s10], [sflag:$0x1] =	stream.indirect.gather [hbm4b:s1+s11], $0x80, s25, s11, $0xb8;
	[tilespmem:$0x1BC80] =	vst v63  }
0x128: {  	_ =	swait.ge [sflag:s19], $0x4000  }
0x129: {  	[sflag:s19] =	ssyncset.done $0x0  }
0x12a: {  	s26 =	simm.s32 $0x500;
	[sflag:s19] =	ssyncadd.s32 $0xFFFFC000  }
0x12b: {  	[spmem:s2] =	stream.indirect.scatter.add.f32 [tilespmem:s10], [sflag:$0x2], $0x80, s26, s11, $0xb8;
	[tilespmem:$0x1BC80] =	vst v63  }
0x12c: {  	_ =	swait.ge [sflag:s9], $0x4000  }
0x12d: {  	[sflag:s9] =	ssyncset.done $0x0  }
0x12e: {  	s28 =	simm.s32 $0xD00;
	[sflag:s9] =	ssyncadd.s32 $0xFFFFC000  }
0x12f: {  	[tilespmem:s10], [sflag:$0x1] =	stream.indirect.gather [hbm4b:s6+s11], $0x80, s28, s11, $0xb8;
	[tilespmem:$0x1BC80] =	vst v63  }
0x130: {  	_ =	swait.ge [sflag:s19], $0x4000  }
0x131: {  	[sflag:s19] =	ssyncset.done $0x0  }
0x132: {  	s25 =	simm.s32 $0x900;
	[sflag:s19] =	ssyncadd.s32 $0xFFFFC000  }
0x133: {  	[spmem:s3] =	stream.indirect.scatter.add.f32 [tilespmem:s10], [sflag:$0x2], $0x80, s25, s11, $0xb8;
	[tilespmem:$0x1BC80] =	vst v63  }
0x134: {  	_ =	swait.ge [sflag:s9], $0x4000  }
0x135: {  	[sflag:s9] =	ssyncset.done $0x0  }
0x136: {  	s29 =	simm.s32 $0x180;
	[sflag:s9] =	ssyncadd.s32 $0xFFFFC000  }
0x137: {  	[tilespmem:s10], [sflag:$0x1] =	stream.indirect.gather [hbm4b:s1+s11], $0x80, s29, s11, $0xb8;
	[tilespmem:$0x1BC80] =	vst v63  }
0x138: {  	_ =	swait.ge [sflag:s19], $0x4000  }
0x139: {  	[sflag:s19] =	ssyncset.done $0x0  }
0x13a: {  	s0 =	simm.s32 $0x580;
	[sflag:s19] =	ssyncadd.s32 $0xFFFFC000  }
0x13b: {  	[spmem:s2] =	stream.indirect.scatter.add.f32 [tilespmem:s10], [sflag:$0x2], $0x80, s0, s11, $0xb8;
	[tilespmem:$0x1BC80] =	vst v63  }
0x13c: {  	_ =	swait.ge [sflag:s9], $0x4000  }
0x13d: {  	[sflag:s9] =	ssyncset.done $0x0  }
0x13e: {  	s5 =	simm.s32 $0xD80;
	[sflag:s9] =	ssyncadd.s32 $0xFFFFC000  }
0x13f: {  	[tilespmem:s10], [sflag:$0x1] =	stream.indirect.gather [hbm4b:s6+s11], $0x80, s5, s11, $0xb8;
	[tilespmem:$0x1BC80] =	vst v63  }
0x140: {  	_ =	swait.ge [sflag:s19], $0x4000  }
0x141: {  	[sflag:s19] =	ssyncset.done $0x0  }
0x142: {  	s7 =	simm.s32 $0x980;
	[sflag:s19] =	ssyncadd.s32 $0xFFFFC000  }
0x143: {  	[spmem:s3] =	stream.indirect.scatter.add.f32 [tilespmem:s10], [sflag:$0x2], $0x80, s7, s11, $0xb8;
	[tilespmem:$0x1BC80] =	vst v63  }
0x144: {  	_ =	swait.ge [sflag:s9], $0x4000  }
0x145: {  	[sflag:s9] =	ssyncset.done $0x0  }
0x146: {  	s8 =	simm.s32 $0x200;
	[sflag:s9] =	ssyncadd.s32 $0xFFFFC000  }
0x147: {  	[tilespmem:s10], [sflag:$0x1] =	stream.indirect.gather [hbm4b:s1+s11], $0x80, s8, s11, $0xb8;
	[tilespmem:$0x1BC80] =	vst v63  }
0x148: {  	_ =	swait.ge [sflag:s19], $0x4000  }
0x149: {  	[sflag:s19] =	ssyncset.done $0x0  }
0x14a: {  	s12 =	simm.s32 $0x600;
	[sflag:s19] =	ssyncadd.s32 $0xFFFFC000  }
0x14b: {  	[spmem:s2] =	stream.indirect.scatter.add.f32 [tilespmem:s10], [sflag:$0x2], $0x80, s12, s11, $0xb8;
	[tilespmem:$0x1BC80] =	vst v63  }
0x14c: {  	_ =	swait.ge [sflag:s9], $0x4000  }
0x14d: {  	[sflag:s9] =	ssyncset.done $0x0  }
0x14e: {  	s13 =	simm.s32 $0xE00;
	[sflag:s9] =	ssyncadd.s32 $0xFFFFC000  }
0x14f: {  	[tilespmem:s10], [sflag:$0x1] =	stream.indirect.gather [hbm4b:s6+s11], $0x80, s13, s11, $0xb8;
	[tilespmem:$0x1BC80] =	vst v63  }
0x150: {  	_ =	swait.ge [sflag:s19], $0x4000  }
0x151: {  	[sflag:s19] =	ssyncset.done $0x0  }
0x152: {  	s14 =	simm.s32 $0xA00;
	[sflag:s19] =	ssyncadd.s32 $0xFFFFC000  }
0x153: {  	[spmem:s3] =	stream.indirect.scatter.add.f32 [tilespmem:s10], [sflag:$0x2], $0x80, s14, s11, $0xb8;
	[tilespmem:$0x1BC80] =	vst v63  }
0x154: {  	_ =	swait.ge [sflag:s9], $0x4000  }
0x155: {  	[sflag:s9] =	ssyncset.done $0x0  }
0x156: {  	s15 =	simm.s32 $0x280;
	[sflag:s9] =	ssyncadd.s32 $0xFFFFC000  }
0x157: {  	[tilespmem:s10], [sflag:$0x1] =	stream.indirect.gather [hbm4b:s1+s11], $0x80, s15, s11, $0xb8;
	[tilespmem:$0x1BC80] =	vst v63  }
0x158: {  	_ =	swait.ge [sflag:s19], $0x4000  }
0x159: {  	[sflag:s19] =	ssyncset.done $0x0  }
0x15a: {  	s30 =	simm.s32 $0x680;
	[sflag:s19] =	ssyncadd.s32 $0xFFFFC000  }
0x15b: {  	[spmem:s2] =	stream.indirect.scatter.add.f32 [tilespmem:s10], [sflag:$0x2], $0x80, s30, s11, $0xb8;
	[tilespmem:$0x1BC80] =	vst v63  }
0x15c: {  	_ =	swait.ge [sflag:s9], $0x4000  }
0x15d: {  	[sflag:s9] =	ssyncset.done $0x0  }
0x15e: {  	s31 =	simm.s32 $0xE80;
	[sflag:s9] =	ssyncadd.s32 $0xFFFFC000  }
0x15f: {  	[tilespmem:s10], [sflag:$0x1] =	stream.indirect.gather [hbm4b:s6+s11], $0x80, s31, s11, $0xb8;
	[tilespmem:$0x1BC80] =	vst v63  }
0x160: {  	_ =	swait.ge [sflag:s19], $0x4000  }
0x161: {  	[sflag:s19] =	ssyncset.done $0x0  }
0x162: {  	s30 =	simm.s32 $0xA80;
	[sflag:s19] =	ssyncadd.s32 $0xFFFFC000  }
0x163: {  	[spmem:s3] =	stream.indirect.scatter.add.f32 [tilespmem:s10], [sflag:$0x2], $0x80, s30, s11, $0xb8;
	[tilespmem:$0x1BC80] =	vst v63  }
0x164: {  	_ =	swait.ge [sflag:s9], $0x4000  }
0x165: {  	[sflag:s9] =	ssyncset.done $0x0  }
0x166: {  	s30 =	simm.s32 $0x300;
	[sflag:s9] =	ssyncadd.s32 $0xFFFFC000  }
0x167: {  	[tilespmem:s10], [sflag:$0x1] =	stream.indirect.gather [hbm4b:s1+s11], $0x80, s30, s11, $0xb8;
	[tilespmem:$0x1BC80] =	vst v63  }
0x168: {  	_ =	swait.ge [sflag:s19], $0x4000  }
0x169: {  	[sflag:s19] =	ssyncset.done $0x0  }
0x16a: {  	s30 =	simm.s32 $0x700;
	[sflag:s19] =	ssyncadd.s32 $0xFFFFC000  }
0x16b: {  	[spmem:s2] =	stream.indirect.scatter.add.f32 [tilespmem:s10], [sflag:$0x2], $0x80, s30, s11, $0xb8;
	[tilespmem:$0x1BC80] =	vst v63  }
0x16c: {  	_ =	swait.ge [sflag:s9], $0x4000  }
0x16d: {  	[sflag:s9] =	ssyncset.done $0x0  }
0x16e: {  	s30 =	simm.s32 $0xF00;
	[sflag:s9] =	ssyncadd.s32 $0xFFFFC000  }
0x16f: {  	[tilespmem:s10], [sflag:$0x1] =	stream.indirect.gather [hbm4b:s6+s11], $0x80, s30, s11, $0xb8;
	[tilespmem:$0x1BC80] =	vst v63  }
0x170: {  	_ =	swait.ge [sflag:s19], $0x4000  }
0x171: {  	[sflag:s19] =	ssyncset.done $0x0  }
0x172: {  	s30 =	simm.s32 $0xB00;
	[sflag:s19] =	ssyncadd.s32 $0xFFFFC000  }
0x173: {  	[spmem:s3] =	stream.indirect.scatter.add.f32 [tilespmem:s10], [sflag:$0x2], $0x80, s30, s11, $0xb8;
	[tilespmem:$0x1BC80] =	vst v63  }
0x174: {  	_ =	swait.ge [sflag:s9], $0x4000  }
0x175: {  	[sflag:s9] =	ssyncset.done $0x0  }
0x176: {  	s30 =	simm.s32 $0x380;
	[sflag:s9] =	ssyncadd.s32 $0xFFFFC000  }
0x177: {  	[tilespmem:s10], [sflag:$0x1] =	stream.indirect.gather [hbm4b:s1+s11], $0x80, s30, s11, $0xb8;
	[tilespmem:$0x1BC80] =	vst v63  }
0x178: {  	_ =	swait.ge [sflag:s19], $0x4000  }
0x179: {  	[sflag:s19] =	ssyncset.done $0x0  }
0x17a: {  	s30 =	simm.s32 $0x780;
	[sflag:s19] =	ssyncadd.s32 $0xFFFFC000  }
0x17b: {  	[spmem:s2] =	stream.indirect.scatter.add.f32 [tilespmem:s10], [sflag:$0x2], $0x80, s30, s11, $0xb8;
	[tilespmem:$0x1BC80] =	vst v63  }
0x17c: {  	_ =	swait.ge [sflag:s9], $0x4000  }
0x17d: {  	[sflag:s9] =	ssyncset.done $0x0  }
0x17e: {  	s20 =	simm.s32 $0xF80;
	[sflag:s9] =	ssyncadd.s32 $0xFFFFC000  }
0x17f: {  	[tilespmem:s10], [sflag:$0x1] =	stream.indirect.gather [hbm4b:s6+s11], $0x80, s20, s11, $0xb8;
	[tilespmem:$0x1BC80] =	vst v63  }
0x180: {  	_ =	swait.ge [sflag:s19], $0x4000  }
0x181: {  	[sflag:s19] =	ssyncset.done $0x0  }
0x182: {  	s21 =	simm.s32 $0xB80;
	[sflag:s19] =	ssyncadd.s32 $0xFFFFC000  }
0x183: {  	[spmem:s3] =	stream.indirect.scatter.add.f32 [tilespmem:s10], [sflag:$0x2], $0x80, s21, s11, $0xb8;
	[tilespmem:$0x1BC80] =	vst v63  }
0x184: {  	_ =	swait.ge [sflag:s9], $0x4000  }
0x185: {  	[sflag:s9] =	ssyncset.done $0x0  }
0x186: {  	s30 =	rddreg [dreg:$0x11];
	[sflag:s9] =	ssyncadd.s32 $0xFFFFC000  }
0x187: {  	[tilespmem:s4], [sflag:$0x2] =	stream.linear.gather [hbm4b:s30+s4], $0x400, $0x38;
	[tilespmem:$0x1BC80] =	vst v63  }
0x188: {  	_ =	swait.ge [sflag:s9], $0x400  }
0x189: {  	[sflag:s9] =	ssyncset.done $0x0  }
0x18a: {  	s30 =	rddreg [dreg:$0x12];
	[sflag:s9] =	ssyncadd.s32 $0xFFFFFC00  }
0x18b: {  	[tilespmem:s16], [sflag:$0x2] =	stream.linear.gather [hbm4b:s30+s4], $0x400, $0x38;
	[tilespmem:$0x1BC80] =	vst v63  }
0x18c: {  	_ =	swait.ge [sflag:s9], $0x400  }
0x18d: {  	[sflag:s9] =	ssyncset.done $0x0  }
0x18e: {  	s30 =	rddreg [dreg:$0x13];
	[sflag:s9] =	ssyncadd.s32 $0xFFFFFC00  }
0x18f: {  	[tilespmem:s17], [sflag:$0x2] =	stream.linear.gather [hbm4b:s30+s4], $0x400, $0x38;
	[tilespmem:$0x1BC80] =	vst v63  }
0x190: {  	_ =	swait.ge [sflag:s9], $0x400  }
0x191: {  	[sflag:s9] =	ssyncset.done $0x0  }
0x192: {  	s30 =	rddreg [dreg:$0x14];
	[sflag:s9] =	ssyncadd.s32 $0xFFFFFC00  }
0x193: {  	[tilespmem:s18], [sflag:$0x2] =	stream.linear.gather [hbm4b:s30+s4], $0x400, $0x38;
	[tilespmem:$0x1BC80] =	vst v63  }
0x194: {  	_ =	swait.ge [sflag:s9], $0x400  }
0x195: {  	[sflag:s9] =	ssyncset.done $0x0  }
0x196: {  	[sflag:s9] =	ssyncadd.s32 $0xFFFFFC00  }
0x197: {  	[tilespmem:s10], [sflag:$0x1] =	stream.indirect.gather [hbm4b:s1+s11], $0x80, s4, s11, $0xb8;
	[tilespmem:$0x1BC80] =	vst v63  }
0x198: {  	_ =	swait.ge [sflag:s19], $0x4000  }
0x199: {  	[sflag:s19] =	ssyncset.done $0x0  }
0x19a: {  	[sflag:s19] =	ssyncadd.s32 $0xFFFFC000  }
0x19b: {  	[spmem:s2] =	stream.indirect.scatter.add.f32 [tilespmem:s10], [sflag:$0x2], $0x80, s16, s11, $0xb8;
	[tilespmem:$0x1BC80] =	vst v63  }
0x19c: {  	_ =	swait.ge [sflag:s9], $0x4000  }
0x19d: {  	[sflag:s9] =	ssyncset.done $0x0  }
0x19e: {  	[sflag:s9] =	ssyncadd.s32 $0xFFFFC000  }
0x19f: {  	[tilespmem:s10], [sflag:$0x1] =	stream.indirect.gather [hbm4b:s6+s11], $0x80, s18, s11, $0xb8;
	[tilespmem:$0x1BC80] =	vst v63  }
0x1a0: {  	_ =	swait.ge [sflag:s19], $0x4000  }
0x1a1: {  	[sflag:s19] =	ssyncset.done $0x0  }
0x1a2: {  	[sflag:s19] =	ssyncadd.s32 $0xFFFFC000  }
0x1a3: {  	[spmem:s3] =	stream.indirect.scatter.add.f32 [tilespmem:s10], [sflag:$0x2], $0x80, s17, s11, $0xb8;
	[tilespmem:$0x1BC80] =	vst v63  }
0x1a4: {  	_ =	swait.ge [sflag:s9], $0x4000  }
0x1a5: {  	[sflag:s9] =	ssyncset.done $0x0  }
0x1a6: {  	[sflag:s9] =	ssyncadd.s32 $0xFFFFC000  }
0x1a7: {  	[tilespmem:s10], [sflag:$0x1] =	stream.indirect.gather [hbm4b:s1+s11], $0x80, s11, s11, $0xb8;
	[tilespmem:$0x1BC80] =	vst v63  }
0x1a8: {  	_ =	swait.ge [sflag:s19], $0x4000  }
0x1a9: {  	[sflag:s19] =	ssyncset.done $0x0  }
0x1aa: {  	[sflag:s19] =	ssyncadd.s32 $0xFFFFC000  }
0x1ab: {  	[spmem:s2] =	stream.indirect.scatter.add.f32 [tilespmem:s10], [sflag:$0x2], $0x80, s22, s11, $0xb8;
	[tilespmem:$0x1BC80] =	vst v63  }
0x1ac: {  	_ =	swait.ge [sflag:s9], $0x4000  }
0x1ad: {  	[sflag:s9] =	ssyncset.done $0x0  }
0x1ae: {  	[sflag:s9] =	ssyncadd.s32 $0xFFFFC000  }
0x1af: {  	[tilespmem:s10], [sflag:$0x1] =	stream.indirect.gather [hbm4b:s6+s11], $0x80, s23, s11, $0xb8;
	[tilespmem:$0x1BC80] =	vst v63  }
0x1b0: {  	_ =	swait.ge [sflag:s19], $0x4000  }
0x1b1: {  	[sflag:s19] =	ssyncset.done $0x0  }
0x1b2: {  	[sflag:s19] =	ssyncadd.s32 $0xFFFFC000  }
0x1b3: {  	[spmem:s3] =	stream.indirect.scatter.add.f32 [tilespmem:s10], [sflag:$0x2], $0x80, s24, s11, $0xb8;
	[tilespmem:$0x1BC80] =	vst v63  }
0x1b4: {  	_ =	swait.ge [sflag:s9], $0x4000  }
0x1b5: {  	[sflag:s9] =	ssyncset.done $0x0  }
0x1b6: {  	s30 =	simm.s32 $0x100;
	[sflag:s9] =	ssyncadd.s32 $0xFFFFC000  }
0x1b7: {  	[tilespmem:s10], [sflag:$0x1] =	stream.indirect.gather [hbm4b:s1+s11], $0x80, s30, s11, $0xb8;
	[tilespmem:$0x1BC80] =	vst v63  }
0x1b8: {  	_ =	swait.ge [sflag:s19], $0x4000  }
0x1b9: {  	[sflag:s19] =	ssyncset.done $0x0  }
0x1ba: {  	[sflag:s19] =	ssyncadd.s32 $0xFFFFC000  }
0x1bb: {  	[spmem:s2] =	stream.indirect.scatter.add.f32 [tilespmem:s10], [sflag:$0x2], $0x80, s26, s11, $0xb8;
	[tilespmem:$0x1BC80] =	vst v63  }
0x1bc: {  	_ =	swait.ge [sflag:s9], $0x4000  }
0x1bd: {  	[sflag:s9] =	ssyncset.done $0x0  }
0x1be: {  	[sflag:s9] =	ssyncadd.s32 $0xFFFFC000  }
0x1bf: {  	[tilespmem:s10], [sflag:$0x1] =	stream.indirect.gather [hbm4b:s6+s11], $0x80, s28, s11, $0xb8;
	[tilespmem:$0x1BC80] =	vst v63  }
0x1c0: {  	_ =	swait.ge [sflag:s19], $0x4000  }
0x1c1: {  	[sflag:s19] =	ssyncset.done $0x0  }
0x1c2: {  	[sflag:s19] =	ssyncadd.s32 $0xFFFFC000  }
0x1c3: {  	[spmem:s3] =	stream.indirect.scatter.add.f32 [tilespmem:s10], [sflag:$0x2], $0x80, s25, s11, $0xb8;
	[tilespmem:$0x1BC80] =	vst v63  }
0x1c4: {  	_ =	swait.ge [sflag:s9], $0x4000  }
0x1c5: {  	[sflag:s9] =	ssyncset.done $0x0  }
0x1c6: {  	[sflag:s9] =	ssyncadd.s32 $0xFFFFC000  }
0x1c7: {  	[tilespmem:s10], [sflag:$0x1] =	stream.indirect.gather [hbm4b:s1+s11], $0x80, s29, s11, $0xb8;
	[tilespmem:$0x1BC80] =	vst v63  }
0x1c8: {  	_ =	swait.ge [sflag:s19], $0x4000  }
0x1c9: {  	[sflag:s19] =	ssyncset.done $0x0  }
0x1ca: {  	[sflag:s19] =	ssyncadd.s32 $0xFFFFC000  }
0x1cb: {  	[spmem:s2] =	stream.indirect.scatter.add.f32 [tilespmem:s10], [sflag:$0x2], $0x80, s0, s11, $0xb8;
	[tilespmem:$0x1BC80] =	vst v63  }
0x1cc: {  	_ =	swait.ge [sflag:s9], $0x4000  }
0x1cd: {  	[sflag:s9] =	ssyncset.done $0x0  }
0x1ce: {  	[sflag:s9] =	ssyncadd.s32 $0xFFFFC000  }
0x1cf: {  	[tilespmem:s10], [sflag:$0x1] =	stream.indirect.gather [hbm4b:s6+s11], $0x80, s5, s11, $0xb8;
	[tilespmem:$0x1BC80] =	vst v63  }
0x1d0: {  	_ =	swait.ge [sflag:s19], $0x4000  }
0x1d1: {  	[sflag:s19] =	ssyncset.done $0x0  }
0x1d2: {  	[sflag:s19] =	ssyncadd.s32 $0xFFFFC000  }
0x1d3: {  	[spmem:s3] =	stream.indirect.scatter.add.f32 [tilespmem:s10], [sflag:$0x2], $0x80, s7, s11, $0xb8;
	[tilespmem:$0x1BC80] =	vst v63  }
0x1d4: {  	_ =	swait.ge [sflag:s9], $0x4000  }
0x1d5: {  	[sflag:s9] =	ssyncset.done $0x0  }
0x1d6: {  	[sflag:s9] =	ssyncadd.s32 $0xFFFFC000  }
0x1d7: {  	[tilespmem:s10], [sflag:$0x1] =	stream.indirect.gather [hbm4b:s1+s11], $0x80, s8, s11, $0xb8;
	[tilespmem:$0x1BC80] =	vst v63  }
0x1d8: {  	_ =	swait.ge [sflag:s19], $0x4000  }
0x1d9: {  	[sflag:s19] =	ssyncset.done $0x0  }
0x1da: {  	[sflag:s19] =	ssyncadd.s32 $0xFFFFC000  }
0x1db: {  	[spmem:s2] =	stream.indirect.scatter.add.f32 [tilespmem:s10], [sflag:$0x2], $0x80, s12, s11, $0xb8;
	[tilespmem:$0x1BC80] =	vst v63  }
0x1dc: {  	_ =	swait.ge [sflag:s9], $0x4000  }
0x1dd: {  	[sflag:s9] =	ssyncset.done $0x0  }
0x1de: {  	[sflag:s9] =	ssyncadd.s32 $0xFFFFC000  }
0x1df: {  	[tilespmem:s10], [sflag:$0x1] =	stream.indirect.gather [hbm4b:s6+s11], $0x80, s13, s11, $0xb8;
	[tilespmem:$0x1BC80] =	vst v63  }
0x1e0: {  	_ =	swait.ge [sflag:s19], $0x4000  }
0x1e1: {  	[sflag:s19] =	ssyncset.done $0x0  }
0x1e2: {  	[sflag:s19] =	ssyncadd.s32 $0xFFFFC000  }
0x1e3: {  	[spmem:s3] =	stream.indirect.scatter.add.f32 [tilespmem:s10], [sflag:$0x2], $0x80, s14, s11, $0xb8;
	[tilespmem:$0x1BC80] =	vst v63  }
0x1e4: {  	_ =	swait.ge [sflag:s9], $0x4000  }
0x1e5: {  	[sflag:s9] =	ssyncset.done $0x0  }
0x1e6: {  	[sflag:s9] =	ssyncadd.s32 $0xFFFFC000  }
0x1e7: {  	[tilespmem:s10], [sflag:$0x1] =	stream.indirect.gather [hbm4b:s1+s11], $0x80, s15, s11, $0xb8;
	[tilespmem:$0x1BC80] =	vst v63  }
0x1e8: {  	_ =	swait.ge [sflag:s19], $0x4000  }
0x1e9: {  	[sflag:s19] =	ssyncset.done $0x0  }
0x1ea: {  	s30 =	simm.s32 $0x680;
	[sflag:s19] =	ssyncadd.s32 $0xFFFFC000  }
0x1eb: {  	[spmem:s2] =	stream.indirect.scatter.add.f32 [tilespmem:s10], [sflag:$0x2], $0x80, s30, s11, $0xb8;
	[tilespmem:$0x1BC80] =	vst v63  }
0x1ec: {  	_ =	swait.ge [sflag:s9], $0x4000  }
0x1ed: {  	[sflag:s9] =	ssyncset.done $0x0  }
0x1ee: {  	s31 =	simm.s32 $0xE80;
	[sflag:s9] =	ssyncadd.s32 $0xFFFFC000  }
0x1ef: {  	[tilespmem:s10], [sflag:$0x1] =	stream.indirect.gather [hbm4b:s6+s11], $0x80, s31, s11, $0xb8;
	[tilespmem:$0x1BC80] =	vst v63  }
0x1f0: {  	_ =	swait.ge [sflag:s19], $0x4000  }
0x1f1: {  	[sflag:s19] =	ssyncset.done $0x0  }
0x1f2: {  	s30 =	simm.s32 $0xA80;
	[sflag:s19] =	ssyncadd.s32 $0xFFFFC000  }
0x1f3: {  	[spmem:s3] =	stream.indirect.scatter.add.f32 [tilespmem:s10], [sflag:$0x2], $0x80, s30, s11, $0xb8;
	[tilespmem:$0x1BC80] =	vst v63  }
0x1f4: {  	_ =	swait.ge [sflag:s9], $0x4000  }
0x1f5: {  	[sflag:s9] =	ssyncset.done $0x0  }
0x1f6: {  	s30 =	simm.s32 $0x300;
	[sflag:s9] =	ssyncadd.s32 $0xFFFFC000  }
0x1f7: {  	[tilespmem:s10], [sflag:$0x1] =	stream.indirect.gather [hbm4b:s1+s11], $0x80, s30, s11, $0xb8;
	[tilespmem:$0x1BC80] =	vst v63  }
0x1f8: {  	_ =	swait.ge [sflag:s19], $0x4000  }
0x1f9: {  	[sflag:s19] =	ssyncset.done $0x0  }
0x1fa: {  	s30 =	simm.s32 $0x700;
	[sflag:s19] =	ssyncadd.s32 $0xFFFFC000  }
0x1fb: {  	[spmem:s2] =	stream.indirect.scatter.add.f32 [tilespmem:s10], [sflag:$0x2], $0x80, s30, s11, $0xb8;
	[tilespmem:$0x1BC80] =	vst v63  }
0x1fc: {  	_ =	swait.ge [sflag:s9], $0x4000  }
0x1fd: {  	[sflag:s9] =	ssyncset.done $0x0  }
0x1fe: {  	s30 =	simm.s32 $0xF00;
	[sflag:s9] =	ssyncadd.s32 $0xFFFFC000  }
0x1ff: {  	[tilespmem:s10], [sflag:$0x1] =	stream.indirect.gather [hbm4b:s6+s11], $0x80, s30, s11, $0xb8;
	[tilespmem:$0x1BC80] =	vst v63  }
0x200: {  	_ =	swait.ge [sflag:s19], $0x4000  }
0x201: {  	[sflag:s19] =	ssyncset.done $0x0  }
0x202: {  	s30 =	simm.s32 $0xB00;
	[sflag:s19] =	ssyncadd.s32 $0xFFFFC000  }
0x203: {  	[spmem:s3] =	stream.indirect.scatter.add.f32 [tilespmem:s10], [sflag:$0x2], $0x80, s30, s11, $0xb8;
	[tilespmem:$0x1BC80] =	vst v63  }
0x204: {  	_ =	swait.ge [sflag:s9], $0x4000  }
0x205: {  	[sflag:s9] =	ssyncset.done $0x0  }
0x206: {  	s30 =	simm.s32 $0x380;
	[sflag:s9] =	ssyncadd.s32 $0xFFFFC000  }
0x207: {  	[tilespmem:s10], [sflag:$0x1] =	stream.indirect.gather [hbm4b:s1+s11], $0x80, s30, s11, $0xb8;
	[tilespmem:$0x1BC80] =	vst v63  }
0x208: {  	_ =	swait.ge [sflag:s19], $0x4000  }
0x209: {  	[sflag:s19] =	ssyncset.done $0x0  }
0x20a: {  	s30 =	simm.s32 $0x780;
	[sflag:s19] =	ssyncadd.s32 $0xFFFFC000  }
0x20b: {  	[spmem:s2] =	stream.indirect.scatter.add.f32 [tilespmem:s10], [sflag:$0x2], $0x80, s30, s11, $0xb8;
	[tilespmem:$0x1BC80] =	vst v63  }
0x20c: {  	_ =	swait.ge [sflag:s9], $0x4000  }
0x20d: {  	[sflag:s9] =	ssyncset.done $0x0  }
0x20e: {  	s20 =	simm.s32 $0xF80;
	[sflag:s9] =	ssyncadd.s32 $0xFFFFC000  }
0x20f: {  	[tilespmem:s10], [sflag:$0x1] =	stream.indirect.gather [hbm4b:s6+s11], $0x80, s20, s11, $0xb8;
	[tilespmem:$0x1BC80] =	vst v63  }
0x210: {  	_ =	swait.ge [sflag:s19], $0x4000  }
0x211: {  	[sflag:s19] =	ssyncset.done $0x0  }
0x212: {  	s21 =	simm.s32 $0xB80;
	[sflag:s19] =	ssyncadd.s32 $0xFFFFC000  }
0x213: {  	[spmem:s3] =	stream.indirect.scatter.add.f32 [tilespmem:s10], [sflag:$0x2], $0x80, s21, s11, $0xb8;
	[tilespmem:$0x1BC80] =	vst v63  }
0x214: {  	_ =	swait.ge [sflag:s9], $0x4000  }
0x215: {  	[sflag:s9] =	ssyncset.done $0x0  }
0x216: {  	s30 =	rddreg [dreg:$0x15];
	[sflag:s9] =	ssyncadd.s32 $0xFFFFC000  }
0x217: {  	[tilespmem:s4], [sflag:$0x2] =	stream.linear.gather [hbm4b:s30+s4], $0x400, $0x38;
	[tilespmem:$0x1BC80] =	vst v63  }
0x218: {  	_ =	swait.ge [sflag:s9], $0x400  }
0x219: {  	[sflag:s9] =	ssyncset.done $0x0  }
0x21a: {  	s30 =	rddreg [dreg:$0x16];
	[sflag:s9] =	ssyncadd.s32 $0xFFFFFC00  }
0x21b: {  	[tilespmem:s16], [sflag:$0x2] =	stream.linear.gather [hbm4b:s30+s4], $0x400, $0x38;
	[tilespmem:$0x1BC80] =	vst v63  }
0x21c: {  	_ =	swait.ge [sflag:s9], $0x400  }
0x21d: {  	[sflag:s9] =	ssyncset.done $0x0  }
0x21e: {  	s30 =	rddreg [dreg:$0x17];
	[sflag:s9] =	ssyncadd.s32 $0xFFFFFC00  }
0x21f: {  	[tilespmem:s17], [sflag:$0x2] =	stream.linear.gather [hbm4b:s30+s4], $0x400, $0x38;
	[tilespmem:$0x1BC80] =	vst v63  }
0x220: {  	_ =	swait.ge [sflag:s9], $0x400  }
0x221: {  	[sflag:s9] =	ssyncset.done $0x0  }
0x222: {  	s30 =	rddreg [dreg:$0x18];
	[sflag:s9] =	ssyncadd.s32 $0xFFFFFC00  }
0x223: {  	[tilespmem:s18], [sflag:$0x2] =	stream.linear.gather [hbm4b:s30+s4], $0x400, $0x38;
	[tilespmem:$0x1BC80] =	vst v63  }
0x224: {  	_ =	swait.ge [sflag:s9], $0x400  }
0x225: {  	[sflag:s9] =	ssyncset.done $0x0  }
0x226: {  	[sflag:s9] =	ssyncadd.s32 $0xFFFFFC00  }
0x227: {  	[tilespmem:s10], [sflag:$0x1] =	stream.indirect.gather [hbm4b:s1+s11], $0x80, s4, s11, $0xb8;
	[tilespmem:$0x1BC80] =	vst v63  }
0x228: {  	_ =	swait.ge [sflag:s19], $0x4000  }
0x229: {  	[sflag:s19] =	ssyncset.done $0x0  }
0x22a: {  	[sflag:s19] =	ssyncadd.s32 $0xFFFFC000  }
0x22b: {  	[spmem:s2] =	stream.indirect.scatter.add.f32 [tilespmem:s10], [sflag:$0x2], $0x80, s16, s11, $0xb8;
	[tilespmem:$0x1BC80] =	vst v63  }
0x22c: {  	_ =	swait.ge [sflag:s9], $0x4000  }
0x22d: {  	[sflag:s9] =	ssyncset.done $0x0  }
0x22e: {  	[sflag:s9] =	ssyncadd.s32 $0xFFFFC000  }
0x22f: {  	[tilespmem:s10], [sflag:$0x1] =	stream.indirect.gather [hbm4b:s6+s11], $0x80, s18, s11, $0xb8;
	[tilespmem:$0x1BC80] =	vst v63  }
0x230: {  	_ =	swait.ge [sflag:s19], $0x4000  }
0x231: {  	[sflag:s19] =	ssyncset.done $0x0  }
0x232: {  	[sflag:s19] =	ssyncadd.s32 $0xFFFFC000  }
0x233: {  	[spmem:s3] =	stream.indirect.scatter.add.f32 [tilespmem:s10], [sflag:$0x2], $0x80, s17, s11, $0xb8;
	[tilespmem:$0x1BC80] =	vst v63  }
0x234: {  	_ =	swait.ge [sflag:s9], $0x4000  }
0x235: {  	[sflag:s9] =	ssyncset.done $0x0  }
0x236: {  	[sflag:s9] =	ssyncadd.s32 $0xFFFFC000  }
0x237: {  	[tilespmem:s10], [sflag:$0x1] =	stream.indirect.gather [hbm4b:s1+s11], $0x80, s11, s11, $0xb8;
	[tilespmem:$0x1BC80] =	vst v63  }
0x238: {  	_ =	swait.ge [sflag:s19], $0x4000  }
0x239: {  	[sflag:s19] =	ssyncset.done $0x0  }
0x23a: {  	s22 =	simm.s32 $0x480;
	[sflag:s19] =	ssyncadd.s32 $0xFFFFC000  }
0x23b: {  	[spmem:s2] =	stream.indirect.scatter.add.f32 [tilespmem:s10], [sflag:$0x2], $0x80, s22, s11, $0xb8;
	[tilespmem:$0x1BC80] =	vst v63  }
0x23c: {  	_ =	swait.ge [sflag:s9], $0x4000  }
0x23d: {  	[sflag:s9] =	ssyncset.done $0x0  }
0x23e: {  	s23 =	simm.s32 $0xC80;
	[sflag:s9] =	ssyncadd.s32 $0xFFFFC000  }
0x23f: {  	[tilespmem:s10], [sflag:$0x1] =	stream.indirect.gather [hbm4b:s6+s11], $0x80, s23, s11, $0xb8;
	[tilespmem:$0x1BC80] =	vst v63  }
0x240: {  	_ =	swait.ge [sflag:s19], $0x4000  }
0x241: {  	[sflag:s19] =	ssyncset.done $0x0  }
0x242: {  	s24 =	simm.s32 $0x880;
	[sflag:s19] =	ssyncadd.s32 $0xFFFFC000  }
0x243: {  	[spmem:s3] =	stream.indirect.scatter.add.f32 [tilespmem:s10], [sflag:$0x2], $0x80, s24, s11, $0xb8;
	[tilespmem:$0x1BC80] =	vst v63  }
0x244: {  	_ =	swait.ge [sflag:s9], $0x4000  }
0x245: {  	[sflag:s9] =	ssyncset.done $0x0  }
0x246: {  	s30 =	simm.s32 $0x100;
	[sflag:s9] =	ssyncadd.s32 $0xFFFFC000  }
0x247: {  	[tilespmem:s10], [sflag:$0x1] =	stream.indirect.gather [hbm4b:s1+s11], $0x80, s30, s11, $0xb8;
	[tilespmem:$0x1BC80] =	vst v63  }
0x248: {  	_ =	swait.ge [sflag:s19], $0x4000  }
0x249: {  	[sflag:s19] =	ssyncset.done $0x0  }
0x24a: {  	s26 =	simm.s32 $0x500;
	[sflag:s19] =	ssyncadd.s32 $0xFFFFC000  }
0x24b: {  	[spmem:s2] =	stream.indirect.scatter.add.f32 [tilespmem:s10], [sflag:$0x2], $0x80, s26, s11, $0xb8;
	[tilespmem:$0x1BC80] =	vst v63  }
0x24c: {  	_ =	swait.ge [sflag:s9], $0x4000  }
0x24d: {  	[sflag:s9] =	ssyncset.done $0x0  }
0x24e: {  	s28 =	simm.s32 $0xD00;
	[sflag:s9] =	ssyncadd.s32 $0xFFFFC000  }
0x24f: {  	[tilespmem:s10], [sflag:$0x1] =	stream.indirect.gather [hbm4b:s6+s11], $0x80, s28, s11, $0xb8;
	[tilespmem:$0x1BC80] =	vst v63  }
0x250: {  	_ =	swait.ge [sflag:s19], $0x4000  }
0x251: {  	[sflag:s19] =	ssyncset.done $0x0  }
0x252: {  	s25 =	simm.s32 $0x900;
	[sflag:s19] =	ssyncadd.s32 $0xFFFFC000  }
0x253: {  	[spmem:s3] =	stream.indirect.scatter.add.f32 [tilespmem:s10], [sflag:$0x2], $0x80, s25, s11, $0xb8;
	[tilespmem:$0x1BC80] =	vst v63  }
0x254: {  	_ =	swait.ge [sflag:s9], $0x4000  }
0x255: {  	[sflag:s9] =	ssyncset.done $0x0  }
0x256: {  	s29 =	simm.s32 $0x180;
	[sflag:s9] =	ssyncadd.s32 $0xFFFFC000  }
0x257: {  	[tilespmem:s10], [sflag:$0x1] =	stream.indirect.gather [hbm4b:s1+s11], $0x80, s29, s11, $0xb8;
	[tilespmem:$0x1BC80] =	vst v63  }
0x258: {  	_ =	swait.ge [sflag:s19], $0x4000  }
0x259: {  	[sflag:s19] =	ssyncset.done $0x0  }
0x25a: {  	s0 =	simm.s32 $0x580;
	[sflag:s19] =	ssyncadd.s32 $0xFFFFC000  }
0x25b: {  	[spmem:s2] =	stream.indirect.scatter.add.f32 [tilespmem:s10], [sflag:$0x2], $0x80, s0, s11, $0xb8;
	[tilespmem:$0x1BC80] =	vst v63  }
0x25c: {  	_ =	swait.ge [sflag:s9], $0x4000  }
0x25d: {  	[sflag:s9] =	ssyncset.done $0x0  }
0x25e: {  	s5 =	simm.s32 $0xD80;
	[sflag:s9] =	ssyncadd.s32 $0xFFFFC000  }
0x25f: {  	[tilespmem:s10], [sflag:$0x1] =	stream.indirect.gather [hbm4b:s6+s11], $0x80, s5, s11, $0xb8;
	[tilespmem:$0x1BC80] =	vst v63  }
0x260: {  	_ =	swait.ge [sflag:s19], $0x4000  }
0x261: {  	[sflag:s19] =	ssyncset.done $0x0  }
0x262: {  	s7 =	simm.s32 $0x980;
	[sflag:s19] =	ssyncadd.s32 $0xFFFFC000  }
0x263: {  	[spmem:s3] =	stream.indirect.scatter.add.f32 [tilespmem:s10], [sflag:$0x2], $0x80, s7, s11, $0xb8;
	[tilespmem:$0x1BC80] =	vst v63  }
0x264: {  	_ =	swait.ge [sflag:s9], $0x4000  }
0x265: {  	[sflag:s9] =	ssyncset.done $0x0  }
0x266: {  	s8 =	simm.s32 $0x200;
	[sflag:s9] =	ssyncadd.s32 $0xFFFFC000  }
0x267: {  	[tilespmem:s10], [sflag:$0x1] =	stream.indirect.gather [hbm4b:s1+s11], $0x80, s8, s11, $0xb8;
	[tilespmem:$0x1BC80] =	vst v63  }
0x268: {  	_ =	swait.ge [sflag:s19], $0x4000  }
0x269: {  	[sflag:s19] =	ssyncset.done $0x0  }
0x26a: {  	s12 =	simm.s32 $0x600;
	[sflag:s19] =	ssyncadd.s32 $0xFFFFC000  }
0x26b: {  	[spmem:s2] =	stream.indirect.scatter.add.f32 [tilespmem:s10], [sflag:$0x2], $0x80, s12, s11, $0xb8;
	[tilespmem:$0x1BC80] =	vst v63  }
0x26c: {  	_ =	swait.ge [sflag:s9], $0x4000  }
0x26d: {  	[sflag:s9] =	ssyncset.done $0x0  }
0x26e: {  	s13 =	simm.s32 $0xE00;
	[sflag:s9] =	ssyncadd.s32 $0xFFFFC000  }
0x26f: {  	[tilespmem:s10], [sflag:$0x1] =	stream.indirect.gather [hbm4b:s6+s11], $0x80, s13, s11, $0xb8;
	[tilespmem:$0x1BC80] =	vst v63  }
0x270: {  	_ =	swait.ge [sflag:s19], $0x4000  }
0x271: {  	[sflag:s19] =	ssyncset.done $0x0  }
0x272: {  	s14 =	simm.s32 $0xA00;
	[sflag:s19] =	ssyncadd.s32 $0xFFFFC000  }
0x273: {  	[spmem:s3] =	stream.indirect.scatter.add.f32 [tilespmem:s10], [sflag:$0x2], $0x80, s14, s11, $0xb8;
	[tilespmem:$0x1BC80] =	vst v63  }
0x274: {  	_ =	swait.ge [sflag:s9], $0x4000  }
0x275: {  	[sflag:s9] =	ssyncset.done $0x0  }
0x276: {  	s15 =	simm.s32 $0x280;
	[sflag:s9] =	ssyncadd.s32 $0xFFFFC000  }
0x277: {  	[tilespmem:s10], [sflag:$0x1] =	stream.indirect.gather [hbm4b:s1+s11], $0x80, s15, s11, $0xb8;
	[tilespmem:$0x1BC80] =	vst v63  }
0x278: {  	_ =	swait.ge [sflag:s19], $0x4000  }
0x279: {  	[sflag:s19] =	ssyncset.done $0x0  }
0x27a: {  	s30 =	simm.s32 $0x680;
	[sflag:s19] =	ssyncadd.s32 $0xFFFFC000  }
0x27b: {  	[spmem:s2] =	stream.indirect.scatter.add.f32 [tilespmem:s10], [sflag:$0x2], $0x80, s30, s11, $0xb8;
	[tilespmem:$0x1BC80] =	vst v63  }
0x27c: {  	_ =	swait.ge [sflag:s9], $0x4000  }
0x27d: {  	[sflag:s9] =	ssyncset.done $0x0  }
0x27e: {  	s31 =	simm.s32 $0xE80;
	[sflag:s9] =	ssyncadd.s32 $0xFFFFC000  }
0x27f: {  	[tilespmem:s10], [sflag:$0x1] =	stream.indirect.gather [hbm4b:s6+s11], $0x80, s31, s11, $0xb8;
	[tilespmem:$0x1BC80] =	vst v63  }
0x280: {  	_ =	swait.ge [sflag:s19], $0x4000  }
0x281: {  	[sflag:s19] =	ssyncset.done $0x0  }
0x282: {  	s30 =	simm.s32 $0xA80;
	[sflag:s19] =	ssyncadd.s32 $0xFFFFC000  }
0x283: {  	[spmem:s3] =	stream.indirect.scatter.add.f32 [tilespmem:s10], [sflag:$0x2], $0x80, s30, s11, $0xb8;
	[tilespmem:$0x1BC80] =	vst v63  }
0x284: {  	_ =	swait.ge [sflag:s9], $0x4000  }
0x285: {  	[sflag:s9] =	ssyncset.done $0x0  }
0x286: {  	s30 =	simm.s32 $0x300;
	[sflag:s9] =	ssyncadd.s32 $0xFFFFC000  }
0x287: {  	[tilespmem:s10], [sflag:$0x1] =	stream.indirect.gather [hbm4b:s1+s11], $0x80, s30, s11, $0xb8;
	[tilespmem:$0x1BC80] =	vst v63  }
0x288: {  	_ =	swait.ge [sflag:s19], $0x4000  }
0x289: {  	[sflag:s19] =	ssyncset.done $0x0  }
0x28a: {  	s30 =	simm.s32 $0x700;
	[sflag:s19] =	ssyncadd.s32 $0xFFFFC000  }
0x28b: {  	[spmem:s2] =	stream.indirect.scatter.add.f32 [tilespmem:s10], [sflag:$0x2], $0x80, s30, s11, $0xb8;
	[tilespmem:$0x1BC80] =	vst v63  }
0x28c: {  	_ =	swait.ge [sflag:s9], $0x4000  }
0x28d: {  	[sflag:s9] =	ssyncset.done $0x0  }
0x28e: {  	s30 =	simm.s32 $0xF00;
	[sflag:s9] =	ssyncadd.s32 $0xFFFFC000  }
0x28f: {  	[tilespmem:s10], [sflag:$0x1] =	stream.indirect.gather [hbm4b:s6+s11], $0x80, s30, s11, $0xb8;
	[tilespmem:$0x1BC80] =	vst v63  }
0x290: {  	_ =	swait.ge [sflag:s19], $0x4000  }
0x291: {  	[sflag:s19] =	ssyncset.done $0x0  }
0x292: {  	s30 =	simm.s32 $0xB00;
	[sflag:s19] =	ssyncadd.s32 $0xFFFFC000  }
0x293: {  	[spmem:s3] =	stream.indirect.scatter.add.f32 [tilespmem:s10], [sflag:$0x2], $0x80, s30, s11, $0xb8;
	[tilespmem:$0x1BC80] =	vst v63  }
0x294: {  	_ =	swait.ge [sflag:s9], $0x4000  }
0x295: {  	[sflag:s9] =	ssyncset.done $0x0  }
0x296: {  	s30 =	simm.s32 $0x380;
	[sflag:s9] =	ssyncadd.s32 $0xFFFFC000  }
0x297: {  	[tilespmem:s10], [sflag:$0x1] =	stream.indirect.gather [hbm4b:s1+s11], $0x80, s30, s11, $0xb8;
	[tilespmem:$0x1BC80] =	vst v63  }
0x298: {  	_ =	swait.ge [sflag:s19], $0x4000  }
0x299: {  	[sflag:s19] =	ssyncset.done $0x0  }
0x29a: {  	s30 =	simm.s32 $0x780;
	[sflag:s19] =	ssyncadd.s32 $0xFFFFC000  }
0x29b: {  	[spmem:s2] =	stream.indirect.scatter.add.f32 [tilespmem:s10], [sflag:$0x2], $0x80, s30, s11, $0xb8;
	[tilespmem:$0x1BC80] =	vst v63  }
0x29c: {  	_ =	swait.ge [sflag:s9], $0x4000  }
0x29d: {  	[sflag:s9] =	ssyncset.done $0x0  }
0x29e: {  	s20 =	simm.s32 $0xF80;
	[sflag:s9] =	ssyncadd.s32 $0xFFFFC000  }
0x29f: {  	[tilespmem:s10], [sflag:$0x1] =	stream.indirect.gather [hbm4b:s6+s11], $0x80, s20, s11, $0xb8;
	[tilespmem:$0x1BC80] =	vst v63  }
0x2a0: {  	_ =	swait.ge [sflag:s19], $0x4000  }
0x2a1: {  	[sflag:s19] =	ssyncset.done $0x0  }
0x2a2: {  	s21 =	simm.s32 $0xB80;
	[sflag:s19] =	ssyncadd.s32 $0xFFFFC000  }
0x2a3: {  	[spmem:s3] =	stream.indirect.scatter.add.f32 [tilespmem:s10], [sflag:$0x2], $0x80, s21, s11, $0xb8;
	[tilespmem:$0x1BC80] =	vst v63  }
0x2a4: {  	_ =	swait.ge [sflag:s9], $0x4000  }
0x2a5: {  	[sflag:s9] =	ssyncset.done $0x0  }
0x2a6: {  	s30 =	rddreg [dreg:$0x19];
	[sflag:s9] =	ssyncadd.s32 $0xFFFFC000  }
0x2a7: {  	[tilespmem:s4], [sflag:$0x2] =	stream.linear.gather [hbm4b:s30+s4], $0x400, $0x38;
	[tilespmem:$0x1BC80] =	vst v63  }
0x2a8: {  	_ =	swait.ge [sflag:s9], $0x400  }
0x2a9: {  	[sflag:s9] =	ssyncset.done $0x0  }
0x2aa: {  	s30 =	rddreg [dreg:$0x1a];
	[sflag:s9] =	ssyncadd.s32 $0xFFFFFC00  }
0x2ab: {  	[tilespmem:s16], [sflag:$0x2] =	stream.linear.gather [hbm4b:s30+s4], $0x400, $0x38;
	[tilespmem:$0x1BC80] =	vst v63  }
0x2ac: {  	_ =	swait.ge [sflag:s9], $0x400  }
0x2ad: {  	[sflag:s9] =	ssyncset.done $0x0  }
0x2ae: {  	s30 =	rddreg [dreg:$0x1b];
	[sflag:s9] =	ssyncadd.s32 $0xFFFFFC00  }
0x2af: {  	[tilespmem:s17], [sflag:$0x2] =	stream.linear.gather [hbm4b:s30+s4], $0x400, $0x38;
	[tilespmem:$0x1BC80] =	vst v63  }
0x2b0: {  	_ =	swait.ge [sflag:s9], $0x400  }
0x2b1: {  	[sflag:s9] =	ssyncset.done $0x0  }
0x2b2: {  	s30 =	rddreg [dreg:$0x1c];
	[sflag:s9] =	ssyncadd.s32 $0xFFFFFC00  }
0x2b3: {  	[tilespmem:s18], [sflag:$0x2] =	stream.linear.gather [hbm4b:s30+s4], $0x400, $0x38;
	[tilespmem:$0x1BC80] =	vst v63  }
0x2b4: {  	_ =	swait.ge [sflag:s9], $0x400  }
0x2b5: {  	[sflag:s9] =	ssyncset.done $0x0  }
0x2b6: {  	[sflag:s9] =	ssyncadd.s32 $0xFFFFFC00  }
0x2b7: {  	[tilespmem:s10], [sflag:$0x1] =	stream.indirect.gather [hbm4b:s1+s11], $0x80, s4, s11, $0xb8;
	[tilespmem:$0x1BC80] =	vst v63  }
0x2b8: {  	_ =	swait.ge [sflag:s19], $0x4000  }
0x2b9: {  	[sflag:s19] =	ssyncset.done $0x0  }
0x2ba: {  	[sflag:s19] =	ssyncadd.s32 $0xFFFFC000  }
0x2bb: {  	[spmem:s2] =	stream.indirect.scatter.add.f32 [tilespmem:s10], [sflag:$0x2], $0x80, s16, s11, $0xb8;
	[tilespmem:$0x1BC80] =	vst v63  }
0x2bc: {  	_ =	swait.ge [sflag:s9], $0x4000  }
0x2bd: {  	[sflag:s9] =	ssyncset.done $0x0  }
0x2be: {  	[sflag:s9] =	ssyncadd.s32 $0xFFFFC000  }
0x2bf: {  	[tilespmem:s10], [sflag:$0x1] =	stream.indirect.gather [hbm4b:s6+s11], $0x80, s18, s11, $0xb8;
	[tilespmem:$0x1BC80] =	vst v63  }
0x2c0: {  	_ =	swait.ge [sflag:s19], $0x4000  }
0x2c1: {  	[sflag:s19] =	ssyncset.done $0x0  }
0x2c2: {  	[sflag:s19] =	ssyncadd.s32 $0xFFFFC000  }
0x2c3: {  	[spmem:s3] =	stream.indirect.scatter.add.f32 [tilespmem:s10], [sflag:$0x2], $0x80, s17, s11, $0xb8;
	[tilespmem:$0x1BC80] =	vst v63  }
0x2c4: {  	_ =	swait.ge [sflag:s9], $0x4000  }
0x2c5: {  	[sflag:s9] =	ssyncset.done $0x0  }
0x2c6: {  	[sflag:s9] =	ssyncadd.s32 $0xFFFFC000  }
0x2c7: {  	[tilespmem:s10], [sflag:$0x1] =	stream.indirect.gather [hbm4b:s1+s11], $0x80, s11, s11, $0xb8;
	[tilespmem:$0x1BC80] =	vst v63  }
0x2c8: {  	_ =	swait.ge [sflag:s19], $0x4000  }
0x2c9: {  	[sflag:s19] =	ssyncset.done $0x0  }
0x2ca: {  	s22 =	simm.s32 $0x480;
	[sflag:s19] =	ssyncadd.s32 $0xFFFFC000  }
0x2cb: {  	[spmem:s2] =	stream.indirect.scatter.add.f32 [tilespmem:s10], [sflag:$0x2], $0x80, s22, s11, $0xb8;
	[tilespmem:$0x1BC80] =	vst v63  }
0x2cc: {  	_ =	swait.ge [sflag:s9], $0x4000  }
0x2cd: {  	[sflag:s9] =	ssyncset.done $0x0  }
0x2ce: {  	s23 =	simm.s32 $0xC80;
	[sflag:s9] =	ssyncadd.s32 $0xFFFFC000  }
0x2cf: {  	[tilespmem:s10], [sflag:$0x1] =	stream.indirect.gather [hbm4b:s6+s11], $0x80, s23, s11, $0xb8;
	[tilespmem:$0x1BC80] =	vst v63  }
0x2d0: {  	_ =	swait.ge [sflag:s19], $0x4000  }
0x2d1: {  	[sflag:s19] =	ssyncset.done $0x0  }
0x2d2: {  	s24 =	simm.s32 $0x880;
	[sflag:s19] =	ssyncadd.s32 $0xFFFFC000  }
0x2d3: {  	[spmem:s3] =	stream.indirect.scatter.add.f32 [tilespmem:s10], [sflag:$0x2], $0x80, s24, s11, $0xb8;
	[tilespmem:$0x1BC80] =	vst v63  }
0x2d4: {  	_ =	swait.ge [sflag:s9], $0x4000  }
0x2d5: {  	[sflag:s9] =	ssyncset.done $0x0  }
0x2d6: {  	s30 =	simm.s32 $0x100;
	[sflag:s9] =	ssyncadd.s32 $0xFFFFC000  }
0x2d7: {  	[tilespmem:s10], [sflag:$0x1] =	stream.indirect.gather [hbm4b:s1+s11], $0x80, s30, s11, $0xb8;
	[tilespmem:$0x1BC80] =	vst v63  }
0x2d8: {  	_ =	swait.ge [sflag:s19], $0x4000  }
0x2d9: {  	[sflag:s19] =	ssyncset.done $0x0  }
0x2da: {  	s26 =	simm.s32 $0x500;
	[sflag:s19] =	ssyncadd.s32 $0xFFFFC000  }
0x2db: {  	[spmem:s2] =	stream.indirect.scatter.add.f32 [tilespmem:s10], [sflag:$0x2], $0x80, s26, s11, $0xb8;
	[tilespmem:$0x1BC80] =	vst v63  }
0x2dc: {  	_ =	swait.ge [sflag:s9], $0x4000  }
0x2dd: {  	[sflag:s9] =	ssyncset.done $0x0  }
0x2de: {  	s28 =	simm.s32 $0xD00;
	[sflag:s9] =	ssyncadd.s32 $0xFFFFC000  }
0x2df: {  	[tilespmem:s10], [sflag:$0x1] =	stream.indirect.gather [hbm4b:s6+s11], $0x80, s28, s11, $0xb8;
	[tilespmem:$0x1BC80] =	vst v63  }
0x2e0: {  	_ =	swait.ge [sflag:s19], $0x4000  }
0x2e1: {  	[sflag:s19] =	ssyncset.done $0x0  }
0x2e2: {  	s25 =	simm.s32 $0x900;
	[sflag:s19] =	ssyncadd.s32 $0xFFFFC000  }
0x2e3: {  	[spmem:s3] =	stream.indirect.scatter.add.f32 [tilespmem:s10], [sflag:$0x2], $0x80, s25, s11, $0xb8;
	[tilespmem:$0x1BC80] =	vst v63  }
0x2e4: {  	_ =	swait.ge [sflag:s9], $0x4000  }
0x2e5: {  	[sflag:s9] =	ssyncset.done $0x0  }
0x2e6: {  	s29 =	simm.s32 $0x180;
	[sflag:s9] =	ssyncadd.s32 $0xFFFFC000  }
0x2e7: {  	[tilespmem:s10], [sflag:$0x1] =	stream.indirect.gather [hbm4b:s1+s11], $0x80, s29, s11, $0xb8;
	[tilespmem:$0x1BC80] =	vst v63  }
0x2e8: {  	_ =	swait.ge [sflag:s19], $0x4000  }
0x2e9: {  	[sflag:s19] =	ssyncset.done $0x0  }
0x2ea: {  	s0 =	simm.s32 $0x580;
	[sflag:s19] =	ssyncadd.s32 $0xFFFFC000  }
0x2eb: {  	[spmem:s2] =	stream.indirect.scatter.add.f32 [tilespmem:s10], [sflag:$0x2], $0x80, s0, s11, $0xb8;
	[tilespmem:$0x1BC80] =	vst v63  }
0x2ec: {  	_ =	swait.ge [sflag:s9], $0x4000  }
0x2ed: {  	[sflag:s9] =	ssyncset.done $0x0  }
0x2ee: {  	s5 =	simm.s32 $0xD80;
	[sflag:s9] =	ssyncadd.s32 $0xFFFFC000  }
0x2ef: {  	[tilespmem:s10], [sflag:$0x1] =	stream.indirect.gather [hbm4b:s6+s11], $0x80, s5, s11, $0xb8;
	[tilespmem:$0x1BC80] =	vst v63  }
0x2f0: {  	_ =	swait.ge [sflag:s19], $0x4000  }
0x2f1: {  	[sflag:s19] =	ssyncset.done $0x0  }
0x2f2: {  	s7 =	simm.s32 $0x980;
	[sflag:s19] =	ssyncadd.s32 $0xFFFFC000  }
0x2f3: {  	[spmem:s3] =	stream.indirect.scatter.add.f32 [tilespmem:s10], [sflag:$0x2], $0x80, s7, s11, $0xb8;
	[tilespmem:$0x1BC80] =	vst v63  }
0x2f4: {  	_ =	swait.ge [sflag:s9], $0x4000  }
0x2f5: {  	[sflag:s9] =	ssyncset.done $0x0  }
0x2f6: {  	s8 =	simm.s32 $0x200;
	[sflag:s9] =	ssyncadd.s32 $0xFFFFC000  }
0x2f7: {  	[tilespmem:s10], [sflag:$0x1] =	stream.indirect.gather [hbm4b:s1+s11], $0x80, s8, s11, $0xb8;
	[tilespmem:$0x1BC80] =	vst v63  }
0x2f8: {  	_ =	swait.ge [sflag:s19], $0x4000  }
0x2f9: {  	[sflag:s19] =	ssyncset.done $0x0  }
0x2fa: {  	s12 =	simm.s32 $0x600;
	[sflag:s19] =	ssyncadd.s32 $0xFFFFC000  }
0x2fb: {  	[spmem:s2] =	stream.indirect.scatter.add.f32 [tilespmem:s10], [sflag:$0x2], $0x80, s12, s11, $0xb8;
	[tilespmem:$0x1BC80] =	vst v63  }
0x2fc: {  	_ =	swait.ge [sflag:s9], $0x4000  }
0x2fd: {  	[sflag:s9] =	ssyncset.done $0x0  }
0x2fe: {  	s13 =	simm.s32 $0xE00;
	[sflag:s9] =	ssyncadd.s32 $0xFFFFC000  }
0x2ff: {  	[tilespmem:s10], [sflag:$0x1] =	stream.indirect.gather [hbm4b:s6+s11], $0x80, s13, s11, $0xb8;
	[tilespmem:$0x1BC80] =	vst v63  }
0x300: {  	_ =	swait.ge [sflag:s19], $0x4000  }
0x301: {  	[sflag:s19] =	ssyncset.done $0x0  }
0x302: {  	s14 =	simm.s32 $0xA00;
	[sflag:s19] =	ssyncadd.s32 $0xFFFFC000  }
0x303: {  	[spmem:s3] =	stream.indirect.scatter.add.f32 [tilespmem:s10], [sflag:$0x2], $0x80, s14, s11, $0xb8;
	[tilespmem:$0x1BC80] =	vst v63  }
0x304: {  	_ =	swait.ge [sflag:s9], $0x4000  }
0x305: {  	[sflag:s9] =	ssyncset.done $0x0  }
0x306: {  	s15 =	simm.s32 $0x280;
	[sflag:s9] =	ssyncadd.s32 $0xFFFFC000  }
0x307: {  	[tilespmem:s10], [sflag:$0x1] =	stream.indirect.gather [hbm4b:s1+s11], $0x80, s15, s11, $0xb8;
	[tilespmem:$0x1BC80] =	vst v63  }
0x308: {  	_ =	swait.ge [sflag:s19], $0x4000  }
0x309: {  	[sflag:s19] =	ssyncset.done $0x0  }
0x30a: {  	s30 =	simm.s32 $0x680;
	[sflag:s19] =	ssyncadd.s32 $0xFFFFC000  }
0x30b: {  	[spmem:s2] =	stream.indirect.scatter.add.f32 [tilespmem:s10], [sflag:$0x2], $0x80, s30, s11, $0xb8;
	[tilespmem:$0x1BC80] =	vst v63  }
0x30c: {  	_ =	swait.ge [sflag:s9], $0x4000  }
0x30d: {  	[sflag:s9] =	ssyncset.done $0x0  }
0x30e: {  	s31 =	simm.s32 $0xE80;
	[sflag:s9] =	ssyncadd.s32 $0xFFFFC000  }
0x30f: {  	[tilespmem:s10], [sflag:$0x1] =	stream.indirect.gather [hbm4b:s6+s11], $0x80, s31, s11, $0xb8;
	[tilespmem:$0x1BC80] =	vst v63  }
0x310: {  	_ =	swait.ge [sflag:s19], $0x4000  }
0x311: {  	[sflag:s19] =	ssyncset.done $0x0  }
0x312: {  	s30 =	simm.s32 $0xA80;
	[sflag:s19] =	ssyncadd.s32 $0xFFFFC000  }
0x313: {  	[spmem:s3] =	stream.indirect.scatter.add.f32 [tilespmem:s10], [sflag:$0x2], $0x80, s30, s11, $0xb8;
	[tilespmem:$0x1BC80] =	vst v63  }
0x314: {  	_ =	swait.ge [sflag:s9], $0x4000  }
0x315: {  	[sflag:s9] =	ssyncset.done $0x0  }
0x316: {  	s30 =	simm.s32 $0x300;
	[sflag:s9] =	ssyncadd.s32 $0xFFFFC000  }
0x317: {  	[tilespmem:s10], [sflag:$0x1] =	stream.indirect.gather [hbm4b:s1+s11], $0x80, s30, s11, $0xb8;
	[tilespmem:$0x1BC80] =	vst v63  }
0x318: {  	_ =	swait.ge [sflag:s19], $0x4000  }
0x319: {  	[sflag:s19] =	ssyncset.done $0x0  }
0x31a: {  	s30 =	simm.s32 $0x700;
	[sflag:s19] =	ssyncadd.s32 $0xFFFFC000  }
0x31b: {  	[spmem:s2] =	stream.indirect.scatter.add.f32 [tilespmem:s10], [sflag:$0x2], $0x80, s30, s11, $0xb8;
	[tilespmem:$0x1BC80] =	vst v63  }
0x31c: {  	_ =	swait.ge [sflag:s9], $0x4000  }
0x31d: {  	[sflag:s9] =	ssyncset.done $0x0  }
0x31e: {  	s30 =	simm.s32 $0xF00;
	[sflag:s9] =	ssyncadd.s32 $0xFFFFC000  }
0x31f: {  	[tilespmem:s10], [sflag:$0x1] =	stream.indirect.gather [hbm4b:s6+s11], $0x80, s30, s11, $0xb8;
	[tilespmem:$0x1BC80] =	vst v63  }
0x320: {  	_ =	swait.ge [sflag:s19], $0x4000  }
0x321: {  	[sflag:s19] =	ssyncset.done $0x0  }
0x322: {  	s30 =	simm.s32 $0xB00;
	[sflag:s19] =	ssyncadd.s32 $0xFFFFC000  }
0x323: {  	[spmem:s3] =	stream.indirect.scatter.add.f32 [tilespmem:s10], [sflag:$0x2], $0x80, s30, s11, $0xb8;
	[tilespmem:$0x1BC80] =	vst v63  }
0x324: {  	_ =	swait.ge [sflag:s9], $0x4000  }
0x325: {  	[sflag:s9] =	ssyncset.done $0x0  }
0x326: {  	s30 =	simm.s32 $0x380;
	[sflag:s9] =	ssyncadd.s32 $0xFFFFC000  }
0x327: {  	[tilespmem:s10], [sflag:$0x1] =	stream.indirect.gather [hbm4b:s1+s11], $0x80, s30, s11, $0xb8;
	[tilespmem:$0x1BC80] =	vst v63  }
0x328: {  	_ =	swait.ge [sflag:s19], $0x4000  }
0x329: {  	[sflag:s19] =	ssyncset.done $0x0  }
0x32a: {  	s30 =	simm.s32 $0x780;
	[sflag:s19] =	ssyncadd.s32 $0xFFFFC000  }
0x32b: {  	[spmem:s2] =	stream.indirect.scatter.add.f32 [tilespmem:s10], [sflag:$0x2], $0x80, s30, s11, $0xb8;
	[tilespmem:$0x1BC80] =	vst v63  }
0x32c: {  	_ =	swait.ge [sflag:s9], $0x4000  }
0x32d: {  	[sflag:s9] =	ssyncset.done $0x0  }
0x32e: {  	s20 =	simm.s32 $0xF80;
	[sflag:s9] =	ssyncadd.s32 $0xFFFFC000  }
0x32f: {  	[tilespmem:s10], [sflag:$0x1] =	stream.indirect.gather [hbm4b:s6+s11], $0x80, s20, s11, $0xb8;
	[tilespmem:$0x1BC80] =	vst v63  }
0x330: {  	_ =	swait.ge [sflag:s19], $0x4000  }
0x331: {  	[sflag:s19] =	ssyncset.done $0x0  }
0x332: {  	s21 =	simm.s32 $0xB80;
	[sflag:s19] =	ssyncadd.s32 $0xFFFFC000  }
0x333: {  	[spmem:s3] =	stream.indirect.scatter.add.f32 [tilespmem:s10], [sflag:$0x2], $0x80, s21, s11, $0xb8;
	[tilespmem:$0x1BC80] =	vst v63  }
0x334: {  	_ =	swait.ge [sflag:s9], $0x4000  }
0x335: {  	[sflag:s9] =	ssyncset.done $0x0  }
0x336: {  	s30 =	rddreg [dreg:$0x1d];
	[sflag:s9] =	ssyncadd.s32 $0xFFFFC000  }
0x337: {  	[tilespmem:s4], [sflag:$0x2] =	stream.linear.gather [hbm4b:s30+s4], $0x400, $0x38;
	[tilespmem:$0x1BC80] =	vst v63  }
0x338: {  	_ =	swait.ge [sflag:s9], $0x400  }
0x339: {  	[sflag:s9] =	ssyncset.done $0x0  }
0x33a: {  	s30 =	rddreg [dreg:$0x1e];
	[sflag:s9] =	ssyncadd.s32 $0xFFFFFC00  }
0x33b: {  	[tilespmem:s16], [sflag:$0x2] =	stream.linear.gather [hbm4b:s30+s4], $0x400, $0x38;
	[tilespmem:$0x1BC80] =	vst v63  }
0x33c: {  	_ =	swait.ge [sflag:s9], $0x400  }
0x33d: {  	[sflag:s9] =	ssyncset.done $0x0  }
0x33e: {  	s30 =	rddreg [dreg:$0x1f];
	[sflag:s9] =	ssyncadd.s32 $0xFFFFFC00  }
0x33f: {  	[tilespmem:s17], [sflag:$0x2] =	stream.linear.gather [hbm4b:s30+s4], $0x400, $0x38;
	[tilespmem:$0x1BC80] =	vst v63  }
0x340: {  	_ =	swait.ge [sflag:s9], $0x400  }
0x341: {  	s30 =	sld [smem:$0x7E6]  }
0x342: {  	[sflag:s9] =	ssyncset.done $0x0  }
0x343: {  	[sflag:s9] =	ssyncadd.s32 $0xFFFFFC00  }
0x344: {  	[tilespmem:s18], [sflag:$0x2] =	stream.linear.gather [hbm4b:s30+s4], $0x400, $0x38;
	[tilespmem:$0x1BC80] =	vst v63  }
0x345: {  	_ =	swait.ge [sflag:s9], $0x400  }
0x346: {  	[sflag:s9] =	ssyncset.done $0x0  }
0x347: {  	[sflag:s9] =	ssyncadd.s32 $0xFFFFFC00  }
0x348: {  	[tilespmem:s10], [sflag:$0x1] =	stream.indirect.gather [hbm4b:s1+s11], $0x80, s4, s11, $0xb8;
	[tilespmem:$0x1BC80] =	vst v63  }
0x349: {  	_ =	swait.ge [sflag:s19], $0x4000  }
0x34a: {  	[sflag:s19] =	ssyncset.done $0x0  }
0x34b: {  	[sflag:s19] =	ssyncadd.s32 $0xFFFFC000  }
0x34c: {  	[spmem:s2] =	stream.indirect.scatter.add.f32 [tilespmem:s10], [sflag:$0x2], $0x80, s16, s11, $0xb8;
	[tilespmem:$0x1BC80] =	vst v63  }
0x34d: {  	_ =	swait.ge [sflag:s9], $0x4000  }
0x34e: {  	[sflag:s9] =	ssyncset.done $0x0  }
0x34f: {  	[sflag:s9] =	ssyncadd.s32 $0xFFFFC000  }
0x350: {  	[tilespmem:s10], [sflag:$0x1] =	stream.indirect.gather [hbm4b:s6+s11], $0x80, s18, s11, $0xb8;
	[tilespmem:$0x1BC80] =	vst v63  }
0x351: {  	_ =	swait.ge [sflag:s19], $0x4000  }
0x352: {  	[sflag:s19] =	ssyncset.done $0x0  }
0x353: {  	[sflag:s19] =	ssyncadd.s32 $0xFFFFC000  }
0x354: {  	[spmem:s3] =	stream.indirect.scatter.add.f32 [tilespmem:s10], [sflag:$0x2], $0x80, s17, s11, $0xb8;
	[tilespmem:$0x1BC80] =	vst v63  }
0x355: {  	_ =	swait.ge [sflag:s9], $0x4000  }
0x356: {  	[sflag:s9] =	ssyncset.done $0x0  }
0x357: {  	[sflag:s9] =	ssyncadd.s32 $0xFFFFC000  }
0x358: {  	[tilespmem:s10], [sflag:$0x1] =	stream.indirect.gather [hbm4b:s1+s11], $0x80, s11, s11, $0xb8;
	[tilespmem:$0x1BC80] =	vst v63  }
0x359: {  	_ =	swait.ge [sflag:s19], $0x4000  }
0x35a: {  	[sflag:s19] =	ssyncset.done $0x0  }
0x35b: {  	s22 =	simm.s32 $0x480;
	[sflag:s19] =	ssyncadd.s32 $0xFFFFC000  }
0x35c: {  	[spmem:s2] =	stream.indirect.scatter.add.f32 [tilespmem:s10], [sflag:$0x2], $0x80, s22, s11, $0xb8;
	[tilespmem:$0x1BC80] =	vst v63  }
0x35d: {  	_ =	swait.ge [sflag:s9], $0x4000  }
0x35e: {  	[sflag:s9] =	ssyncset.done $0x0  }
0x35f: {  	s23 =	simm.s32 $0xC80;
	[sflag:s9] =	ssyncadd.s32 $0xFFFFC000  }
0x360: {  	[tilespmem:s10], [sflag:$0x1] =	stream.indirect.gather [hbm4b:s6+s11], $0x80, s23, s11, $0xb8;
	[tilespmem:$0x1BC80] =	vst v63  }
0x361: {  	_ =	swait.ge [sflag:s19], $0x4000  }
0x362: {  	[sflag:s19] =	ssyncset.done $0x0  }
0x363: {  	s24 =	simm.s32 $0x880;
	[sflag:s19] =	ssyncadd.s32 $0xFFFFC000  }
0x364: {  	[spmem:s3] =	stream.indirect.scatter.add.f32 [tilespmem:s10], [sflag:$0x2], $0x80, s24, s11, $0xb8;
	[tilespmem:$0x1BC80] =	vst v63  }
0x365: {  	_ =	swait.ge [sflag:s9], $0x4000  }
0x366: {  	[sflag:s9] =	ssyncset.done $0x0  }
0x367: {  	s30 =	simm.s32 $0x100;
	[sflag:s9] =	ssyncadd.s32 $0xFFFFC000  }
0x368: {  	[tilespmem:s10], [sflag:$0x1] =	stream.indirect.gather [hbm4b:s1+s11], $0x80, s30, s11, $0xb8;
	[tilespmem:$0x1BC80] =	vst v63  }
0x369: {  	_ =	swait.ge [sflag:s19], $0x4000  }
0x36a: {  	[sflag:s19] =	ssyncset.done $0x0  }
0x36b: {  	s26 =	simm.s32 $0x500;
	[sflag:s19] =	ssyncadd.s32 $0xFFFFC000  }
0x36c: {  	[spmem:s2] =	stream.indirect.scatter.add.f32 [tilespmem:s10], [sflag:$0x2], $0x80, s26, s11, $0xb8;
	[tilespmem:$0x1BC80] =	vst v63  }
0x36d: {  	_ =	swait.ge [sflag:s9], $0x4000  }
0x36e: {  	[sflag:s9] =	ssyncset.done $0x0  }
0x36f: {  	s28 =	simm.s32 $0xD00;
	[sflag:s9] =	ssyncadd.s32 $0xFFFFC000  }
0x370: {  	[tilespmem:s10], [sflag:$0x1] =	stream.indirect.gather [hbm4b:s6+s11], $0x80, s28, s11, $0xb8;
	[tilespmem:$0x1BC80] =	vst v63  }
0x371: {  	_ =	swait.ge [sflag:s19], $0x4000  }
0x372: {  	[sflag:s19] =	ssyncset.done $0x0  }
0x373: {  	s25 =	simm.s32 $0x900;
	[sflag:s19] =	ssyncadd.s32 $0xFFFFC000  }
0x374: {  	[spmem:s3] =	stream.indirect.scatter.add.f32 [tilespmem:s10], [sflag:$0x2], $0x80, s25, s11, $0xb8;
	[tilespmem:$0x1BC80] =	vst v63  }
0x375: {  	_ =	swait.ge [sflag:s9], $0x4000  }
0x376: {  	[sflag:s9] =	ssyncset.done $0x0  }
0x377: {  	s29 =	simm.s32 $0x180;
	[sflag:s9] =	ssyncadd.s32 $0xFFFFC000  }
0x378: {  	[tilespmem:s10], [sflag:$0x1] =	stream.indirect.gather [hbm4b:s1+s11], $0x80, s29, s11, $0xb8;
	[tilespmem:$0x1BC80] =	vst v63  }
0x379: {  	_ =	swait.ge [sflag:s19], $0x4000  }
0x37a: {  	[sflag:s19] =	ssyncset.done $0x0  }
0x37b: {  	s0 =	simm.s32 $0x580;
	[sflag:s19] =	ssyncadd.s32 $0xFFFFC000  }
0x37c: {  	[spmem:s2] =	stream.indirect.scatter.add.f32 [tilespmem:s10], [sflag:$0x2], $0x80, s0, s11, $0xb8;
	[tilespmem:$0x1BC80] =	vst v63  }
0x37d: {  	_ =	swait.ge [sflag:s9], $0x4000  }
0x37e: {  	[sflag:s9] =	ssyncset.done $0x0  }
0x37f: {  	s5 =	simm.s32 $0xD80;
	[sflag:s9] =	ssyncadd.s32 $0xFFFFC000  }
0x380: {  	[tilespmem:s10], [sflag:$0x1] =	stream.indirect.gather [hbm4b:s6+s11], $0x80, s5, s11, $0xb8;
	[tilespmem:$0x1BC80] =	vst v63  }
0x381: {  	_ =	swait.ge [sflag:s19], $0x4000  }
0x382: {  	[sflag:s19] =	ssyncset.done $0x0  }
0x383: {  	s7 =	simm.s32 $0x980;
	[sflag:s19] =	ssyncadd.s32 $0xFFFFC000  }
0x384: {  	[spmem:s3] =	stream.indirect.scatter.add.f32 [tilespmem:s10], [sflag:$0x2], $0x80, s7, s11, $0xb8;
	[tilespmem:$0x1BC80] =	vst v63  }
0x385: {  	_ =	swait.ge [sflag:s9], $0x4000  }
0x386: {  	[sflag:s9] =	ssyncset.done $0x0  }
0x387: {  	s8 =	simm.s32 $0x200;
	[sflag:s9] =	ssyncadd.s32 $0xFFFFC000  }
0x388: {  	[tilespmem:s10], [sflag:$0x1] =	stream.indirect.gather [hbm4b:s1+s11], $0x80, s8, s11, $0xb8;
	[tilespmem:$0x1BC80] =	vst v63  }
0x389: {  	_ =	swait.ge [sflag:s19], $0x4000  }
0x38a: {  	[sflag:s19] =	ssyncset.done $0x0  }
0x38b: {  	s12 =	simm.s32 $0x600;
	[sflag:s19] =	ssyncadd.s32 $0xFFFFC000  }
0x38c: {  	[spmem:s2] =	stream.indirect.scatter.add.f32 [tilespmem:s10], [sflag:$0x2], $0x80, s12, s11, $0xb8;
	[tilespmem:$0x1BC80] =	vst v63  }
0x38d: {  	_ =	swait.ge [sflag:s9], $0x4000  }
0x38e: {  	[sflag:s9] =	ssyncset.done $0x0  }
0x38f: {  	s13 =	simm.s32 $0xE00;
	[sflag:s9] =	ssyncadd.s32 $0xFFFFC000  }
0x390: {  	[tilespmem:s10], [sflag:$0x1] =	stream.indirect.gather [hbm4b:s6+s11], $0x80, s13, s11, $0xb8;
	[tilespmem:$0x1BC80] =	vst v63  }
0x391: {  	_ =	swait.ge [sflag:s19], $0x4000  }
0x392: {  	[sflag:s19] =	ssyncset.done $0x0  }
0x393: {  	s14 =	simm.s32 $0xA00;
	[sflag:s19] =	ssyncadd.s32 $0xFFFFC000  }
0x394: {  	[spmem:s3] =	stream.indirect.scatter.add.f32 [tilespmem:s10], [sflag:$0x2], $0x80, s14, s11, $0xb8;
	[tilespmem:$0x1BC80] =	vst v63  }
0x395: {  	_ =	swait.ge [sflag:s9], $0x4000  }
0x396: {  	[sflag:s9] =	ssyncset.done $0x0  }
0x397: {  	s15 =	simm.s32 $0x280;
	[sflag:s9] =	ssyncadd.s32 $0xFFFFC000  }
0x398: {  	[tilespmem:s10], [sflag:$0x1] =	stream.indirect.gather [hbm4b:s1+s11], $0x80, s15, s11, $0xb8;
	[tilespmem:$0x1BC80] =	vst v63  }
0x399: {  	_ =	swait.ge [sflag:s19], $0x4000  }
0x39a: {  	[sflag:s19] =	ssyncset.done $0x0  }
0x39b: {  	s30 =	simm.s32 $0x680;
	[sflag:s19] =	ssyncadd.s32 $0xFFFFC000  }
0x39c: {  	[spmem:s2] =	stream.indirect.scatter.add.f32 [tilespmem:s10], [sflag:$0x2], $0x80, s30, s11, $0xb8;
	[tilespmem:$0x1BC80] =	vst v63  }
0x39d: {  	_ =	swait.ge [sflag:s9], $0x4000  }
0x39e: {  	[sflag:s9] =	ssyncset.done $0x0  }
0x39f: {  	s31 =	simm.s32 $0xE80;
	[sflag:s9] =	ssyncadd.s32 $0xFFFFC000  }
0x3a0: {  	[tilespmem:s10], [sflag:$0x1] =	stream.indirect.gather [hbm4b:s6+s11], $0x80, s31, s11, $0xb8;
	[tilespmem:$0x1BC80] =	vst v63  }
0x3a1: {  	_ =	swait.ge [sflag:s19], $0x4000  }
0x3a2: {  	[sflag:s19] =	ssyncset.done $0x0  }
0x3a3: {  	s30 =	simm.s32 $0xA80;
	[sflag:s19] =	ssyncadd.s32 $0xFFFFC000  }
0x3a4: {  	[spmem:s3] =	stream.indirect.scatter.add.f32 [tilespmem:s10], [sflag:$0x2], $0x80, s30, s11, $0xb8;
	[tilespmem:$0x1BC80] =	vst v63  }
0x3a5: {  	_ =	swait.ge [sflag:s9], $0x4000  }
0x3a6: {  	[sflag:s9] =	ssyncset.done $0x0  }
0x3a7: {  	s30 =	simm.s32 $0x300;
	[sflag:s9] =	ssyncadd.s32 $0xFFFFC000  }
0x3a8: {  	[tilespmem:s10], [sflag:$0x1] =	stream.indirect.gather [hbm4b:s1+s11], $0x80, s30, s11, $0xb8;
	[tilespmem:$0x1BC80] =	vst v63  }
0x3a9: {  	_ =	swait.ge [sflag:s19], $0x4000  }
0x3aa: {  	[sflag:s19] =	ssyncset.done $0x0  }
0x3ab: {  	s30 =	simm.s32 $0x700;
	[sflag:s19] =	ssyncadd.s32 $0xFFFFC000  }
0x3ac: {  	[spmem:s2] =	stream.indirect.scatter.add.f32 [tilespmem:s10], [sflag:$0x2], $0x80, s30, s11, $0xb8;
	[tilespmem:$0x1BC80] =	vst v63  }
0x3ad: {  	_ =	swait.ge [sflag:s9], $0x4000  }
0x3ae: {  	[sflag:s9] =	ssyncset.done $0x0  }
0x3af: {  	s30 =	simm.s32 $0xF00;
	[sflag:s9] =	ssyncadd.s32 $0xFFFFC000  }
0x3b0: {  	[tilespmem:s10], [sflag:$0x1] =	stream.indirect.gather [hbm4b:s6+s11], $0x80, s30, s11, $0xb8;
	[tilespmem:$0x1BC80] =	vst v63  }
0x3b1: {  	_ =	swait.ge [sflag:s19], $0x4000  }
0x3b2: {  	[sflag:s19] =	ssyncset.done $0x0  }
0x3b3: {  	s30 =	simm.s32 $0xB00;
	[sflag:s19] =	ssyncadd.s32 $0xFFFFC000  }
0x3b4: {  	[spmem:s3] =	stream.indirect.scatter.add.f32 [tilespmem:s10], [sflag:$0x2], $0x80, s30, s11, $0xb8;
	[tilespmem:$0x1BC80] =	vst v63  }
0x3b5: {  	_ =	swait.ge [sflag:s9], $0x4000  }
0x3b6: {  	[sflag:s9] =	ssyncset.done $0x0  }
0x3b7: {  	s30 =	simm.s32 $0x380;
	[sflag:s9] =	ssyncadd.s32 $0xFFFFC000  }
0x3b8: {  	[tilespmem:s10], [sflag:$0x1] =	stream.indirect.gather [hbm4b:s1+s11], $0x80, s30, s11, $0xb8;
	[tilespmem:$0x1BC80] =	vst v63  }
0x3b9: {  	_ =	swait.ge [sflag:s19], $0x4000  }
0x3ba: {  	[sflag:s19] =	ssyncset.done $0x0  }
0x3bb: {  	s30 =	simm.s32 $0x780;
	[sflag:s19] =	ssyncadd.s32 $0xFFFFC000  }
0x3bc: {  	[spmem:s2] =	stream.indirect.scatter.add.f32 [tilespmem:s10], [sflag:$0x2], $0x80, s30, s11, $0xb8;
	[tilespmem:$0x1BC80] =	vst v63  }
0x3bd: {  	_ =	swait.ge [sflag:s9], $0x4000  }
0x3be: {  	[sflag:s9] =	ssyncset.done $0x0  }
0x3bf: {  	s20 =	simm.s32 $0xF80;
	[sflag:s9] =	ssyncadd.s32 $0xFFFFC000  }
0x3c0: {  	[tilespmem:s10], [sflag:$0x1] =	stream.indirect.gather [hbm4b:s6+s11], $0x80, s20, s11, $0xb8;
	[tilespmem:$0x1BC80] =	vst v63  }
0x3c1: {  	_ =	swait.ge [sflag:s19], $0x4000  }
0x3c2: {  	[sflag:s19] =	ssyncset.done $0x0  }
0x3c3: {  	s21 =	simm.s32 $0xB80;
	[sflag:s19] =	ssyncadd.s32 $0xFFFFC000  }
0x3c4: {  	[spmem:s3] =	stream.indirect.scatter.add.f32 [tilespmem:s10], [sflag:$0x2], $0x80, s21, s11, $0xb8;
	[tilespmem:$0x1BC80] =	vst v63  }
0x3c5: {  	_ =	swait.ge [sflag:s9], $0x4000  }
0x3c6: {  	s30 =	sld [smem:$0x7E7]  }
0x3c7: {  	[sflag:s9] =	ssyncset.done $0x0  }
0x3c8: {  	[sflag:s9] =	ssyncadd.s32 $0xFFFFC000  }
0x3c9: {  	[tilespmem:s4], [sflag:$0x2] =	stream.linear.gather [hbm4b:s30+s4], $0x400, $0x38;
	[tilespmem:$0x1BC80] =	vst v63  }
0x3ca: {  	_ =	swait.ge [sflag:s9], $0x400  }
0x3cb: {  	s30 =	sld [smem:$0x7E8]  }
0x3cc: {  	[sflag:s9] =	ssyncset.done $0x0  }
0x3cd: {  	[sflag:s9] =	ssyncadd.s32 $0xFFFFFC00  }
0x3ce: {  	[tilespmem:s16], [sflag:$0x2] =	stream.linear.gather [hbm4b:s30+s4], $0x400, $0x38;
	[tilespmem:$0x1BC80] =	vst v63  }
0x3cf: {  	_ =	swait.ge [sflag:s9], $0x400  }
0x3d0: {  	s30 =	sld [smem:$0x7E9]  }
0x3d1: {  	[sflag:s9] =	ssyncset.done $0x0  }
0x3d2: {  	[sflag:s9] =	ssyncadd.s32 $0xFFFFFC00  }
0x3d3: {  	[tilespmem:s17], [sflag:$0x2] =	stream.linear.gather [hbm4b:s30+s4], $0x400, $0x38;
	[tilespmem:$0x1BC80] =	vst v63  }
0x3d4: {  	_ =	swait.ge [sflag:s9], $0x400  }
0x3d5: {  	s30 =	sld [smem:$0x7EA]  }
0x3d6: {  	[sflag:s9] =	ssyncset.done $0x0  }
0x3d7: {  	[sflag:s9] =	ssyncadd.s32 $0xFFFFFC00  }
0x3d8: {  	[tilespmem:s18], [sflag:$0x2] =	stream.linear.gather [hbm4b:s30+s4], $0x400, $0x38;
	[tilespmem:$0x1BC80] =	vst v63  }
0x3d9: {  	_ =	swait.ge [sflag:s9], $0x400  }
0x3da: {  	[sflag:s9] =	ssyncset.done $0x0  }
0x3db: {  	[sflag:s9] =	ssyncadd.s32 $0xFFFFFC00  }
0x3dc: {  	[tilespmem:s10], [sflag:$0x1] =	stream.indirect.gather [hbm4b:s1+s11], $0x80, s4, s11, $0xb8;
	[tilespmem:$0x1BC80] =	vst v63  }
0x3dd: {  	_ =	swait.ge [sflag:s19], $0x4000  }
0x3de: {  	[sflag:s19] =	ssyncset.done $0x0  }
0x3df: {  	[sflag:s19] =	ssyncadd.s32 $0xFFFFC000  }
0x3e0: {  	[spmem:s2] =	stream.indirect.scatter.add.f32 [tilespmem:s10], [sflag:$0x2], $0x80, s16, s11, $0xb8;
	[tilespmem:$0x1BC80] =	vst v63  }
0x3e1: {  	_ =	swait.ge [sflag:s9], $0x4000  }
0x3e2: {  	[sflag:s9] =	ssyncset.done $0x0  }
0x3e3: {  	[sflag:s9] =	ssyncadd.s32 $0xFFFFC000  }
0x3e4: {  	[tilespmem:s10], [sflag:$0x1] =	stream.indirect.gather [hbm4b:s6+s11], $0x80, s18, s11, $0xb8;
	[tilespmem:$0x1BC80] =	vst v63  }
0x3e5: {  	_ =	swait.ge [sflag:s19], $0x4000  }
0x3e6: {  	[sflag:s19] =	ssyncset.done $0x0  }
0x3e7: {  	[sflag:s19] =	ssyncadd.s32 $0xFFFFC000  }
0x3e8: {  	[spmem:s3] =	stream.indirect.scatter.add.f32 [tilespmem:s10], [sflag:$0x2], $0x80, s17, s11, $0xb8;
	[tilespmem:$0x1BC80] =	vst v63  }
0x3e9: {  	_ =	swait.ge [sflag:s9], $0x4000  }
0x3ea: {  	[sflag:s9] =	ssyncset.done $0x0  }
0x3eb: {  	[sflag:s9] =	ssyncadd.s32 $0xFFFFC000  }
0x3ec: {  	[tilespmem:s10], [sflag:$0x1] =	stream.indirect.gather [hbm4b:s1+s11], $0x80, s11, s11, $0xb8;
	[tilespmem:$0x1BC80] =	vst v63  }
0x3ed: {  	_ =	swait.ge [sflag:s19], $0x4000  }
0x3ee: {  	[sflag:s19] =	ssyncset.done $0x0  }
0x3ef: {  	s22 =	simm.s32 $0x480;
	[sflag:s19] =	ssyncadd.s32 $0xFFFFC000  }
0x3f0: {  	[spmem:s2] =	stream.indirect.scatter.add.f32 [tilespmem:s10], [sflag:$0x2], $0x80, s22, s11, $0xb8;
	[tilespmem:$0x1BC80] =	vst v63  }
0x3f1: {  	_ =	swait.ge [sflag:s9], $0x4000  }
0x3f2: {  	[sflag:s9] =	ssyncset.done $0x0  }
0x3f3: {  	s23 =	simm.s32 $0xC80;
	[sflag:s9] =	ssyncadd.s32 $0xFFFFC000  }
0x3f4: {  	[tilespmem:s10], [sflag:$0x1] =	stream.indirect.gather [hbm4b:s6+s11], $0x80, s23, s11, $0xb8;
	[tilespmem:$0x1BC80] =	vst v63  }
0x3f5: {  	_ =	swait.ge [sflag:s19], $0x4000  }
0x3f6: {  	[sflag:s19] =	ssyncset.done $0x0  }
0x3f7: {  	s24 =	simm.s32 $0x880;
	[sflag:s19] =	ssyncadd.s32 $0xFFFFC000  }
0x3f8: {  	[spmem:s3] =	stream.indirect.scatter.add.f32 [tilespmem:s10], [sflag:$0x2], $0x80, s24, s11, $0xb8;
	[tilespmem:$0x1BC80] =	vst v63  }
0x3f9: {  	_ =	swait.ge [sflag:s9], $0x4000  }
0x3fa: {  	[sflag:s9] =	ssyncset.done $0x0  }
0x3fb: {  	s30 =	simm.s32 $0x100;
	[sflag:s9] =	ssyncadd.s32 $0xFFFFC000  }
0x3fc: {  	[tilespmem:s10], [sflag:$0x1] =	stream.indirect.gather [hbm4b:s1+s11], $0x80, s30, s11, $0xb8;
	[tilespmem:$0x1BC80] =	vst v63  }
0x3fd: {  	_ =	swait.ge [sflag:s19], $0x4000  }
0x3fe: {  	[sflag:s19] =	ssyncset.done $0x0  }
0x3ff: {  	s26 =	simm.s32 $0x500;
	[sflag:s19] =	ssyncadd.s32 $0xFFFFC000  }
0x400: {  	[spmem:s2] =	stream.indirect.scatter.add.f32 [tilespmem:s10], [sflag:$0x2], $0x80, s26, s11, $0xb8;
	[tilespmem:$0x1BC80] =	vst v63  }
0x401: {  	_ =	swait.ge [sflag:s9], $0x4000  }
0x402: {  	[sflag:s9] =	ssyncset.done $0x0  }
0x403: {  	s28 =	simm.s32 $0xD00;
	[sflag:s9] =	ssyncadd.s32 $0xFFFFC000  }
0x404: {  	[tilespmem:s10], [sflag:$0x1] =	stream.indirect.gather [hbm4b:s6+s11], $0x80, s28, s11, $0xb8;
	[tilespmem:$0x1BC80] =	vst v63  }
0x405: {  	_ =	swait.ge [sflag:s19], $0x4000  }
0x406: {  	[sflag:s19] =	ssyncset.done $0x0  }
0x407: {  	s25 =	simm.s32 $0x900;
	[sflag:s19] =	ssyncadd.s32 $0xFFFFC000  }
0x408: {  	[spmem:s3] =	stream.indirect.scatter.add.f32 [tilespmem:s10], [sflag:$0x2], $0x80, s25, s11, $0xb8;
	[tilespmem:$0x1BC80] =	vst v63  }
0x409: {  	_ =	swait.ge [sflag:s9], $0x4000  }
0x40a: {  	[sflag:s9] =	ssyncset.done $0x0  }
0x40b: {  	s29 =	simm.s32 $0x180;
	[sflag:s9] =	ssyncadd.s32 $0xFFFFC000  }
0x40c: {  	[tilespmem:s10], [sflag:$0x1] =	stream.indirect.gather [hbm4b:s1+s11], $0x80, s29, s11, $0xb8;
	[tilespmem:$0x1BC80] =	vst v63  }
0x40d: {  	_ =	swait.ge [sflag:s19], $0x4000  }
0x40e: {  	[sflag:s19] =	ssyncset.done $0x0  }
0x40f: {  	s0 =	simm.s32 $0x580;
	[sflag:s19] =	ssyncadd.s32 $0xFFFFC000  }
0x410: {  	[spmem:s2] =	stream.indirect.scatter.add.f32 [tilespmem:s10], [sflag:$0x2], $0x80, s0, s11, $0xb8;
	[tilespmem:$0x1BC80] =	vst v63  }
0x411: {  	_ =	swait.ge [sflag:s9], $0x4000  }
0x412: {  	[sflag:s9] =	ssyncset.done $0x0  }
0x413: {  	s5 =	simm.s32 $0xD80;
	[sflag:s9] =	ssyncadd.s32 $0xFFFFC000  }
0x414: {  	[tilespmem:s10], [sflag:$0x1] =	stream.indirect.gather [hbm4b:s6+s11], $0x80, s5, s11, $0xb8;
	[tilespmem:$0x1BC80] =	vst v63  }
0x415: {  	_ =	swait.ge [sflag:s19], $0x4000  }
0x416: {  	[sflag:s19] =	ssyncset.done $0x0  }
0x417: {  	s7 =	simm.s32 $0x980;
	[sflag:s19] =	ssyncadd.s32 $0xFFFFC000  }
0x418: {  	[spmem:s3] =	stream.indirect.scatter.add.f32 [tilespmem:s10], [sflag:$0x2], $0x80, s7, s11, $0xb8;
	[tilespmem:$0x1BC80] =	vst v63  }
0x419: {  	_ =	swait.ge [sflag:s9], $0x4000  }
0x41a: {  	[sflag:s9] =	ssyncset.done $0x0  }
0x41b: {  	s8 =	simm.s32 $0x200;
	[sflag:s9] =	ssyncadd.s32 $0xFFFFC000  }
0x41c: {  	[tilespmem:s10], [sflag:$0x1] =	stream.indirect.gather [hbm4b:s1+s11], $0x80, s8, s11, $0xb8;
	[tilespmem:$0x1BC80] =	vst v63  }
0x41d: {  	_ =	swait.ge [sflag:s19], $0x4000  }
0x41e: {  	[sflag:s19] =	ssyncset.done $0x0  }
0x41f: {  	s12 =	simm.s32 $0x600;
	[sflag:s19] =	ssyncadd.s32 $0xFFFFC000  }
0x420: {  	[spmem:s2] =	stream.indirect.scatter.add.f32 [tilespmem:s10], [sflag:$0x2], $0x80, s12, s11, $0xb8;
	[tilespmem:$0x1BC80] =	vst v63  }
0x421: {  	_ =	swait.ge [sflag:s9], $0x4000  }
0x422: {  	[sflag:s9] =	ssyncset.done $0x0  }
0x423: {  	s13 =	simm.s32 $0xE00;
	[sflag:s9] =	ssyncadd.s32 $0xFFFFC000  }
0x424: {  	[tilespmem:s10], [sflag:$0x1] =	stream.indirect.gather [hbm4b:s6+s11], $0x80, s13, s11, $0xb8;
	[tilespmem:$0x1BC80] =	vst v63  }
0x425: {  	_ =	swait.ge [sflag:s19], $0x4000  }
0x426: {  	[sflag:s19] =	ssyncset.done $0x0  }
0x427: {  	s14 =	simm.s32 $0xA00;
	[sflag:s19] =	ssyncadd.s32 $0xFFFFC000  }
0x428: {  	[spmem:s3] =	stream.indirect.scatter.add.f32 [tilespmem:s10], [sflag:$0x2], $0x80, s14, s11, $0xb8;
	[tilespmem:$0x1BC80] =	vst v63  }
0x429: {  	_ =	swait.ge [sflag:s9], $0x4000  }
0x42a: {  	[sflag:s9] =	ssyncset.done $0x0  }
0x42b: {  	s15 =	simm.s32 $0x280;
	[sflag:s9] =	ssyncadd.s32 $0xFFFFC000  }
0x42c: {  	[tilespmem:s10], [sflag:$0x1] =	stream.indirect.gather [hbm4b:s1+s11], $0x80, s15, s11, $0xb8;
	[tilespmem:$0x1BC80] =	vst v63  }
0x42d: {  	_ =	swait.ge [sflag:s19], $0x4000  }
0x42e: {  	[sflag:s19] =	ssyncset.done $0x0  }
0x42f: {  	s30 =	simm.s32 $0x680;
	[sflag:s19] =	ssyncadd.s32 $0xFFFFC000  }
0x430: {  	[spmem:s2] =	stream.indirect.scatter.add.f32 [tilespmem:s10], [sflag:$0x2], $0x80, s30, s11, $0xb8;
	[tilespmem:$0x1BC80] =	vst v63  }
0x431: {  	_ =	swait.ge [sflag:s9], $0x4000  }
0x432: {  	[sflag:s9] =	ssyncset.done $0x0  }
0x433: {  	s31 =	simm.s32 $0xE80;
	[sflag:s9] =	ssyncadd.s32 $0xFFFFC000  }
0x434: {  	[tilespmem:s10], [sflag:$0x1] =	stream.indirect.gather [hbm4b:s6+s11], $0x80, s31, s11, $0xb8;
	[tilespmem:$0x1BC80] =	vst v63  }
0x435: {  	_ =	swait.ge [sflag:s19], $0x4000  }
0x436: {  	[sflag:s19] =	ssyncset.done $0x0  }
0x437: {  	s30 =	simm.s32 $0xA80;
	[sflag:s19] =	ssyncadd.s32 $0xFFFFC000  }
0x438: {  	[spmem:s3] =	stream.indirect.scatter.add.f32 [tilespmem:s10], [sflag:$0x2], $0x80, s30, s11, $0xb8;
	[tilespmem:$0x1BC80] =	vst v63  }
0x439: {  	_ =	swait.ge [sflag:s9], $0x4000  }
0x43a: {  	[sflag:s9] =	ssyncset.done $0x0  }
0x43b: {  	s30 =	simm.s32 $0x300;
	[sflag:s9] =	ssyncadd.s32 $0xFFFFC000  }
0x43c: {  	[tilespmem:s10], [sflag:$0x1] =	stream.indirect.gather [hbm4b:s1+s11], $0x80, s30, s11, $0xb8;
	[tilespmem:$0x1BC80] =	vst v63  }
0x43d: {  	_ =	swait.ge [sflag:s19], $0x4000  }
0x43e: {  	[sflag:s19] =	ssyncset.done $0x0  }
0x43f: {  	s30 =	simm.s32 $0x700;
	[sflag:s19] =	ssyncadd.s32 $0xFFFFC000  }
0x440: {  	[spmem:s2] =	stream.indirect.scatter.add.f32 [tilespmem:s10], [sflag:$0x2], $0x80, s30, s11, $0xb8;
	[tilespmem:$0x1BC80] =	vst v63  }
0x441: {  	_ =	swait.ge [sflag:s9], $0x4000  }
0x442: {  	[sflag:s9] =	ssyncset.done $0x0  }
0x443: {  	s30 =	simm.s32 $0xF00;
	[sflag:s9] =	ssyncadd.s32 $0xFFFFC000  }
0x444: {  	[tilespmem:s10], [sflag:$0x1] =	stream.indirect.gather [hbm4b:s6+s11], $0x80, s30, s11, $0xb8;
	[tilespmem:$0x1BC80] =	vst v63  }
0x445: {  	_ =	swait.ge [sflag:s19], $0x4000  }
0x446: {  	[sflag:s19] =	ssyncset.done $0x0  }
0x447: {  	s30 =	simm.s32 $0xB00;
	[sflag:s19] =	ssyncadd.s32 $0xFFFFC000  }
0x448: {  	[spmem:s3] =	stream.indirect.scatter.add.f32 [tilespmem:s10], [sflag:$0x2], $0x80, s30, s11, $0xb8;
	[tilespmem:$0x1BC80] =	vst v63  }
0x449: {  	_ =	swait.ge [sflag:s9], $0x4000  }
0x44a: {  	[sflag:s9] =	ssyncset.done $0x0  }
0x44b: {  	s30 =	simm.s32 $0x380;
	[sflag:s9] =	ssyncadd.s32 $0xFFFFC000  }
0x44c: {  	[tilespmem:s10], [sflag:$0x1] =	stream.indirect.gather [hbm4b:s1+s11], $0x80, s30, s11, $0xb8;
	[tilespmem:$0x1BC80] =	vst v63  }
0x44d: {  	_ =	swait.ge [sflag:s19], $0x4000  }
0x44e: {  	[sflag:s19] =	ssyncset.done $0x0  }
0x44f: {  	s30 =	simm.s32 $0x780;
	[sflag:s19] =	ssyncadd.s32 $0xFFFFC000  }
0x450: {  	[spmem:s2] =	stream.indirect.scatter.add.f32 [tilespmem:s10], [sflag:$0x2], $0x80, s30, s11, $0xb8;
	[tilespmem:$0x1BC80] =	vst v63  }
0x451: {  	_ =	swait.ge [sflag:s9], $0x4000  }
0x452: {  	[sflag:s9] =	ssyncset.done $0x0  }
0x453: {  	s20 =	simm.s32 $0xF80;
	[sflag:s9] =	ssyncadd.s32 $0xFFFFC000  }
0x454: {  	[tilespmem:s10], [sflag:$0x1] =	stream.indirect.gather [hbm4b:s6+s11], $0x80, s20, s11, $0xb8;
	[tilespmem:$0x1BC80] =	vst v63  }
0x455: {  	_ =	swait.ge [sflag:s19], $0x4000  }
0x456: {  	[sflag:s19] =	ssyncset.done $0x0  }
0x457: {  	s21 =	simm.s32 $0xB80;
	[sflag:s19] =	ssyncadd.s32 $0xFFFFC000  }
0x458: {  	[spmem:s3] =	stream.indirect.scatter.add.f32 [tilespmem:s10], [sflag:$0x2], $0x80, s21, s11, $0xb8;
	[tilespmem:$0x1BC80] =	vst v63  }
0x459: {  	_ =	swait.ge [sflag:s9], $0x4000  }
0x45a: {  	s30 =	sld [smem:$0x7EB]  }
0x45b: {  	[sflag:s9] =	ssyncset.done $0x0  }
0x45c: {  	[sflag:s9] =	ssyncadd.s32 $0xFFFFC000  }
0x45d: {  	[tilespmem:s4], [sflag:$0x2] =	stream.linear.gather [hbm4b:s30+s4], $0x400, $0x38;
	[tilespmem:$0x1BC80] =	vst v63  }
0x45e: {  	_ =	swait.ge [sflag:s9], $0x400  }
0x45f: {  	s30 =	sld [smem:$0x7EC]  }
0x460: {  	[sflag:s9] =	ssyncset.done $0x0  }
0x461: {  	[sflag:s9] =	ssyncadd.s32 $0xFFFFFC00  }
0x462: {  	[tilespmem:s16], [sflag:$0x2] =	stream.linear.gather [hbm4b:s30+s4], $0x400, $0x38;
	[tilespmem:$0x1BC80] =	vst v63  }
0x463: {  	_ =	swait.ge [sflag:s9], $0x400  }
0x464: {  	s30 =	sld [smem:$0x7ED]  }
0x465: {  	[sflag:s9] =	ssyncset.done $0x0  }
0x466: {  	[sflag:s9] =	ssyncadd.s32 $0xFFFFFC00  }
0x467: {  	[tilespmem:s17], [sflag:$0x2] =	stream.linear.gather [hbm4b:s30+s4], $0x400, $0x38;
	[tilespmem:$0x1BC80] =	vst v63  }
0x468: {  	_ =	swait.ge [sflag:s9], $0x400  }
0x469: {  	s30 =	sld [smem:$0x7EE]  }
0x46a: {  	[sflag:s9] =	ssyncset.done $0x0  }
0x46b: {  	[sflag:s9] =	ssyncadd.s32 $0xFFFFFC00  }
0x46c: {  	[tilespmem:s18], [sflag:$0x2] =	stream.linear.gather [hbm4b:s30+s4], $0x400, $0x38;
	[tilespmem:$0x1BC80] =	vst v63  }
0x46d: {  	_ =	swait.ge [sflag:s9], $0x400  }
0x46e: {  	[sflag:s9] =	ssyncset.done $0x0  }
0x46f: {  	[sflag:s9] =	ssyncadd.s32 $0xFFFFFC00  }
0x470: {  	[tilespmem:s10], [sflag:$0x1] =	stream.indirect.gather [hbm4b:s1+s11], $0x80, s4, s11, $0xb8;
	[tilespmem:$0x1BC80] =	vst v63  }
0x471: {  	_ =	swait.ge [sflag:s19], $0x4000  }
0x472: {  	[sflag:s19] =	ssyncset.done $0x0  }
0x473: {  	[sflag:s19] =	ssyncadd.s32 $0xFFFFC000  }
0x474: {  	[spmem:s2] =	stream.indirect.scatter.add.f32 [tilespmem:s10], [sflag:$0x2], $0x80, s16, s11, $0xb8;
	[tilespmem:$0x1BC80] =	vst v63  }
0x475: {  	_ =	swait.ge [sflag:s9], $0x4000  }
0x476: {  	[sflag:s9] =	ssyncset.done $0x0  }
0x477: {  	[sflag:s9] =	ssyncadd.s32 $0xFFFFC000  }
0x478: {  	[tilespmem:s10], [sflag:$0x1] =	stream.indirect.gather [hbm4b:s6+s11], $0x80, s18, s11, $0xb8;
	[tilespmem:$0x1BC80] =	vst v63  }
0x479: {  	_ =	swait.ge [sflag:s19], $0x4000  }
0x47a: {  	[sflag:s19] =	ssyncset.done $0x0  }
0x47b: {  	[sflag:s19] =	ssyncadd.s32 $0xFFFFC000  }
0x47c: {  	[spmem:s3] =	stream.indirect.scatter.add.f32 [tilespmem:s10], [sflag:$0x2], $0x80, s17, s11, $0xb8;
	[tilespmem:$0x1BC80] =	vst v63  }
0x47d: {  	_ =	swait.ge [sflag:s9], $0x4000  }
0x47e: {  	[sflag:s9] =	ssyncset.done $0x0  }
0x47f: {  	[sflag:s9] =	ssyncadd.s32 $0xFFFFC000  }
0x480: {  	[tilespmem:s10], [sflag:$0x1] =	stream.indirect.gather [hbm4b:s1+s11], $0x80, s11, s11, $0xb8;
	[tilespmem:$0x1BC80] =	vst v63  }
0x481: {  	_ =	swait.ge [sflag:s19], $0x4000  }
0x482: {  	[sflag:s19] =	ssyncset.done $0x0  }
0x483: {  	s22 =	simm.s32 $0x480;
	[sflag:s19] =	ssyncadd.s32 $0xFFFFC000  }
0x484: {  	[spmem:s2] =	stream.indirect.scatter.add.f32 [tilespmem:s10], [sflag:$0x2], $0x80, s22, s11, $0xb8;
	[tilespmem:$0x1BC80] =	vst v63  }
0x485: {  	_ =	swait.ge [sflag:s9], $0x4000  }
0x486: {  	[sflag:s9] =	ssyncset.done $0x0  }
0x487: {  	s23 =	simm.s32 $0xC80;
	[sflag:s9] =	ssyncadd.s32 $0xFFFFC000  }
0x488: {  	[tilespmem:s10], [sflag:$0x1] =	stream.indirect.gather [hbm4b:s6+s11], $0x80, s23, s11, $0xb8;
	[tilespmem:$0x1BC80] =	vst v63  }
0x489: {  	_ =	swait.ge [sflag:s19], $0x4000  }
0x48a: {  	[sflag:s19] =	ssyncset.done $0x0  }
0x48b: {  	s24 =	simm.s32 $0x880;
	[sflag:s19] =	ssyncadd.s32 $0xFFFFC000  }
0x48c: {  	[spmem:s3] =	stream.indirect.scatter.add.f32 [tilespmem:s10], [sflag:$0x2], $0x80, s24, s11, $0xb8;
	[tilespmem:$0x1BC80] =	vst v63  }
0x48d: {  	_ =	swait.ge [sflag:s9], $0x4000  }
0x48e: {  	[sflag:s9] =	ssyncset.done $0x0  }
0x48f: {  	s30 =	simm.s32 $0x100;
	[sflag:s9] =	ssyncadd.s32 $0xFFFFC000  }
0x490: {  	[tilespmem:s10], [sflag:$0x1] =	stream.indirect.gather [hbm4b:s1+s11], $0x80, s30, s11, $0xb8;
	[tilespmem:$0x1BC80] =	vst v63  }
0x491: {  	_ =	swait.ge [sflag:s19], $0x4000  }
0x492: {  	[sflag:s19] =	ssyncset.done $0x0  }
0x493: {  	s26 =	simm.s32 $0x500;
	[sflag:s19] =	ssyncadd.s32 $0xFFFFC000  }
0x494: {  	[spmem:s2] =	stream.indirect.scatter.add.f32 [tilespmem:s10], [sflag:$0x2], $0x80, s26, s11, $0xb8;
	[tilespmem:$0x1BC80] =	vst v63  }
0x495: {  	_ =	swait.ge [sflag:s9], $0x4000  }
0x496: {  	[sflag:s9] =	ssyncset.done $0x0  }
0x497: {  	s28 =	simm.s32 $0xD00;
	[sflag:s9] =	ssyncadd.s32 $0xFFFFC000  }
0x498: {  	[tilespmem:s10], [sflag:$0x1] =	stream.indirect.gather [hbm4b:s6+s11], $0x80, s28, s11, $0xb8;
	[tilespmem:$0x1BC80] =	vst v63  }
0x499: {  	_ =	swait.ge [sflag:s19], $0x4000  }
0x49a: {  	[sflag:s19] =	ssyncset.done $0x0  }
0x49b: {  	s25 =	simm.s32 $0x900;
	[sflag:s19] =	ssyncadd.s32 $0xFFFFC000  }
0x49c: {  	[spmem:s3] =	stream.indirect.scatter.add.f32 [tilespmem:s10], [sflag:$0x2], $0x80, s25, s11, $0xb8;
	[tilespmem:$0x1BC80] =	vst v63  }
0x49d: {  	_ =	swait.ge [sflag:s9], $0x4000  }
0x49e: {  	[sflag:s9] =	ssyncset.done $0x0  }
0x49f: {  	s29 =	simm.s32 $0x180;
	[sflag:s9] =	ssyncadd.s32 $0xFFFFC000  }
0x4a0: {  	[tilespmem:s10], [sflag:$0x1] =	stream.indirect.gather [hbm4b:s1+s11], $0x80, s29, s11, $0xb8;
	[tilespmem:$0x1BC80] =	vst v63  }
0x4a1: {  	_ =	swait.ge [sflag:s19], $0x4000  }
0x4a2: {  	[sflag:s19] =	ssyncset.done $0x0  }
0x4a3: {  	s0 =	simm.s32 $0x580;
	[sflag:s19] =	ssyncadd.s32 $0xFFFFC000  }
0x4a4: {  	[spmem:s2] =	stream.indirect.scatter.add.f32 [tilespmem:s10], [sflag:$0x2], $0x80, s0, s11, $0xb8;
	[tilespmem:$0x1BC80] =	vst v63  }
0x4a5: {  	_ =	swait.ge [sflag:s9], $0x4000  }
0x4a6: {  	[sflag:s9] =	ssyncset.done $0x0  }
0x4a7: {  	s5 =	simm.s32 $0xD80;
	[sflag:s9] =	ssyncadd.s32 $0xFFFFC000  }
0x4a8: {  	[tilespmem:s10], [sflag:$0x1] =	stream.indirect.gather [hbm4b:s6+s11], $0x80, s5, s11, $0xb8;
	[tilespmem:$0x1BC80] =	vst v63  }
0x4a9: {  	_ =	swait.ge [sflag:s19], $0x4000  }
0x4aa: {  	[sflag:s19] =	ssyncset.done $0x0  }
0x4ab: {  	s7 =	simm.s32 $0x980;
	[sflag:s19] =	ssyncadd.s32 $0xFFFFC000  }
0x4ac: {  	[spmem:s3] =	stream.indirect.scatter.add.f32 [tilespmem:s10], [sflag:$0x2], $0x80, s7, s11, $0xb8;
	[tilespmem:$0x1BC80] =	vst v63  }
0x4ad: {  	_ =	swait.ge [sflag:s9], $0x4000  }
0x4ae: {  	[sflag:s9] =	ssyncset.done $0x0  }
0x4af: {  	s8 =	simm.s32 $0x200;
	[sflag:s9] =	ssyncadd.s32 $0xFFFFC000  }
0x4b0: {  	[tilespmem:s10], [sflag:$0x1] =	stream.indirect.gather [hbm4b:s1+s11], $0x80, s8, s11, $0xb8;
	[tilespmem:$0x1BC80] =	vst v63  }
0x4b1: {  	_ =	swait.ge [sflag:s19], $0x4000  }
0x4b2: {  	[sflag:s19] =	ssyncset.done $0x0  }
0x4b3: {  	s12 =	simm.s32 $0x600;
	[sflag:s19] =	ssyncadd.s32 $0xFFFFC000  }
0x4b4: {  	[spmem:s2] =	stream.indirect.scatter.add.f32 [tilespmem:s10], [sflag:$0x2], $0x80, s12, s11, $0xb8;
	[tilespmem:$0x1BC80] =	vst v63  }
0x4b5: {  	_ =	swait.ge [sflag:s9], $0x4000  }
0x4b6: {  	[sflag:s9] =	ssyncset.done $0x0  }
0x4b7: {  	s13 =	simm.s32 $0xE00;
	[sflag:s9] =	ssyncadd.s32 $0xFFFFC000  }
0x4b8: {  	[tilespmem:s10], [sflag:$0x1] =	stream.indirect.gather [hbm4b:s6+s11], $0x80, s13, s11, $0xb8;
	[tilespmem:$0x1BC80] =	vst v63  }
0x4b9: {  	_ =	swait.ge [sflag:s19], $0x4000  }
0x4ba: {  	[sflag:s19] =	ssyncset.done $0x0  }
0x4bb: {  	s14 =	simm.s32 $0xA00;
	[sflag:s19] =	ssyncadd.s32 $0xFFFFC000  }
0x4bc: {  	[spmem:s3] =	stream.indirect.scatter.add.f32 [tilespmem:s10], [sflag:$0x2], $0x80, s14, s11, $0xb8;
	[tilespmem:$0x1BC80] =	vst v63  }
0x4bd: {  	_ =	swait.ge [sflag:s9], $0x4000  }
0x4be: {  	[sflag:s9] =	ssyncset.done $0x0  }
0x4bf: {  	s15 =	simm.s32 $0x280;
	[sflag:s9] =	ssyncadd.s32 $0xFFFFC000  }
0x4c0: {  	[tilespmem:s10], [sflag:$0x1] =	stream.indirect.gather [hbm4b:s1+s11], $0x80, s15, s11, $0xb8;
	[tilespmem:$0x1BC80] =	vst v63  }
0x4c1: {  	_ =	swait.ge [sflag:s19], $0x4000  }
0x4c2: {  	[sflag:s19] =	ssyncset.done $0x0  }
0x4c3: {  	s30 =	simm.s32 $0x680;
	[sflag:s19] =	ssyncadd.s32 $0xFFFFC000  }
0x4c4: {  	[spmem:s2] =	stream.indirect.scatter.add.f32 [tilespmem:s10], [sflag:$0x2], $0x80, s30, s11, $0xb8;
	[tilespmem:$0x1BC80] =	vst v63  }
0x4c5: {  	_ =	swait.ge [sflag:s9], $0x4000  }
0x4c6: {  	[sflag:s9] =	ssyncset.done $0x0  }
0x4c7: {  	s31 =	simm.s32 $0xE80;
	[sflag:s9] =	ssyncadd.s32 $0xFFFFC000  }
0x4c8: {  	[tilespmem:s10], [sflag:$0x1] =	stream.indirect.gather [hbm4b:s6+s11], $0x80, s31, s11, $0xb8;
	[tilespmem:$0x1BC80] =	vst v63  }
0x4c9: {  	_ =	swait.ge [sflag:s19], $0x4000  }
0x4ca: {  	[sflag:s19] =	ssyncset.done $0x0  }
0x4cb: {  	s30 =	simm.s32 $0xA80;
	[sflag:s19] =	ssyncadd.s32 $0xFFFFC000  }
0x4cc: {  	[spmem:s3] =	stream.indirect.scatter.add.f32 [tilespmem:s10], [sflag:$0x2], $0x80, s30, s11, $0xb8;
	[tilespmem:$0x1BC80] =	vst v63  }
0x4cd: {  	_ =	swait.ge [sflag:s9], $0x4000  }
0x4ce: {  	[sflag:s9] =	ssyncset.done $0x0  }
0x4cf: {  	s30 =	simm.s32 $0x300;
	[sflag:s9] =	ssyncadd.s32 $0xFFFFC000  }
0x4d0: {  	[tilespmem:s10], [sflag:$0x1] =	stream.indirect.gather [hbm4b:s1+s11], $0x80, s30, s11, $0xb8;
	[tilespmem:$0x1BC80] =	vst v63  }
0x4d1: {  	_ =	swait.ge [sflag:s19], $0x4000  }
0x4d2: {  	[sflag:s19] =	ssyncset.done $0x0  }
0x4d3: {  	s30 =	simm.s32 $0x700;
	[sflag:s19] =	ssyncadd.s32 $0xFFFFC000  }
0x4d4: {  	[spmem:s2] =	stream.indirect.scatter.add.f32 [tilespmem:s10], [sflag:$0x2], $0x80, s30, s11, $0xb8;
	[tilespmem:$0x1BC80] =	vst v63  }
0x4d5: {  	_ =	swait.ge [sflag:s9], $0x4000  }
0x4d6: {  	[sflag:s9] =	ssyncset.done $0x0  }
0x4d7: {  	s30 =	simm.s32 $0xF00;
	[sflag:s9] =	ssyncadd.s32 $0xFFFFC000  }
0x4d8: {  	[tilespmem:s10], [sflag:$0x1] =	stream.indirect.gather [hbm4b:s6+s11], $0x80, s30, s11, $0xb8;
	[tilespmem:$0x1BC80] =	vst v63  }
0x4d9: {  	_ =	swait.ge [sflag:s19], $0x4000  }
0x4da: {  	[sflag:s19] =	ssyncset.done $0x0  }
0x4db: {  	s30 =	simm.s32 $0xB00;
	[sflag:s19] =	ssyncadd.s32 $0xFFFFC000  }
0x4dc: {  	[spmem:s3] =	stream.indirect.scatter.add.f32 [tilespmem:s10], [sflag:$0x2], $0x80, s30, s11, $0xb8;
	[tilespmem:$0x1BC80] =	vst v63  }
0x4dd: {  	_ =	swait.ge [sflag:s9], $0x4000  }
0x4de: {  	[sflag:s9] =	ssyncset.done $0x0  }
0x4df: {  	s30 =	simm.s32 $0x380;
	[sflag:s9] =	ssyncadd.s32 $0xFFFFC000  }
0x4e0: {  	[tilespmem:s10], [sflag:$0x1] =	stream.indirect.gather [hbm4b:s1+s11], $0x80, s30, s11, $0xb8;
	[tilespmem:$0x1BC80] =	vst v63  }
0x4e1: {  	_ =	swait.ge [sflag:s19], $0x4000  }
0x4e2: {  	[sflag:s19] =	ssyncset.done $0x0  }
0x4e3: {  	s30 =	simm.s32 $0x780;
	[sflag:s19] =	ssyncadd.s32 $0xFFFFC000  }
0x4e4: {  	[spmem:s2] =	stream.indirect.scatter.add.f32 [tilespmem:s10], [sflag:$0x2], $0x80, s30, s11, $0xb8;
	[tilespmem:$0x1BC80] =	vst v63  }
0x4e5: {  	_ =	swait.ge [sflag:s9], $0x4000  }
0x4e6: {  	[sflag:s9] =	ssyncset.done $0x0  }
0x4e7: {  	s20 =	simm.s32 $0xF80;
	[sflag:s9] =	ssyncadd.s32 $0xFFFFC000  }
0x4e8: {  	[tilespmem:s10], [sflag:$0x1] =	stream.indirect.gather [hbm4b:s6+s11], $0x80, s20, s11, $0xb8;
	[tilespmem:$0x1BC80] =	vst v63  }
0x4e9: {  	_ =	swait.ge [sflag:s19], $0x4000  }
0x4ea: {  	[sflag:s19] =	ssyncset.done $0x0  }
0x4eb: {  	s21 =	simm.s32 $0xB80;
	[sflag:s19] =	ssyncadd.s32 $0xFFFFC000  }
0x4ec: {  	[spmem:s3] =	stream.indirect.scatter.add.f32 [tilespmem:s10], [sflag:$0x2], $0x80, s21, s11, $0xb8;
	[tilespmem:$0x1BC80] =	vst v63  }
0x4ed: {  	_ =	swait.ge [sflag:s9], $0x4000  }
0x4ee: {  	s21 =	sld [smem:$0x7EF]  }
0x4ef: {  	[sflag:s9] =	ssyncset.done $0x0  }
0x4f0: {  	[sflag:s9] =	ssyncadd.s32 $0xFFFFC000  }
0x4f1: {  	[tilespmem:s4], [sflag:$0x2] =	stream.linear.gather [hbm4b:s21+s4], $0x400, $0x38;
	[tilespmem:$0x1BC80] =	vst v63  }
0x4f2: {  	_ =	swait.ge [sflag:s9], $0x400  }
0x4f3: {  	s0 =	sld [smem:$0x7F0]  }
0x4f4: {  	[sflag:s9] =	ssyncset.done $0x0  }
0x4f5: {  	[sflag:s9] =	ssyncadd.s32 $0xFFFFFC00  }
0x4f6: {  	[tilespmem:s16], [sflag:$0x2] =	stream.linear.gather [hbm4b:s0+s4], $0x400, $0x38;
	[tilespmem:$0x1BC80] =	vst v63  }
0x4f7: {  	_ =	swait.ge [sflag:s9], $0x400  }
0x4f8: {  	s20 =	sld [smem:$0x7F1]  }
0x4f9: {  	[sflag:s9] =	ssyncset.done $0x0  }
0x4fa: {  	[sflag:s9] =	ssyncadd.s32 $0xFFFFFC00  }
0x4fb: {  	[tilespmem:s17], [sflag:$0x2] =	stream.linear.gather [hbm4b:s20+s4], $0x400, $0x38;
	[tilespmem:$0x1BC80] =	vst v63  }
0x4fc: {  	_ =	swait.ge [sflag:s9], $0x400  }
0x4fd: {  	s21 =	sld [smem:$0x7F2]  }
0x4fe: {  	[sflag:s9] =	ssyncset.done $0x0  }
0x4ff: {  	[sflag:s9] =	ssyncadd.s32 $0xFFFFFC00  }
0x500: {  	[tilespmem:s18], [sflag:$0x2] =	stream.linear.gather [hbm4b:s21+s4], $0x400, $0x38;
	[tilespmem:$0x1BC80] =	vst v63  }
0x501: {  	_ =	swait.ge [sflag:s9], $0x400  }
0x502: {  	[sflag:s9] =	ssyncset.done $0x0  }
0x503: {  	[sflag:s9] =	ssyncadd.s32 $0xFFFFFC00  }
0x504: {  	[tilespmem:s10], [sflag:$0x1] =	stream.indirect.gather [hbm4b:s1+s11], $0x80, s4, s11, $0xb8;
	[tilespmem:$0x1BC80] =	vst v63  }
0x505: {  	_ =	swait.ge [sflag:s19], $0x4000  }
0x506: {  	[sflag:s19] =	ssyncset.done $0x0  }
0x507: {  	[sflag:s19] =	ssyncadd.s32 $0xFFFFC000  }
0x508: {  	[spmem:s2] =	stream.indirect.scatter.add.f32 [tilespmem:s10], [sflag:$0x2], $0x80, s16, s11, $0xb8;
	[tilespmem:$0x1BC80] =	vst v63  }
0x509: {  	_ =	swait.ge [sflag:s9], $0x4000  }
0x50a: {  	[sflag:s9] =	ssyncset.done $0x0  }
0x50b: {  	[sflag:s9] =	ssyncadd.s32 $0xFFFFC000  }
0x50c: {  	[tilespmem:s10], [sflag:$0x1] =	stream.indirect.gather [hbm4b:s6+s11], $0x80, s18, s11, $0xb8;
	[tilespmem:$0x1BC80] =	vst v63  }
0x50d: {  	_ =	swait.ge [sflag:s19], $0x4000  }
0x50e: {  	[sflag:s19] =	ssyncset.done $0x0  }
0x50f: {  	[sflag:s19] =	ssyncadd.s32 $0xFFFFC000  }
0x510: {  	[spmem:s3] =	stream.indirect.scatter.add.f32 [tilespmem:s10], [sflag:$0x2], $0x80, s17, s11, $0xb8;
	[tilespmem:$0x1BC80] =	vst v63  }
0x511: {  	_ =	swait.ge [sflag:s9], $0x4000  }
0x512: {  	[sflag:s9] =	ssyncset.done $0x0  }
0x513: {  	[sflag:s9] =	ssyncadd.s32 $0xFFFFC000  }
0x514: {  	[tilespmem:s10], [sflag:$0x1] =	stream.indirect.gather [hbm4b:s1+s11], $0x80, s11, s11, $0xb8;
	[tilespmem:$0x1BC80] =	vst v63  }
0x515: {  	_ =	swait.ge [sflag:s19], $0x4000  }
0x516: {  	[sflag:s19] =	ssyncset.done $0x0  }
0x517: {  	s22 =	simm.s32 $0x480;
	[sflag:s19] =	ssyncadd.s32 $0xFFFFC000  }
0x518: {  	[spmem:s2] =	stream.indirect.scatter.add.f32 [tilespmem:s10], [sflag:$0x2], $0x80, s22, s11, $0xb8;
	[tilespmem:$0x1BC80] =	vst v63  }
0x519: {  	_ =	swait.ge [sflag:s9], $0x4000  }
0x51a: {  	[sflag:s9] =	ssyncset.done $0x0  }
0x51b: {  	s23 =	simm.s32 $0xC80;
	[sflag:s9] =	ssyncadd.s32 $0xFFFFC000  }
0x51c: {  	[tilespmem:s10], [sflag:$0x1] =	stream.indirect.gather [hbm4b:s6+s11], $0x80, s23, s11, $0xb8;
	[tilespmem:$0x1BC80] =	vst v63  }
0x51d: {  	_ =	swait.ge [sflag:s19], $0x4000  }
0x51e: {  	[sflag:s19] =	ssyncset.done $0x0  }
0x51f: {  	s24 =	simm.s32 $0x880;
	[sflag:s19] =	ssyncadd.s32 $0xFFFFC000  }
0x520: {  	[spmem:s3] =	stream.indirect.scatter.add.f32 [tilespmem:s10], [sflag:$0x2], $0x80, s24, s11, $0xb8;
	[tilespmem:$0x1BC80] =	vst v63  }
0x521: {  	_ =	swait.ge [sflag:s9], $0x4000  }
0x522: {  	[sflag:s9] =	ssyncset.done $0x0  }
0x523: {  	s24 =	simm.s32 $0x100;
	[sflag:s9] =	ssyncadd.s32 $0xFFFFC000  }
0x524: {  	[tilespmem:s10], [sflag:$0x1] =	stream.indirect.gather [hbm4b:s1+s11], $0x80, s24, s11, $0xb8;
	[tilespmem:$0x1BC80] =	vst v63  }
0x525: {  	_ =	swait.ge [sflag:s19], $0x4000  }
0x526: {  	[sflag:s19] =	ssyncset.done $0x0  }
0x527: {  	s26 =	simm.s32 $0x500;
	[sflag:s19] =	ssyncadd.s32 $0xFFFFC000  }
0x528: {  	[spmem:s2] =	stream.indirect.scatter.add.f32 [tilespmem:s10], [sflag:$0x2], $0x80, s26, s11, $0xb8;
	[tilespmem:$0x1BC80] =	vst v63  }
0x529: {  	_ =	swait.ge [sflag:s9], $0x4000  }
0x52a: {  	[sflag:s9] =	ssyncset.done $0x0  }
0x52b: {  	s28 =	simm.s32 $0xD00;
	[sflag:s9] =	ssyncadd.s32 $0xFFFFC000  }
0x52c: {  	[tilespmem:s10], [sflag:$0x1] =	stream.indirect.gather [hbm4b:s6+s11], $0x80, s28, s11, $0xb8;
	[tilespmem:$0x1BC80] =	vst v63  }
0x52d: {  	_ =	swait.ge [sflag:s19], $0x4000  }
0x52e: {  	[sflag:s19] =	ssyncset.done $0x0  }
0x52f: {  	s25 =	simm.s32 $0x900;
	[sflag:s19] =	ssyncadd.s32 $0xFFFFC000  }
0x530: {  	[spmem:s3] =	stream.indirect.scatter.add.f32 [tilespmem:s10], [sflag:$0x2], $0x80, s25, s11, $0xb8;
	[tilespmem:$0x1BC80] =	vst v63  }
0x531: {  	_ =	swait.ge [sflag:s9], $0x4000  }
0x532: {  	[sflag:s9] =	ssyncset.done $0x0  }
0x533: {  	s29 =	simm.s32 $0x180;
	[sflag:s9] =	ssyncadd.s32 $0xFFFFC000  }
0x534: {  	[tilespmem:s10], [sflag:$0x1] =	stream.indirect.gather [hbm4b:s1+s11], $0x80, s29, s11, $0xb8;
	[tilespmem:$0x1BC80] =	vst v63  }
0x535: {  	_ =	swait.ge [sflag:s19], $0x4000  }
0x536: {  	[sflag:s19] =	ssyncset.done $0x0  }
0x537: {  	s29 =	simm.s32 $0x580;
	[sflag:s19] =	ssyncadd.s32 $0xFFFFC000  }
0x538: {  	[spmem:s2] =	stream.indirect.scatter.add.f32 [tilespmem:s10], [sflag:$0x2], $0x80, s29, s11, $0xb8;
	[tilespmem:$0x1BC80] =	vst v63  }
0x539: {  	_ =	swait.ge [sflag:s9], $0x4000  }
0x53a: {  	[sflag:s9] =	ssyncset.done $0x0  }
0x53b: {  	s5 =	simm.s32 $0xD80;
	[sflag:s9] =	ssyncadd.s32 $0xFFFFC000  }
0x53c: {  	[tilespmem:s10], [sflag:$0x1] =	stream.indirect.gather [hbm4b:s6+s11], $0x80, s5, s11, $0xb8;
	[tilespmem:$0x1BC80] =	vst v63  }
0x53d: {  	_ =	swait.ge [sflag:s19], $0x4000  }
0x53e: {  	[sflag:s19] =	ssyncset.done $0x0  }
0x53f: {  	s7 =	simm.s32 $0x980;
	[sflag:s19] =	ssyncadd.s32 $0xFFFFC000  }
0x540: {  	[spmem:s3] =	stream.indirect.scatter.add.f32 [tilespmem:s10], [sflag:$0x2], $0x80, s7, s11, $0xb8;
	[tilespmem:$0x1BC80] =	vst v63  }
0x541: {  	_ =	swait.ge [sflag:s9], $0x4000  }
0x542: {  	[sflag:s9] =	ssyncset.done $0x0  }
0x543: {  	s8 =	simm.s32 $0x200;
	[sflag:s9] =	ssyncadd.s32 $0xFFFFC000  }
0x544: {  	[tilespmem:s10], [sflag:$0x1] =	stream.indirect.gather [hbm4b:s1+s11], $0x80, s8, s11, $0xb8;
	[tilespmem:$0x1BC80] =	vst v63  }
0x545: {  	_ =	swait.ge [sflag:s19], $0x4000  }
0x546: {  	[sflag:s19] =	ssyncset.done $0x0  }
0x547: {  	s12 =	simm.s32 $0x600;
	[sflag:s19] =	ssyncadd.s32 $0xFFFFC000  }
0x548: {  	[spmem:s2] =	stream.indirect.scatter.add.f32 [tilespmem:s10], [sflag:$0x2], $0x80, s12, s11, $0xb8;
	[tilespmem:$0x1BC80] =	vst v63  }
0x549: {  	_ =	swait.ge [sflag:s9], $0x4000  }
0x54a: {  	[sflag:s9] =	ssyncset.done $0x0  }
0x54b: {  	s13 =	simm.s32 $0xE00;
	[sflag:s9] =	ssyncadd.s32 $0xFFFFC000  }
0x54c: {  	[tilespmem:s10], [sflag:$0x1] =	stream.indirect.gather [hbm4b:s6+s11], $0x80, s13, s11, $0xb8;
	[tilespmem:$0x1BC80] =	vst v63  }
0x54d: {  	_ =	swait.ge [sflag:s19], $0x4000  }
0x54e: {  	[sflag:s19] =	ssyncset.done $0x0  }
0x54f: {  	s14 =	simm.s32 $0xA00;
	[sflag:s19] =	ssyncadd.s32 $0xFFFFC000  }
0x550: {  	[spmem:s3] =	stream.indirect.scatter.add.f32 [tilespmem:s10], [sflag:$0x2], $0x80, s14, s11, $0xb8;
	[tilespmem:$0x1BC80] =	vst v63  }
0x551: {  	_ =	swait.ge [sflag:s9], $0x4000  }
0x552: {  	[sflag:s9] =	ssyncset.done $0x0  }
0x553: {  	s15 =	simm.s32 $0x280;
	[sflag:s9] =	ssyncadd.s32 $0xFFFFC000  }
0x554: {  	[tilespmem:s10], [sflag:$0x1] =	stream.indirect.gather [hbm4b:s1+s11], $0x80, s15, s11, $0xb8;
	[tilespmem:$0x1BC80] =	vst v63  }
0x555: {  	_ =	swait.ge [sflag:s19], $0x4000  }
0x556: {  	[sflag:s19] =	ssyncset.done $0x0  }
0x557: {  	s30 =	simm.s32 $0x680;
	[sflag:s19] =	ssyncadd.s32 $0xFFFFC000  }
0x558: {  	[spmem:s2] =	stream.indirect.scatter.add.f32 [tilespmem:s10], [sflag:$0x2], $0x80, s30, s11, $0xb8;
	[tilespmem:$0x1BC80] =	vst v63  }
0x559: {  	_ =	swait.ge [sflag:s9], $0x4000  }
0x55a: {  	[sflag:s9] =	ssyncset.done $0x0  }
0x55b: {  	s31 =	simm.s32 $0xE80;
	[sflag:s9] =	ssyncadd.s32 $0xFFFFC000  }
0x55c: {  	[tilespmem:s10], [sflag:$0x1] =	stream.indirect.gather [hbm4b:s6+s11], $0x80, s31, s11, $0xb8;
	[tilespmem:$0x1BC80] =	vst v63  }
0x55d: {  	_ =	swait.ge [sflag:s19], $0x4000  }
0x55e: {  	[sflag:s19] =	ssyncset.done $0x0  }
0x55f: {  	s20 =	simm.s32 $0xA80;
	[sflag:s19] =	ssyncadd.s32 $0xFFFFC000  }
0x560: {  	[spmem:s3] =	stream.indirect.scatter.add.f32 [tilespmem:s10], [sflag:$0x2], $0x80, s20, s11, $0xb8;
	[tilespmem:$0x1BC80] =	vst v63  }
0x561: {  	_ =	swait.ge [sflag:s9], $0x4000  }
0x562: {  	[sflag:s9] =	ssyncset.done $0x0  }
0x563: {  	s30 =	simm.s32 $0x300;
	[sflag:s9] =	ssyncadd.s32 $0xFFFFC000  }
0x564: {  	[tilespmem:s10], [sflag:$0x1] =	stream.indirect.gather [hbm4b:s1+s11], $0x80, s30, s11, $0xb8;
	[tilespmem:$0x1BC80] =	vst v63  }
0x565: {  	_ =	swait.ge [sflag:s19], $0x4000  }
0x566: {  	[sflag:s19] =	ssyncset.done $0x0  }
0x567: {  	s30 =	simm.s32 $0x700;
	[sflag:s19] =	ssyncadd.s32 $0xFFFFC000  }
0x568: {  	[spmem:s2] =	stream.indirect.scatter.add.f32 [tilespmem:s10], [sflag:$0x2], $0x80, s30, s11, $0xb8;
	[tilespmem:$0x1BC80] =	vst v63  }
0x569: {  	_ =	swait.ge [sflag:s9], $0x4000  }
0x56a: {  	[sflag:s9] =	ssyncset.done $0x0  }
0x56b: {  	s30 =	simm.s32 $0xF00;
	[sflag:s9] =	ssyncadd.s32 $0xFFFFC000  }
0x56c: {  	[tilespmem:s10], [sflag:$0x1] =	stream.indirect.gather [hbm4b:s6+s11], $0x80, s30, s11, $0xb8;
	[tilespmem:$0x1BC80] =	vst v63  }
0x56d: {  	_ =	swait.ge [sflag:s19], $0x4000  }
0x56e: {  	[sflag:s19] =	ssyncset.done $0x0  }
0x56f: {  	s30 =	simm.s32 $0xB00;
	[sflag:s19] =	ssyncadd.s32 $0xFFFFC000  }
0x570: {  	[spmem:s3] =	stream.indirect.scatter.add.f32 [tilespmem:s10], [sflag:$0x2], $0x80, s30, s11, $0xb8;
	[tilespmem:$0x1BC80] =	vst v63  }
0x571: {  	_ =	swait.ge [sflag:s9], $0x4000  }
0x572: {  	[sflag:s9] =	ssyncset.done $0x0  }
0x573: {  	s30 =	simm.s32 $0x380;
	[sflag:s9] =	ssyncadd.s32 $0xFFFFC000  }
0x574: {  	[tilespmem:s10], [sflag:$0x1] =	stream.indirect.gather [hbm4b:s1+s11], $0x80, s30, s11, $0xb8;
	[tilespmem:$0x1BC80] =	vst v63  }
0x575: {  	_ =	swait.ge [sflag:s19], $0x4000  }
0x576: {  	[sflag:s19] =	ssyncset.done $0x0  }
0x577: {  	s30 =	simm.s32 $0x780;
	[sflag:s19] =	ssyncadd.s32 $0xFFFFC000  }
0x578: {  	[spmem:s2] =	stream.indirect.scatter.add.f32 [tilespmem:s10], [sflag:$0x2], $0x80, s30, s11, $0xb8;
	[tilespmem:$0x1BC80] =	vst v63  }
0x579: {  	_ =	swait.ge [sflag:s9], $0x4000  }
0x57a: {  	[sflag:s9] =	ssyncset.done $0x0  }
0x57b: {  	s30 =	simm.s32 $0xF80;
	[sflag:s9] =	ssyncadd.s32 $0xFFFFC000  }
0x57c: {  	[tilespmem:s10], [sflag:$0x1] =	stream.indirect.gather [hbm4b:s6+s11], $0x80, s30, s11, $0xb8;
	[tilespmem:$0x1BC80] =	vst v63  }
0x57d: {  	_ =	swait.ge [sflag:s19], $0x4000  }
0x57e: {  	[sflag:s19] =	ssyncset.done $0x0  }
0x57f: {  	s30 =	simm.s32 $0xB80;
	[sflag:s19] =	ssyncadd.s32 $0xFFFFC000  }
0x580: {  	[spmem:s3] =	stream.indirect.scatter.add.f32 [tilespmem:s10], [sflag:$0x2], $0x80, s30, s11, $0xb8;
	[tilespmem:$0x1BC80] =	vst v63  }
0x581: {  	_ =	swait.ge [sflag:s9], $0x4000  }
0x582: {  	s30 =	sld [smem:$0x7F3]  }
0x583: {  	[sflag:s9] =	ssyncset.done $0x0  }
0x584: {  	[sflag:s9] =	ssyncadd.s32 $0xFFFFC000  }
0x585: {  	[tilespmem:s4], [sflag:$0x2] =	stream.linear.gather [hbm4b:s30+s4], $0x400, $0x38;
	[tilespmem:$0x1BC80] =	vst v63  }
0x586: {  	_ =	swait.ge [sflag:s9], $0x400  }
0x587: {  	s30 =	sld [smem:$0x7F4]  }
0x588: {  	[sflag:s9] =	ssyncset.done $0x0  }
0x589: {  	[sflag:s9] =	ssyncadd.s32 $0xFFFFFC00  }
0x58a: {  	[tilespmem:s16], [sflag:$0x2] =	stream.linear.gather [hbm4b:s30+s4], $0x400, $0x38;
	[tilespmem:$0x1BC80] =	vst v63  }
0x58b: {  	_ =	swait.ge [sflag:s9], $0x400  }
0x58c: {  	s30 =	sld [smem:$0x7F5]  }
0x58d: {  	[sflag:s9] =	ssyncset.done $0x0  }
0x58e: {  	[sflag:s9] =	ssyncadd.s32 $0xFFFFFC00  }
0x58f: {  	[tilespmem:s17], [sflag:$0x2] =	stream.linear.gather [hbm4b:s30+s4], $0x400, $0x38;
	[tilespmem:$0x1BC80] =	vst v63  }
0x590: {  	_ =	swait.ge [sflag:s9], $0x400  }
0x591: {  	s30 =	sld [smem:$0x7F6]  }
0x592: {  	[sflag:s9] =	ssyncset.done $0x0  }
0x593: {  	[sflag:s9] =	ssyncadd.s32 $0xFFFFFC00  }
0x594: {  	[tilespmem:s18], [sflag:$0x2] =	stream.linear.gather [hbm4b:s30+s4], $0x400, $0x38;
	[tilespmem:$0x1BC80] =	vst v63  }
0x595: {  	_ =	swait.ge [sflag:s9], $0x400  }
0x596: {  	[sflag:s9] =	ssyncset.done $0x0  }
0x597: {  	[sflag:s9] =	ssyncadd.s32 $0xFFFFFC00  }
0x598: {  	[tilespmem:s10], [sflag:$0x1] =	stream.indirect.gather [hbm4b:s1+s11], $0x80, s4, s11, $0xb8;
	[tilespmem:$0x1BC80] =	vst v63  }
0x599: {  	_ =	swait.ge [sflag:s19], $0x4000  }
0x59a: {  	[sflag:s19] =	ssyncset.done $0x0  }
0x59b: {  	[sflag:s19] =	ssyncadd.s32 $0xFFFFC000  }
0x59c: {  	[spmem:s2] =	stream.indirect.scatter.add.f32 [tilespmem:s10], [sflag:$0x2], $0x80, s16, s11, $0xb8;
	[tilespmem:$0x1BC80] =	vst v63  }
0x59d: {  	_ =	swait.ge [sflag:s9], $0x4000  }
0x59e: {  	[sflag:s9] =	ssyncset.done $0x0  }
0x59f: {  	[sflag:s9] =	ssyncadd.s32 $0xFFFFC000  }
0x5a0: {  	[tilespmem:s10], [sflag:$0x1] =	stream.indirect.gather [hbm4b:s6+s11], $0x80, s18, s11, $0xb8;
	[tilespmem:$0x1BC80] =	vst v63  }
0x5a1: {  	_ =	swait.ge [sflag:s19], $0x4000  }
0x5a2: {  	[sflag:s19] =	ssyncset.done $0x0  }
0x5a3: {  	[sflag:s19] =	ssyncadd.s32 $0xFFFFC000  }
0x5a4: {  	[spmem:s3] =	stream.indirect.scatter.add.f32 [tilespmem:s10], [sflag:$0x2], $0x80, s17, s11, $0xb8;
	[tilespmem:$0x1BC80] =	vst v63  }
0x5a5: {  	_ =	swait.ge [sflag:s9], $0x4000  }
0x5a6: {  	[sflag:s9] =	ssyncset.done $0x0  }
0x5a7: {  	[sflag:s9] =	ssyncadd.s32 $0xFFFFC000  }
0x5a8: {  	[tilespmem:s10], [sflag:$0x1] =	stream.indirect.gather [hbm4b:s1+s11], $0x80, s11, s11, $0xb8;
	[tilespmem:$0x1BC80] =	vst v63  }
0x5a9: {  	_ =	swait.ge [sflag:s19], $0x4000  }
0x5aa: {  	[sflag:s19] =	ssyncset.done $0x0  }
0x5ab: {  	s21 =	simm.s32 $0x480;
	[sflag:s19] =	ssyncadd.s32 $0xFFFFC000  }
0x5ac: {  	[spmem:s2] =	stream.indirect.scatter.add.f32 [tilespmem:s10], [sflag:$0x2], $0x80, s21, s11, $0xb8;
	[tilespmem:$0x1BC80] =	vst v63  }
0x5ad: {  	_ =	swait.ge [sflag:s9], $0x4000  }
0x5ae: {  	[sflag:s9] =	ssyncset.done $0x0  }
0x5af: {  	s22 =	simm.s32 $0xC80;
	[sflag:s9] =	ssyncadd.s32 $0xFFFFC000  }
0x5b0: {  	[tilespmem:s10], [sflag:$0x1] =	stream.indirect.gather [hbm4b:s6+s11], $0x80, s22, s11, $0xb8;
	[tilespmem:$0x1BC80] =	vst v63  }
0x5b1: {  	_ =	swait.ge [sflag:s19], $0x4000  }
0x5b2: {  	[sflag:s19] =	ssyncset.done $0x0  }
0x5b3: {  	s23 =	simm.s32 $0x880;
	[sflag:s19] =	ssyncadd.s32 $0xFFFFC000  }
0x5b4: {  	[spmem:s3] =	stream.indirect.scatter.add.f32 [tilespmem:s10], [sflag:$0x2], $0x80, s23, s11, $0xb8;
	[tilespmem:$0x1BC80] =	vst v63  }
0x5b5: {  	_ =	swait.ge [sflag:s9], $0x4000  }
0x5b6: {  	[sflag:s9] =	ssyncset.done $0x0  }
0x5b7: {  	s23 =	simm.s32 $0x100;
	[sflag:s9] =	ssyncadd.s32 $0xFFFFC000  }
0x5b8: {  	[tilespmem:s10], [sflag:$0x1] =	stream.indirect.gather [hbm4b:s1+s11], $0x80, s23, s11, $0xb8;
	[tilespmem:$0x1BC80] =	vst v63  }
0x5b9: {  	_ =	swait.ge [sflag:s19], $0x4000  }
0x5ba: {  	[sflag:s19] =	ssyncset.done $0x0  }
0x5bb: {  	s0 =	simm.s32 $0x500;
	[sflag:s19] =	ssyncadd.s32 $0xFFFFC000  }
0x5bc: {  	[spmem:s2] =	stream.indirect.scatter.add.f32 [tilespmem:s10], [sflag:$0x2], $0x80, s0, s11, $0xb8;
	[tilespmem:$0x1BC80] =	vst v63  }
0x5bd: {  	_ =	swait.ge [sflag:s9], $0x4000  }
0x5be: {  	[sflag:s9] =	ssyncset.done $0x0  }
0x5bf: {  	s26 =	simm.s32 $0xD00;
	[sflag:s9] =	ssyncadd.s32 $0xFFFFC000  }
0x5c0: {  	[tilespmem:s10], [sflag:$0x1] =	stream.indirect.gather [hbm4b:s6+s11], $0x80, s26, s11, $0xb8;
	[tilespmem:$0x1BC80] =	vst v63  }
0x5c1: {  	_ =	swait.ge [sflag:s19], $0x4000  }
0x5c2: {  	[sflag:s19] =	ssyncset.done $0x0  }
0x5c3: {  	s24 =	simm.s32 $0x900;
	[sflag:s19] =	ssyncadd.s32 $0xFFFFC000  }
0x5c4: {  	[spmem:s3] =	stream.indirect.scatter.add.f32 [tilespmem:s10], [sflag:$0x2], $0x80, s24, s11, $0xb8;
	[tilespmem:$0x1BC80] =	vst v63  }
0x5c5: {  	_ =	swait.ge [sflag:s9], $0x4000  }
0x5c6: {  	[sflag:s9] =	ssyncset.done $0x0  }
0x5c7: {  	s25 =	simm.s32 $0x180;
	[sflag:s9] =	ssyncadd.s32 $0xFFFFC000  }
0x5c8: {  	[tilespmem:s10], [sflag:$0x1] =	stream.indirect.gather [hbm4b:s1+s11], $0x80, s25, s11, $0xb8;
	[tilespmem:$0x1BC80] =	vst v63  }
0x5c9: {  	_ =	swait.ge [sflag:s19], $0x4000  }
0x5ca: {  	[sflag:s19] =	ssyncset.done $0x0  }
0x5cb: {  	s28 =	simm.s32 $0x580;
	[sflag:s19] =	ssyncadd.s32 $0xFFFFC000  }
0x5cc: {  	[spmem:s2] =	stream.indirect.scatter.add.f32 [tilespmem:s10], [sflag:$0x2], $0x80, s28, s11, $0xb8;
	[tilespmem:$0x1BC80] =	vst v63  }
0x5cd: {  	_ =	swait.ge [sflag:s9], $0x4000  }
0x5ce: {  	[sflag:s9] =	ssyncset.done $0x0  }
0x5cf: {  	s29 =	simm.s32 $0xD80;
	[sflag:s9] =	ssyncadd.s32 $0xFFFFC000  }
0x5d0: {  	[tilespmem:s10], [sflag:$0x1] =	stream.indirect.gather [hbm4b:s6+s11], $0x80, s29, s11, $0xb8;
	[tilespmem:$0x1BC80] =	vst v63  }
0x5d1: {  	_ =	swait.ge [sflag:s19], $0x4000  }
0x5d2: {  	[sflag:s19] =	ssyncset.done $0x0  }
0x5d3: {  	s5 =	simm.s32 $0x980;
	[sflag:s19] =	ssyncadd.s32 $0xFFFFC000  }
0x5d4: {  	[spmem:s3] =	stream.indirect.scatter.add.f32 [tilespmem:s10], [sflag:$0x2], $0x80, s5, s11, $0xb8;
	[tilespmem:$0x1BC80] =	vst v63  }
0x5d5: {  	_ =	swait.ge [sflag:s9], $0x4000  }
0x5d6: {  	[sflag:s9] =	ssyncset.done $0x0  }
0x5d7: {  	s7 =	simm.s32 $0x200;
	[sflag:s9] =	ssyncadd.s32 $0xFFFFC000  }
0x5d8: {  	[tilespmem:s10], [sflag:$0x1] =	stream.indirect.gather [hbm4b:s1+s11], $0x80, s7, s11, $0xb8;
	[tilespmem:$0x1BC80] =	vst v63  }
0x5d9: {  	_ =	swait.ge [sflag:s19], $0x4000  }
0x5da: {  	[sflag:s19] =	ssyncset.done $0x0  }
0x5db: {  	s8 =	simm.s32 $0x600;
	[sflag:s19] =	ssyncadd.s32 $0xFFFFC000  }
0x5dc: {  	[spmem:s2] =	stream.indirect.scatter.add.f32 [tilespmem:s10], [sflag:$0x2], $0x80, s8, s11, $0xb8;
	[tilespmem:$0x1BC80] =	vst v63  }
0x5dd: {  	_ =	swait.ge [sflag:s9], $0x4000  }
0x5de: {  	[sflag:s9] =	ssyncset.done $0x0  }
0x5df: {  	s12 =	simm.s32 $0xE00;
	[sflag:s9] =	ssyncadd.s32 $0xFFFFC000  }
0x5e0: {  	[tilespmem:s10], [sflag:$0x1] =	stream.indirect.gather [hbm4b:s6+s11], $0x80, s12, s11, $0xb8;
	[tilespmem:$0x1BC80] =	vst v63  }
0x5e1: {  	_ =	swait.ge [sflag:s19], $0x4000  }
0x5e2: {  	[sflag:s19] =	ssyncset.done $0x0  }
0x5e3: {  	s13 =	simm.s32 $0xA00;
	[sflag:s19] =	ssyncadd.s32 $0xFFFFC000  }
0x5e4: {  	[spmem:s3] =	stream.indirect.scatter.add.f32 [tilespmem:s10], [sflag:$0x2], $0x80, s13, s11, $0xb8;
	[tilespmem:$0x1BC80] =	vst v63  }
0x5e5: {  	_ =	swait.ge [sflag:s9], $0x4000  }
0x5e6: {  	[sflag:s9] =	ssyncset.done $0x0  }
0x5e7: {  	s14 =	simm.s32 $0x280;
	[sflag:s9] =	ssyncadd.s32 $0xFFFFC000  }
0x5e8: {  	[tilespmem:s10], [sflag:$0x1] =	stream.indirect.gather [hbm4b:s1+s11], $0x80, s14, s11, $0xb8;
	[tilespmem:$0x1BC80] =	vst v63  }
0x5e9: {  	_ =	swait.ge [sflag:s19], $0x4000  }
0x5ea: {  	[sflag:s19] =	ssyncset.done $0x0  }
0x5eb: {  	s29 =	simm.s32 $0x680;
	[sflag:s19] =	ssyncadd.s32 $0xFFFFC000  }
0x5ec: {  	[spmem:s2] =	stream.indirect.scatter.add.f32 [tilespmem:s10], [sflag:$0x2], $0x80, s29, s11, $0xb8;
	[tilespmem:$0x1BC80] =	vst v63  }
0x5ed: {  	_ =	swait.ge [sflag:s9], $0x4000  }
0x5ee: {  	[sflag:s9] =	ssyncset.done $0x0  }
0x5ef: {  	s15 =	simm.s32 $0xE80;
	[sflag:s9] =	ssyncadd.s32 $0xFFFFC000  }
0x5f0: {  	[tilespmem:s10], [sflag:$0x1] =	stream.indirect.gather [hbm4b:s6+s11], $0x80, s15, s11, $0xb8;
	[tilespmem:$0x1BC80] =	vst v63  }
0x5f1: {  	_ =	swait.ge [sflag:s19], $0x4000  }
0x5f2: {  	[sflag:s19] =	ssyncset.done $0x0  }
0x5f3: {  	s31 =	simm.s32 $0xA80;
	[sflag:s19] =	ssyncadd.s32 $0xFFFFC000  }
0x5f4: {  	[spmem:s3] =	stream.indirect.scatter.add.f32 [tilespmem:s10], [sflag:$0x2], $0x80, s31, s11, $0xb8;
	[tilespmem:$0x1BC80] =	vst v63  }
0x5f5: {  	_ =	swait.ge [sflag:s9], $0x4000  }
0x5f6: {  	[sflag:s9] =	ssyncset.done $0x0  }
0x5f7: {  	s20 =	simm.s32 $0x300;
	[sflag:s9] =	ssyncadd.s32 $0xFFFFC000  }
0x5f8: {  	[tilespmem:s10], [sflag:$0x1] =	stream.indirect.gather [hbm4b:s1+s11], $0x80, s20, s11, $0xb8;
	[tilespmem:$0x1BC80] =	vst v63  }
0x5f9: {  	_ =	swait.ge [sflag:s19], $0x4000  }
0x5fa: {  	[sflag:s19] =	ssyncset.done $0x0  }
0x5fb: {  	s30 =	simm.s32 $0x700;
	[sflag:s19] =	ssyncadd.s32 $0xFFFFC000  }
0x5fc: {  	[spmem:s2] =	stream.indirect.scatter.add.f32 [tilespmem:s10], [sflag:$0x2], $0x80, s30, s11, $0xb8;
	[tilespmem:$0x1BC80] =	vst v63  }
0x5fd: {  	_ =	swait.ge [sflag:s9], $0x4000  }
0x5fe: {  	[sflag:s9] =	ssyncset.done $0x0  }
0x5ff: {  	s31 =	simm.s32 $0xF00;
	[sflag:s9] =	ssyncadd.s32 $0xFFFFC000  }
0x600: {  	[tilespmem:s10], [sflag:$0x1] =	stream.indirect.gather [hbm4b:s6+s11], $0x80, s31, s11, $0xb8;
	[tilespmem:$0x1BC80] =	vst v63  }
0x601: {  	_ =	swait.ge [sflag:s19], $0x4000  }
0x602: {  	[sflag:s19] =	ssyncset.done $0x0  }
0x603: {  	s5 =	simm.s32 $0xB00;
	[sflag:s19] =	ssyncadd.s32 $0xFFFFC000  }
0x604: {  	[spmem:s3] =	stream.indirect.scatter.add.f32 [tilespmem:s10], [sflag:$0x2], $0x80, s5, s11, $0xb8;
	[tilespmem:$0x1BC80] =	vst v63  }
0x605: {  	_ =	swait.ge [sflag:s9], $0x4000  }
0x606: {  	[sflag:s9] =	ssyncset.done $0x0  }
0x607: {  	s7 =	simm.s32 $0x380;
	[sflag:s9] =	ssyncadd.s32 $0xFFFFC000  }
0x608: {  	[tilespmem:s10], [sflag:$0x1] =	stream.indirect.gather [hbm4b:s1+s11], $0x80, s7, s11, $0xb8;
	[tilespmem:$0x1BC80] =	vst v63  }
0x609: {  	_ =	swait.ge [sflag:s19], $0x4000  }
0x60a: {  	[sflag:s19] =	ssyncset.done $0x0  }
0x60b: {  	s8 =	simm.s32 $0x780;
	[sflag:s19] =	ssyncadd.s32 $0xFFFFC000  }
0x60c: {  	[spmem:s2] =	stream.indirect.scatter.add.f32 [tilespmem:s10], [sflag:$0x2], $0x80, s8, s11, $0xb8;
	[tilespmem:$0x1BC80] =	vst v63  }
0x60d: {  	_ =	swait.ge [sflag:s9], $0x4000  }
0x60e: {  	[sflag:s9] =	ssyncset.done $0x0  }
0x60f: {  	s12 =	simm.s32 $0xF80;
	[sflag:s9] =	ssyncadd.s32 $0xFFFFC000  }
0x610: {  	[tilespmem:s10], [sflag:$0x1] =	stream.indirect.gather [hbm4b:s6+s11], $0x80, s12, s11, $0xb8;
	[tilespmem:$0x1BC80] =	vst v63  }
0x611: {  	_ =	swait.ge [sflag:s19], $0x4000  }
0x612: {  	[sflag:s19] =	ssyncset.done $0x0  }
0x613: {  	s13 =	simm.s32 $0xB80;
	[sflag:s19] =	ssyncadd.s32 $0xFFFFC000  }
0x614: {  	[spmem:s3] =	stream.indirect.scatter.add.f32 [tilespmem:s10], [sflag:$0x2], $0x80, s13, s11, $0xb8;
	[tilespmem:$0x1BC80] =	vst v63  }
0x615: {  	_ =	swait.ge [sflag:s9], $0x4000  }
0x616: {  	[sflag:s9] =	ssyncset.done $0x0  }
0x617: {  	[sflag:s9] =	ssyncadd.s32 $0xFFFFC000  }
0x618: {  	s14 =	simm.s32 $0x5000;
	[bflag:$0x0] =	sbarrier.arrive $0xFFFF  }
0x619: {  	[tilespmem:s10], [sflag:$0x1] =	stream.indirect.gather [spmem:s2], $0x80, s14, s11, $0xb8;
	[tilespmem:$0x1BC80] =	vst v63  }
0x61a: {  	_ =	swait.ge [sflag:s19], $0x4000  }
0x61b: {  	s15 =	sld [smem:$0x7F7]  }
0x61c: {  	[sflag:s19] =	ssyncset.done $0x0  }
0x61d: {  	[sflag:s19] =	ssyncadd.s32 $0xFFFFC000  }
0x61e: {  	[hbm4b:s15+s4] =	stream.linear.scatter [tilespmem:s10], [sflag:$0x2], $0x4000, $0x38;
	[tilespmem:$0x1BC80] =	vst v63  }
0x61f: {  	_ =	swait.ge [sflag:s9], $0x4000  }
0x620: {  	[sflag:s9] =	ssyncset.done $0x0  }
0x621: {  	s20 =	simm.s32 $0x5080;
	[sflag:s9] =	ssyncadd.s32 $0xFFFFC000  }
0x622: {  	[tilespmem:s10], [sflag:$0x1] =	stream.indirect.gather [spmem:s2], $0x80, s20, s11, $0xb8;
	[tilespmem:$0x1BC80] =	vst v63  }
0x623: {  	_ =	swait.ge [sflag:s19], $0x4000  }
0x624: {  	s21 =	sld [smem:$0x7F8]  }
0x625: {  	[sflag:s19] =	ssyncset.done $0x0  }
0x626: {  	[sflag:s19] =	ssyncadd.s32 $0xFFFFC000  }
0x627: {  	[hbm4b:s21+s4] =	stream.linear.scatter [tilespmem:s10], [sflag:$0x2], $0x4000, $0x38;
	[tilespmem:$0x1BC80] =	vst v63  }
0x628: {  	_ =	swait.ge [sflag:s9], $0x4000  }
0x629: {  	[sflag:s9] =	ssyncset.done $0x0  }
0x62a: {  	s22 =	simm.s32 $0x5100;
	[sflag:s9] =	ssyncadd.s32 $0xFFFFC000  }
0x62b: {  	[tilespmem:s10], [sflag:$0x1] =	stream.indirect.gather [spmem:s2], $0x80, s22, s11, $0xb8;
	[tilespmem:$0x1BC80] =	vst v63  }
0x62c: {  	_ =	swait.ge [sflag:s19], $0x4000  }
0x62d: {  	s23 =	sld [smem:$0x7F9]  }
0x62e: {  	[sflag:s19] =	ssyncset.done $0x0  }
0x62f: {  	[sflag:s19] =	ssyncadd.s32 $0xFFFFC000  }
0x630: {  	[hbm4b:s23+s4] =	stream.linear.scatter [tilespmem:s10], [sflag:$0x2], $0x4000, $0x38;
	[tilespmem:$0x1BC80] =	vst v63  }
0x631: {  	_ =	swait.ge [sflag:s9], $0x4000  }
0x632: {  	[sflag:s9] =	ssyncset.done $0x0  }
0x633: {  	s24 =	simm.s32 $0x5180;
	[sflag:s9] =	ssyncadd.s32 $0xFFFFC000  }
0x634: {  	[tilespmem:s10], [sflag:$0x1] =	stream.indirect.gather [spmem:s2], $0x80, s24, s11, $0xb8;
	[tilespmem:$0x1BC80] =	vst v63  }
0x635: {  	_ =	swait.ge [sflag:s19], $0x4000  }
0x636: {  	s25 =	sld [smem:$0x7FA]  }
0x637: {  	[sflag:s19] =	ssyncset.done $0x0  }
0x638: {  	[sflag:s19] =	ssyncadd.s32 $0xFFFFC000  }
0x639: {  	[hbm4b:s25+s4] =	stream.linear.scatter [tilespmem:s10], [sflag:$0x2], $0x4000, $0x38;
	[tilespmem:$0x1BC80] =	vst v63  }
0x63a: {  	_ =	swait.ge [sflag:s9], $0x4000  }
0x63b: {  	[sflag:s9] =	ssyncset.done $0x0  }
0x63c: {  	s26 =	simm.s32 $0x5200;
	[sflag:s9] =	ssyncadd.s32 $0xFFFFC000  }
0x63d: {  	[tilespmem:s10], [sflag:$0x1] =	stream.indirect.gather [spmem:s2], $0x80, s26, s11, $0xb8;
	[tilespmem:$0x1BC80] =	vst v63  }
0x63e: {  	_ =	swait.ge [sflag:s19], $0x4000  }
0x63f: {  	s28 =	sld [smem:$0x7FB]  }
0x640: {  	[sflag:s19] =	ssyncset.done $0x0  }
0x641: {  	[sflag:s19] =	ssyncadd.s32 $0xFFFFC000  }
0x642: {  	[hbm4b:s28+s4] =	stream.linear.scatter [tilespmem:s10], [sflag:$0x2], $0x4000, $0x38;
	[tilespmem:$0x1BC80] =	vst v63  }
0x643: {  	s0 =	simm.s32 @!p0 $0x1000;
	_ =	swait.ge [sflag:s9], $0x4000  }
0x644: {  	s30 =	simm.s32 @!p0 $0x1;
	s5 =	simm.s32 @!p0 $0x80;
	[sflag:s9] =	ssyncset.done $0x0  }
0x645: {  	s8 =	simm.s32 @!p0 $0x5400;
	s29 =	sld [smem:$0x7E5];
	[sflag:s9] =	ssyncadd.s32 $0xFFFFC000  }
0x646: {  	[tilespmem:s0], [sflag:$0x1] =	stream.indirect.gather @!p0 [spmem:s3], $0x80, s8, s5, $0xb8;
	[tilespmem:$0x1BC80] =	vst v63  }
0x647: {  	_ =	swait.ge @!p0 [sflag:s30], $0x4000  }
0x648: {  	s31 =	sld [smem:$0x7FC]  }
0x649: {  	s5 =	sadd.s32 $0xFFFFFFFF, s29;
	[sflag:s30] =	ssyncset.done @!p0 $0x0  }
0x64a: {  	p1 =	sne.s32 s5, $0x0;
	[sflag:s30] =	ssyncadd.s32 @!p0 $0xFFFFC000;
	s30 =	simm.s32 @!p0 $0x0  }
0x64b: {  	[hbm4b:s31+s30] =	stream.linear.scatter @!p0 [tilespmem:s0], [sflag:$0x2], $0x4000, $0x38;
	[tilespmem:$0x1BC80] =	vst v63  }
.Ltmp0:
0x64c: {  	_ = 	snop;
	(pc) =	sbr.rel @p1 .LBB2_1-.Ltmp0, $4  }
0x64d: {  	s0 =	simm.s32 @!p0 $0x2  }
0x64e: {  	_ =	swait.ge @!p0 [sflag:s0], $0x4000  }
0x64f: {  	[sflag:s0] =	ssyncset.done @!p0 $0x0;
	s0 =	simm.s32 @!p0 $0x2  }
0x650: {  	[sflag:s0] =	ssyncadd.s32 @!p0 $0xFFFFC000  }
0x651: {  	_ =	sfence.sel $0x180000  }
0x652: {  	[bflag:$0x0] =	sbarrier.arrive $0xFFFF  }
0x653: {  	_ =	strace $0x90000047  }
0x654: {  	s0 =	stileid.u32;
	[bflag:$0x2] =	sbarrier.arrive $0xFFFF  }
0x655: {  	p0 =	sne.s32 s0, $0x0;
	s0 =	rddreg [dreg:$0x5]  }
0x656: {  	s0 =	sadd.s32 @!p0 $0x100000, s0  }
0x657: {  	[sflag:s0] =	ssyncadd.tile.s32 @!p0 $0x1;
	_ =	shalt  }
.Lfunc_end2:
_tile_overlayer_lowered:
.L_overlay_start_2:
0x658: {  	(tag) =	ssettag $0x2  }
0x659: {  	s0 =	rddreg [dreg:$0x0];
	s2 =	stileid.u32  }
0x65a: {  	s1 =	rddreg [dreg:$0x1];
	p0 =	sne.s32 s2, $0x0  }
0x65b: {  	s3 =	rddreg [dreg:$0x2];
	[bflag:$0x3] =	sbarrier.arrive $0xFFFF;
	s2 =	simm.s32 @!p0 $0x1C02  }
0x65c: {  	[timem:s3], [sflag:s2] =	dma.local @!p0 [hbm:s0], s1  }
0x65d: {  	s0 =	simm.s32 @!p0 $0x2  }
0x65e: {  	_ =	swait.ge @!p0 [sflag:s0], s1  }
0x65f: {  	s1 =	ssub.s32 @!p0 $0x0, s1;
	[sflag:s0] =	ssyncset.done @!p0 $0x0  }
0x660: {  	[sflag:s0] =	ssyncadd.s32 @!p0 s1  }
0x661: {  	[bflag:$0x3] =	sbarrier.arrive $0xFFFF  }
0x662: {  	_ =	shalt  }

</sc_bundles>
